<compile_context>
chip_gen: v7x
topology: tpu7x:2x2x1
jax: 0.10.2.dev20260603
libtpu: 0.0.44.dev20260713+nightly
codegen_flags: <defaults>
</compile_context>

<pallas_src>
import functools

import jax
import jax.numpy as jnp
from jax import lax
from jax.experimental import pallas as pl
from jax.experimental.pallas import tpu as pltpu
from jax.experimental.pallas import tpu_sc as plsc

NC = 2
NS = 16
NW = NC * NS
L = 16

N_TOTAL = 4096 * 4096
E_PER_W = N_TOTAL // NW
CHUNK = 16384
NCHUNKS = E_PER_W // CHUNK

PASS_CFG = (
    (20, 4096, None, 1),
    (10, 1024, 20, 4),
    (0, 1024, 10, 4),
)

def _biased_key(v):
  b = plsc.bitcast(v, jnp.int32)
  int_min = jnp.int32(-2147483648)
  neg = int_min - b
  key = jnp.where(b < 0, neg, b)
  return lax.bitwise_xor(key, int_min)


def _make_hist_pass(mesh, digit_shift, nbins, prefix_shift, nsearch):

  scratch = [
      pltpu.VMEM((CHUNK,), jnp.float32),
      pltpu.VMEM((CHUNK,), jnp.float32),
      pltpu.VMEM((nsearch * L,), jnp.int32),
      pltpu.VMEM((nsearch * nbins,), jnp.int32),
      pltpu.SemaphoreType.DMA,
      pltpu.SemaphoreType.DMA,
  ]
  for _ in range(nsearch):
    scratch.append(pltpu.VMEM((nbins * L,), jnp.int32))

  @functools.partial(
      pl.kernel,
      out_type=jax.ShapeDtypeStruct((NW, nsearch * nbins), jnp.int32),
      mesh=mesh,
      scratch_types=scratch,
      compiler_params=pltpu.CompilerParams(needs_layout_passes=False),
  )
  def hist_pass(x_hbm, params_hbm, out_hbm, bufa, bufb, pbuf, outbuf, sema,
                semb, *hists):
    wid = lax.axis_index("s") * NC + lax.axis_index("c")
    lane = lax.iota(jnp.int32, L)
    ones = jnp.ones((L,), jnp.int32)
    zeros16 = jnp.zeros((L,), jnp.int32)

    @plsc.parallel_loop(0, nbins, unroll=8)
    def _(i):
      for h in hists:
        h[pl.ds(i * L, L)] = zeros16

    pltpu.sync_copy(params_hbm, pbuf)
    pvs = [pbuf[pl.ds(s * L, L)] for s in range(nsearch)]

    base = wid * E_PER_W

    def consume(buf):
      @plsc.parallel_loop(0, CHUNK // L, unroll=4)
      def _(i):
        v = buf[pl.ds(i * L, L)]
        ku = _biased_key(v)
        dig = lax.shift_right_logical(ku, digit_shift)
        if prefix_shift is None:
          idx = dig * L + lane
          plsc.addupdate_scatter(hists[0], [idx], ones)
        else:
          dig = lax.bitwise_and(dig, jnp.int32(nbins - 1))
          idx = dig * L + lane
          pfx = lax.shift_right_logical(ku, prefix_shift)
          for s in range(nsearch):
            plsc.addupdate_scatter(hists[s], [idx], ones, mask=pfx == pvs[s])

    def chunk_slice(c):
      return x_hbm.at[pl.ds(base + c * CHUNK, CHUNK)]

    pltpu.async_copy(chunk_slice(0), bufa, sema)
    pltpu.async_copy(chunk_slice(1), bufb, semb)

    def chunk_body(g, carry):
      ca = 2 * g
      pltpu.make_async_copy(chunk_slice(ca), bufa, sema).wait()
      consume(bufa)

      @pl.when(ca + 2 < NCHUNKS)
      def _():
        pltpu.async_copy(chunk_slice(ca + 2), bufa, sema)

      pltpu.make_async_copy(chunk_slice(ca + 1), bufb, semb).wait()
      consume(bufb)

      @pl.when(ca + 3 < NCHUNKS)
      def _():
        pltpu.async_copy(chunk_slice(ca + 3), bufb, semb)

      return carry

    lax.fori_loop(0, NCHUNKS // 2, chunk_body, 0)

    for s in range(nsearch):

      @plsc.parallel_loop(0, nbins // L, unroll=2)
      def _(g, s=s):
        bin_base = (g * L + lane) * L
        acc = jnp.zeros((L,), jnp.int32)
        for l in range(L):
          acc = acc + plsc.load_gather(hists[s], [bin_base + l])
        outbuf[pl.ds(s * nbins + g * L, L)] = acc

    pltpu.sync_copy(outbuf, out_hbm.at[wid])

  return hist_pass


@functools.cache
def _get_hist_passes():
  mesh = plsc.VectorSubcoreMesh(
      core_axis_name="c", subcore_axis_name="s", num_cores=NC, num_subcores=NS
  )
  return tuple(_make_hist_pass(mesh, *cfg) for cfg in PASS_CFG)


def _searchsorted_rows(cum, ranks):
  return jax.vmap(
      lambda c, r: jnp.searchsorted(c, r, side="right").astype(jnp.int32)
  )(cum, ranks)


def kernel(x, p):
  n = x.size
  xf = x.reshape(-1)

  q = p.astype(jnp.float32) * (jnp.float32(n) - 1.0)
  low = jnp.floor(q)
  frac = q - low
  k_lo = low.astype(jnp.int32)
  ranks = jnp.stack([k_lo[0], k_lo[0] + 1, k_lo[1], k_lo[1] + 1])
  ranks = jnp.minimum(ranks, jnp.int32(n - 1))

  dummy = jnp.zeros((L,), jnp.int32)
  passes = _get_hist_passes()

  h1 = passes[0](xf, dummy).sum(axis=0)
  c1 = jnp.cumsum(h1)
  b1 = jnp.searchsorted(c1, ranks, side="right").astype(jnp.int32)
  below1 = jnp.where(b1 > 0, c1[jnp.maximum(b1 - 1, 0)], 0)
  ranks2 = ranks - below1
  pfx1 = b1

  h2 = passes[1](xf, jnp.repeat(pfx1, L)).sum(axis=0).reshape(4, 1024)
  c2 = jnp.cumsum(h2, axis=1)
  b2 = _searchsorted_rows(c2, ranks2)
  below2 = jnp.where(
      b2 > 0,
      jnp.take_along_axis(c2, jnp.maximum(b2 - 1, 0)[:, None], axis=1)[:, 0],
      0,
  )
  ranks3 = ranks2 - below2
  pfx2 = pfx1 * 1024 + b2

  h3 = passes[2](xf, jnp.repeat(pfx2, L)).sum(axis=0).reshape(4, 1024)
  c3 = jnp.cumsum(h3, axis=1)
  b3 = _searchsorted_rows(c3, ranks3)

  ku = (pfx2.astype(jnp.uint32) << 10) | b3.astype(jnp.uint32)
  half = jnp.uint32(0x80000000)
  ubits = jnp.where(ku >= half, ku - half, jnp.uint32(0) - ku)
  vals = lax.bitcast_convert_type(ubits, jnp.float32)

  q0 = vals[0] * (1.0 - frac[0]) + vals[1] * frac[0]
  q1 = vals[2] * (1.0 - frac[1]) + vals[3] * frac[1]
  return jnp.stack([q0, q1])

# --- scband reference (transcript-rebuilt; emitter-appended) ---
"""Pipeline reference for scband-my-model-61933428413988 (READ-ONLY COPY).

The authoritative reference and input builder live on the scoring server;
editing this copy changes nothing except your own understanding.
"""

import jax, jax.numpy as jnp
import numpy as np


def setup_inputs(seed: int = 0) -> dict:
    key = jax.random.key(seed)
    x = jax.random.normal(key, (4096, 4096), dtype=jnp.float32)
    # registered buffer from the torch module
    p = jnp.array([0.2, 0.9], dtype=jnp.float32)
    return {"x": x, "p": p}


def reference(x, p):
    # torch.quantile(x, p) with default dim=None flattens x and uses linear
    # interpolation; jnp.quantile with default method='linear' matches.
    return jnp.quantile(x, p)

if __name__ == "__main__":
    import jax
    _d = setup_inputs()
    print(jax.jit(kernel)(*tuple(_d.values())))

</pallas_src>

<mosaic_0001>
#map = affine_map<(d0, d1) -> (0)>
#map1 = affine_map<(d0, d1) -> (0, 0)>
module attributes {stable_mosaic.version = 14 : i64} {
  func.func @hist_pass(%arg0: i32, %arg1: i32, %arg2: memref<16777216xf32, #tpu.memory_space<hbm>>, %arg3: memref<64xi32, #tpu.memory_space<hbm>>, %arg4: memref<32x4096xi32, #tpu.memory_space<hbm>>, %arg5: memref<16384xf32, #tpu.memory_space<vmem>>, %arg6: memref<16384xf32, #tpu.memory_space<vmem>>, %arg7: memref<64xi32, #tpu.memory_space<vmem>>, %arg8: memref<4096xi32, #tpu.memory_space<vmem>>, %arg9: memref<!tpu.dma_semaphore, #tpu.memory_space<semaphore_mem>>, %arg10: memref<!tpu.dma_semaphore, #tpu.memory_space<semaphore_mem>>, %arg11: memref<16384xi32, #tpu.memory_space<vmem>>, %arg12: memref<16384xi32, #tpu.memory_space<vmem>>, %arg13: memref<16384xi32, #tpu.memory_space<vmem>>, %arg14: memref<16384xi32, #tpu.memory_space<vmem>>) attributes {dimension_semantics = [#tpu.dimension_semantics<core_parallel>, #tpu.dimension_semantics<subcore_parallel>], iteration_bounds = array<i64: 2, 16>, scalar_prefetch = 0 : i64, scratch_operands = 10 : i64, tpu.core_type = #tpu.core_type<sc_vector_subcore>, window_params = [{transform_indices = #map}, {transform_indices = #map}, {transform_indices = #map1}]} {
    %mul3A = arith.constant 2 : i32
    %mul3A_0 = arith.muli %arg1, %mul3A : i32
    %add3A = arith.addi %mul3A_0, %arg0 : i32
    %iota3A = tpu.iota {dimensions = array<i32: 0>} : vector<16xi32>
    %broadcast_in_dim3A = arith.constant 1 : i32
    %broadcast_in_dim3A_1 = vector.broadcast %broadcast_in_dim3A : i32 to vector<16xi32>
    %broadcast_in_dim3A_2 = arith.constant 0 : i32
    %broadcast_in_dim3A_3 = vector.broadcast %broadcast_in_dim3A_2 : i32 to vector<16xi32>
    %parallel_loop3A = arith.constant 0 : i32
    %parallel_loop3A_4 = arith.constant 1024 : i32
    %parallel_loop3A_5 = arith.constant 1 : i32
    scf.for %parallel_loop3A_39 = %parallel_loop3A to %parallel_loop3A_4 step %parallel_loop3A_5  : i32 {
      %parallel_loop3A_40 = arith.constant 16 : i32
      %parallel_loop3A_41 = arith.muli %parallel_loop3A_39, %parallel_loop3A_40 : i32
      %parallel_loop3A_42 = arith.index_cast %parallel_loop3A_41 : i32 to index
      %parallel_loop3A_43 = tpu.vector_load %arg11[%parallel_loop3A_42] {strides = array<i32>} : memref<16384xi32, #tpu.memory_space<vmem>>, vector<16xi32>,
      tpu.vector_store %arg11[%parallel_loop3A_42], %broadcast_in_dim3A_3 {strides = array<i32>} : memref<16384xi32, #tpu.memory_space<vmem>>, vector<16xi32>,
      %parallel_loop3A_44 = arith.constant 16 : i32
      %parallel_loop3A_45 = arith.muli %parallel_loop3A_39, %parallel_loop3A_44 : i32
      %parallel_loop3A_46 = arith.index_cast %parallel_loop3A_45 : i32 to index
      %parallel_loop3A_47 = tpu.vector_load %arg12[%parallel_loop3A_46] {strides = array<i32>} : memref<16384xi32, #tpu.memory_space<vmem>>, vector<16xi32>,
      tpu.vector_store %arg12[%parallel_loop3A_46], %broadcast_in_dim3A_3 {strides = array<i32>} : memref<16384xi32, #tpu.memory_space<vmem>>, vector<16xi32>,
      %parallel_loop3A_48 = arith.constant 16 : i32
      %parallel_loop3A_49 = arith.muli %parallel_loop3A_39, %parallel_loop3A_48 : i32
      %parallel_loop3A_50 = arith.index_cast %parallel_loop3A_49 : i32 to index
      %parallel_loop3A_51 = tpu.vector_load %arg13[%parallel_loop3A_50] {strides = array<i32>} : memref<16384xi32, #tpu.memory_space<vmem>>, vector<16xi32>,
      tpu.vector_store %arg13[%parallel_loop3A_50], %broadcast_in_dim3A_3 {strides = array<i32>} : memref<16384xi32, #tpu.memory_space<vmem>>, vector<16xi32>,
      %parallel_loop3A_52 = arith.constant 16 : i32
      %parallel_loop3A_53 = arith.muli %parallel_loop3A_39, %parallel_loop3A_52 : i32
      %parallel_loop3A_54 = arith.index_cast %parallel_loop3A_53 : i32 to index
      %parallel_loop3A_55 = tpu.vector_load %arg14[%parallel_loop3A_54] {strides = array<i32>} : memref<16384xi32, #tpu.memory_space<vmem>>, vector<16xi32>,
      tpu.vector_store %arg14[%parallel_loop3A_54], %broadcast_in_dim3A_3 {strides = array<i32>} : memref<16384xi32, #tpu.memory_space<vmem>>, vector<16xi32>,
    } {sc.loop_unroll_factor = 8 : i64, sc.parallel_access}
    "tpu.region"() ({
      %run_scoped3A = tpu.sem_alloc : memref<!tpu.dma_semaphore, #tpu.memory_space<semaphore_mem>>
      tpu.enqueue_dma source(%arg3 : memref<64xi32, #tpu.memory_space<hbm>>) target(%arg7 : memref<64xi32, #tpu.memory_space<vmem>>) target_semaphore(%run_scoped3A : memref<!tpu.dma_semaphore, #tpu.memory_space<semaphore_mem>>)
      tpu.wait_dma2 semaphore(%run_scoped3A : memref<!tpu.dma_semaphore, #tpu.memory_space<semaphore_mem>>) src(%arg3 : memref<64xi32, #tpu.memory_space<hbm>>) dst(%arg7 : memref<64xi32, #tpu.memory_space<vmem>>)
      tpu.yield
    }) : () -> ()
    %get3A = arith.constant 0 : index
    %get3A_6 = tpu.vector_load %arg7[%get3A] {strides = array<i32>} : memref<64xi32, #tpu.memory_space<vmem>>, vector<16xi32>,
    %get3A_7 = arith.constant 16 : index
    %get3A_8 = tpu.vector_load %arg7[%get3A_7] {strides = array<i32>} : memref<64xi32, #tpu.memory_space<vmem>>, vector<16xi32>,
    %get3A_9 = arith.constant 32 : index
    %get3A_10 = tpu.vector_load %arg7[%get3A_9] {strides = array<i32>} : memref<64xi32, #tpu.memory_space<vmem>>, vector<16xi32>,
    %get3A_11 = arith.constant 48 : index
    %get3A_12 = tpu.vector_load %arg7[%get3A_11] {strides = array<i32>} : memref<64xi32, #tpu.memory_space<vmem>>, vector<16xi32>,
    %mul3A_13 = arith.constant 524288 : i32
    %mul3A_14 = arith.muli %add3A, %mul3A_13 : i32
    %add3A_15 = arith.constant 0 : i32
    %add3A_16 = arith.addi %mul3A_14, %add3A_15 : i32
    %dma_start3A = tpu.memref_slice %arg2[%add3A_16] : memref<16777216xf32, #tpu.memory_space<hbm>> -> memref<16384xf32, #tpu.memory_space<hbm>>
    %dma_start3A_17 = tpu.memref_slice %arg2[%add3A_16] : memref<16777216xf32, #tpu.memory_space<hbm>> -> memref<16384xf32, #tpu.memory_space<hbm>>
    tpu.enqueue_dma source(%dma_start3A_17 : memref<16384xf32, #tpu.memory_space<hbm>>) target(%arg5 : memref<16384xf32, #tpu.memory_space<vmem>>) target_semaphore(%arg9 : memref<!tpu.dma_semaphore, #tpu.memory_space<semaphore_mem>>)
    %add3A_18 = arith.constant 16384 : i32
    %add3A_19 = arith.addi %mul3A_14, %add3A_18 : i32
    %dma_start3A_20 = tpu.memref_slice %arg2[%add3A_19] : memref<16777216xf32, #tpu.memory_space<hbm>> -> memref<16384xf32, #tpu.memory_space<hbm>>
    %dma_start3A_21 = tpu.memref_slice %arg2[%add3A_19] : memref<16777216xf32, #tpu.memory_space<hbm>> -> memref<16384xf32, #tpu.memory_space<hbm>>
    tpu.enqueue_dma source(%dma_start3A_21 : memref<16384xf32, #tpu.memory_space<hbm>>) target(%arg6 : memref<16384xf32, #tpu.memory_space<vmem>>) target_semaphore(%arg10 : memref<!tpu.dma_semaphore, #tpu.memory_space<semaphore_mem>>)
    %scan3A = arith.constant 0 : i32
    %scan3A_22 = arith.constant 0 : i32
    %scan3A_23 = arith.constant 16 : i32
    %scan3A_24 = arith.addi %scan3A_22, %scan3A_23 : i32
    %scan3A_25 = arith.constant 1 : i32
    scf.for %scan3A_39 = %scan3A_22 to %scan3A_24 step %scan3A_25  : i32 {
      %mul3A_40 = arith.constant 2 : i32
      %mul3A_41 = arith.muli %mul3A_40, %scan3A_39 : i32
      %mul3A_42 = arith.constant 16384 : i32
      %mul3A_43 = arith.muli %mul3A_41, %mul3A_42 : i32
      %add3A_44 = arith.addi %mul3A_14, %mul3A_43 : i32
      %dma_wait3A = tpu.memref_slice %arg2[%add3A_44] : memref<16777216xf32, #tpu.memory_space<hbm>> -> memref<16384xf32, #tpu.memory_space<hbm>>
      %dma_wait3A_45 = tpu.memref_slice %arg2[%add3A_44] : memref<16777216xf32, #tpu.memory_space<hbm>> -> memref<16384xf32, #tpu.memory_space<hbm>>
      tpu.wait_dma2 semaphore(%arg9 : memref<!tpu.dma_semaphore, #tpu.memory_space<semaphore_mem>>) src(%dma_wait3A_45 : memref<16384xf32, #tpu.memory_space<hbm>>) dst(%arg5 : memref<16384xf32, #tpu.memory_space<vmem>>)
      %parallel_loop3A_46 = arith.constant 0 : i32
      %parallel_loop3A_47 = arith.constant 1024 : i32
      %parallel_loop3A_48 = arith.constant 1 : i32
      scf.for %parallel_loop3A_70 = %parallel_loop3A_46 to %parallel_loop3A_47 step %parallel_loop3A_48  : i32 {
        %parallel_loop3A_71 = arith.constant 16 : i32
        %parallel_loop3A_72 = arith.muli %parallel_loop3A_70, %parallel_loop3A_71 : i32
        %parallel_loop3A_73 = arith.index_cast %parallel_loop3A_72 : i32 to index
        %parallel_loop3A_74 = tpu.vector_load %arg5[%parallel_loop3A_73] {strides = array<i32>} : memref<16384xf32, #tpu.memory_space<vmem>>, vector<16xf32>,
        %parallel_loop3A_75 = vector.bitcast %parallel_loop3A_74 : vector<16xf32> to vector<16xi32>
        %parallel_loop3A_76 = arith.constant -2147483648 : i32
        %parallel_loop3A_77 = vector.broadcast %parallel_loop3A_76 : i32 to vector<16xi32>
        %parallel_loop3A_78 = arith.subi %parallel_loop3A_77, %parallel_loop3A_75 : vector<16xi32>
        %parallel_loop3A_79 = arith.constant 0 : i32
        %parallel_loop3A_80 = vector.broadcast %parallel_loop3A_79 : i32 to vector<16xi32>
        %parallel_loop3A_81 = arith.cmpi slt, %parallel_loop3A_75, %parallel_loop3A_80 : vector<16xi32>
        %parallel_loop3A_82 = arith.select %parallel_loop3A_81, %parallel_loop3A_78, %parallel_loop3A_75 : vector<16xi1>, vector<16xi32>
        %parallel_loop3A_83 = arith.constant -2147483648 : i32
        %parallel_loop3A_84 = vector.broadcast %parallel_loop3A_83 : i32 to vector<16xi32>
        %parallel_loop3A_85 = arith.xori %parallel_loop3A_82, %parallel_loop3A_84 : vector<16xi32>
        %parallel_loop3A_86 = arith.constant 0 : i32
        %parallel_loop3A_87 = vector.broadcast %parallel_loop3A_86 : i32 to vector<16xi32>
        %parallel_loop3A_88 = arith.shrui %parallel_loop3A_85, %parallel_loop3A_87 : vector<16xi32>
        %parallel_loop3A_89 = arith.constant 1023 : i32
        %parallel_loop3A_90 = vector.broadcast %parallel_loop3A_89 : i32 to vector<16xi32>
        %parallel_loop3A_91 = arith.andi %parallel_loop3A_88, %parallel_loop3A_90 : vector<16xi32>
        %parallel_loop3A_92 = arith.constant 16 : i32
        %parallel_loop3A_93 = vector.broadcast %parallel_loop3A_92 : i32 to vector<16xi32>
        %parallel_loop3A_94 = arith.muli %parallel_loop3A_91, %parallel_loop3A_93 : vector<16xi32>
        %parallel_loop3A_95 = arith.addi %parallel_loop3A_94, %iota3A : vector<16xi32>
        %parallel_loop3A_96 = arith.constant 10 : i32
        %parallel_loop3A_97 = vector.broadcast %parallel_loop3A_96 : i32 to vector<16xi32>
        %parallel_loop3A_98 = arith.shrui %parallel_loop3A_85, %parallel_loop3A_97 : vector<16xi32>
        %parallel_loop3A_99 = arith.cmpi eq, %parallel_loop3A_98, %get3A_6 : vector<16xi32>
        tpu.vector_store_idx %arg11[%parallel_loop3A_95], %broadcast_in_dim3A_1 masked %parallel_loop3A_99 {add = true} : memref<16384xi32, #tpu.memory_space<vmem>>[vector<16xi32>], vector<16xi32>, vector<16xi1>
        %parallel_loop3A_100 = arith.cmpi eq, %parallel_loop3A_98, %get3A_8 : vector<16xi32>
        tpu.vector_store_idx %arg12[%parallel_loop3A_95], %broadcast_in_dim3A_1 masked %parallel_loop3A_100 {add = true} : memref<16384xi32, #tpu.memory_space<vmem>>[vector<16xi32>], vector<16xi32>, vector<16xi1>
        %parallel_loop3A_101 = arith.cmpi eq, %parallel_loop3A_98, %get3A_10 : vector<16xi32>
        tpu.vector_store_idx %arg13[%parallel_loop3A_95], %broadcast_in_dim3A_1 masked %parallel_loop3A_101 {add = true} : memref<16384xi32, #tpu.memory_space<vmem>>[vector<16xi32>], vector<16xi32>, vector<16xi1>
        %parallel_loop3A_102 = arith.cmpi eq, %parallel_loop3A_98, %get3A_12 : vector<16xi32>
        tpu.vector_store_idx %arg14[%parallel_loop3A_95], %broadcast_in_dim3A_1 masked %parallel_loop3A_102 {add = true} : memref<16384xi32, #tpu.memory_space<vmem>>[vector<16xi32>], vector<16xi32>, vector<16xi1>
      } {sc.loop_unroll_factor = 4 : i64, sc.parallel_access}
      %add3A_49 = arith.constant 2 : i32
      %add3A_50 = arith.addi %mul3A_41, %add3A_49 : i32
      %lt3A = arith.constant 32 : i32
      %lt3A_51 = arith.cmpi slt, %add3A_50, %lt3A : i32
      %convert_element_type3A = arith.extui %lt3A_51 : i1 to i32
      %cond3A = arith.constant 0 : i32
      %cond3A_52 = arith.cmpi ne, %convert_element_type3A, %cond3A : i32
      scf.if %cond3A_52 {
        %add3A_70 = arith.constant 2 : i32
        %add3A_71 = arith.addi %mul3A_41, %add3A_70 : i32
        %mul3A_72 = arith.constant 16384 : i32
        %mul3A_73 = arith.muli %add3A_71, %mul3A_72 : i32
        %add3A_74 = arith.addi %mul3A_14, %mul3A_73 : i32
        %dma_start3A_75 = tpu.memref_slice %arg2[%add3A_74] : memref<16777216xf32, #tpu.memory_space<hbm>> -> memref<16384xf32, #tpu.memory_space<hbm>>
        %dma_start3A_76 = tpu.memref_slice %arg2[%add3A_74] : memref<16777216xf32, #tpu.memory_space<hbm>> -> memref<16384xf32, #tpu.memory_space<hbm>>
        tpu.enqueue_dma source(%dma_start3A_76 : memref<16384xf32, #tpu.memory_space<hbm>>) target(%arg5 : memref<16384xf32, #tpu.memory_space<vmem>>) target_semaphore(%arg9 : memref<!tpu.dma_semaphore, #tpu.memory_space<semaphore_mem>>)
      } else {
      }
      %add3A_53 = arith.constant 1 : i32
      %add3A_54 = arith.addi %mul3A_41, %add3A_53 : i32
      %mul3A_55 = arith.constant 16384 : i32
      %mul3A_56 = arith.muli %add3A_54, %mul3A_55 : i32
      %add3A_57 = arith.addi %mul3A_14, %mul3A_56 : i32
      %dma_wait3A_58 = tpu.memref_slice %arg2[%add3A_57] : memref<16777216xf32, #tpu.memory_space<hbm>> -> memref<16384xf32, #tpu.memory_space<hbm>>
      %dma_wait3A_59 = tpu.memref_slice %arg2[%add3A_57] : memref<16777216xf32, #tpu.memory_space<hbm>> -> memref<16384xf32, #tpu.memory_space<hbm>>
      tpu.wait_dma2 semaphore(%arg10 : memref<!tpu.dma_semaphore, #tpu.memory_space<semaphore_mem>>) src(%dma_wait3A_59 : memref<16384xf32, #tpu.memory_space<hbm>>) dst(%arg6 : memref<16384xf32, #tpu.memory_space<vmem>>)
      %parallel_loop3A_60 = arith.constant 0 : i32
      %parallel_loop3A_61 = arith.constant 1024 : i32
      %parallel_loop3A_62 = arith.constant 1 : i32
      scf.for %parallel_loop3A_70 = %parallel_loop3A_60 to %parallel_loop3A_61 step %parallel_loop3A_62  : i32 {
        %parallel_loop3A_71 = arith.constant 16 : i32
        %parallel_loop3A_72 = arith.muli %parallel_loop3A_70, %parallel_loop3A_71 : i32
        %parallel_loop3A_73 = arith.index_cast %parallel_loop3A_72 : i32 to index
        %parallel_loop3A_74 = tpu.vector_load %arg6[%parallel_loop3A_73] {strides = array<i32>} : memref<16384xf32, #tpu.memory_space<vmem>>, vector<16xf32>,
        %parallel_loop3A_75 = vector.bitcast %parallel_loop3A_74 : vector<16xf32> to vector<16xi32>
        %parallel_loop3A_76 = arith.constant -2147483648 : i32
        %parallel_loop3A_77 = vector.broadcast %parallel_loop3A_76 : i32 to vector<16xi32>
        %parallel_loop3A_78 = arith.subi %parallel_loop3A_77, %parallel_loop3A_75 : vector<16xi32>
        %parallel_loop3A_79 = arith.constant 0 : i32
        %parallel_loop3A_80 = vector.broadcast %parallel_loop3A_79 : i32 to vector<16xi32>
        %parallel_loop3A_81 = arith.cmpi slt, %parallel_loop3A_75, %parallel_loop3A_80 : vector<16xi32>
        %parallel_loop3A_82 = arith.select %parallel_loop3A_81, %parallel_loop3A_78, %parallel_loop3A_75 : vector<16xi1>, vector<16xi32>
        %parallel_loop3A_83 = arith.constant -2147483648 : i32
        %parallel_loop3A_84 = vector.broadcast %parallel_loop3A_83 : i32 to vector<16xi32>
        %parallel_loop3A_85 = arith.xori %parallel_loop3A_82, %parallel_loop3A_84 : vector<16xi32>
        %parallel_loop3A_86 = arith.constant 0 : i32
        %parallel_loop3A_87 = vector.broadcast %parallel_loop3A_86 : i32 to vector<16xi32>
        %parallel_loop3A_88 = arith.shrui %parallel_loop3A_85, %parallel_loop3A_87 : vector<16xi32>
        %parallel_loop3A_89 = arith.constant 1023 : i32
        %parallel_loop3A_90 = vector.broadcast %parallel_loop3A_89 : i32 to vector<16xi32>
        %parallel_loop3A_91 = arith.andi %parallel_loop3A_88, %parallel_loop3A_90 : vector<16xi32>
        %parallel_loop3A_92 = arith.constant 16 : i32
        %parallel_loop3A_93 = vector.broadcast %parallel_loop3A_92 : i32 to vector<16xi32>
        %parallel_loop3A_94 = arith.muli %parallel_loop3A_91, %parallel_loop3A_93 : vector<16xi32>
        %parallel_loop3A_95 = arith.addi %parallel_loop3A_94, %iota3A : vector<16xi32>
        %parallel_loop3A_96 = arith.constant 10 : i32
        %parallel_loop3A_97 = vector.broadcast %parallel_loop3A_96 : i32 to vector<16xi32>
        %parallel_loop3A_98 = arith.shrui %parallel_loop3A_85, %parallel_loop3A_97 : vector<16xi32>
        %parallel_loop3A_99 = arith.cmpi eq, %parallel_loop3A_98, %get3A_6 : vector<16xi32>
        tpu.vector_store_idx %arg11[%parallel_loop3A_95], %broadcast_in_dim3A_1 masked %parallel_loop3A_99 {add = true} : memref<16384xi32, #tpu.memory_space<vmem>>[vector<16xi32>], vector<16xi32>, vector<16xi1>
        %parallel_loop3A_100 = arith.cmpi eq, %parallel_loop3A_98, %get3A_8 : vector<16xi32>
        tpu.vector_store_idx %arg12[%parallel_loop3A_95], %broadcast_in_dim3A_1 masked %parallel_loop3A_100 {add = true} : memref<16384xi32, #tpu.memory_space<vmem>>[vector<16xi32>], vector<16xi32>, vector<16xi1>
        %parallel_loop3A_101 = arith.cmpi eq, %parallel_loop3A_98, %get3A_10 : vector<16xi32>
        tpu.vector_store_idx %arg13[%parallel_loop3A_95], %broadcast_in_dim3A_1 masked %parallel_loop3A_101 {add = true} : memref<16384xi32, #tpu.memory_space<vmem>>[vector<16xi32>], vector<16xi32>, vector<16xi1>
        %parallel_loop3A_102 = arith.cmpi eq, %parallel_loop3A_98, %get3A_12 : vector<16xi32>
        tpu.vector_store_idx %arg14[%parallel_loop3A_95], %broadcast_in_dim3A_1 masked %parallel_loop3A_102 {add = true} : memref<16384xi32, #tpu.memory_space<vmem>>[vector<16xi32>], vector<16xi32>, vector<16xi1>
      } {sc.loop_unroll_factor = 4 : i64, sc.parallel_access}
      %add3A_63 = arith.constant 3 : i32
      %add3A_64 = arith.addi %mul3A_41, %add3A_63 : i32
      %lt3A_65 = arith.constant 32 : i32
      %lt3A_66 = arith.cmpi slt, %add3A_64, %lt3A_65 : i32
      %convert_element_type3A_67 = arith.extui %lt3A_66 : i1 to i32
      %cond3A_68 = arith.constant 0 : i32
      %cond3A_69 = arith.cmpi ne, %convert_element_type3A_67, %cond3A_68 : i32
      scf.if %cond3A_69 {
        %add3A_70 = arith.constant 3 : i32
        %add3A_71 = arith.addi %mul3A_41, %add3A_70 : i32
        %mul3A_72 = arith.constant 16384 : i32
        %mul3A_73 = arith.muli %add3A_71, %mul3A_72 : i32
        %add3A_74 = arith.addi %mul3A_14, %mul3A_73 : i32
        %dma_start3A_75 = tpu.memref_slice %arg2[%add3A_74] : memref<16777216xf32, #tpu.memory_space<hbm>> -> memref<16384xf32, #tpu.memory_space<hbm>>
        %dma_start3A_76 = tpu.memref_slice %arg2[%add3A_74] : memref<16777216xf32, #tpu.memory_space<hbm>> -> memref<16384xf32, #tpu.memory_space<hbm>>
        tpu.enqueue_dma source(%dma_start3A_76 : memref<16384xf32, #tpu.memory_space<hbm>>) target(%arg6 : memref<16384xf32, #tpu.memory_space<vmem>>) target_semaphore(%arg10 : memref<!tpu.dma_semaphore, #tpu.memory_space<semaphore_mem>>)
      } else {
      }
    }
    %scan3A_26 = arith.constant 16 : i32
    %parallel_loop3A_27 = arith.constant 0 : i32
    %parallel_loop3A_28 = arith.constant 64 : i32
    %parallel_loop3A_29 = arith.constant 1 : i32
    scf.for %parallel_loop3A_39 = %parallel_loop3A_27 to %parallel_loop3A_28 step %parallel_loop3A_29  : i32 {
      %parallel_loop3A_40 = arith.constant 16 : i32
      %parallel_loop3A_41 = arith.muli %parallel_loop3A_39, %parallel_loop3A_40 : i32
      %parallel_loop3A_42 = vector.broadcast %parallel_loop3A_41 : i32 to vector<16xi32>
      %parallel_loop3A_43 = arith.addi %parallel_loop3A_42, %iota3A : vector<16xi32>
      %parallel_loop3A_44 = arith.constant 16 : i32
      %parallel_loop3A_45 = vector.broadcast %parallel_loop3A_44 : i32 to vector<16xi32>
      %parallel_loop3A_46 = arith.muli %parallel_loop3A_43, %parallel_loop3A_45 : vector<16xi32>
      %parallel_loop3A_47 = arith.constant 0 : i32
      %parallel_loop3A_48 = vector.broadcast %parallel_loop3A_47 : i32 to vector<16xi32>
      %parallel_loop3A_49 = arith.constant 0 : i32
      %parallel_loop3A_50 = vector.broadcast %parallel_loop3A_49 : i32 to vector<16xi32>
      %parallel_loop3A_51 = arith.addi %parallel_loop3A_46, %parallel_loop3A_50 : vector<16xi32>
      %parallel_loop3A_52 = tpu.vector_load_idx %arg11[%parallel_loop3A_51] : memref<16384xi32, #tpu.memory_space<vmem>>[vector<16xi32>], vector<16xi32>,
      %parallel_loop3A_53 = arith.addi %parallel_loop3A_48, %parallel_loop3A_52 : vector<16xi32>
      %parallel_loop3A_54 = arith.constant 1 : i32
      %parallel_loop3A_55 = vector.broadcast %parallel_loop3A_54 : i32 to vector<16xi32>
      %parallel_loop3A_56 = arith.addi %parallel_loop3A_46, %parallel_loop3A_55 : vector<16xi32>
      %parallel_loop3A_57 = tpu.vector_load_idx %arg11[%parallel_loop3A_56] : memref<16384xi32, #tpu.memory_space<vmem>>[vector<16xi32>], vector<16xi32>,
      %parallel_loop3A_58 = arith.addi %parallel_loop3A_53, %parallel_loop3A_57 : vector<16xi32>
      %parallel_loop3A_59 = arith.constant 2 : i32
      %parallel_loop3A_60 = vector.broadcast %parallel_loop3A_59 : i32 to vector<16xi32>
      %parallel_loop3A_61 = arith.addi %parallel_loop3A_46, %parallel_loop3A_60 : vector<16xi32>
      %parallel_loop3A_62 = tpu.vector_load_idx %arg11[%parallel_loop3A_61] : memref<16384xi32, #tpu.memory_space<vmem>>[vector<16xi32>], vector<16xi32>,
      %parallel_loop3A_63 = arith.addi %parallel_loop3A_58, %parallel_loop3A_62 : vector<16xi32>
      %parallel_loop3A_64 = arith.constant 3 : i32
      %parallel_loop3A_65 = vector.broadcast %parallel_loop3A_64 : i32 to vector<16xi32>
      %parallel_loop3A_66 = arith.addi %parallel_loop3A_46, %parallel_loop3A_65 : vector<16xi32>
      %parallel_loop3A_67 = tpu.vector_load_idx %arg11[%parallel_loop3A_66] : memref<16384xi32, #tpu.memory_space<vmem>>[vector<16xi32>], vector<16xi32>,
      %parallel_loop3A_68 = arith.addi %parallel_loop3A_63, %parallel_loop3A_67 : vector<16xi32>
      %parallel_loop3A_69 = arith.constant 4 : i32
      %parallel_loop3A_70 = vector.broadcast %parallel_loop3A_69 : i32 to vector<16xi32>
      %parallel_loop3A_71 = arith.addi %parallel_loop3A_46, %parallel_loop3A_70 : vector<16xi32>
      %parallel_loop3A_72 = tpu.vector_load_idx %arg11[%parallel_loop3A_71] : memref<16384xi32, #tpu.memory_space<vmem>>[vector<16xi32>], vector<16xi32>,
      %parallel_loop3A_73 = arith.addi %parallel_loop3A_68, %parallel_loop3A_72 : vector<16xi32>
      %parallel_loop3A_74 = arith.constant 5 : i32
      %parallel_loop3A_75 = vector.broadcast %parallel_loop3A_74 : i32 to vector<16xi32>
      %parallel_loop3A_76 = arith.addi %parallel_loop3A_46, %parallel_loop3A_75 : vector<16xi32>
      %parallel_loop3A_77 = tpu.vector_load_idx %arg11[%parallel_loop3A_76] : memref<16384xi32, #tpu.memory_space<vmem>>[vector<16xi32>], vector<16xi32>,
      %parallel_loop3A_78 = arith.addi %parallel_loop3A_73, %parallel_loop3A_77 : vector<16xi32>
      %parallel_loop3A_79 = arith.constant 6 : i32
      %parallel_loop3A_80 = vector.broadcast %parallel_loop3A_79 : i32 to vector<16xi32>
      %parallel_loop3A_81 = arith.addi %parallel_loop3A_46, %parallel_loop3A_80 : vector<16xi32>
      %parallel_loop3A_82 = tpu.vector_load_idx %arg11[%parallel_loop3A_81] : memref<16384xi32, #tpu.memory_space<vmem>>[vector<16xi32>], vector<16xi32>,
      %parallel_loop3A_83 = arith.addi %parallel_loop3A_78, %parallel_loop3A_82 : vector<16xi32>
      %parallel_loop3A_84 = arith.constant 7 : i32
      %parallel_loop3A_85 = vector.broadcast %parallel_loop3A_84 : i32 to vector<16xi32>
      %parallel_loop3A_86 = arith.addi %parallel_loop3A_46, %parallel_loop3A_85 : vector<16xi32>
      %parallel_loop3A_87 = tpu.vector_load_idx %arg11[%parallel_loop3A_86] : memref<16384xi32, #tpu.memory_space<vmem>>[vector<16xi32>], vector<16xi32>,
      %parallel_loop3A_88 = arith.addi %parallel_loop3A_83, %parallel_loop3A_87 : vector<16xi32>
      %parallel_loop3A_89 = arith.constant 8 : i32
      %parallel_loop3A_90 = vector.broadcast %parallel_loop3A_89 : i32 to vector<16xi32>
      %parallel_loop3A_91 = arith.addi %parallel_loop3A_46, %parallel_loop3A_90 : vector<16xi32>
      %parallel_loop3A_92 = tpu.vector_load_idx %arg11[%parallel_loop3A_91] : memref<16384xi32, #tpu.memory_space<vmem>>[vector<16xi32>], vector<16xi32>,
      %parallel_loop3A_93 = arith.addi %parallel_loop3A_88, %parallel_loop3A_92 : vector<16xi32>
      %parallel_loop3A_94 = arith.constant 9 : i32
      %parallel_loop3A_95 = vector.broadcast %parallel_loop3A_94 : i32 to vector<16xi32>
      %parallel_loop3A_96 = arith.addi %parallel_loop3A_46, %parallel_loop3A_95 : vector<16xi32>
      %parallel_loop3A_97 = tpu.vector_load_idx %arg11[%parallel_loop3A_96] : memref<16384xi32, #tpu.memory_space<vmem>>[vector<16xi32>], vector<16xi32>,
      %parallel_loop3A_98 = arith.addi %parallel_loop3A_93, %parallel_loop3A_97 : vector<16xi32>
      %parallel_loop3A_99 = arith.constant 10 : i32
      %parallel_loop3A_100 = vector.broadcast %parallel_loop3A_99 : i32 to vector<16xi32>
      %parallel_loop3A_101 = arith.addi %parallel_loop3A_46, %parallel_loop3A_100 : vector<16xi32>
      %parallel_loop3A_102 = tpu.vector_load_idx %arg11[%parallel_loop3A_101] : memref<16384xi32, #tpu.memory_space<vmem>>[vector<16xi32>], vector<16xi32>,
      %parallel_loop3A_103 = arith.addi %parallel_loop3A_98, %parallel_loop3A_102 : vector<16xi32>
      %parallel_loop3A_104 = arith.constant 11 : i32
      %parallel_loop3A_105 = vector.broadcast %parallel_loop3A_104 : i32 to vector<16xi32>
      %parallel_loop3A_106 = arith.addi %parallel_loop3A_46, %parallel_loop3A_105 : vector<16xi32>
      %parallel_loop3A_107 = tpu.vector_load_idx %arg11[%parallel_loop3A_106] : memref<16384xi32, #tpu.memory_space<vmem>>[vector<16xi32>], vector<16xi32>,
      %parallel_loop3A_108 = arith.addi %parallel_loop3A_103, %parallel_loop3A_107 : vector<16xi32>
      %parallel_loop3A_109 = arith.constant 12 : i32
      %parallel_loop3A_110 = vector.broadcast %parallel_loop3A_109 : i32 to vector<16xi32>
      %parallel_loop3A_111 = arith.addi %parallel_loop3A_46, %parallel_loop3A_110 : vector<16xi32>
      %parallel_loop3A_112 = tpu.vector_load_idx %arg11[%parallel_loop3A_111] : memref<16384xi32, #tpu.memory_space<vmem>>[vector<16xi32>], vector<16xi32>,
      %parallel_loop3A_113 = arith.addi %parallel_loop3A_108, %parallel_loop3A_112 : vector<16xi32>
      %parallel_loop3A_114 = arith.constant 13 : i32
      %parallel_loop3A_115 = vector.broadcast %parallel_loop3A_114 : i32 to vector<16xi32>
      %parallel_loop3A_116 = arith.addi %parallel_loop3A_46, %parallel_loop3A_115 : vector<16xi32>
      %parallel_loop3A_117 = tpu.vector_load_idx %arg11[%parallel_loop3A_116] : memref<16384xi32, #tpu.memory_space<vmem>>[vector<16xi32>], vector<16xi32>,
      %parallel_loop3A_118 = arith.addi %parallel_loop3A_113, %parallel_loop3A_117 : vector<16xi32>
      %parallel_loop3A_119 = arith.constant 14 : i32
      %parallel_loop3A_120 = vector.broadcast %parallel_loop3A_119 : i32 to vector<16xi32>
      %parallel_loop3A_121 = arith.addi %parallel_loop3A_46, %parallel_loop3A_120 : vector<16xi32>
      %parallel_loop3A_122 = tpu.vector_load_idx %arg11[%parallel_loop3A_121] : memref<16384xi32, #tpu.memory_space<vmem>>[vector<16xi32>], vector<16xi32>,
      %parallel_loop3A_123 = arith.addi %parallel_loop3A_118, %parallel_loop3A_122 : vector<16xi32>
      %parallel_loop3A_124 = arith.constant 15 : i32
      %parallel_loop3A_125 = vector.broadcast %parallel_loop3A_124 : i32 to vector<16xi32>
      %parallel_loop3A_126 = arith.addi %parallel_loop3A_46, %parallel_loop3A_125 : vector<16xi32>
      %parallel_loop3A_127 = tpu.vector_load_idx %arg11[%parallel_loop3A_126] : memref<16384xi32, #tpu.memory_space<vmem>>[vector<16xi32>], vector<16xi32>,
      %parallel_loop3A_128 = arith.addi %parallel_loop3A_123, %parallel_loop3A_127 : vector<16xi32>
      %parallel_loop3A_129 = arith.constant 16 : i32
      %parallel_loop3A_130 = arith.muli %parallel_loop3A_39, %parallel_loop3A_129 : i32
      %parallel_loop3A_131 = arith.constant 0 : i32
      %parallel_loop3A_132 = arith.addi %parallel_loop3A_131, %parallel_loop3A_130 : i32
      %parallel_loop3A_133 = arith.index_cast %parallel_loop3A_132 : i32 to index
      %parallel_loop3A_134 = tpu.vector_load %arg8[%parallel_loop3A_133] {strides = array<i32>} : memref<4096xi32, #tpu.memory_space<vmem>>, vector<16xi32>,
      tpu.vector_store %arg8[%parallel_loop3A_133], %parallel_loop3A_128 {strides = array<i32>} : memref<4096xi32, #tpu.memory_space<vmem>>, vector<16xi32>,
    } {sc.loop_unroll_factor = 2 : i64, sc.parallel_access}
    %parallel_loop3A_30 = arith.constant 0 : i32
    %parallel_loop3A_31 = arith.constant 64 : i32
    %parallel_loop3A_32 = arith.constant 1 : i32
    scf.for %parallel_loop3A_39 = %parallel_loop3A_30 to %parallel_loop3A_31 step %parallel_loop3A_32  : i32 {
      %parallel_loop3A_40 = arith.constant 16 : i32
      %parallel_loop3A_41 = arith.muli %parallel_loop3A_39, %parallel_loop3A_40 : i32
      %parallel_loop3A_42 = vector.broadcast %parallel_loop3A_41 : i32 to vector<16xi32>
      %parallel_loop3A_43 = arith.addi %parallel_loop3A_42, %iota3A : vector<16xi32>
      %parallel_loop3A_44 = arith.constant 16 : i32
      %parallel_loop3A_45 = vector.broadcast %parallel_loop3A_44 : i32 to vector<16xi32>
      %parallel_loop3A_46 = arith.muli %parallel_loop3A_43, %parallel_loop3A_45 : vector<16xi32>
      %parallel_loop3A_47 = arith.constant 0 : i32
      %parallel_loop3A_48 = vector.broadcast %parallel_loop3A_47 : i32 to vector<16xi32>
      %parallel_loop3A_49 = arith.constant 0 : i32
      %parallel_loop3A_50 = vector.broadcast %parallel_loop3A_49 : i32 to vector<16xi32>
      %parallel_loop3A_51 = arith.addi %parallel_loop3A_46, %parallel_loop3A_50 : vector<16xi32>
      %parallel_loop3A_52 = tpu.vector_load_idx %arg12[%parallel_loop3A_51] : memref<16384xi32, #tpu.memory_space<vmem>>[vector<16xi32>], vector<16xi32>,
      %parallel_loop3A_53 = arith.addi %parallel_loop3A_48, %parallel_loop3A_52 : vector<16xi32>
      %parallel_loop3A_54 = arith.constant 1 : i32
      %parallel_loop3A_55 = vector.broadcast %parallel_loop3A_54 : i32 to vector<16xi32>
      %parallel_loop3A_56 = arith.addi %parallel_loop3A_46, %parallel_loop3A_55 : vector<16xi32>
      %parallel_loop3A_57 = tpu.vector_load_idx %arg12[%parallel_loop3A_56] : memref<16384xi32, #tpu.memory_space<vmem>>[vector<16xi32>], vector<16xi32>,
      %parallel_loop3A_58 = arith.addi %parallel_loop3A_53, %parallel_loop3A_57 : vector<16xi32>
      %parallel_loop3A_59 = arith.constant 2 : i32
      %parallel_loop3A_60 = vector.broadcast %parallel_loop3A_59 : i32 to vector<16xi32>
      %parallel_loop3A_61 = arith.addi %parallel_loop3A_46, %parallel_loop3A_60 : vector<16xi32>
      %parallel_loop3A_62 = tpu.vector_load_idx %arg12[%parallel_loop3A_61] : memref<16384xi32, #tpu.memory_space<vmem>>[vector<16xi32>], vector<16xi32>,
      %parallel_loop3A_63 = arith.addi %parallel_loop3A_58, %parallel_loop3A_62 : vector<16xi32>
      %parallel_loop3A_64 = arith.constant 3 : i32
      %parallel_loop3A_65 = vector.broadcast %parallel_loop3A_64 : i32 to vector<16xi32>
      %parallel_loop3A_66 = arith.addi %parallel_loop3A_46, %parallel_loop3A_65 : vector<16xi32>
      %parallel_loop3A_67 = tpu.vector_load_idx %arg12[%parallel_loop3A_66] : memref<16384xi32, #tpu.memory_space<vmem>>[vector<16xi32>], vector<16xi32>,
      %parallel_loop3A_68 = arith.addi %parallel_loop3A_63, %parallel_loop3A_67 : vector<16xi32>
      %parallel_loop3A_69 = arith.constant 4 : i32
      %parallel_loop3A_70 = vector.broadcast %parallel_loop3A_69 : i32 to vector<16xi32>
      %parallel_loop3A_71 = arith.addi %parallel_loop3A_46, %parallel_loop3A_70 : vector<16xi32>
      %parallel_loop3A_72 = tpu.vector_load_idx %arg12[%parallel_loop3A_71] : memref<16384xi32, #tpu.memory_space<vmem>>[vector<16xi32>], vector<16xi32>,
      %parallel_loop3A_73 = arith.addi %parallel_loop3A_68, %parallel_loop3A_72 : vector<16xi32>
      %parallel_loop3A_74 = arith.constant 5 : i32
      %parallel_loop3A_75 = vector.broadcast %parallel_loop3A_74 : i32 to vector<16xi32>
      %parallel_loop3A_76 = arith.addi %parallel_loop3A_46, %parallel_loop3A_75 : vector<16xi32>
      %parallel_loop3A_77 = tpu.vector_load_idx %arg12[%parallel_loop3A_76] : memref<16384xi32, #tpu.memory_space<vmem>>[vector<16xi32>], vector<16xi32>,
      %parallel_loop3A_78 = arith.addi %parallel_loop3A_73, %parallel_loop3A_77 : vector<16xi32>
      %parallel_loop3A_79 = arith.constant 6 : i32
      %parallel_loop3A_80 = vector.broadcast %parallel_loop3A_79 : i32 to vector<16xi32>
      %parallel_loop3A_81 = arith.addi %parallel_loop3A_46, %parallel_loop3A_80 : vector<16xi32>
      %parallel_loop3A_82 = tpu.vector_load_idx %arg12[%parallel_loop3A_81] : memref<16384xi32, #tpu.memory_space<vmem>>[vector<16xi32>], vector<16xi32>,
      %parallel_loop3A_83 = arith.addi %parallel_loop3A_78, %parallel_loop3A_82 : vector<16xi32>
      %parallel_loop3A_84 = arith.constant 7 : i32
      %parallel_loop3A_85 = vector.broadcast %parallel_loop3A_84 : i32 to vector<16xi32>
      %parallel_loop3A_86 = arith.addi %parallel_loop3A_46, %parallel_loop3A_85 : vector<16xi32>
      %parallel_loop3A_87 = tpu.vector_load_idx %arg12[%parallel_loop3A_86] : memref<16384xi32, #tpu.memory_space<vmem>>[vector<16xi32>], vector<16xi32>,
      %parallel_loop3A_88 = arith.addi %parallel_loop3A_83, %parallel_loop3A_87 : vector<16xi32>
      %parallel_loop3A_89 = arith.constant 8 : i32
      %parallel_loop3A_90 = vector.broadcast %parallel_loop3A_89 : i32 to vector<16xi32>
      %parallel_loop3A_91 = arith.addi %parallel_loop3A_46, %parallel_loop3A_90 : vector<16xi32>
      %parallel_loop3A_92 = tpu.vector_load_idx %arg12[%parallel_loop3A_91] : memref<16384xi32, #tpu.memory_space<vmem>>[vector<16xi32>], vector<16xi32>,
      %parallel_loop3A_93 = arith.addi %parallel_loop3A_88, %parallel_loop3A_92 : vector<16xi32>
      %parallel_loop3A_94 = arith.constant 9 : i32
      %parallel_loop3A_95 = vector.broadcast %parallel_loop3A_94 : i32 to vector<16xi32>
      %parallel_loop3A_96 = arith.addi %parallel_loop3A_46, %parallel_loop3A_95 : vector<16xi32>
      %parallel_loop3A_97 = tpu.vector_load_idx %arg12[%parallel_loop3A_96] : memref<16384xi32, #tpu.memory_space<vmem>>[vector<16xi32>], vector<16xi32>,
      %parallel_loop3A_98 = arith.addi %parallel_loop3A_93, %parallel_loop3A_97 : vector<16xi32>
      %parallel_loop3A_99 = arith.constant 10 : i32
      %parallel_loop3A_100 = vector.broadcast %parallel_loop3A_99 : i32 to vector<16xi32>
      %parallel_loop3A_101 = arith.addi %parallel_loop3A_46, %parallel_loop3A_100 : vector<16xi32>
      %parallel_loop3A_102 = tpu.vector_load_idx %arg12[%parallel_loop3A_101] : memref<16384xi32, #tpu.memory_space<vmem>>[vector<16xi32>], vector<16xi32>,
      %parallel_loop3A_103 = arith.addi %parallel_loop3A_98, %parallel_loop3A_102 : vector<16xi32>
      %parallel_loop3A_104 = arith.constant 11 : i32
      %parallel_loop3A_105 = vector.broadcast %parallel_loop3A_104 : i32 to vector<16xi32>
      %parallel_loop3A_106 = arith.addi %parallel_loop3A_46, %parallel_loop3A_105 : vector<16xi32>
      %parallel_loop3A_107 = tpu.vector_load_idx %arg12[%parallel_loop3A_106] : memref<16384xi32, #tpu.memory_space<vmem>>[vector<16xi32>], vector<16xi32>,
      %parallel_loop3A_108 = arith.addi %parallel_loop3A_103, %parallel_loop3A_107 : vector<16xi32>
      %parallel_loop3A_109 = arith.constant 12 : i32
      %parallel_loop3A_110 = vector.broadcast %parallel_loop3A_109 : i32 to vector<16xi32>
      %parallel_loop3A_111 = arith.addi %parallel_loop3A_46, %parallel_loop3A_110 : vector<16xi32>
      %parallel_loop3A_112 = tpu.vector_load_idx %arg12[%parallel_loop3A_111] : memref<16384xi32, #tpu.memory_space<vmem>>[vector<16xi32>], vector<16xi32>,
      %parallel_loop3A_113 = arith.addi %parallel_loop3A_108, %parallel_loop3A_112 : vector<16xi32>
      %parallel_loop3A_114 = arith.constant 13 : i32
      %parallel_loop3A_115 = vector.broadcast %parallel_loop3A_114 : i32 to vector<16xi32>
      %parallel_loop3A_116 = arith.addi %parallel_loop3A_46, %parallel_loop3A_115 : vector<16xi32>
      %parallel_loop3A_117 = tpu.vector_load_idx %arg12[%parallel_loop3A_116] : memref<16384xi32, #tpu.memory_space<vmem>>[vector<16xi32>], vector<16xi32>,
      %parallel_loop3A_118 = arith.addi %parallel_loop3A_113, %parallel_loop3A_117 : vector<16xi32>
      %parallel_loop3A_119 = arith.constant 14 : i32
      %parallel_loop3A_120 = vector.broadcast %parallel_loop3A_119 : i32 to vector<16xi32>
      %parallel_loop3A_121 = arith.addi %parallel_loop3A_46, %parallel_loop3A_120 : vector<16xi32>
      %parallel_loop3A_122 = tpu.vector_load_idx %arg12[%parallel_loop3A_121] : memref<16384xi32, #tpu.memory_space<vmem>>[vector<16xi32>], vector<16xi32>,
      %parallel_loop3A_123 = arith.addi %parallel_loop3A_118, %parallel_loop3A_122 : vector<16xi32>
      %parallel_loop3A_124 = arith.constant 15 : i32
      %parallel_loop3A_125 = vector.broadcast %parallel_loop3A_124 : i32 to vector<16xi32>
      %parallel_loop3A_126 = arith.addi %parallel_loop3A_46, %parallel_loop3A_125 : vector<16xi32>
      %parallel_loop3A_127 = tpu.vector_load_idx %arg12[%parallel_loop3A_126] : memref<16384xi32, #tpu.memory_space<vmem>>[vector<16xi32>], vector<16xi32>,
      %parallel_loop3A_128 = arith.addi %parallel_loop3A_123, %parallel_loop3A_127 : vector<16xi32>
      %parallel_loop3A_129 = arith.constant 16 : i32
      %parallel_loop3A_130 = arith.muli %parallel_loop3A_39, %parallel_loop3A_129 : i32
      %parallel_loop3A_131 = arith.constant 1024 : i32
      %parallel_loop3A_132 = arith.addi %parallel_loop3A_131, %parallel_loop3A_130 : i32
      %parallel_loop3A_133 = arith.index_cast %parallel_loop3A_132 : i32 to index
      %parallel_loop3A_134 = tpu.vector_load %arg8[%parallel_loop3A_133] {strides = array<i32>} : memref<4096xi32, #tpu.memory_space<vmem>>, vector<16xi32>,
      tpu.vector_store %arg8[%parallel_loop3A_133], %parallel_loop3A_128 {strides = array<i32>} : memref<4096xi32, #tpu.memory_space<vmem>>, vector<16xi32>,
    } {sc.loop_unroll_factor = 2 : i64, sc.parallel_access}
    %parallel_loop3A_33 = arith.constant 0 : i32
    %parallel_loop3A_34 = arith.constant 64 : i32
    %parallel_loop3A_35 = arith.constant 1 : i32
    scf.for %parallel_loop3A_39 = %parallel_loop3A_33 to %parallel_loop3A_34 step %parallel_loop3A_35  : i32 {
      %parallel_loop3A_40 = arith.constant 16 : i32
      %parallel_loop3A_41 = arith.muli %parallel_loop3A_39, %parallel_loop3A_40 : i32
      %parallel_loop3A_42 = vector.broadcast %parallel_loop3A_41 : i32 to vector<16xi32>
      %parallel_loop3A_43 = arith.addi %parallel_loop3A_42, %iota3A : vector<16xi32>
      %parallel_loop3A_44 = arith.constant 16 : i32
      %parallel_loop3A_45 = vector.broadcast %parallel_loop3A_44 : i32 to vector<16xi32>
      %parallel_loop3A_46 = arith.muli %parallel_loop3A_43, %parallel_loop3A_45 : vector<16xi32>
      %parallel_loop3A_47 = arith.constant 0 : i32
      %parallel_loop3A_48 = vector.broadcast %parallel_loop3A_47 : i32 to vector<16xi32>
      %parallel_loop3A_49 = arith.constant 0 : i32
      %parallel_loop3A_50 = vector.broadcast %parallel_loop3A_49 : i32 to vector<16xi32>
      %parallel_loop3A_51 = arith.addi %parallel_loop3A_46, %parallel_loop3A_50 : vector<16xi32>
      %parallel_loop3A_52 = tpu.vector_load_idx %arg13[%parallel_loop3A_51] : memref<16384xi32, #tpu.memory_space<vmem>>[vector<16xi32>], vector<16xi32>,
      %parallel_loop3A_53 = arith.addi %parallel_loop3A_48, %parallel_loop3A_52 : vector<16xi32>
      %parallel_loop3A_54 = arith.constant 1 : i32
      %parallel_loop3A_55 = vector.broadcast %parallel_loop3A_54 : i32 to vector<16xi32>
      %parallel_loop3A_56 = arith.addi %parallel_loop3A_46, %parallel_loop3A_55 : vector<16xi32>
      %parallel_loop3A_57 = tpu.vector_load_idx %arg13[%parallel_loop3A_56] : memref<16384xi32, #tpu.memory_space<vmem>>[vector<16xi32>], vector<16xi32>,
      %parallel_loop3A_58 = arith.addi %parallel_loop3A_53, %parallel_loop3A_57 : vector<16xi32>
      %parallel_loop3A_59 = arith.constant 2 : i32
      %parallel_loop3A_60 = vector.broadcast %parallel_loop3A_59 : i32 to vector<16xi32>
      %parallel_loop3A_61 = arith.addi %parallel_loop3A_46, %parallel_loop3A_60 : vector<16xi32>
      %parallel_loop3A_62 = tpu.vector_load_idx %arg13[%parallel_loop3A_61] : memref<16384xi32, #tpu.memory_space<vmem>>[vector<16xi32>], vector<16xi32>,
      %parallel_loop3A_63 = arith.addi %parallel_loop3A_58, %parallel_loop3A_62 : vector<16xi32>
      %parallel_loop3A_64 = arith.constant 3 : i32
      %parallel_loop3A_65 = vector.broadcast %parallel_loop3A_64 : i32 to vector<16xi32>
      %parallel_loop3A_66 = arith.addi %parallel_loop3A_46, %parallel_loop3A_65 : vector<16xi32>
      %parallel_loop3A_67 = tpu.vector_load_idx %arg13[%parallel_loop3A_66] : memref<16384xi32, #tpu.memory_space<vmem>>[vector<16xi32>], vector<16xi32>,
      %parallel_loop3A_68 = arith.addi %parallel_loop3A_63, %parallel_loop3A_67 : vector<16xi32>
      %parallel_loop3A_69 = arith.constant 4 : i32
      %parallel_loop3A_70 = vector.broadcast %parallel_loop3A_69 : i32 to vector<16xi32>
      %parallel_loop3A_71 = arith.addi %parallel_loop3A_46, %parallel_loop3A_70 : vector<16xi32>
      %parallel_loop3A_72 = tpu.vector_load_idx %arg13[%parallel_loop3A_71] : memref<16384xi32, #tpu.memory_space<vmem>>[vector<16xi32>], vector<16xi32>,
      %parallel_loop3A_73 = arith.addi %parallel_loop3A_68, %parallel_loop3A_72 : vector<16xi32>
      %parallel_loop3A_74 = arith.constant 5 : i32
      %parallel_loop3A_75 = vector.broadcast %parallel_loop3A_74 : i32 to vector<16xi32>
      %parallel_loop3A_76 = arith.addi %parallel_loop3A_46, %parallel_loop3A_75 : vector<16xi32>
      %parallel_loop3A_77 = tpu.vector_load_idx %arg13[%parallel_loop3A_76] : memref<16384xi32, #tpu.memory_space<vmem>>[vector<16xi32>], vector<16xi32>,
      %parallel_loop3A_78 = arith.addi %parallel_loop3A_73, %parallel_loop3A_77 : vector<16xi32>
      %parallel_loop3A_79 = arith.constant 6 : i32
      %parallel_loop3A_80 = vector.broadcast %parallel_loop3A_79 : i32 to vector<16xi32>
      %parallel_loop3A_81 = arith.addi %parallel_loop3A_46, %parallel_loop3A_80 : vector<16xi32>
      %parallel_loop3A_82 = tpu.vector_load_idx %arg13[%parallel_loop3A_81] : memref<16384xi32, #tpu.memory_space<vmem>>[vector<16xi32>], vector<16xi32>,
      %parallel_loop3A_83 = arith.addi %parallel_loop3A_78, %parallel_loop3A_82 : vector<16xi32>
      %parallel_loop3A_84 = arith.constant 7 : i32
      %parallel_loop3A_85 = vector.broadcast %parallel_loop3A_84 : i32 to vector<16xi32>
      %parallel_loop3A_86 = arith.addi %parallel_loop3A_46, %parallel_loop3A_85 : vector<16xi32>
      %parallel_loop3A_87 = tpu.vector_load_idx %arg13[%parallel_loop3A_86] : memref<16384xi32, #tpu.memory_space<vmem>>[vector<16xi32>], vector<16xi32>,
      %parallel_loop3A_88 = arith.addi %parallel_loop3A_83, %parallel_loop3A_87 : vector<16xi32>
      %parallel_loop3A_89 = arith.constant 8 : i32
      %parallel_loop3A_90 = vector.broadcast %parallel_loop3A_89 : i32 to vector<16xi32>
      %parallel_loop3A_91 = arith.addi %parallel_loop3A_46, %parallel_loop3A_90 : vector<16xi32>
      %parallel_loop3A_92 = tpu.vector_load_idx %arg13[%parallel_loop3A_91] : memref<16384xi32, #tpu.memory_space<vmem>>[vector<16xi32>], vector<16xi32>,
      %parallel_loop3A_93 = arith.addi %parallel_loop3A_88, %parallel_loop3A_92 : vector<16xi32>
      %parallel_loop3A_94 = arith.constant 9 : i32
      %parallel_loop3A_95 = vector.broadcast %parallel_loop3A_94 : i32 to vector<16xi32>
      %parallel_loop3A_96 = arith.addi %parallel_loop3A_46, %parallel_loop3A_95 : vector<16xi32>
      %parallel_loop3A_97 = tpu.vector_load_idx %arg13[%parallel_loop3A_96] : memref<16384xi32, #tpu.memory_space<vmem>>[vector<16xi32>], vector<16xi32>,
      %parallel_loop3A_98 = arith.addi %parallel_loop3A_93, %parallel_loop3A_97 : vector<16xi32>
      %parallel_loop3A_99 = arith.constant 10 : i32
      %parallel_loop3A_100 = vector.broadcast %parallel_loop3A_99 : i32 to vector<16xi32>
      %parallel_loop3A_101 = arith.addi %parallel_loop3A_46, %parallel_loop3A_100 : vector<16xi32>
      %parallel_loop3A_102 = tpu.vector_load_idx %arg13[%parallel_loop3A_101] : memref<16384xi32, #tpu.memory_space<vmem>>[vector<16xi32>], vector<16xi32>,
      %parallel_loop3A_103 = arith.addi %parallel_loop3A_98, %parallel_loop3A_102 : vector<16xi32>
      %parallel_loop3A_104 = arith.constant 11 : i32
      %parallel_loop3A_105 = vector.broadcast %parallel_loop3A_104 : i32 to vector<16xi32>
      %parallel_loop3A_106 = arith.addi %parallel_loop3A_46, %parallel_loop3A_105 : vector<16xi32>
      %parallel_loop3A_107 = tpu.vector_load_idx %arg13[%parallel_loop3A_106] : memref<16384xi32, #tpu.memory_space<vmem>>[vector<16xi32>], vector<16xi32>,
      %parallel_loop3A_108 = arith.addi %parallel_loop3A_103, %parallel_loop3A_107 : vector<16xi32>
      %parallel_loop3A_109 = arith.constant 12 : i32
      %parallel_loop3A_110 = vector.broadcast %parallel_loop3A_109 : i32 to vector<16xi32>
      %parallel_loop3A_111 = arith.addi %parallel_loop3A_46, %parallel_loop3A_110 : vector<16xi32>
      %parallel_loop3A_112 = tpu.vector_load_idx %arg13[%parallel_loop3A_111] : memref<16384xi32, #tpu.memory_space<vmem>>[vector<16xi32>], vector<16xi32>,
      %parallel_loop3A_113 = arith.addi %parallel_loop3A_108, %parallel_loop3A_112 : vector<16xi32>
      %parallel_loop3A_114 = arith.constant 13 : i32
      %parallel_loop3A_115 = vector.broadcast %parallel_loop3A_114 : i32 to vector<16xi32>
      %parallel_loop3A_116 = arith.addi %parallel_loop3A_46, %parallel_loop3A_115 : vector<16xi32>
      %parallel_loop3A_117 = tpu.vector_load_idx %arg13[%parallel_loop3A_116] : memref<16384xi32, #tpu.memory_space<vmem>>[vector<16xi32>], vector<16xi32>,
      %parallel_loop3A_118 = arith.addi %parallel_loop3A_113, %parallel_loop3A_117 : vector<16xi32>
      %parallel_loop3A_119 = arith.constant 14 : i32
      %parallel_loop3A_120 = vector.broadcast %parallel_loop3A_119 : i32 to vector<16xi32>
      %parallel_loop3A_121 = arith.addi %parallel_loop3A_46, %parallel_loop3A_120 : vector<16xi32>
      %parallel_loop3A_122 = tpu.vector_load_idx %arg13[%parallel_loop3A_121] : memref<16384xi32, #tpu.memory_space<vmem>>[vector<16xi32>], vector<16xi32>,
      %parallel_loop3A_123 = arith.addi %parallel_loop3A_118, %parallel_loop3A_122 : vector<16xi32>
      %parallel_loop3A_124 = arith.constant 15 : i32
      %parallel_loop3A_125 = vector.broadcast %parallel_loop3A_124 : i32 to vector<16xi32>
      %parallel_loop3A_126 = arith.addi %parallel_loop3A_46, %parallel_loop3A_125 : vector<16xi32>
      %parallel_loop3A_127 = tpu.vector_load_idx %arg13[%parallel_loop3A_126] : memref<16384xi32, #tpu.memory_space<vmem>>[vector<16xi32>], vector<16xi32>,
      %parallel_loop3A_128 = arith.addi %parallel_loop3A_123, %parallel_loop3A_127 : vector<16xi32>
      %parallel_loop3A_129 = arith.constant 16 : i32
      %parallel_loop3A_130 = arith.muli %parallel_loop3A_39, %parallel_loop3A_129 : i32
      %parallel_loop3A_131 = arith.constant 2048 : i32
      %parallel_loop3A_132 = arith.addi %parallel_loop3A_131, %parallel_loop3A_130 : i32
      %parallel_loop3A_133 = arith.index_cast %parallel_loop3A_132 : i32 to index
      %parallel_loop3A_134 = tpu.vector_load %arg8[%parallel_loop3A_133] {strides = array<i32>} : memref<4096xi32, #tpu.memory_space<vmem>>, vector<16xi32>,
      tpu.vector_store %arg8[%parallel_loop3A_133], %parallel_loop3A_128 {strides = array<i32>} : memref<4096xi32, #tpu.memory_space<vmem>>, vector<16xi32>,
    } {sc.loop_unroll_factor = 2 : i64, sc.parallel_access}
    %parallel_loop3A_36 = arith.constant 0 : i32
    %parallel_loop3A_37 = arith.constant 64 : i32
    %parallel_loop3A_38 = arith.constant 1 : i32
    scf.for %parallel_loop3A_39 = %parallel_loop3A_36 to %parallel_loop3A_37 step %parallel_loop3A_38  : i32 {
      %parallel_loop3A_40 = arith.constant 16 : i32
      %parallel_loop3A_41 = arith.muli %parallel_loop3A_39, %parallel_loop3A_40 : i32
      %parallel_loop3A_42 = vector.broadcast %parallel_loop3A_41 : i32 to vector<16xi32>
      %parallel_loop3A_43 = arith.addi %parallel_loop3A_42, %iota3A : vector<16xi32>
      %parallel_loop3A_44 = arith.constant 16 : i32
      %parallel_loop3A_45 = vector.broadcast %parallel_loop3A_44 : i32 to vector<16xi32>
      %parallel_loop3A_46 = arith.muli %parallel_loop3A_43, %parallel_loop3A_45 : vector<16xi32>
      %parallel_loop3A_47 = arith.constant 0 : i32
      %parallel_loop3A_48 = vector.broadcast %parallel_loop3A_47 : i32 to vector<16xi32>
      %parallel_loop3A_49 = arith.constant 0 : i32
      %parallel_loop3A_50 = vector.broadcast %parallel_loop3A_49 : i32 to vector<16xi32>
      %parallel_loop3A_51 = arith.addi %parallel_loop3A_46, %parallel_loop3A_50 : vector<16xi32>
      %parallel_loop3A_52 = tpu.vector_load_idx %arg14[%parallel_loop3A_51] : memref<16384xi32, #tpu.memory_space<vmem>>[vector<16xi32>], vector<16xi32>,
      %parallel_loop3A_53 = arith.addi %parallel_loop3A_48, %parallel_loop3A_52 : vector<16xi32>
      %parallel_loop3A_54 = arith.constant 1 : i32
      %parallel_loop3A_55 = vector.broadcast %parallel_loop3A_54 : i32 to vector<16xi32>
      %parallel_loop3A_56 = arith.addi %parallel_loop3A_46, %parallel_loop3A_55 : vector<16xi32>
      %parallel_loop3A_57 = tpu.vector_load_idx %arg14[%parallel_loop3A_56] : memref<16384xi32, #tpu.memory_space<vmem>>[vector<16xi32>], vector<16xi32>,
      %parallel_loop3A_58 = arith.addi %parallel_loop3A_53, %parallel_loop3A_57 : vector<16xi32>
      %parallel_loop3A_59 = arith.constant 2 : i32
      %parallel_loop3A_60 = vector.broadcast %parallel_loop3A_59 : i32 to vector<16xi32>
      %parallel_loop3A_61 = arith.addi %parallel_loop3A_46, %parallel_loop3A_60 : vector<16xi32>
      %parallel_loop3A_62 = tpu.vector_load_idx %arg14[%parallel_loop3A_61] : memref<16384xi32, #tpu.memory_space<vmem>>[vector<16xi32>], vector<16xi32>,
      %parallel_loop3A_63 = arith.addi %parallel_loop3A_58, %parallel_loop3A_62 : vector<16xi32>
      %parallel_loop3A_64 = arith.constant 3 : i32
      %parallel_loop3A_65 = vector.broadcast %parallel_loop3A_64 : i32 to vector<16xi32>
      %parallel_loop3A_66 = arith.addi %parallel_loop3A_46, %parallel_loop3A_65 : vector<16xi32>
      %parallel_loop3A_67 = tpu.vector_load_idx %arg14[%parallel_loop3A_66] : memref<16384xi32, #tpu.memory_space<vmem>>[vector<16xi32>], vector<16xi32>,
      %parallel_loop3A_68 = arith.addi %parallel_loop3A_63, %parallel_loop3A_67 : vector<16xi32>
      %parallel_loop3A_69 = arith.constant 4 : i32
      %parallel_loop3A_70 = vector.broadcast %parallel_loop3A_69 : i32 to vector<16xi32>
      %parallel_loop3A_71 = arith.addi %parallel_loop3A_46, %parallel_loop3A_70 : vector<16xi32>
      %parallel_loop3A_72 = tpu.vector_load_idx %arg14[%parallel_loop3A_71] : memref<16384xi32, #tpu.memory_space<vmem>>[vector<16xi32>], vector<16xi32>,
      %parallel_loop3A_73 = arith.addi %parallel_loop3A_68, %parallel_loop3A_72 : vector<16xi32>
      %parallel_loop3A_74 = arith.constant 5 : i32
      %parallel_loop3A_75 = vector.broadcast %parallel_loop3A_74 : i32 to vector<16xi32>
      %parallel_loop3A_76 = arith.addi %parallel_loop3A_46, %parallel_loop3A_75 : vector<16xi32>
      %parallel_loop3A_77 = tpu.vector_load_idx %arg14[%parallel_loop3A_76] : memref<16384xi32, #tpu.memory_space<vmem>>[vector<16xi32>], vector<16xi32>,
      %parallel_loop3A_78 = arith.addi %parallel_loop3A_73, %parallel_loop3A_77 : vector<16xi32>
      %parallel_loop3A_79 = arith.constant 6 : i32
      %parallel_loop3A_80 = vector.broadcast %parallel_loop3A_79 : i32 to vector<16xi32>
      %parallel_loop3A_81 = arith.addi %parallel_loop3A_46, %parallel_loop3A_80 : vector<16xi32>
      %parallel_loop3A_82 = tpu.vector_load_idx %arg14[%parallel_loop3A_81] : memref<16384xi32, #tpu.memory_space<vmem>>[vector<16xi32>], vector<16xi32>,
      %parallel_loop3A_83 = arith.addi %parallel_loop3A_78, %parallel_loop3A_82 : vector<16xi32>
      %parallel_loop3A_84 = arith.constant 7 : i32
      %parallel_loop3A_85 = vector.broadcast %parallel_loop3A_84 : i32 to vector<16xi32>
      %parallel_loop3A_86 = arith.addi %parallel_loop3A_46, %parallel_loop3A_85 : vector<16xi32>
      %parallel_loop3A_87 = tpu.vector_load_idx %arg14[%parallel_loop3A_86] : memref<16384xi32, #tpu.memory_space<vmem>>[vector<16xi32>], vector<16xi32>,
      %parallel_loop3A_88 = arith.addi %parallel_loop3A_83, %parallel_loop3A_87 : vector<16xi32>
      %parallel_loop3A_89 = arith.constant 8 : i32
      %parallel_loop3A_90 = vector.broadcast %parallel_loop3A_89 : i32 to vector<16xi32>
      %parallel_loop3A_91 = arith.addi %parallel_loop3A_46, %parallel_loop3A_90 : vector<16xi32>
      %parallel_loop3A_92 = tpu.vector_load_idx %arg14[%parallel_loop3A_91] : memref<16384xi32, #tpu.memory_space<vmem>>[vector<16xi32>], vector<16xi32>,
      %parallel_loop3A_93 = arith.addi %parallel_loop3A_88, %parallel_loop3A_92 : vector<16xi32>
      %parallel_loop3A_94 = arith.constant 9 : i32
      %parallel_loop3A_95 = vector.broadcast %parallel_loop3A_94 : i32 to vector<16xi32>
      %parallel_loop3A_96 = arith.addi %parallel_loop3A_46, %parallel_loop3A_95 : vector<16xi32>
      %parallel_loop3A_97 = tpu.vector_load_idx %arg14[%parallel_loop3A_96] : memref<16384xi32, #tpu.memory_space<vmem>>[vector<16xi32>], vector<16xi32>,
      %parallel_loop3A_98 = arith.addi %parallel_loop3A_93, %parallel_loop3A_97 : vector<16xi32>
      %parallel_loop3A_99 = arith.constant 10 : i32
      %parallel_loop3A_100 = vector.broadcast %parallel_loop3A_99 : i32 to vector<16xi32>
      %parallel_loop3A_101 = arith.addi %parallel_loop3A_46, %parallel_loop3A_100 : vector<16xi32>
      %parallel_loop3A_102 = tpu.vector_load_idx %arg14[%parallel_loop3A_101] : memref<16384xi32, #tpu.memory_space<vmem>>[vector<16xi32>], vector<16xi32>,
      %parallel_loop3A_103 = arith.addi %parallel_loop3A_98, %parallel_loop3A_102 : vector<16xi32>
      %parallel_loop3A_104 = arith.constant 11 : i32
      %parallel_loop3A_105 = vector.broadcast %parallel_loop3A_104 : i32 to vector<16xi32>
      %parallel_loop3A_106 = arith.addi %parallel_loop3A_46, %parallel_loop3A_105 : vector<16xi32>
      %parallel_loop3A_107 = tpu.vector_load_idx %arg14[%parallel_loop3A_106] : memref<16384xi32, #tpu.memory_space<vmem>>[vector<16xi32>], vector<16xi32>,
      %parallel_loop3A_108 = arith.addi %parallel_loop3A_103, %parallel_loop3A_107 : vector<16xi32>
      %parallel_loop3A_109 = arith.constant 12 : i32
      %parallel_loop3A_110 = vector.broadcast %parallel_loop3A_109 : i32 to vector<16xi32>
      %parallel_loop3A_111 = arith.addi %parallel_loop3A_46, %parallel_loop3A_110 : vector<16xi32>
      %parallel_loop3A_112 = tpu.vector_load_idx %arg14[%parallel_loop3A_111] : memref<16384xi32, #tpu.memory_space<vmem>>[vector<16xi32>], vector<16xi32>,
      %parallel_loop3A_113 = arith.addi %parallel_loop3A_108, %parallel_loop3A_112 : vector<16xi32>
      %parallel_loop3A_114 = arith.constant 13 : i32
      %parallel_loop3A_115 = vector.broadcast %parallel_loop3A_114 : i32 to vector<16xi32>
      %parallel_loop3A_116 = arith.addi %parallel_loop3A_46, %parallel_loop3A_115 : vector<16xi32>
      %parallel_loop3A_117 = tpu.vector_load_idx %arg14[%parallel_loop3A_116] : memref<16384xi32, #tpu.memory_space<vmem>>[vector<16xi32>], vector<16xi32>,
      %parallel_loop3A_118 = arith.addi %parallel_loop3A_113, %parallel_loop3A_117 : vector<16xi32>
      %parallel_loop3A_119 = arith.constant 14 : i32
      %parallel_loop3A_120 = vector.broadcast %parallel_loop3A_119 : i32 to vector<16xi32>
      %parallel_loop3A_121 = arith.addi %parallel_loop3A_46, %parallel_loop3A_120 : vector<16xi32>
      %parallel_loop3A_122 = tpu.vector_load_idx %arg14[%parallel_loop3A_121] : memref<16384xi32, #tpu.memory_space<vmem>>[vector<16xi32>], vector<16xi32>,
      %parallel_loop3A_123 = arith.addi %parallel_loop3A_118, %parallel_loop3A_122 : vector<16xi32>
      %parallel_loop3A_124 = arith.constant 15 : i32
      %parallel_loop3A_125 = vector.broadcast %parallel_loop3A_124 : i32 to vector<16xi32>
      %parallel_loop3A_126 = arith.addi %parallel_loop3A_46, %parallel_loop3A_125 : vector<16xi32>
      %parallel_loop3A_127 = tpu.vector_load_idx %arg14[%parallel_loop3A_126] : memref<16384xi32, #tpu.memory_space<vmem>>[vector<16xi32>], vector<16xi32>,
      %parallel_loop3A_128 = arith.addi %parallel_loop3A_123, %parallel_loop3A_127 : vector<16xi32>
      %parallel_loop3A_129 = arith.constant 16 : i32
      %parallel_loop3A_130 = arith.muli %parallel_loop3A_39, %parallel_loop3A_129 : i32
      %parallel_loop3A_131 = arith.constant 3072 : i32
      %parallel_loop3A_132 = arith.addi %parallel_loop3A_131, %parallel_loop3A_130 : i32
      %parallel_loop3A_133 = arith.index_cast %parallel_loop3A_132 : i32 to index
      %parallel_loop3A_134 = tpu.vector_load %arg8[%parallel_loop3A_133] {strides = array<i32>} : memref<4096xi32, #tpu.memory_space<vmem>>, vector<16xi32>,
      tpu.vector_store %arg8[%parallel_loop3A_133], %parallel_loop3A_128 {strides = array<i32>} : memref<4096xi32, #tpu.memory_space<vmem>>, vector<16xi32>,
    } {sc.loop_unroll_factor = 2 : i64, sc.parallel_access}
    "tpu.region"() ({
      %run_scoped3A = tpu.sem_alloc : memref<!tpu.dma_semaphore, #tpu.memory_space<semaphore_mem>>
      %dma_start3A_39 = arith.constant 0 : i32
      %dma_start3A_40 = tpu.memref_slice %arg4[%add3A, %dma_start3A_39] : memref<32x4096xi32, #tpu.memory_space<hbm>> -> memref<1x4096xi32, #tpu.memory_space<hbm>>
      %dma_start3A_41 = tpu.memref_squeeze %dma_start3A_40 : memref<1x4096xi32, #tpu.memory_space<hbm>> -> memref<4096xi32, #tpu.memory_space<hbm>>
      %dma_start3A_42 = arith.constant 0 : i32
      %dma_start3A_43 = tpu.memref_slice %arg4[%add3A, %dma_start3A_42] : memref<32x4096xi32, #tpu.memory_space<hbm>> -> memref<1x4096xi32, #tpu.memory_space<hbm>>
      %dma_start3A_44 = tpu.memref_squeeze %dma_start3A_43 : memref<1x4096xi32, #tpu.memory_space<hbm>> -> memref<4096xi32, #tpu.memory_space<hbm>>
      tpu.enqueue_dma source(%arg8 : memref<4096xi32, #tpu.memory_space<vmem>>) target(%dma_start3A_44 : memref<4096xi32, #tpu.memory_space<hbm>>) target_semaphore(%run_scoped3A : memref<!tpu.dma_semaphore, #tpu.memory_space<semaphore_mem>>)
      %dma_wait3A = arith.constant 0 : i32
      %dma_wait3A_45 = tpu.memref_slice %arg4[%add3A, %dma_wait3A] : memref<32x4096xi32, #tpu.memory_space<hbm>> -> memref<1x4096xi32, #tpu.memory_space<hbm>>
      %dma_wait3A_46 = tpu.memref_squeeze %dma_wait3A_45 : memref<1x4096xi32, #tpu.memory_space<hbm>> -> memref<4096xi32, #tpu.memory_space<hbm>>
      %dma_wait3A_47 = arith.constant 0 : i32
      %dma_wait3A_48 = tpu.memref_slice %arg4[%add3A, %dma_wait3A_47] : memref<32x4096xi32, #tpu.memory_space<hbm>> -> memref<1x4096xi32, #tpu.memory_space<hbm>>
      %dma_wait3A_49 = tpu.memref_squeeze %dma_wait3A_48 : memref<1x4096xi32, #tpu.memory_space<hbm>> -> memref<4096xi32, #tpu.memory_space<hbm>>
      tpu.wait_dma2 semaphore(%run_scoped3A : memref<!tpu.dma_semaphore, #tpu.memory_space<semaphore_mem>>) src(%arg8 : memref<4096xi32, #tpu.memory_space<vmem>>) dst(%dma_wait3A_49 : memref<4096xi32, #tpu.memory_space<hbm>>)
      tpu.yield
    }) : () -> ()
    return
  }
}

#map = affine_map<(d0, d1) -> (0)>
#map1 = affine_map<(d0, d1) -> (0, 0)>
module attributes {stable_mosaic.version = 14 : i64} {
  func.func @hist_pass(%arg0: i32, %arg1: i32, %arg2: memref<16777216xf32, #tpu.memory_space<hbm>>, %arg3: memref<64xi32, #tpu.memory_space<hbm>>, %arg4: memref<32x4096xi32, #tpu.memory_space<hbm>>, %arg5: memref<16384xf32, #tpu.memory_space<vmem>>, %arg6: memref<16384xf32, #tpu.memory_space<vmem>>, %arg7: memref<64xi32, #tpu.memory_space<vmem>>, %arg8: memref<4096xi32, #tpu.memory_space<vmem>>, %arg9: memref<!tpu.dma_semaphore, #tpu.memory_space<semaphore_mem>>, %arg10: memref<!tpu.dma_semaphore, #tpu.memory_space<semaphore_mem>>, %arg11: memref<16384xi32, #tpu.memory_space<vmem>>, %arg12: memref<16384xi32, #tpu.memory_space<vmem>>, %arg13: memref<16384xi32, #tpu.memory_space<vmem>>, %arg14: memref<16384xi32, #tpu.memory_space<vmem>>) attributes {dimension_semantics = [#tpu.dimension_semantics<core_parallel>, #tpu.dimension_semantics<subcore_parallel>], iteration_bounds = array<i64: 2, 16>, scalar_prefetch = 0 : i64, scratch_operands = 10 : i64, tpu.core_type = #tpu.core_type<sc_vector_subcore>, window_params = [{transform_indices = #map}, {transform_indices = #map}, {transform_indices = #map1}]} {
    %mul3A = arith.constant 2 : i32
    %mul3A_0 = arith.muli %arg1, %mul3A : i32
    %add3A = arith.addi %mul3A_0, %arg0 : i32
    %iota3A = tpu.iota {dimensions = array<i32: 0>} : vector<16xi32>
    %broadcast_in_dim3A = arith.constant 1 : i32
    %broadcast_in_dim3A_1 = vector.broadcast %broadcast_in_dim3A : i32 to vector<16xi32>
    %broadcast_in_dim3A_2 = arith.constant 0 : i32
    %broadcast_in_dim3A_3 = vector.broadcast %broadcast_in_dim3A_2 : i32 to vector<16xi32>
    %parallel_loop3A = arith.constant 0 : i32
    %parallel_loop3A_4 = arith.constant 1024 : i32
    %parallel_loop3A_5 = arith.constant 1 : i32
    scf.for %parallel_loop3A_39 = %parallel_loop3A to %parallel_loop3A_4 step %parallel_loop3A_5  : i32 {
      %parallel_loop3A_40 = arith.constant 16 : i32
      %parallel_loop3A_41 = arith.muli %parallel_loop3A_39, %parallel_loop3A_40 : i32
      %parallel_loop3A_42 = arith.index_cast %parallel_loop3A_41 : i32 to index
      %parallel_loop3A_43 = tpu.vector_load %arg11[%parallel_loop3A_42] {strides = array<i32>} : memref<16384xi32, #tpu.memory_space<vmem>>, vector<16xi32>,
      tpu.vector_store %arg11[%parallel_loop3A_42], %broadcast_in_dim3A_3 {strides = array<i32>} : memref<16384xi32, #tpu.memory_space<vmem>>, vector<16xi32>,
      %parallel_loop3A_44 = arith.constant 16 : i32
      %parallel_loop3A_45 = arith.muli %parallel_loop3A_39, %parallel_loop3A_44 : i32
      %parallel_loop3A_46 = arith.index_cast %parallel_loop3A_45 : i32 to index
      %parallel_loop3A_47 = tpu.vector_load %arg12[%parallel_loop3A_46] {strides = array<i32>} : memref<16384xi32, #tpu.memory_space<vmem>>, vector<16xi32>,
      tpu.vector_store %arg12[%parallel_loop3A_46], %broadcast_in_dim3A_3 {strides = array<i32>} : memref<16384xi32, #tpu.memory_space<vmem>>, vector<16xi32>,
      %parallel_loop3A_48 = arith.constant 16 : i32
      %parallel_loop3A_49 = arith.muli %parallel_loop3A_39, %parallel_loop3A_48 : i32
      %parallel_loop3A_50 = arith.index_cast %parallel_loop3A_49 : i32 to index
      %parallel_loop3A_51 = tpu.vector_load %arg13[%parallel_loop3A_50] {strides = array<i32>} : memref<16384xi32, #tpu.memory_space<vmem>>, vector<16xi32>,
      tpu.vector_store %arg13[%parallel_loop3A_50], %broadcast_in_dim3A_3 {strides = array<i32>} : memref<16384xi32, #tpu.memory_space<vmem>>, vector<16xi32>,
      %parallel_loop3A_52 = arith.constant 16 : i32
      %parallel_loop3A_53 = arith.muli %parallel_loop3A_39, %parallel_loop3A_52 : i32
      %parallel_loop3A_54 = arith.index_cast %parallel_loop3A_53 : i32 to index
      %parallel_loop3A_55 = tpu.vector_load %arg14[%parallel_loop3A_54] {strides = array<i32>} : memref<16384xi32, #tpu.memory_space<vmem>>, vector<16xi32>,
      tpu.vector_store %arg14[%parallel_loop3A_54], %broadcast_in_dim3A_3 {strides = array<i32>} : memref<16384xi32, #tpu.memory_space<vmem>>, vector<16xi32>,
    } {sc.loop_unroll_factor = 8 : i64, sc.parallel_access}
    "tpu.region"() ({
      %run_scoped3A = tpu.sem_alloc : memref<!tpu.dma_semaphore, #tpu.memory_space<semaphore_mem>>
      tpu.enqueue_dma source(%arg3 : memref<64xi32, #tpu.memory_space<hbm>>) target(%arg7 : memref<64xi32, #tpu.memory_space<vmem>>) target_semaphore(%run_scoped3A : memref<!tpu.dma_semaphore, #tpu.memory_space<semaphore_mem>>)
      tpu.wait_dma2 semaphore(%run_scoped3A : memref<!tpu.dma_semaphore, #tpu.memory_space<semaphore_mem>>) src(%arg3 : memref<64xi32, #tpu.memory_space<hbm>>) dst(%arg7 : memref<64xi32, #tpu.memory_space<vmem>>)
      tpu.yield
    }) : () -> ()
    %get3A = arith.constant 0 : index
    %get3A_6 = tpu.vector_load %arg7[%get3A] {strides = array<i32>} : memref<64xi32, #tpu.memory_space<vmem>>, vector<16xi32>,
    %get3A_7 = arith.constant 16 : index
    %get3A_8 = tpu.vector_load %arg7[%get3A_7] {strides = array<i32>} : memref<64xi32, #tpu.memory_space<vmem>>, vector<16xi32>,
    %get3A_9 = arith.constant 32 : index
    %get3A_10 = tpu.vector_load %arg7[%get3A_9] {strides = array<i32>} : memref<64xi32, #tpu.memory_space<vmem>>, vector<16xi32>,
    %get3A_11 = arith.constant 48 : index
    %get3A_12 = tpu.vector_load %arg7[%get3A_11] {strides = array<i32>} : memref<64xi32, #tpu.memory_space<vmem>>, vector<16xi32>,
    %mul3A_13 = arith.constant 524288 : i32
    %mul3A_14 = arith.muli %add3A, %mul3A_13 : i32
    %add3A_15 = arith.constant 0 : i32
    %add3A_16 = arith.addi %mul3A_14, %add3A_15 : i32
    %dma_start3A = tpu.memref_slice %arg2[%add3A_16] : memref<16777216xf32, #tpu.memory_space<hbm>> -> memref<16384xf32, #tpu.memory_space<hbm>>
    %dma_start3A_17 = tpu.memref_slice %arg2[%add3A_16] : memref<16777216xf32, #tpu.memory_space<hbm>> -> memref<16384xf32, #tpu.memory_space<hbm>>
    tpu.enqueue_dma source(%dma_start3A_17 : memref<16384xf32, #tpu.memory_space<hbm>>) target(%arg5 : memref<16384xf32, #tpu.memory_space<vmem>>) target_semaphore(%arg9 : memref<!tpu.dma_semaphore, #tpu.memory_space<semaphore_mem>>)
    %add3A_18 = arith.constant 16384 : i32
    %add3A_19 = arith.addi %mul3A_14, %add3A_18 : i32
    %dma_start3A_20 = tpu.memref_slice %arg2[%add3A_19] : memref<16777216xf32, #tpu.memory_space<hbm>> -> memref<16384xf32, #tpu.memory_space<hbm>>
    %dma_start3A_21 = tpu.memref_slice %arg2[%add3A_19] : memref<16777216xf32, #tpu.memory_space<hbm>> -> memref<16384xf32, #tpu.memory_space<hbm>>
    tpu.enqueue_dma source(%dma_start3A_21 : memref<16384xf32, #tpu.memory_space<hbm>>) target(%arg6 : memref<16384xf32, #tpu.memory_space<vmem>>) target_semaphore(%arg10 : memref<!tpu.dma_semaphore, #tpu.memory_space<semaphore_mem>>)
    %scan3A = arith.constant 0 : i32
    %scan3A_22 = arith.constant 0 : i32
    %scan3A_23 = arith.constant 16 : i32
    %scan3A_24 = arith.addi %scan3A_22, %scan3A_23 : i32
    %scan3A_25 = arith.constant 1 : i32
    scf.for %scan3A_39 = %scan3A_22 to %scan3A_24 step %scan3A_25  : i32 {
      %mul3A_40 = arith.constant 2 : i32
      %mul3A_41 = arith.muli %mul3A_40, %scan3A_39 : i32
      %mul3A_42 = arith.constant 16384 : i32
      %mul3A_43 = arith.muli %mul3A_41, %mul3A_42 : i32
      %add3A_44 = arith.addi %mul3A_14, %mul3A_43 : i32
      %dma_wait3A = tpu.memref_slice %arg2[%add3A_44] : memref<16777216xf32, #tpu.memory_space<hbm>> -> memref<16384xf32, #tpu.memory_space<hbm>>
      %dma_wait3A_45 = tpu.memref_slice %arg2[%add3A_44] : memref<16777216xf32, #tpu.memory_space<hbm>> -> memref<16384xf32, #tpu.memory_space<hbm>>
      tpu.wait_dma2 semaphore(%arg9 : memref<!tpu.dma_semaphore, #tpu.memory_space<semaphore_mem>>) src(%dma_wait3A_45 : memref<16384xf32, #tpu.memory_space<hbm>>) dst(%arg5 : memref<16384xf32, #tpu.memory_space<vmem>>)
      %parallel_loop3A_46 = arith.constant 0 : i32
      %parallel_loop3A_47 = arith.constant 1024 : i32
      %parallel_loop3A_48 = arith.constant 1 : i32
      scf.for %parallel_loop3A_70 = %parallel_loop3A_46 to %parallel_loop3A_47 step %parallel_loop3A_48  : i32 {
        %parallel_loop3A_71 = arith.constant 16 : i32
        %parallel_loop3A_72 = arith.muli %parallel_loop3A_70, %parallel_loop3A_71 : i32
        %parallel_loop3A_73 = arith.index_cast %parallel_loop3A_72 : i32 to index
        %parallel_loop3A_74 = tpu.vector_load %arg5[%parallel_loop3A_73] {strides = array<i32>} : memref<16384xf32, #tpu.memory_space<vmem>>, vector<16xf32>,
        %parallel_loop3A_75 = vector.bitcast %parallel_loop3A_74 : vector<16xf32> to vector<16xi32>
        %parallel_loop3A_76 = arith.constant -2147483648 : i32
        %parallel_loop3A_77 = vector.broadcast %parallel_loop3A_76 : i32 to vector<16xi32>
        %parallel_loop3A_78 = arith.subi %parallel_loop3A_77, %parallel_loop3A_75 : vector<16xi32>
        %parallel_loop3A_79 = arith.constant 0 : i32
        %parallel_loop3A_80 = vector.broadcast %parallel_loop3A_79 : i32 to vector<16xi32>
        %parallel_loop3A_81 = arith.cmpi slt, %parallel_loop3A_75, %parallel_loop3A_80 : vector<16xi32>
        %parallel_loop3A_82 = arith.select %parallel_loop3A_81, %parallel_loop3A_78, %parallel_loop3A_75 : vector<16xi1>, vector<16xi32>
        %parallel_loop3A_83 = arith.constant -2147483648 : i32
        %parallel_loop3A_84 = vector.broadcast %parallel_loop3A_83 : i32 to vector<16xi32>
        %parallel_loop3A_85 = arith.xori %parallel_loop3A_82, %parallel_loop3A_84 : vector<16xi32>
        %parallel_loop3A_86 = arith.constant 10 : i32
        %parallel_loop3A_87 = vector.broadcast %parallel_loop3A_86 : i32 to vector<16xi32>
        %parallel_loop3A_88 = arith.shrui %parallel_loop3A_85, %parallel_loop3A_87 : vector<16xi32>
        %parallel_loop3A_89 = arith.constant 1023 : i32
        %parallel_loop3A_90 = vector.broadcast %parallel_loop3A_89 : i32 to vector<16xi32>
        %parallel_loop3A_91 = arith.andi %parallel_loop3A_88, %parallel_loop3A_90 : vector<16xi32>
        %parallel_loop3A_92 = arith.constant 16 : i32
        %parallel_loop3A_93 = vector.broadcast %parallel_loop3A_92 : i32 to vector<16xi32>
        %parallel_loop3A_94 = arith.muli %parallel_loop3A_91, %parallel_loop3A_93 : vector<16xi32>
        %parallel_loop3A_95 = arith.addi %parallel_loop3A_94, %iota3A : vector<16xi32>
        %parallel_loop3A_96 = arith.constant 20 : i32
        %parallel_loop3A_97 = vector.broadcast %parallel_loop3A_96 : i32 to vector<16xi32>
        %parallel_loop3A_98 = arith.shrui %parallel_loop3A_85, %parallel_loop3A_97 : vector<16xi32>
        %parallel_loop3A_99 = arith.cmpi eq, %parallel_loop3A_98, %get3A_6 : vector<16xi32>
        tpu.vector_store_idx %arg11[%parallel_loop3A_95], %broadcast_in_dim3A_1 masked %parallel_loop3A_99 {add = true} : memref<16384xi32, #tpu.memory_space<vmem>>[vector<16xi32>], vector<16xi32>, vector<16xi1>
        %parallel_loop3A_100 = arith.cmpi eq, %parallel_loop3A_98, %get3A_8 : vector<16xi32>
        tpu.vector_store_idx %arg12[%parallel_loop3A_95], %broadcast_in_dim3A_1 masked %parallel_loop3A_100 {add = true} : memref<16384xi32, #tpu.memory_space<vmem>>[vector<16xi32>], vector<16xi32>, vector<16xi1>
        %parallel_loop3A_101 = arith.cmpi eq, %parallel_loop3A_98, %get3A_10 : vector<16xi32>
        tpu.vector_store_idx %arg13[%parallel_loop3A_95], %broadcast_in_dim3A_1 masked %parallel_loop3A_101 {add = true} : memref<16384xi32, #tpu.memory_space<vmem>>[vector<16xi32>], vector<16xi32>, vector<16xi1>
        %parallel_loop3A_102 = arith.cmpi eq, %parallel_loop3A_98, %get3A_12 : vector<16xi32>
        tpu.vector_store_idx %arg14[%parallel_loop3A_95], %broadcast_in_dim3A_1 masked %parallel_loop3A_102 {add = true} : memref<16384xi32, #tpu.memory_space<vmem>>[vector<16xi32>], vector<16xi32>, vector<16xi1>
      } {sc.loop_unroll_factor = 4 : i64, sc.parallel_access}
      %add3A_49 = arith.constant 2 : i32
      %add3A_50 = arith.addi %mul3A_41, %add3A_49 : i32
      %lt3A = arith.constant 32 : i32
      %lt3A_51 = arith.cmpi slt, %add3A_50, %lt3A : i32
      %convert_element_type3A = arith.extui %lt3A_51 : i1 to i32
      %cond3A = arith.constant 0 : i32
      %cond3A_52 = arith.cmpi ne, %convert_element_type3A, %cond3A : i32
      scf.if %cond3A_52 {
        %add3A_70 = arith.constant 2 : i32
        %add3A_71 = arith.addi %mul3A_41, %add3A_70 : i32
        %mul3A_72 = arith.constant 16384 : i32
        %mul3A_73 = arith.muli %add3A_71, %mul3A_72 : i32
        %add3A_74 = arith.addi %mul3A_14, %mul3A_73 : i32
        %dma_start3A_75 = tpu.memref_slice %arg2[%add3A_74] : memref<16777216xf32, #tpu.memory_space<hbm>> -> memref<16384xf32, #tpu.memory_space<hbm>>
        %dma_start3A_76 = tpu.memref_slice %arg2[%add3A_74] : memref<16777216xf32, #tpu.memory_space<hbm>> -> memref<16384xf32, #tpu.memory_space<hbm>>
        tpu.enqueue_dma source(%dma_start3A_76 : memref<16384xf32, #tpu.memory_space<hbm>>) target(%arg5 : memref<16384xf32, #tpu.memory_space<vmem>>) target_semaphore(%arg9 : memref<!tpu.dma_semaphore, #tpu.memory_space<semaphore_mem>>)
      } else {
      }
      %add3A_53 = arith.constant 1 : i32
      %add3A_54 = arith.addi %mul3A_41, %add3A_53 : i32
      %mul3A_55 = arith.constant 16384 : i32
      %mul3A_56 = arith.muli %add3A_54, %mul3A_55 : i32
      %add3A_57 = arith.addi %mul3A_14, %mul3A_56 : i32
      %dma_wait3A_58 = tpu.memref_slice %arg2[%add3A_57] : memref<16777216xf32, #tpu.memory_space<hbm>> -> memref<16384xf32, #tpu.memory_space<hbm>>
      %dma_wait3A_59 = tpu.memref_slice %arg2[%add3A_57] : memref<16777216xf32, #tpu.memory_space<hbm>> -> memref<16384xf32, #tpu.memory_space<hbm>>
      tpu.wait_dma2 semaphore(%arg10 : memref<!tpu.dma_semaphore, #tpu.memory_space<semaphore_mem>>) src(%dma_wait3A_59 : memref<16384xf32, #tpu.memory_space<hbm>>) dst(%arg6 : memref<16384xf32, #tpu.memory_space<vmem>>)
      %parallel_loop3A_60 = arith.constant 0 : i32
      %parallel_loop3A_61 = arith.constant 1024 : i32
      %parallel_loop3A_62 = arith.constant 1 : i32
      scf.for %parallel_loop3A_70 = %parallel_loop3A_60 to %parallel_loop3A_61 step %parallel_loop3A_62  : i32 {
        %parallel_loop3A_71 = arith.constant 16 : i32
        %parallel_loop3A_72 = arith.muli %parallel_loop3A_70, %parallel_loop3A_71 : i32
        %parallel_loop3A_73 = arith.index_cast %parallel_loop3A_72 : i32 to index
        %parallel_loop3A_74 = tpu.vector_load %arg6[%parallel_loop3A_73] {strides = array<i32>} : memref<16384xf32, #tpu.memory_space<vmem>>, vector<16xf32>,
        %parallel_loop3A_75 = vector.bitcast %parallel_loop3A_74 : vector<16xf32> to vector<16xi32>
        %parallel_loop3A_76 = arith.constant -2147483648 : i32
        %parallel_loop3A_77 = vector.broadcast %parallel_loop3A_76 : i32 to vector<16xi32>
        %parallel_loop3A_78 = arith.subi %parallel_loop3A_77, %parallel_loop3A_75 : vector<16xi32>
        %parallel_loop3A_79 = arith.constant 0 : i32
        %parallel_loop3A_80 = vector.broadcast %parallel_loop3A_79 : i32 to vector<16xi32>
        %parallel_loop3A_81 = arith.cmpi slt, %parallel_loop3A_75, %parallel_loop3A_80 : vector<16xi32>
        %parallel_loop3A_82 = arith.select %parallel_loop3A_81, %parallel_loop3A_78, %parallel_loop3A_75 : vector<16xi1>, vector<16xi32>
        %parallel_loop3A_83 = arith.constant -2147483648 : i32
        %parallel_loop3A_84 = vector.broadcast %parallel_loop3A_83 : i32 to vector<16xi32>
        %parallel_loop3A_85 = arith.xori %parallel_loop3A_82, %parallel_loop3A_84 : vector<16xi32>
        %parallel_loop3A_86 = arith.constant 10 : i32
        %parallel_loop3A_87 = vector.broadcast %parallel_loop3A_86 : i32 to vector<16xi32>
        %parallel_loop3A_88 = arith.shrui %parallel_loop3A_85, %parallel_loop3A_87 : vector<16xi32>
        %parallel_loop3A_89 = arith.constant 1023 : i32
        %parallel_loop3A_90 = vector.broadcast %parallel_loop3A_89 : i32 to vector<16xi32>
        %parallel_loop3A_91 = arith.andi %parallel_loop3A_88, %parallel_loop3A_90 : vector<16xi32>
        %parallel_loop3A_92 = arith.constant 16 : i32
        %parallel_loop3A_93 = vector.broadcast %parallel_loop3A_92 : i32 to vector<16xi32>
        %parallel_loop3A_94 = arith.muli %parallel_loop3A_91, %parallel_loop3A_93 : vector<16xi32>
        %parallel_loop3A_95 = arith.addi %parallel_loop3A_94, %iota3A : vector<16xi32>
        %parallel_loop3A_96 = arith.constant 20 : i32
        %parallel_loop3A_97 = vector.broadcast %parallel_loop3A_96 : i32 to vector<16xi32>
        %parallel_loop3A_98 = arith.shrui %parallel_loop3A_85, %parallel_loop3A_97 : vector<16xi32>
        %parallel_loop3A_99 = arith.cmpi eq, %parallel_loop3A_98, %get3A_6 : vector<16xi32>
        tpu.vector_store_idx %arg11[%parallel_loop3A_95], %broadcast_in_dim3A_1 masked %parallel_loop3A_99 {add = true} : memref<16384xi32, #tpu.memory_space<vmem>>[vector<16xi32>], vector<16xi32>, vector<16xi1>
        %parallel_loop3A_100 = arith.cmpi eq, %parallel_loop3A_98, %get3A_8 : vector<16xi32>
        tpu.vector_store_idx %arg12[%parallel_loop3A_95], %broadcast_in_dim3A_1 masked %parallel_loop3A_100 {add = true} : memref<16384xi32, #tpu.memory_space<vmem>>[vector<16xi32>], vector<16xi32>, vector<16xi1>
        %parallel_loop3A_101 = arith.cmpi eq, %parallel_loop3A_98, %get3A_10 : vector<16xi32>
        tpu.vector_store_idx %arg13[%parallel_loop3A_95], %broadcast_in_dim3A_1 masked %parallel_loop3A_101 {add = true} : memref<16384xi32, #tpu.memory_space<vmem>>[vector<16xi32>], vector<16xi32>, vector<16xi1>
        %parallel_loop3A_102 = arith.cmpi eq, %parallel_loop3A_98, %get3A_12 : vector<16xi32>
        tpu.vector_store_idx %arg14[%parallel_loop3A_95], %broadcast_in_dim3A_1 masked %parallel_loop3A_102 {add = true} : memref<16384xi32, #tpu.memory_space<vmem>>[vector<16xi32>], vector<16xi32>, vector<16xi1>
      } {sc.loop_unroll_factor = 4 : i64, sc.parallel_access}
      %add3A_63 = arith.constant 3 : i32
      %add3A_64 = arith.addi %mul3A_41, %add3A_63 : i32
      %lt3A_65 = arith.constant 32 : i32
      %lt3A_66 = arith.cmpi slt, %add3A_64, %lt3A_65 : i32
      %convert_element_type3A_67 = arith.extui %lt3A_66 : i1 to i32
      %cond3A_68 = arith.constant 0 : i32
      %cond3A_69 = arith.cmpi ne, %convert_element_type3A_67, %cond3A_68 : i32
      scf.if %cond3A_69 {
        %add3A_70 = arith.constant 3 : i32
        %add3A_71 = arith.addi %mul3A_41, %add3A_70 : i32
        %mul3A_72 = arith.constant 16384 : i32
        %mul3A_73 = arith.muli %add3A_71, %mul3A_72 : i32
        %add3A_74 = arith.addi %mul3A_14, %mul3A_73 : i32
        %dma_start3A_75 = tpu.memref_slice %arg2[%add3A_74] : memref<16777216xf32, #tpu.memory_space<hbm>> -> memref<16384xf32, #tpu.memory_space<hbm>>
        %dma_start3A_76 = tpu.memref_slice %arg2[%add3A_74] : memref<16777216xf32, #tpu.memory_space<hbm>> -> memref<16384xf32, #tpu.memory_space<hbm>>
        tpu.enqueue_dma source(%dma_start3A_76 : memref<16384xf32, #tpu.memory_space<hbm>>) target(%arg6 : memref<16384xf32, #tpu.memory_space<vmem>>) target_semaphore(%arg10 : memref<!tpu.dma_semaphore, #tpu.memory_space<semaphore_mem>>)
      } else {
      }
    }
    %scan3A_26 = arith.constant 16 : i32
    %parallel_loop3A_27 = arith.constant 0 : i32
    %parallel_loop3A_28 = arith.constant 64 : i32
    %parallel_loop3A_29 = arith.constant 1 : i32
    scf.for %parallel_loop3A_39 = %parallel_loop3A_27 to %parallel_loop3A_28 step %parallel_loop3A_29  : i32 {
      %parallel_loop3A_40 = arith.constant 16 : i32
      %parallel_loop3A_41 = arith.muli %parallel_loop3A_39, %parallel_loop3A_40 : i32
      %parallel_loop3A_42 = vector.broadcast %parallel_loop3A_41 : i32 to vector<16xi32>
      %parallel_loop3A_43 = arith.addi %parallel_loop3A_42, %iota3A : vector<16xi32>
      %parallel_loop3A_44 = arith.constant 16 : i32
      %parallel_loop3A_45 = vector.broadcast %parallel_loop3A_44 : i32 to vector<16xi32>
      %parallel_loop3A_46 = arith.muli %parallel_loop3A_43, %parallel_loop3A_45 : vector<16xi32>
      %parallel_loop3A_47 = arith.constant 0 : i32
      %parallel_loop3A_48 = vector.broadcast %parallel_loop3A_47 : i32 to vector<16xi32>
      %parallel_loop3A_49 = arith.constant 0 : i32
      %parallel_loop3A_50 = vector.broadcast %parallel_loop3A_49 : i32 to vector<16xi32>
      %parallel_loop3A_51 = arith.addi %parallel_loop3A_46, %parallel_loop3A_50 : vector<16xi32>
      %parallel_loop3A_52 = tpu.vector_load_idx %arg11[%parallel_loop3A_51] : memref<16384xi32, #tpu.memory_space<vmem>>[vector<16xi32>], vector<16xi32>,
      %parallel_loop3A_53 = arith.addi %parallel_loop3A_48, %parallel_loop3A_52 : vector<16xi32>
      %parallel_loop3A_54 = arith.constant 1 : i32
      %parallel_loop3A_55 = vector.broadcast %parallel_loop3A_54 : i32 to vector<16xi32>
      %parallel_loop3A_56 = arith.addi %parallel_loop3A_46, %parallel_loop3A_55 : vector<16xi32>
      %parallel_loop3A_57 = tpu.vector_load_idx %arg11[%parallel_loop3A_56] : memref<16384xi32, #tpu.memory_space<vmem>>[vector<16xi32>], vector<16xi32>,
      %parallel_loop3A_58 = arith.addi %parallel_loop3A_53, %parallel_loop3A_57 : vector<16xi32>
      %parallel_loop3A_59 = arith.constant 2 : i32
      %parallel_loop3A_60 = vector.broadcast %parallel_loop3A_59 : i32 to vector<16xi32>
      %parallel_loop3A_61 = arith.addi %parallel_loop3A_46, %parallel_loop3A_60 : vector<16xi32>
      %parallel_loop3A_62 = tpu.vector_load_idx %arg11[%parallel_loop3A_61] : memref<16384xi32, #tpu.memory_space<vmem>>[vector<16xi32>], vector<16xi32>,
      %parallel_loop3A_63 = arith.addi %parallel_loop3A_58, %parallel_loop3A_62 : vector<16xi32>
      %parallel_loop3A_64 = arith.constant 3 : i32
      %parallel_loop3A_65 = vector.broadcast %parallel_loop3A_64 : i32 to vector<16xi32>
      %parallel_loop3A_66 = arith.addi %parallel_loop3A_46, %parallel_loop3A_65 : vector<16xi32>
      %parallel_loop3A_67 = tpu.vector_load_idx %arg11[%parallel_loop3A_66] : memref<16384xi32, #tpu.memory_space<vmem>>[vector<16xi32>], vector<16xi32>,
      %parallel_loop3A_68 = arith.addi %parallel_loop3A_63, %parallel_loop3A_67 : vector<16xi32>
      %parallel_loop3A_69 = arith.constant 4 : i32
      %parallel_loop3A_70 = vector.broadcast %parallel_loop3A_69 : i32 to vector<16xi32>
      %parallel_loop3A_71 = arith.addi %parallel_loop3A_46, %parallel_loop3A_70 : vector<16xi32>
      %parallel_loop3A_72 = tpu.vector_load_idx %arg11[%parallel_loop3A_71] : memref<16384xi32, #tpu.memory_space<vmem>>[vector<16xi32>], vector<16xi32>,
      %parallel_loop3A_73 = arith.addi %parallel_loop3A_68, %parallel_loop3A_72 : vector<16xi32>
      %parallel_loop3A_74 = arith.constant 5 : i32
      %parallel_loop3A_75 = vector.broadcast %parallel_loop3A_74 : i32 to vector<16xi32>
      %parallel_loop3A_76 = arith.addi %parallel_loop3A_46, %parallel_loop3A_75 : vector<16xi32>
      %parallel_loop3A_77 = tpu.vector_load_idx %arg11[%parallel_loop3A_76] : memref<16384xi32, #tpu.memory_space<vmem>>[vector<16xi32>], vector<16xi32>,
      %parallel_loop3A_78 = arith.addi %parallel_loop3A_73, %parallel_loop3A_77 : vector<16xi32>
      %parallel_loop3A_79 = arith.constant 6 : i32
      %parallel_loop3A_80 = vector.broadcast %parallel_loop3A_79 : i32 to vector<16xi32>
      %parallel_loop3A_81 = arith.addi %parallel_loop3A_46, %parallel_loop3A_80 : vector<16xi32>
      %parallel_loop3A_82 = tpu.vector_load_idx %arg11[%parallel_loop3A_81] : memref<16384xi32, #tpu.memory_space<vmem>>[vector<16xi32>], vector<16xi32>,
      %parallel_loop3A_83 = arith.addi %parallel_loop3A_78, %parallel_loop3A_82 : vector<16xi32>
      %parallel_loop3A_84 = arith.constant 7 : i32
      %parallel_loop3A_85 = vector.broadcast %parallel_loop3A_84 : i32 to vector<16xi32>
      %parallel_loop3A_86 = arith.addi %parallel_loop3A_46, %parallel_loop3A_85 : vector<16xi32>
      %parallel_loop3A_87 = tpu.vector_load_idx %arg11[%parallel_loop3A_86] : memref<16384xi32, #tpu.memory_space<vmem>>[vector<16xi32>], vector<16xi32>,
      %parallel_loop3A_88 = arith.addi %parallel_loop3A_83, %parallel_loop3A_87 : vector<16xi32>
      %parallel_loop3A_89 = arith.constant 8 : i32
      %parallel_loop3A_90 = vector.broadcast %parallel_loop3A_89 : i32 to vector<16xi32>
      %parallel_loop3A_91 = arith.addi %parallel_loop3A_46, %parallel_loop3A_90 : vector<16xi32>
      %parallel_loop3A_92 = tpu.vector_load_idx %arg11[%parallel_loop3A_91] : memref<16384xi32, #tpu.memory_space<vmem>>[vector<16xi32>], vector<16xi32>,
      %parallel_loop3A_93 = arith.addi %parallel_loop3A_88, %parallel_loop3A_92 : vector<16xi32>
      %parallel_loop3A_94 = arith.constant 9 : i32
      %parallel_loop3A_95 = vector.broadcast %parallel_loop3A_94 : i32 to vector<16xi32>
      %parallel_loop3A_96 = arith.addi %parallel_loop3A_46, %parallel_loop3A_95 : vector<16xi32>
      %parallel_loop3A_97 = tpu.vector_load_idx %arg11[%parallel_loop3A_96] : memref<16384xi32, #tpu.memory_space<vmem>>[vector<16xi32>], vector<16xi32>,
      %parallel_loop3A_98 = arith.addi %parallel_loop3A_93, %parallel_loop3A_97 : vector<16xi32>
      %parallel_loop3A_99 = arith.constant 10 : i32
      %parallel_loop3A_100 = vector.broadcast %parallel_loop3A_99 : i32 to vector<16xi32>
      %parallel_loop3A_101 = arith.addi %parallel_loop3A_46, %parallel_loop3A_100 : vector<16xi32>
      %parallel_loop3A_102 = tpu.vector_load_idx %arg11[%parallel_loop3A_101] : memref<16384xi32, #tpu.memory_space<vmem>>[vector<16xi32>], vector<16xi32>,
      %parallel_loop3A_103 = arith.addi %parallel_loop3A_98, %parallel_loop3A_102 : vector<16xi32>
      %parallel_loop3A_104 = arith.constant 11 : i32
      %parallel_loop3A_105 = vector.broadcast %parallel_loop3A_104 : i32 to vector<16xi32>
      %parallel_loop3A_106 = arith.addi %parallel_loop3A_46, %parallel_loop3A_105 : vector<16xi32>
      %parallel_loop3A_107 = tpu.vector_load_idx %arg11[%parallel_loop3A_106] : memref<16384xi32, #tpu.memory_space<vmem>>[vector<16xi32>], vector<16xi32>,
      %parallel_loop3A_108 = arith.addi %parallel_loop3A_103, %parallel_loop3A_107 : vector<16xi32>
      %parallel_loop3A_109 = arith.constant 12 : i32
      %parallel_loop3A_110 = vector.broadcast %parallel_loop3A_109 : i32 to vector<16xi32>
      %parallel_loop3A_111 = arith.addi %parallel_loop3A_46, %parallel_loop3A_110 : vector<16xi32>
      %parallel_loop3A_112 = tpu.vector_load_idx %arg11[%parallel_loop3A_111] : memref<16384xi32, #tpu.memory_space<vmem>>[vector<16xi32>], vector<16xi32>,
      %parallel_loop3A_113 = arith.addi %parallel_loop3A_108, %parallel_loop3A_112 : vector<16xi32>
      %parallel_loop3A_114 = arith.constant 13 : i32
      %parallel_loop3A_115 = vector.broadcast %parallel_loop3A_114 : i32 to vector<16xi32>
      %parallel_loop3A_116 = arith.addi %parallel_loop3A_46, %parallel_loop3A_115 : vector<16xi32>
      %parallel_loop3A_117 = tpu.vector_load_idx %arg11[%parallel_loop3A_116] : memref<16384xi32, #tpu.memory_space<vmem>>[vector<16xi32>], vector<16xi32>,
      %parallel_loop3A_118 = arith.addi %parallel_loop3A_113, %parallel_loop3A_117 : vector<16xi32>
      %parallel_loop3A_119 = arith.constant 14 : i32
      %parallel_loop3A_120 = vector.broadcast %parallel_loop3A_119 : i32 to vector<16xi32>
      %parallel_loop3A_121 = arith.addi %parallel_loop3A_46, %parallel_loop3A_120 : vector<16xi32>
      %parallel_loop3A_122 = tpu.vector_load_idx %arg11[%parallel_loop3A_121] : memref<16384xi32, #tpu.memory_space<vmem>>[vector<16xi32>], vector<16xi32>,
      %parallel_loop3A_123 = arith.addi %parallel_loop3A_118, %parallel_loop3A_122 : vector<16xi32>
      %parallel_loop3A_124 = arith.constant 15 : i32
      %parallel_loop3A_125 = vector.broadcast %parallel_loop3A_124 : i32 to vector<16xi32>
      %parallel_loop3A_126 = arith.addi %parallel_loop3A_46, %parallel_loop3A_125 : vector<16xi32>
      %parallel_loop3A_127 = tpu.vector_load_idx %arg11[%parallel_loop3A_126] : memref<16384xi32, #tpu.memory_space<vmem>>[vector<16xi32>], vector<16xi32>,
      %parallel_loop3A_128 = arith.addi %parallel_loop3A_123, %parallel_loop3A_127 : vector<16xi32>
      %parallel_loop3A_129 = arith.constant 16 : i32
      %parallel_loop3A_130 = arith.muli %parallel_loop3A_39, %parallel_loop3A_129 : i32
      %parallel_loop3A_131 = arith.constant 0 : i32
      %parallel_loop3A_132 = arith.addi %parallel_loop3A_131, %parallel_loop3A_130 : i32
      %parallel_loop3A_133 = arith.index_cast %parallel_loop3A_132 : i32 to index
      %parallel_loop3A_134 = tpu.vector_load %arg8[%parallel_loop3A_133] {strides = array<i32>} : memref<4096xi32, #tpu.memory_space<vmem>>, vector<16xi32>,
      tpu.vector_store %arg8[%parallel_loop3A_133], %parallel_loop3A_128 {strides = array<i32>} : memref<4096xi32, #tpu.memory_space<vmem>>, vector<16xi32>,
    } {sc.loop_unroll_factor = 2 : i64, sc.parallel_access}
    %parallel_loop3A_30 = arith.constant 0 : i32
    %parallel_loop3A_31 = arith.constant 64 : i32
    %parallel_loop3A_32 = arith.constant 1 : i32
    scf.for %parallel_loop3A_39 = %parallel_loop3A_30 to %parallel_loop3A_31 step %parallel_loop3A_32  : i32 {
      %parallel_loop3A_40 = arith.constant 16 : i32
      %parallel_loop3A_41 = arith.muli %parallel_loop3A_39, %parallel_loop3A_40 : i32
      %parallel_loop3A_42 = vector.broadcast %parallel_loop3A_41 : i32 to vector<16xi32>
      %parallel_loop3A_43 = arith.addi %parallel_loop3A_42, %iota3A : vector<16xi32>
      %parallel_loop3A_44 = arith.constant 16 : i32
      %parallel_loop3A_45 = vector.broadcast %parallel_loop3A_44 : i32 to vector<16xi32>
      %parallel_loop3A_46 = arith.muli %parallel_loop3A_43, %parallel_loop3A_45 : vector<16xi32>
      %parallel_loop3A_47 = arith.constant 0 : i32
      %parallel_loop3A_48 = vector.broadcast %parallel_loop3A_47 : i32 to vector<16xi32>
      %parallel_loop3A_49 = arith.constant 0 : i32
      %parallel_loop3A_50 = vector.broadcast %parallel_loop3A_49 : i32 to vector<16xi32>
      %parallel_loop3A_51 = arith.addi %parallel_loop3A_46, %parallel_loop3A_50 : vector<16xi32>
      %parallel_loop3A_52 = tpu.vector_load_idx %arg12[%parallel_loop3A_51] : memref<16384xi32, #tpu.memory_space<vmem>>[vector<16xi32>], vector<16xi32>,
      %parallel_loop3A_53 = arith.addi %parallel_loop3A_48, %parallel_loop3A_52 : vector<16xi32>
      %parallel_loop3A_54 = arith.constant 1 : i32
      %parallel_loop3A_55 = vector.broadcast %parallel_loop3A_54 : i32 to vector<16xi32>
      %parallel_loop3A_56 = arith.addi %parallel_loop3A_46, %parallel_loop3A_55 : vector<16xi32>
      %parallel_loop3A_57 = tpu.vector_load_idx %arg12[%parallel_loop3A_56] : memref<16384xi32, #tpu.memory_space<vmem>>[vector<16xi32>], vector<16xi32>,
      %parallel_loop3A_58 = arith.addi %parallel_loop3A_53, %parallel_loop3A_57 : vector<16xi32>
      %parallel_loop3A_59 = arith.constant 2 : i32
      %parallel_loop3A_60 = vector.broadcast %parallel_loop3A_59 : i32 to vector<16xi32>
      %parallel_loop3A_61 = arith.addi %parallel_loop3A_46, %parallel_loop3A_60 : vector<16xi32>
      %parallel_loop3A_62 = tpu.vector_load_idx %arg12[%parallel_loop3A_61] : memref<16384xi32, #tpu.memory_space<vmem>>[vector<16xi32>], vector<16xi32>,
      %parallel_loop3A_63 = arith.addi %parallel_loop3A_58, %parallel_loop3A_62 : vector<16xi32>
      %parallel_loop3A_64 = arith.constant 3 : i32
      %parallel_loop3A_65 = vector.broadcast %parallel_loop3A_64 : i32 to vector<16xi32>
      %parallel_loop3A_66 = arith.addi %parallel_loop3A_46, %parallel_loop3A_65 : vector<16xi32>
      %parallel_loop3A_67 = tpu.vector_load_idx %arg12[%parallel_loop3A_66] : memref<16384xi32, #tpu.memory_space<vmem>>[vector<16xi32>], vector<16xi32>,
      %parallel_loop3A_68 = arith.addi %parallel_loop3A_63, %parallel_loop3A_67 : vector<16xi32>
      %parallel_loop3A_69 = arith.constant 4 : i32
      %parallel_loop3A_70 = vector.broadcast %parallel_loop3A_69 : i32 to vector<16xi32>
      %parallel_loop3A_71 = arith.addi %parallel_loop3A_46, %parallel_loop3A_70 : vector<16xi32>
      %parallel_loop3A_72 = tpu.vector_load_idx %arg12[%parallel_loop3A_71] : memref<16384xi32, #tpu.memory_space<vmem>>[vector<16xi32>], vector<16xi32>,
      %parallel_loop3A_73 = arith.addi %parallel_loop3A_68, %parallel_loop3A_72 : vector<16xi32>
      %parallel_loop3A_74 = arith.constant 5 : i32
      %parallel_loop3A_75 = vector.broadcast %parallel_loop3A_74 : i32 to vector<16xi32>
      %parallel_loop3A_76 = arith.addi %parallel_loop3A_46, %parallel_loop3A_75 : vector<16xi32>
      %parallel_loop3A_77 = tpu.vector_load_idx %arg12[%parallel_loop3A_76] : memref<16384xi32, #tpu.memory_space<vmem>>[vector<16xi32>], vector<16xi32>,
      %parallel_loop3A_78 = arith.addi %parallel_loop3A_73, %parallel_loop3A_77 : vector<16xi32>
      %parallel_loop3A_79 = arith.constant 6 : i32
      %parallel_loop3A_80 = vector.broadcast %parallel_loop3A_79 : i32 to vector<16xi32>
      %parallel_loop3A_81 = arith.addi %parallel_loop3A_46, %parallel_loop3A_80 : vector<16xi32>
      %parallel_loop3A_82 = tpu.vector_load_idx %arg12[%parallel_loop3A_81] : memref<16384xi32, #tpu.memory_space<vmem>>[vector<16xi32>], vector<16xi32>,
      %parallel_loop3A_83 = arith.addi %parallel_loop3A_78, %parallel_loop3A_82 : vector<16xi32>
      %parallel_loop3A_84 = arith.constant 7 : i32
      %parallel_loop3A_85 = vector.broadcast %parallel_loop3A_84 : i32 to vector<16xi32>
      %parallel_loop3A_86 = arith.addi %parallel_loop3A_46, %parallel_loop3A_85 : vector<16xi32>
      %parallel_loop3A_87 = tpu.vector_load_idx %arg12[%parallel_loop3A_86] : memref<16384xi32, #tpu.memory_space<vmem>>[vector<16xi32>], vector<16xi32>,
      %parallel_loop3A_88 = arith.addi %parallel_loop3A_83, %parallel_loop3A_87 : vector<16xi32>
      %parallel_loop3A_89 = arith.constant 8 : i32
      %parallel_loop3A_90 = vector.broadcast %parallel_loop3A_89 : i32 to vector<16xi32>
      %parallel_loop3A_91 = arith.addi %parallel_loop3A_46, %parallel_loop3A_90 : vector<16xi32>
      %parallel_loop3A_92 = tpu.vector_load_idx %arg12[%parallel_loop3A_91] : memref<16384xi32, #tpu.memory_space<vmem>>[vector<16xi32>], vector<16xi32>,
      %parallel_loop3A_93 = arith.addi %parallel_loop3A_88, %parallel_loop3A_92 : vector<16xi32>
      %parallel_loop3A_94 = arith.constant 9 : i32
      %parallel_loop3A_95 = vector.broadcast %parallel_loop3A_94 : i32 to vector<16xi32>
      %parallel_loop3A_96 = arith.addi %parallel_loop3A_46, %parallel_loop3A_95 : vector<16xi32>
      %parallel_loop3A_97 = tpu.vector_load_idx %arg12[%parallel_loop3A_96] : memref<16384xi32, #tpu.memory_space<vmem>>[vector<16xi32>], vector<16xi32>,
      %parallel_loop3A_98 = arith.addi %parallel_loop3A_93, %parallel_loop3A_97 : vector<16xi32>
      %parallel_loop3A_99 = arith.constant 10 : i32
      %parallel_loop3A_100 = vector.broadcast %parallel_loop3A_99 : i32 to vector<16xi32>
      %parallel_loop3A_101 = arith.addi %parallel_loop3A_46, %parallel_loop3A_100 : vector<16xi32>
      %parallel_loop3A_102 = tpu.vector_load_idx %arg12[%parallel_loop3A_101] : memref<16384xi32, #tpu.memory_space<vmem>>[vector<16xi32>], vector<16xi32>,
      %parallel_loop3A_103 = arith.addi %parallel_loop3A_98, %parallel_loop3A_102 : vector<16xi32>
      %parallel_loop3A_104 = arith.constant 11 : i32
      %parallel_loop3A_105 = vector.broadcast %parallel_loop3A_104 : i32 to vector<16xi32>
      %parallel_loop3A_106 = arith.addi %parallel_loop3A_46, %parallel_loop3A_105 : vector<16xi32>
      %parallel_loop3A_107 = tpu.vector_load_idx %arg12[%parallel_loop3A_106] : memref<16384xi32, #tpu.memory_space<vmem>>[vector<16xi32>], vector<16xi32>,
      %parallel_loop3A_108 = arith.addi %parallel_loop3A_103, %parallel_loop3A_107 : vector<16xi32>
      %parallel_loop3A_109 = arith.constant 12 : i32
      %parallel_loop3A_110 = vector.broadcast %parallel_loop3A_109 : i32 to vector<16xi32>
      %parallel_loop3A_111 = arith.addi %parallel_loop3A_46, %parallel_loop3A_110 : vector<16xi32>
      %parallel_loop3A_112 = tpu.vector_load_idx %arg12[%parallel_loop3A_111] : memref<16384xi32, #tpu.memory_space<vmem>>[vector<16xi32>], vector<16xi32>,
      %parallel_loop3A_113 = arith.addi %parallel_loop3A_108, %parallel_loop3A_112 : vector<16xi32>
      %parallel_loop3A_114 = arith.constant 13 : i32
      %parallel_loop3A_115 = vector.broadcast %parallel_loop3A_114 : i32 to vector<16xi32>
      %parallel_loop3A_116 = arith.addi %parallel_loop3A_46, %parallel_loop3A_115 : vector<16xi32>
      %parallel_loop3A_117 = tpu.vector_load_idx %arg12[%parallel_loop3A_116] : memref<16384xi32, #tpu.memory_space<vmem>>[vector<16xi32>], vector<16xi32>,
      %parallel_loop3A_118 = arith.addi %parallel_loop3A_113, %parallel_loop3A_117 : vector<16xi32>
      %parallel_loop3A_119 = arith.constant 14 : i32
      %parallel_loop3A_120 = vector.broadcast %parallel_loop3A_119 : i32 to vector<16xi32>
      %parallel_loop3A_121 = arith.addi %parallel_loop3A_46, %parallel_loop3A_120 : vector<16xi32>
      %parallel_loop3A_122 = tpu.vector_load_idx %arg12[%parallel_loop3A_121] : memref<16384xi32, #tpu.memory_space<vmem>>[vector<16xi32>], vector<16xi32>,
      %parallel_loop3A_123 = arith.addi %parallel_loop3A_118, %parallel_loop3A_122 : vector<16xi32>
      %parallel_loop3A_124 = arith.constant 15 : i32
      %parallel_loop3A_125 = vector.broadcast %parallel_loop3A_124 : i32 to vector<16xi32>
      %parallel_loop3A_126 = arith.addi %parallel_loop3A_46, %parallel_loop3A_125 : vector<16xi32>
      %parallel_loop3A_127 = tpu.vector_load_idx %arg12[%parallel_loop3A_126] : memref<16384xi32, #tpu.memory_space<vmem>>[vector<16xi32>], vector<16xi32>,
      %parallel_loop3A_128 = arith.addi %parallel_loop3A_123, %parallel_loop3A_127 : vector<16xi32>
      %parallel_loop3A_129 = arith.constant 16 : i32
      %parallel_loop3A_130 = arith.muli %parallel_loop3A_39, %parallel_loop3A_129 : i32
      %parallel_loop3A_131 = arith.constant 1024 : i32
      %parallel_loop3A_132 = arith.addi %parallel_loop3A_131, %parallel_loop3A_130 : i32
      %parallel_loop3A_133 = arith.index_cast %parallel_loop3A_132 : i32 to index
      %parallel_loop3A_134 = tpu.vector_load %arg8[%parallel_loop3A_133] {strides = array<i32>} : memref<4096xi32, #tpu.memory_space<vmem>>, vector<16xi32>,
      tpu.vector_store %arg8[%parallel_loop3A_133], %parallel_loop3A_128 {strides = array<i32>} : memref<4096xi32, #tpu.memory_space<vmem>>, vector<16xi32>,
    } {sc.loop_unroll_factor = 2 : i64, sc.parallel_access}
    %parallel_loop3A_33 = arith.constant 0 : i32
    %parallel_loop3A_34 = arith.constant 64 : i32
    %parallel_loop3A_35 = arith.constant 1 : i32
    scf.for %parallel_loop3A_39 = %parallel_loop3A_33 to %parallel_loop3A_34 step %parallel_loop3A_35  : i32 {
      %parallel_loop3A_40 = arith.constant 16 : i32
      %parallel_loop3A_41 = arith.muli %parallel_loop3A_39, %parallel_loop3A_40 : i32
      %parallel_loop3A_42 = vector.broadcast %parallel_loop3A_41 : i32 to vector<16xi32>
      %parallel_loop3A_43 = arith.addi %parallel_loop3A_42, %iota3A : vector<16xi32>
      %parallel_loop3A_44 = arith.constant 16 : i32
      %parallel_loop3A_45 = vector.broadcast %parallel_loop3A_44 : i32 to vector<16xi32>
      %parallel_loop3A_46 = arith.muli %parallel_loop3A_43, %parallel_loop3A_45 : vector<16xi32>
      %parallel_loop3A_47 = arith.constant 0 : i32
      %parallel_loop3A_48 = vector.broadcast %parallel_loop3A_47 : i32 to vector<16xi32>
      %parallel_loop3A_49 = arith.constant 0 : i32
      %parallel_loop3A_50 = vector.broadcast %parallel_loop3A_49 : i32 to vector<16xi32>
      %parallel_loop3A_51 = arith.addi %parallel_loop3A_46, %parallel_loop3A_50 : vector<16xi32>
      %parallel_loop3A_52 = tpu.vector_load_idx %arg13[%parallel_loop3A_51] : memref<16384xi32, #tpu.memory_space<vmem>>[vector<16xi32>], vector<16xi32>,
      %parallel_loop3A_53 = arith.addi %parallel_loop3A_48, %parallel_loop3A_52 : vector<16xi32>
      %parallel_loop3A_54 = arith.constant 1 : i32
      %parallel_loop3A_55 = vector.broadcast %parallel_loop3A_54 : i32 to vector<16xi32>
      %parallel_loop3A_56 = arith.addi %parallel_loop3A_46, %parallel_loop3A_55 : vector<16xi32>
      %parallel_loop3A_57 = tpu.vector_load_idx %arg13[%parallel_loop3A_56] : memref<16384xi32, #tpu.memory_space<vmem>>[vector<16xi32>], vector<16xi32>,
      %parallel_loop3A_58 = arith.addi %parallel_loop3A_53, %parallel_loop3A_57 : vector<16xi32>
      %parallel_loop3A_59 = arith.constant 2 : i32
      %parallel_loop3A_60 = vector.broadcast %parallel_loop3A_59 : i32 to vector<16xi32>
      %parallel_loop3A_61 = arith.addi %parallel_loop3A_46, %parallel_loop3A_60 : vector<16xi32>
      %parallel_loop3A_62 = tpu.vector_load_idx %arg13[%parallel_loop3A_61] : memref<16384xi32, #tpu.memory_space<vmem>>[vector<16xi32>], vector<16xi32>,
      %parallel_loop3A_63 = arith.addi %parallel_loop3A_58, %parallel_loop3A_62 : vector<16xi32>
      %parallel_loop3A_64 = arith.constant 3 : i32
      %parallel_loop3A_65 = vector.broadcast %parallel_loop3A_64 : i32 to vector<16xi32>
      %parallel_loop3A_66 = arith.addi %parallel_loop3A_46, %parallel_loop3A_65 : vector<16xi32>
      %parallel_loop3A_67 = tpu.vector_load_idx %arg13[%parallel_loop3A_66] : memref<16384xi32, #tpu.memory_space<vmem>>[vector<16xi32>], vector<16xi32>,
      %parallel_loop3A_68 = arith.addi %parallel_loop3A_63, %parallel_loop3A_67 : vector<16xi32>
      %parallel_loop3A_69 = arith.constant 4 : i32
      %parallel_loop3A_70 = vector.broadcast %parallel_loop3A_69 : i32 to vector<16xi32>
      %parallel_loop3A_71 = arith.addi %parallel_loop3A_46, %parallel_loop3A_70 : vector<16xi32>
      %parallel_loop3A_72 = tpu.vector_load_idx %arg13[%parallel_loop3A_71] : memref<16384xi32, #tpu.memory_space<vmem>>[vector<16xi32>], vector<16xi32>,
      %parallel_loop3A_73 = arith.addi %parallel_loop3A_68, %parallel_loop3A_72 : vector<16xi32>
      %parallel_loop3A_74 = arith.constant 5 : i32
      %parallel_loop3A_75 = vector.broadcast %parallel_loop3A_74 : i32 to vector<16xi32>
      %parallel_loop3A_76 = arith.addi %parallel_loop3A_46, %parallel_loop3A_75 : vector<16xi32>
      %parallel_loop3A_77 = tpu.vector_load_idx %arg13[%parallel_loop3A_76] : memref<16384xi32, #tpu.memory_space<vmem>>[vector<16xi32>], vector<16xi32>,
      %parallel_loop3A_78 = arith.addi %parallel_loop3A_73, %parallel_loop3A_77 : vector<16xi32>
      %parallel_loop3A_79 = arith.constant 6 : i32
      %parallel_loop3A_80 = vector.broadcast %parallel_loop3A_79 : i32 to vector<16xi32>
      %parallel_loop3A_81 = arith.addi %parallel_loop3A_46, %parallel_loop3A_80 : vector<16xi32>
      %parallel_loop3A_82 = tpu.vector_load_idx %arg13[%parallel_loop3A_81] : memref<16384xi32, #tpu.memory_space<vmem>>[vector<16xi32>], vector<16xi32>,
      %parallel_loop3A_83 = arith.addi %parallel_loop3A_78, %parallel_loop3A_82 : vector<16xi32>
      %parallel_loop3A_84 = arith.constant 7 : i32
      %parallel_loop3A_85 = vector.broadcast %parallel_loop3A_84 : i32 to vector<16xi32>
      %parallel_loop3A_86 = arith.addi %parallel_loop3A_46, %parallel_loop3A_85 : vector<16xi32>
      %parallel_loop3A_87 = tpu.vector_load_idx %arg13[%parallel_loop3A_86] : memref<16384xi32, #tpu.memory_space<vmem>>[vector<16xi32>], vector<16xi32>,
      %parallel_loop3A_88 = arith.addi %parallel_loop3A_83, %parallel_loop3A_87 : vector<16xi32>
      %parallel_loop3A_89 = arith.constant 8 : i32
      %parallel_loop3A_90 = vector.broadcast %parallel_loop3A_89 : i32 to vector<16xi32>
      %parallel_loop3A_91 = arith.addi %parallel_loop3A_46, %parallel_loop3A_90 : vector<16xi32>
      %parallel_loop3A_92 = tpu.vector_load_idx %arg13[%parallel_loop3A_91] : memref<16384xi32, #tpu.memory_space<vmem>>[vector<16xi32>], vector<16xi32>,
      %parallel_loop3A_93 = arith.addi %parallel_loop3A_88, %parallel_loop3A_92 : vector<16xi32>
      %parallel_loop3A_94 = arith.constant 9 : i32
      %parallel_loop3A_95 = vector.broadcast %parallel_loop3A_94 : i32 to vector<16xi32>
      %parallel_loop3A_96 = arith.addi %parallel_loop3A_46, %parallel_loop3A_95 : vector<16xi32>
      %parallel_loop3A_97 = tpu.vector_load_idx %arg13[%parallel_loop3A_96] : memref<16384xi32, #tpu.memory_space<vmem>>[vector<16xi32>], vector<16xi32>,
      %parallel_loop3A_98 = arith.addi %parallel_loop3A_93, %parallel_loop3A_97 : vector<16xi32>
      %parallel_loop3A_99 = arith.constant 10 : i32
      %parallel_loop3A_100 = vector.broadcast %parallel_loop3A_99 : i32 to vector<16xi32>
      %parallel_loop3A_101 = arith.addi %parallel_loop3A_46, %parallel_loop3A_100 : vector<16xi32>
      %parallel_loop3A_102 = tpu.vector_load_idx %arg13[%parallel_loop3A_101] : memref<16384xi32, #tpu.memory_space<vmem>>[vector<16xi32>], vector<16xi32>,
      %parallel_loop3A_103 = arith.addi %parallel_loop3A_98, %parallel_loop3A_102 : vector<16xi32>
      %parallel_loop3A_104 = arith.constant 11 : i32
      %parallel_loop3A_105 = vector.broadcast %parallel_loop3A_104 : i32 to vector<16xi32>
      %parallel_loop3A_106 = arith.addi %parallel_loop3A_46, %parallel_loop3A_105 : vector<16xi32>
      %parallel_loop3A_107 = tpu.vector_load_idx %arg13[%parallel_loop3A_106] : memref<16384xi32, #tpu.memory_space<vmem>>[vector<16xi32>], vector<16xi32>,
      %parallel_loop3A_108 = arith.addi %parallel_loop3A_103, %parallel_loop3A_107 : vector<16xi32>
      %parallel_loop3A_109 = arith.constant 12 : i32
      %parallel_loop3A_110 = vector.broadcast %parallel_loop3A_109 : i32 to vector<16xi32>
      %parallel_loop3A_111 = arith.addi %parallel_loop3A_46, %parallel_loop3A_110 : vector<16xi32>
      %parallel_loop3A_112 = tpu.vector_load_idx %arg13[%parallel_loop3A_111] : memref<16384xi32, #tpu.memory_space<vmem>>[vector<16xi32>], vector<16xi32>,
      %parallel_loop3A_113 = arith.addi %parallel_loop3A_108, %parallel_loop3A_112 : vector<16xi32>
      %parallel_loop3A_114 = arith.constant 13 : i32
      %parallel_loop3A_115 = vector.broadcast %parallel_loop3A_114 : i32 to vector<16xi32>
      %parallel_loop3A_116 = arith.addi %parallel_loop3A_46, %parallel_loop3A_115 : vector<16xi32>
      %parallel_loop3A_117 = tpu.vector_load_idx %arg13[%parallel_loop3A_116] : memref<16384xi32, #tpu.memory_space<vmem>>[vector<16xi32>], vector<16xi32>,
      %parallel_loop3A_118 = arith.addi %parallel_loop3A_113, %parallel_loop3A_117 : vector<16xi32>
      %parallel_loop3A_119 = arith.constant 14 : i32
      %parallel_loop3A_120 = vector.broadcast %parallel_loop3A_119 : i32 to vector<16xi32>
      %parallel_loop3A_121 = arith.addi %parallel_loop3A_46, %parallel_loop3A_120 : vector<16xi32>
      %parallel_loop3A_122 = tpu.vector_load_idx %arg13[%parallel_loop3A_121] : memref<16384xi32, #tpu.memory_space<vmem>>[vector<16xi32>], vector<16xi32>,
      %parallel_loop3A_123 = arith.addi %parallel_loop3A_118, %parallel_loop3A_122 : vector<16xi32>
      %parallel_loop3A_124 = arith.constant 15 : i32
      %parallel_loop3A_125 = vector.broadcast %parallel_loop3A_124 : i32 to vector<16xi32>
      %parallel_loop3A_126 = arith.addi %parallel_loop3A_46, %parallel_loop3A_125 : vector<16xi32>
      %parallel_loop3A_127 = tpu.vector_load_idx %arg13[%parallel_loop3A_126] : memref<16384xi32, #tpu.memory_space<vmem>>[vector<16xi32>], vector<16xi32>,
      %parallel_loop3A_128 = arith.addi %parallel_loop3A_123, %parallel_loop3A_127 : vector<16xi32>
      %parallel_loop3A_129 = arith.constant 16 : i32
      %parallel_loop3A_130 = arith.muli %parallel_loop3A_39, %parallel_loop3A_129 : i32
      %parallel_loop3A_131 = arith.constant 2048 : i32
      %parallel_loop3A_132 = arith.addi %parallel_loop3A_131, %parallel_loop3A_130 : i32
      %parallel_loop3A_133 = arith.index_cast %parallel_loop3A_132 : i32 to index
      %parallel_loop3A_134 = tpu.vector_load %arg8[%parallel_loop3A_133] {strides = array<i32>} : memref<4096xi32, #tpu.memory_space<vmem>>, vector<16xi32>,
      tpu.vector_store %arg8[%parallel_loop3A_133], %parallel_loop3A_128 {strides = array<i32>} : memref<4096xi32, #tpu.memory_space<vmem>>, vector<16xi32>,
    } {sc.loop_unroll_factor = 2 : i64, sc.parallel_access}
    %parallel_loop3A_36 = arith.constant 0 : i32
    %parallel_loop3A_37 = arith.constant 64 : i32
    %parallel_loop3A_38 = arith.constant 1 : i32
    scf.for %parallel_loop3A_39 = %parallel_loop3A_36 to %parallel_loop3A_37 step %parallel_loop3A_38  : i32 {
      %parallel_loop3A_40 = arith.constant 16 : i32
      %parallel_loop3A_41 = arith.muli %parallel_loop3A_39, %parallel_loop3A_40 : i32
      %parallel_loop3A_42 = vector.broadcast %parallel_loop3A_41 : i32 to vector<16xi32>
      %parallel_loop3A_43 = arith.addi %parallel_loop3A_42, %iota3A : vector<16xi32>
      %parallel_loop3A_44 = arith.constant 16 : i32
      %parallel_loop3A_45 = vector.broadcast %parallel_loop3A_44 : i32 to vector<16xi32>
      %parallel_loop3A_46 = arith.muli %parallel_loop3A_43, %parallel_loop3A_45 : vector<16xi32>
      %parallel_loop3A_47 = arith.constant 0 : i32
      %parallel_loop3A_48 = vector.broadcast %parallel_loop3A_47 : i32 to vector<16xi32>
      %parallel_loop3A_49 = arith.constant 0 : i32
      %parallel_loop3A_50 = vector.broadcast %parallel_loop3A_49 : i32 to vector<16xi32>
      %parallel_loop3A_51 = arith.addi %parallel_loop3A_46, %parallel_loop3A_50 : vector<16xi32>
      %parallel_loop3A_52 = tpu.vector_load_idx %arg14[%parallel_loop3A_51] : memref<16384xi32, #tpu.memory_space<vmem>>[vector<16xi32>], vector<16xi32>,
      %parallel_loop3A_53 = arith.addi %parallel_loop3A_48, %parallel_loop3A_52 : vector<16xi32>
      %parallel_loop3A_54 = arith.constant 1 : i32
      %parallel_loop3A_55 = vector.broadcast %parallel_loop3A_54 : i32 to vector<16xi32>
      %parallel_loop3A_56 = arith.addi %parallel_loop3A_46, %parallel_loop3A_55 : vector<16xi32>
      %parallel_loop3A_57 = tpu.vector_load_idx %arg14[%parallel_loop3A_56] : memref<16384xi32, #tpu.memory_space<vmem>>[vector<16xi32>], vector<16xi32>,
      %parallel_loop3A_58 = arith.addi %parallel_loop3A_53, %parallel_loop3A_57 : vector<16xi32>
      %parallel_loop3A_59 = arith.constant 2 : i32
      %parallel_loop3A_60 = vector.broadcast %parallel_loop3A_59 : i32 to vector<16xi32>
      %parallel_loop3A_61 = arith.addi %parallel_loop3A_46, %parallel_loop3A_60 : vector<16xi32>
      %parallel_loop3A_62 = tpu.vector_load_idx %arg14[%parallel_loop3A_61] : memref<16384xi32, #tpu.memory_space<vmem>>[vector<16xi32>], vector<16xi32>,
      %parallel_loop3A_63 = arith.addi %parallel_loop3A_58, %parallel_loop3A_62 : vector<16xi32>
      %parallel_loop3A_64 = arith.constant 3 : i32
      %parallel_loop3A_65 = vector.broadcast %parallel_loop3A_64 : i32 to vector<16xi32>
      %parallel_loop3A_66 = arith.addi %parallel_loop3A_46, %parallel_loop3A_65 : vector<16xi32>
      %parallel_loop3A_67 = tpu.vector_load_idx %arg14[%parallel_loop3A_66] : memref<16384xi32, #tpu.memory_space<vmem>>[vector<16xi32>], vector<16xi32>,
      %parallel_loop3A_68 = arith.addi %parallel_loop3A_63, %parallel_loop3A_67 : vector<16xi32>
      %parallel_loop3A_69 = arith.constant 4 : i32
      %parallel_loop3A_70 = vector.broadcast %parallel_loop3A_69 : i32 to vector<16xi32>
      %parallel_loop3A_71 = arith.addi %parallel_loop3A_46, %parallel_loop3A_70 : vector<16xi32>
      %parallel_loop3A_72 = tpu.vector_load_idx %arg14[%parallel_loop3A_71] : memref<16384xi32, #tpu.memory_space<vmem>>[vector<16xi32>], vector<16xi32>,
      %parallel_loop3A_73 = arith.addi %parallel_loop3A_68, %parallel_loop3A_72 : vector<16xi32>
      %parallel_loop3A_74 = arith.constant 5 : i32
      %parallel_loop3A_75 = vector.broadcast %parallel_loop3A_74 : i32 to vector<16xi32>
      %parallel_loop3A_76 = arith.addi %parallel_loop3A_46, %parallel_loop3A_75 : vector<16xi32>
      %parallel_loop3A_77 = tpu.vector_load_idx %arg14[%parallel_loop3A_76] : memref<16384xi32, #tpu.memory_space<vmem>>[vector<16xi32>], vector<16xi32>,
      %parallel_loop3A_78 = arith.addi %parallel_loop3A_73, %parallel_loop3A_77 : vector<16xi32>
      %parallel_loop3A_79 = arith.constant 6 : i32
      %parallel_loop3A_80 = vector.broadcast %parallel_loop3A_79 : i32 to vector<16xi32>
      %parallel_loop3A_81 = arith.addi %parallel_loop3A_46, %parallel_loop3A_80 : vector<16xi32>
      %parallel_loop3A_82 = tpu.vector_load_idx %arg14[%parallel_loop3A_81] : memref<16384xi32, #tpu.memory_space<vmem>>[vector<16xi32>], vector<16xi32>,
      %parallel_loop3A_83 = arith.addi %parallel_loop3A_78, %parallel_loop3A_82 : vector<16xi32>
      %parallel_loop3A_84 = arith.constant 7 : i32
      %parallel_loop3A_85 = vector.broadcast %parallel_loop3A_84 : i32 to vector<16xi32>
      %parallel_loop3A_86 = arith.addi %parallel_loop3A_46, %parallel_loop3A_85 : vector<16xi32>
      %parallel_loop3A_87 = tpu.vector_load_idx %arg14[%parallel_loop3A_86] : memref<16384xi32, #tpu.memory_space<vmem>>[vector<16xi32>], vector<16xi32>,
      %parallel_loop3A_88 = arith.addi %parallel_loop3A_83, %parallel_loop3A_87 : vector<16xi32>
      %parallel_loop3A_89 = arith.constant 8 : i32
      %parallel_loop3A_90 = vector.broadcast %parallel_loop3A_89 : i32 to vector<16xi32>
      %parallel_loop3A_91 = arith.addi %parallel_loop3A_46, %parallel_loop3A_90 : vector<16xi32>
      %parallel_loop3A_92 = tpu.vector_load_idx %arg14[%parallel_loop3A_91] : memref<16384xi32, #tpu.memory_space<vmem>>[vector<16xi32>], vector<16xi32>,
      %parallel_loop3A_93 = arith.addi %parallel_loop3A_88, %parallel_loop3A_92 : vector<16xi32>
      %parallel_loop3A_94 = arith.constant 9 : i32
      %parallel_loop3A_95 = vector.broadcast %parallel_loop3A_94 : i32 to vector<16xi32>
      %parallel_loop3A_96 = arith.addi %parallel_loop3A_46, %parallel_loop3A_95 : vector<16xi32>
      %parallel_loop3A_97 = tpu.vector_load_idx %arg14[%parallel_loop3A_96] : memref<16384xi32, #tpu.memory_space<vmem>>[vector<16xi32>], vector<16xi32>,
      %parallel_loop3A_98 = arith.addi %parallel_loop3A_93, %parallel_loop3A_97 : vector<16xi32>
      %parallel_loop3A_99 = arith.constant 10 : i32
      %parallel_loop3A_100 = vector.broadcast %parallel_loop3A_99 : i32 to vector<16xi32>
      %parallel_loop3A_101 = arith.addi %parallel_loop3A_46, %parallel_loop3A_100 : vector<16xi32>
      %parallel_loop3A_102 = tpu.vector_load_idx %arg14[%parallel_loop3A_101] : memref<16384xi32, #tpu.memory_space<vmem>>[vector<16xi32>], vector<16xi32>,
      %parallel_loop3A_103 = arith.addi %parallel_loop3A_98, %parallel_loop3A_102 : vector<16xi32>
      %parallel_loop3A_104 = arith.constant 11 : i32
      %parallel_loop3A_105 = vector.broadcast %parallel_loop3A_104 : i32 to vector<16xi32>
      %parallel_loop3A_106 = arith.addi %parallel_loop3A_46, %parallel_loop3A_105 : vector<16xi32>
      %parallel_loop3A_107 = tpu.vector_load_idx %arg14[%parallel_loop3A_106] : memref<16384xi32, #tpu.memory_space<vmem>>[vector<16xi32>], vector<16xi32>,
      %parallel_loop3A_108 = arith.addi %parallel_loop3A_103, %parallel_loop3A_107 : vector<16xi32>
      %parallel_loop3A_109 = arith.constant 12 : i32
      %parallel_loop3A_110 = vector.broadcast %parallel_loop3A_109 : i32 to vector<16xi32>
      %parallel_loop3A_111 = arith.addi %parallel_loop3A_46, %parallel_loop3A_110 : vector<16xi32>
      %parallel_loop3A_112 = tpu.vector_load_idx %arg14[%parallel_loop3A_111] : memref<16384xi32, #tpu.memory_space<vmem>>[vector<16xi32>], vector<16xi32>,
      %parallel_loop3A_113 = arith.addi %parallel_loop3A_108, %parallel_loop3A_112 : vector<16xi32>
      %parallel_loop3A_114 = arith.constant 13 : i32
      %parallel_loop3A_115 = vector.broadcast %parallel_loop3A_114 : i32 to vector<16xi32>
      %parallel_loop3A_116 = arith.addi %parallel_loop3A_46, %parallel_loop3A_115 : vector<16xi32>
      %parallel_loop3A_117 = tpu.vector_load_idx %arg14[%parallel_loop3A_116] : memref<16384xi32, #tpu.memory_space<vmem>>[vector<16xi32>], vector<16xi32>,
      %parallel_loop3A_118 = arith.addi %parallel_loop3A_113, %parallel_loop3A_117 : vector<16xi32>
      %parallel_loop3A_119 = arith.constant 14 : i32
      %parallel_loop3A_120 = vector.broadcast %parallel_loop3A_119 : i32 to vector<16xi32>
      %parallel_loop3A_121 = arith.addi %parallel_loop3A_46, %parallel_loop3A_120 : vector<16xi32>
      %parallel_loop3A_122 = tpu.vector_load_idx %arg14[%parallel_loop3A_121] : memref<16384xi32, #tpu.memory_space<vmem>>[vector<16xi32>], vector<16xi32>,
      %parallel_loop3A_123 = arith.addi %parallel_loop3A_118, %parallel_loop3A_122 : vector<16xi32>
      %parallel_loop3A_124 = arith.constant 15 : i32
      %parallel_loop3A_125 = vector.broadcast %parallel_loop3A_124 : i32 to vector<16xi32>
      %parallel_loop3A_126 = arith.addi %parallel_loop3A_46, %parallel_loop3A_125 : vector<16xi32>
      %parallel_loop3A_127 = tpu.vector_load_idx %arg14[%parallel_loop3A_126] : memref<16384xi32, #tpu.memory_space<vmem>>[vector<16xi32>], vector<16xi32>,
      %parallel_loop3A_128 = arith.addi %parallel_loop3A_123, %parallel_loop3A_127 : vector<16xi32>
      %parallel_loop3A_129 = arith.constant 16 : i32
      %parallel_loop3A_130 = arith.muli %parallel_loop3A_39, %parallel_loop3A_129 : i32
      %parallel_loop3A_131 = arith.constant 3072 : i32
      %parallel_loop3A_132 = arith.addi %parallel_loop3A_131, %parallel_loop3A_130 : i32
      %parallel_loop3A_133 = arith.index_cast %parallel_loop3A_132 : i32 to index
      %parallel_loop3A_134 = tpu.vector_load %arg8[%parallel_loop3A_133] {strides = array<i32>} : memref<4096xi32, #tpu.memory_space<vmem>>, vector<16xi32>,
      tpu.vector_store %arg8[%parallel_loop3A_133], %parallel_loop3A_128 {strides = array<i32>} : memref<4096xi32, #tpu.memory_space<vmem>>, vector<16xi32>,
    } {sc.loop_unroll_factor = 2 : i64, sc.parallel_access}
    "tpu.region"() ({
      %run_scoped3A = tpu.sem_alloc : memref<!tpu.dma_semaphore, #tpu.memory_space<semaphore_mem>>
      %dma_start3A_39 = arith.constant 0 : i32
      %dma_start3A_40 = tpu.memref_slice %arg4[%add3A, %dma_start3A_39] : memref<32x4096xi32, #tpu.memory_space<hbm>> -> memref<1x4096xi32, #tpu.memory_space<hbm>>
      %dma_start3A_41 = tpu.memref_squeeze %dma_start3A_40 : memref<1x4096xi32, #tpu.memory_space<hbm>> -> memref<4096xi32, #tpu.memory_space<hbm>>
      %dma_start3A_42 = arith.constant 0 : i32
      %dma_start3A_43 = tpu.memref_slice %arg4[%add3A, %dma_start3A_42] : memref<32x4096xi32, #tpu.memory_space<hbm>> -> memref<1x4096xi32, #tpu.memory_space<hbm>>
      %dma_start3A_44 = tpu.memref_squeeze %dma_start3A_43 : memref<1x4096xi32, #tpu.memory_space<hbm>> -> memref<4096xi32, #tpu.memory_space<hbm>>
      tpu.enqueue_dma source(%arg8 : memref<4096xi32, #tpu.memory_space<vmem>>) target(%dma_start3A_44 : memref<4096xi32, #tpu.memory_space<hbm>>) target_semaphore(%run_scoped3A : memref<!tpu.dma_semaphore, #tpu.memory_space<semaphore_mem>>)
      %dma_wait3A = arith.constant 0 : i32
      %dma_wait3A_45 = tpu.memref_slice %arg4[%add3A, %dma_wait3A] : memref<32x4096xi32, #tpu.memory_space<hbm>> -> memref<1x4096xi32, #tpu.memory_space<hbm>>
      %dma_wait3A_46 = tpu.memref_squeeze %dma_wait3A_45 : memref<1x4096xi32, #tpu.memory_space<hbm>> -> memref<4096xi32, #tpu.memory_space<hbm>>
      %dma_wait3A_47 = arith.constant 0 : i32
      %dma_wait3A_48 = tpu.memref_slice %arg4[%add3A, %dma_wait3A_47] : memref<32x4096xi32, #tpu.memory_space<hbm>> -> memref<1x4096xi32, #tpu.memory_space<hbm>>
      %dma_wait3A_49 = tpu.memref_squeeze %dma_wait3A_48 : memref<1x4096xi32, #tpu.memory_space<hbm>> -> memref<4096xi32, #tpu.memory_space<hbm>>
      tpu.wait_dma2 semaphore(%run_scoped3A : memref<!tpu.dma_semaphore, #tpu.memory_space<semaphore_mem>>) src(%arg8 : memref<4096xi32, #tpu.memory_space<vmem>>) dst(%dma_wait3A_49 : memref<4096xi32, #tpu.memory_space<hbm>>)
      tpu.yield
    }) : () -> ()
    return
  }
}

#map = affine_map<(d0, d1) -> (0)>
#map1 = affine_map<(d0, d1) -> (0, 0)>
module attributes {stable_mosaic.version = 14 : i64} {
  func.func @hist_pass(%arg0: i32, %arg1: i32, %arg2: memref<16777216xf32, #tpu.memory_space<hbm>>, %arg3: memref<16xi32, #tpu.memory_space<hbm>>, %arg4: memref<32x4096xi32, #tpu.memory_space<hbm>>, %arg5: memref<16384xf32, #tpu.memory_space<vmem>>, %arg6: memref<16384xf32, #tpu.memory_space<vmem>>, %arg7: memref<16xi32, #tpu.memory_space<vmem>>, %arg8: memref<4096xi32, #tpu.memory_space<vmem>>, %arg9: memref<!tpu.dma_semaphore, #tpu.memory_space<semaphore_mem>>, %arg10: memref<!tpu.dma_semaphore, #tpu.memory_space<semaphore_mem>>, %arg11: memref<65536xi32, #tpu.memory_space<vmem>>) attributes {dimension_semantics = [#tpu.dimension_semantics<core_parallel>, #tpu.dimension_semantics<subcore_parallel>], iteration_bounds = array<i64: 2, 16>, scalar_prefetch = 0 : i64, scratch_operands = 7 : i64, tpu.core_type = #tpu.core_type<sc_vector_subcore>, window_params = [{transform_indices = #map}, {transform_indices = #map}, {transform_indices = #map1}]} {
    %mul3A = arith.constant 2 : i32
    %mul3A_0 = arith.muli %arg1, %mul3A : i32
    %add3A = arith.addi %mul3A_0, %arg0 : i32
    %iota3A = tpu.iota {dimensions = array<i32: 0>} : vector<16xi32>
    %broadcast_in_dim3A = arith.constant 1 : i32
    %broadcast_in_dim3A_1 = vector.broadcast %broadcast_in_dim3A : i32 to vector<16xi32>
    %broadcast_in_dim3A_2 = arith.constant 0 : i32
    %broadcast_in_dim3A_3 = vector.broadcast %broadcast_in_dim3A_2 : i32 to vector<16xi32>
    %parallel_loop3A = arith.constant 0 : i32
    %parallel_loop3A_4 = arith.constant 4096 : i32
    %parallel_loop3A_5 = arith.constant 1 : i32
    scf.for %parallel_loop3A_24 = %parallel_loop3A to %parallel_loop3A_4 step %parallel_loop3A_5  : i32 {
      %parallel_loop3A_25 = arith.constant 16 : i32
      %parallel_loop3A_26 = arith.muli %parallel_loop3A_24, %parallel_loop3A_25 : i32
      %parallel_loop3A_27 = arith.index_cast %parallel_loop3A_26 : i32 to index
      %parallel_loop3A_28 = tpu.vector_load %arg11[%parallel_loop3A_27] {strides = array<i32>} : memref<65536xi32, #tpu.memory_space<vmem>>, vector<16xi32>,
      tpu.vector_store %arg11[%parallel_loop3A_27], %broadcast_in_dim3A_3 {strides = array<i32>} : memref<65536xi32, #tpu.memory_space<vmem>>, vector<16xi32>,
    } {sc.loop_unroll_factor = 8 : i64, sc.parallel_access}
    "tpu.region"() ({
      %run_scoped3A = tpu.sem_alloc : memref<!tpu.dma_semaphore, #tpu.memory_space<semaphore_mem>>
      tpu.enqueue_dma source(%arg3 : memref<16xi32, #tpu.memory_space<hbm>>) target(%arg7 : memref<16xi32, #tpu.memory_space<vmem>>) target_semaphore(%run_scoped3A : memref<!tpu.dma_semaphore, #tpu.memory_space<semaphore_mem>>)
      tpu.wait_dma2 semaphore(%run_scoped3A : memref<!tpu.dma_semaphore, #tpu.memory_space<semaphore_mem>>) src(%arg3 : memref<16xi32, #tpu.memory_space<hbm>>) dst(%arg7 : memref<16xi32, #tpu.memory_space<vmem>>)
      tpu.yield
    }) : () -> ()
    %get3A = arith.constant 0 : index
    %get3A_6 = tpu.vector_load %arg7[%get3A] {strides = array<i32>} : memref<16xi32, #tpu.memory_space<vmem>>, vector<16xi32>,
    %mul3A_7 = arith.constant 524288 : i32
    %mul3A_8 = arith.muli %add3A, %mul3A_7 : i32
    %add3A_9 = arith.constant 0 : i32
    %add3A_10 = arith.addi %mul3A_8, %add3A_9 : i32
    %dma_start3A = tpu.memref_slice %arg2[%add3A_10] : memref<16777216xf32, #tpu.memory_space<hbm>> -> memref<16384xf32, #tpu.memory_space<hbm>>
    %dma_start3A_11 = tpu.memref_slice %arg2[%add3A_10] : memref<16777216xf32, #tpu.memory_space<hbm>> -> memref<16384xf32, #tpu.memory_space<hbm>>
    tpu.enqueue_dma source(%dma_start3A_11 : memref<16384xf32, #tpu.memory_space<hbm>>) target(%arg5 : memref<16384xf32, #tpu.memory_space<vmem>>) target_semaphore(%arg9 : memref<!tpu.dma_semaphore, #tpu.memory_space<semaphore_mem>>)
    %add3A_12 = arith.constant 16384 : i32
    %add3A_13 = arith.addi %mul3A_8, %add3A_12 : i32
    %dma_start3A_14 = tpu.memref_slice %arg2[%add3A_13] : memref<16777216xf32, #tpu.memory_space<hbm>> -> memref<16384xf32, #tpu.memory_space<hbm>>
    %dma_start3A_15 = tpu.memref_slice %arg2[%add3A_13] : memref<16777216xf32, #tpu.memory_space<hbm>> -> memref<16384xf32, #tpu.memory_space<hbm>>
    tpu.enqueue_dma source(%dma_start3A_15 : memref<16384xf32, #tpu.memory_space<hbm>>) target(%arg6 : memref<16384xf32, #tpu.memory_space<vmem>>) target_semaphore(%arg10 : memref<!tpu.dma_semaphore, #tpu.memory_space<semaphore_mem>>)
    %scan3A = arith.constant 0 : i32
    %scan3A_16 = arith.constant 0 : i32
    %scan3A_17 = arith.constant 16 : i32
    %scan3A_18 = arith.addi %scan3A_16, %scan3A_17 : i32
    %scan3A_19 = arith.constant 1 : i32
    scf.for %scan3A_24 = %scan3A_16 to %scan3A_18 step %scan3A_19  : i32 {
      %mul3A_25 = arith.constant 2 : i32
      %mul3A_26 = arith.muli %mul3A_25, %scan3A_24 : i32
      %mul3A_27 = arith.constant 16384 : i32
      %mul3A_28 = arith.muli %mul3A_26, %mul3A_27 : i32
      %add3A_29 = arith.addi %mul3A_8, %mul3A_28 : i32
      %dma_wait3A = tpu.memref_slice %arg2[%add3A_29] : memref<16777216xf32, #tpu.memory_space<hbm>> -> memref<16384xf32, #tpu.memory_space<hbm>>
      %dma_wait3A_30 = tpu.memref_slice %arg2[%add3A_29] : memref<16777216xf32, #tpu.memory_space<hbm>> -> memref<16384xf32, #tpu.memory_space<hbm>>
      tpu.wait_dma2 semaphore(%arg9 : memref<!tpu.dma_semaphore, #tpu.memory_space<semaphore_mem>>) src(%dma_wait3A_30 : memref<16384xf32, #tpu.memory_space<hbm>>) dst(%arg5 : memref<16384xf32, #tpu.memory_space<vmem>>)
      %parallel_loop3A_31 = arith.constant 0 : i32
      %parallel_loop3A_32 = arith.constant 1024 : i32
      %parallel_loop3A_33 = arith.constant 1 : i32
      scf.for %parallel_loop3A_55 = %parallel_loop3A_31 to %parallel_loop3A_32 step %parallel_loop3A_33  : i32 {
        %parallel_loop3A_56 = arith.constant 16 : i32
        %parallel_loop3A_57 = arith.muli %parallel_loop3A_55, %parallel_loop3A_56 : i32
        %parallel_loop3A_58 = arith.index_cast %parallel_loop3A_57 : i32 to index
        %parallel_loop3A_59 = tpu.vector_load %arg5[%parallel_loop3A_58] {strides = array<i32>} : memref<16384xf32, #tpu.memory_space<vmem>>, vector<16xf32>,
        %parallel_loop3A_60 = vector.bitcast %parallel_loop3A_59 : vector<16xf32> to vector<16xi32>
        %parallel_loop3A_61 = arith.constant -2147483648 : i32
        %parallel_loop3A_62 = vector.broadcast %parallel_loop3A_61 : i32 to vector<16xi32>
        %parallel_loop3A_63 = arith.subi %parallel_loop3A_62, %parallel_loop3A_60 : vector<16xi32>
        %parallel_loop3A_64 = arith.constant 0 : i32
        %parallel_loop3A_65 = vector.broadcast %parallel_loop3A_64 : i32 to vector<16xi32>
        %parallel_loop3A_66 = arith.cmpi slt, %parallel_loop3A_60, %parallel_loop3A_65 : vector<16xi32>
        %parallel_loop3A_67 = arith.select %parallel_loop3A_66, %parallel_loop3A_63, %parallel_loop3A_60 : vector<16xi1>, vector<16xi32>
        %parallel_loop3A_68 = arith.constant -2147483648 : i32
        %parallel_loop3A_69 = vector.broadcast %parallel_loop3A_68 : i32 to vector<16xi32>
        %parallel_loop3A_70 = arith.xori %parallel_loop3A_67, %parallel_loop3A_69 : vector<16xi32>
        %parallel_loop3A_71 = arith.constant 20 : i32
        %parallel_loop3A_72 = vector.broadcast %parallel_loop3A_71 : i32 to vector<16xi32>
        %parallel_loop3A_73 = arith.shrui %parallel_loop3A_70, %parallel_loop3A_72 : vector<16xi32>
        %parallel_loop3A_74 = arith.constant 16 : i32
        %parallel_loop3A_75 = vector.broadcast %parallel_loop3A_74 : i32 to vector<16xi32>
        %parallel_loop3A_76 = arith.muli %parallel_loop3A_73, %parallel_loop3A_75 : vector<16xi32>
        %parallel_loop3A_77 = arith.addi %parallel_loop3A_76, %iota3A : vector<16xi32>
        tpu.vector_store_idx %arg11[%parallel_loop3A_77], %broadcast_in_dim3A_1 {add = true} : memref<65536xi32, #tpu.memory_space<vmem>>[vector<16xi32>], vector<16xi32>,
      } {sc.loop_unroll_factor = 4 : i64, sc.parallel_access}
      %add3A_34 = arith.constant 2 : i32
      %add3A_35 = arith.addi %mul3A_26, %add3A_34 : i32
      %lt3A = arith.constant 32 : i32
      %lt3A_36 = arith.cmpi slt, %add3A_35, %lt3A : i32
      %convert_element_type3A = arith.extui %lt3A_36 : i1 to i32
      %cond3A = arith.constant 0 : i32
      %cond3A_37 = arith.cmpi ne, %convert_element_type3A, %cond3A : i32
      scf.if %cond3A_37 {
        %add3A_55 = arith.constant 2 : i32
        %add3A_56 = arith.addi %mul3A_26, %add3A_55 : i32
        %mul3A_57 = arith.constant 16384 : i32
        %mul3A_58 = arith.muli %add3A_56, %mul3A_57 : i32
        %add3A_59 = arith.addi %mul3A_8, %mul3A_58 : i32
        %dma_start3A_60 = tpu.memref_slice %arg2[%add3A_59] : memref<16777216xf32, #tpu.memory_space<hbm>> -> memref<16384xf32, #tpu.memory_space<hbm>>
        %dma_start3A_61 = tpu.memref_slice %arg2[%add3A_59] : memref<16777216xf32, #tpu.memory_space<hbm>> -> memref<16384xf32, #tpu.memory_space<hbm>>
        tpu.enqueue_dma source(%dma_start3A_61 : memref<16384xf32, #tpu.memory_space<hbm>>) target(%arg5 : memref<16384xf32, #tpu.memory_space<vmem>>) target_semaphore(%arg9 : memref<!tpu.dma_semaphore, #tpu.memory_space<semaphore_mem>>)
      } else {
      }
      %add3A_38 = arith.constant 1 : i32
      %add3A_39 = arith.addi %mul3A_26, %add3A_38 : i32
      %mul3A_40 = arith.constant 16384 : i32
      %mul3A_41 = arith.muli %add3A_39, %mul3A_40 : i32
      %add3A_42 = arith.addi %mul3A_8, %mul3A_41 : i32
      %dma_wait3A_43 = tpu.memref_slice %arg2[%add3A_42] : memref<16777216xf32, #tpu.memory_space<hbm>> -> memref<16384xf32, #tpu.memory_space<hbm>>
      %dma_wait3A_44 = tpu.memref_slice %arg2[%add3A_42] : memref<16777216xf32, #tpu.memory_space<hbm>> -> memref<16384xf32, #tpu.memory_space<hbm>>
      tpu.wait_dma2 semaphore(%arg10 : memref<!tpu.dma_semaphore, #tpu.memory_space<semaphore_mem>>) src(%dma_wait3A_44 : memref<16384xf32, #tpu.memory_space<hbm>>) dst(%arg6 : memref<16384xf32, #tpu.memory_space<vmem>>)
      %parallel_loop3A_45 = arith.constant 0 : i32
      %parallel_loop3A_46 = arith.constant 1024 : i32
      %parallel_loop3A_47 = arith.constant 1 : i32
      scf.for %parallel_loop3A_55 = %parallel_loop3A_45 to %parallel_loop3A_46 step %parallel_loop3A_47  : i32 {
        %parallel_loop3A_56 = arith.constant 16 : i32
        %parallel_loop3A_57 = arith.muli %parallel_loop3A_55, %parallel_loop3A_56 : i32
        %parallel_loop3A_58 = arith.index_cast %parallel_loop3A_57 : i32 to index
        %parallel_loop3A_59 = tpu.vector_load %arg6[%parallel_loop3A_58] {strides = array<i32>} : memref<16384xf32, #tpu.memory_space<vmem>>, vector<16xf32>,
        %parallel_loop3A_60 = vector.bitcast %parallel_loop3A_59 : vector<16xf32> to vector<16xi32>
        %parallel_loop3A_61 = arith.constant -2147483648 : i32
        %parallel_loop3A_62 = vector.broadcast %parallel_loop3A_61 : i32 to vector<16xi32>
        %parallel_loop3A_63 = arith.subi %parallel_loop3A_62, %parallel_loop3A_60 : vector<16xi32>
        %parallel_loop3A_64 = arith.constant 0 : i32
        %parallel_loop3A_65 = vector.broadcast %parallel_loop3A_64 : i32 to vector<16xi32>
        %parallel_loop3A_66 = arith.cmpi slt, %parallel_loop3A_60, %parallel_loop3A_65 : vector<16xi32>
        %parallel_loop3A_67 = arith.select %parallel_loop3A_66, %parallel_loop3A_63, %parallel_loop3A_60 : vector<16xi1>, vector<16xi32>
        %parallel_loop3A_68 = arith.constant -2147483648 : i32
        %parallel_loop3A_69 = vector.broadcast %parallel_loop3A_68 : i32 to vector<16xi32>
        %parallel_loop3A_70 = arith.xori %parallel_loop3A_67, %parallel_loop3A_69 : vector<16xi32>
        %parallel_loop3A_71 = arith.constant 20 : i32
        %parallel_loop3A_72 = vector.broadcast %parallel_loop3A_71 : i32 to vector<16xi32>
        %parallel_loop3A_73 = arith.shrui %parallel_loop3A_70, %parallel_loop3A_72 : vector<16xi32>
        %parallel_loop3A_74 = arith.constant 16 : i32
        %parallel_loop3A_75 = vector.broadcast %parallel_loop3A_74 : i32 to vector<16xi32>
        %parallel_loop3A_76 = arith.muli %parallel_loop3A_73, %parallel_loop3A_75 : vector<16xi32>
        %parallel_loop3A_77 = arith.addi %parallel_loop3A_76, %iota3A : vector<16xi32>
        tpu.vector_store_idx %arg11[%parallel_loop3A_77], %broadcast_in_dim3A_1 {add = true} : memref<65536xi32, #tpu.memory_space<vmem>>[vector<16xi32>], vector<16xi32>,
      } {sc.loop_unroll_factor = 4 : i64, sc.parallel_access}
      %add3A_48 = arith.constant 3 : i32
      %add3A_49 = arith.addi %mul3A_26, %add3A_48 : i32
      %lt3A_50 = arith.constant 32 : i32
      %lt3A_51 = arith.cmpi slt, %add3A_49, %lt3A_50 : i32
      %convert_element_type3A_52 = arith.extui %lt3A_51 : i1 to i32
      %cond3A_53 = arith.constant 0 : i32
      %cond3A_54 = arith.cmpi ne, %convert_element_type3A_52, %cond3A_53 : i32
      scf.if %cond3A_54 {
        %add3A_55 = arith.constant 3 : i32
        %add3A_56 = arith.addi %mul3A_26, %add3A_55 : i32
        %mul3A_57 = arith.constant 16384 : i32
        %mul3A_58 = arith.muli %add3A_56, %mul3A_57 : i32
        %add3A_59 = arith.addi %mul3A_8, %mul3A_58 : i32
        %dma_start3A_60 = tpu.memref_slice %arg2[%add3A_59] : memref<16777216xf32, #tpu.memory_space<hbm>> -> memref<16384xf32, #tpu.memory_space<hbm>>
        %dma_start3A_61 = tpu.memref_slice %arg2[%add3A_59] : memref<16777216xf32, #tpu.memory_space<hbm>> -> memref<16384xf32, #tpu.memory_space<hbm>>
        tpu.enqueue_dma source(%dma_start3A_61 : memref<16384xf32, #tpu.memory_space<hbm>>) target(%arg6 : memref<16384xf32, #tpu.memory_space<vmem>>) target_semaphore(%arg10 : memref<!tpu.dma_semaphore, #tpu.memory_space<semaphore_mem>>)
      } else {
      }
    }
    %scan3A_20 = arith.constant 16 : i32
    %parallel_loop3A_21 = arith.constant 0 : i32
    %parallel_loop3A_22 = arith.constant 256 : i32
    %parallel_loop3A_23 = arith.constant 1 : i32
    scf.for %parallel_loop3A_24 = %parallel_loop3A_21 to %parallel_loop3A_22 step %parallel_loop3A_23  : i32 {
      %parallel_loop3A_25 = arith.constant 16 : i32
      %parallel_loop3A_26 = arith.muli %parallel_loop3A_24, %parallel_loop3A_25 : i32
      %parallel_loop3A_27 = vector.broadcast %parallel_loop3A_26 : i32 to vector<16xi32>
      %parallel_loop3A_28 = arith.addi %parallel_loop3A_27, %iota3A : vector<16xi32>
      %parallel_loop3A_29 = arith.constant 16 : i32
      %parallel_loop3A_30 = vector.broadcast %parallel_loop3A_29 : i32 to vector<16xi32>
      %parallel_loop3A_31 = arith.muli %parallel_loop3A_28, %parallel_loop3A_30 : vector<16xi32>
      %parallel_loop3A_32 = arith.constant 0 : i32
      %parallel_loop3A_33 = vector.broadcast %parallel_loop3A_32 : i32 to vector<16xi32>
      %parallel_loop3A_34 = arith.constant 0 : i32
      %parallel_loop3A_35 = vector.broadcast %parallel_loop3A_34 : i32 to vector<16xi32>
      %parallel_loop3A_36 = arith.addi %parallel_loop3A_31, %parallel_loop3A_35 : vector<16xi32>
      %parallel_loop3A_37 = tpu.vector_load_idx %arg11[%parallel_loop3A_36] : memref<65536xi32, #tpu.memory_space<vmem>>[vector<16xi32>], vector<16xi32>,
      %parallel_loop3A_38 = arith.addi %parallel_loop3A_33, %parallel_loop3A_37 : vector<16xi32>
      %parallel_loop3A_39 = arith.constant 1 : i32
      %parallel_loop3A_40 = vector.broadcast %parallel_loop3A_39 : i32 to vector<16xi32>
      %parallel_loop3A_41 = arith.addi %parallel_loop3A_31, %parallel_loop3A_40 : vector<16xi32>
      %parallel_loop3A_42 = tpu.vector_load_idx %arg11[%parallel_loop3A_41] : memref<65536xi32, #tpu.memory_space<vmem>>[vector<16xi32>], vector<16xi32>,
      %parallel_loop3A_43 = arith.addi %parallel_loop3A_38, %parallel_loop3A_42 : vector<16xi32>
      %parallel_loop3A_44 = arith.constant 2 : i32
      %parallel_loop3A_45 = vector.broadcast %parallel_loop3A_44 : i32 to vector<16xi32>
      %parallel_loop3A_46 = arith.addi %parallel_loop3A_31, %parallel_loop3A_45 : vector<16xi32>
      %parallel_loop3A_47 = tpu.vector_load_idx %arg11[%parallel_loop3A_46] : memref<65536xi32, #tpu.memory_space<vmem>>[vector<16xi32>], vector<16xi32>,
      %parallel_loop3A_48 = arith.addi %parallel_loop3A_43, %parallel_loop3A_47 : vector<16xi32>
      %parallel_loop3A_49 = arith.constant 3 : i32
      %parallel_loop3A_50 = vector.broadcast %parallel_loop3A_49 : i32 to vector<16xi32>
      %parallel_loop3A_51 = arith.addi %parallel_loop3A_31, %parallel_loop3A_50 : vector<16xi32>
      %parallel_loop3A_52 = tpu.vector_load_idx %arg11[%parallel_loop3A_51] : memref<65536xi32, #tpu.memory_space<vmem>>[vector<16xi32>], vector<16xi32>,
      %parallel_loop3A_53 = arith.addi %parallel_loop3A_48, %parallel_loop3A_52 : vector<16xi32>
      %parallel_loop3A_54 = arith.constant 4 : i32
      %parallel_loop3A_55 = vector.broadcast %parallel_loop3A_54 : i32 to vector<16xi32>
      %parallel_loop3A_56 = arith.addi %parallel_loop3A_31, %parallel_loop3A_55 : vector<16xi32>
      %parallel_loop3A_57 = tpu.vector_load_idx %arg11[%parallel_loop3A_56] : memref<65536xi32, #tpu.memory_space<vmem>>[vector<16xi32>], vector<16xi32>,
      %parallel_loop3A_58 = arith.addi %parallel_loop3A_53, %parallel_loop3A_57 : vector<16xi32>
      %parallel_loop3A_59 = arith.constant 5 : i32
      %parallel_loop3A_60 = vector.broadcast %parallel_loop3A_59 : i32 to vector<16xi32>
      %parallel_loop3A_61 = arith.addi %parallel_loop3A_31, %parallel_loop3A_60 : vector<16xi32>
      %parallel_loop3A_62 = tpu.vector_load_idx %arg11[%parallel_loop3A_61] : memref<65536xi32, #tpu.memory_space<vmem>>[vector<16xi32>], vector<16xi32>,
      %parallel_loop3A_63 = arith.addi %parallel_loop3A_58, %parallel_loop3A_62 : vector<16xi32>
      %parallel_loop3A_64 = arith.constant 6 : i32
      %parallel_loop3A_65 = vector.broadcast %parallel_loop3A_64 : i32 to vector<16xi32>
      %parallel_loop3A_66 = arith.addi %parallel_loop3A_31, %parallel_loop3A_65 : vector<16xi32>
      %parallel_loop3A_67 = tpu.vector_load_idx %arg11[%parallel_loop3A_66] : memref<65536xi32, #tpu.memory_space<vmem>>[vector<16xi32>], vector<16xi32>,
      %parallel_loop3A_68 = arith.addi %parallel_loop3A_63, %parallel_loop3A_67 : vector<16xi32>
      %parallel_loop3A_69 = arith.constant 7 : i32
      %parallel_loop3A_70 = vector.broadcast %parallel_loop3A_69 : i32 to vector<16xi32>
      %parallel_loop3A_71 = arith.addi %parallel_loop3A_31, %parallel_loop3A_70 : vector<16xi32>
      %parallel_loop3A_72 = tpu.vector_load_idx %arg11[%parallel_loop3A_71] : memref<65536xi32, #tpu.memory_space<vmem>>[vector<16xi32>], vector<16xi32>,
      %parallel_loop3A_73 = arith.addi %parallel_loop3A_68, %parallel_loop3A_72 : vector<16xi32>
      %parallel_loop3A_74 = arith.constant 8 : i32
      %parallel_loop3A_75 = vector.broadcast %parallel_loop3A_74 : i32 to vector<16xi32>
      %parallel_loop3A_76 = arith.addi %parallel_loop3A_31, %parallel_loop3A_75 : vector<16xi32>
      %parallel_loop3A_77 = tpu.vector_load_idx %arg11[%parallel_loop3A_76] : memref<65536xi32, #tpu.memory_space<vmem>>[vector<16xi32>], vector<16xi32>,
      %parallel_loop3A_78 = arith.addi %parallel_loop3A_73, %parallel_loop3A_77 : vector<16xi32>
      %parallel_loop3A_79 = arith.constant 9 : i32
      %parallel_loop3A_80 = vector.broadcast %parallel_loop3A_79 : i32 to vector<16xi32>
      %parallel_loop3A_81 = arith.addi %parallel_loop3A_31, %parallel_loop3A_80 : vector<16xi32>
      %parallel_loop3A_82 = tpu.vector_load_idx %arg11[%parallel_loop3A_81] : memref<65536xi32, #tpu.memory_space<vmem>>[vector<16xi32>], vector<16xi32>,
      %parallel_loop3A_83 = arith.addi %parallel_loop3A_78, %parallel_loop3A_82 : vector<16xi32>
      %parallel_loop3A_84 = arith.constant 10 : i32
      %parallel_loop3A_85 = vector.broadcast %parallel_loop3A_84 : i32 to vector<16xi32>
      %parallel_loop3A_86 = arith.addi %parallel_loop3A_31, %parallel_loop3A_85 : vector<16xi32>
      %parallel_loop3A_87 = tpu.vector_load_idx %arg11[%parallel_loop3A_86] : memref<65536xi32, #tpu.memory_space<vmem>>[vector<16xi32>], vector<16xi32>,
      %parallel_loop3A_88 = arith.addi %parallel_loop3A_83, %parallel_loop3A_87 : vector<16xi32>
      %parallel_loop3A_89 = arith.constant 11 : i32
      %parallel_loop3A_90 = vector.broadcast %parallel_loop3A_89 : i32 to vector<16xi32>
      %parallel_loop3A_91 = arith.addi %parallel_loop3A_31, %parallel_loop3A_90 : vector<16xi32>
      %parallel_loop3A_92 = tpu.vector_load_idx %arg11[%parallel_loop3A_91] : memref<65536xi32, #tpu.memory_space<vmem>>[vector<16xi32>], vector<16xi32>,
      %parallel_loop3A_93 = arith.addi %parallel_loop3A_88, %parallel_loop3A_92 : vector<16xi32>
      %parallel_loop3A_94 = arith.constant 12 : i32
      %parallel_loop3A_95 = vector.broadcast %parallel_loop3A_94 : i32 to vector<16xi32>
      %parallel_loop3A_96 = arith.addi %parallel_loop3A_31, %parallel_loop3A_95 : vector<16xi32>
      %parallel_loop3A_97 = tpu.vector_load_idx %arg11[%parallel_loop3A_96] : memref<65536xi32, #tpu.memory_space<vmem>>[vector<16xi32>], vector<16xi32>,
      %parallel_loop3A_98 = arith.addi %parallel_loop3A_93, %parallel_loop3A_97 : vector<16xi32>
      %parallel_loop3A_99 = arith.constant 13 : i32
      %parallel_loop3A_100 = vector.broadcast %parallel_loop3A_99 : i32 to vector<16xi32>
      %parallel_loop3A_101 = arith.addi %parallel_loop3A_31, %parallel_loop3A_100 : vector<16xi32>
      %parallel_loop3A_102 = tpu.vector_load_idx %arg11[%parallel_loop3A_101] : memref<65536xi32, #tpu.memory_space<vmem>>[vector<16xi32>], vector<16xi32>,
      %parallel_loop3A_103 = arith.addi %parallel_loop3A_98, %parallel_loop3A_102 : vector<16xi32>
      %parallel_loop3A_104 = arith.constant 14 : i32
      %parallel_loop3A_105 = vector.broadcast %parallel_loop3A_104 : i32 to vector<16xi32>
      %parallel_loop3A_106 = arith.addi %parallel_loop3A_31, %parallel_loop3A_105 : vector<16xi32>
      %parallel_loop3A_107 = tpu.vector_load_idx %arg11[%parallel_loop3A_106] : memref<65536xi32, #tpu.memory_space<vmem>>[vector<16xi32>], vector<16xi32>,
      %parallel_loop3A_108 = arith.addi %parallel_loop3A_103, %parallel_loop3A_107 : vector<16xi32>
      %parallel_loop3A_109 = arith.constant 15 : i32
      %parallel_loop3A_110 = vector.broadcast %parallel_loop3A_109 : i32 to vector<16xi32>
      %parallel_loop3A_111 = arith.addi %parallel_loop3A_31, %parallel_loop3A_110 : vector<16xi32>
      %parallel_loop3A_112 = tpu.vector_load_idx %arg11[%parallel_loop3A_111] : memref<65536xi32, #tpu.memory_space<vmem>>[vector<16xi32>], vector<16xi32>,
      %parallel_loop3A_113 = arith.addi %parallel_loop3A_108, %parallel_loop3A_112 : vector<16xi32>
      %parallel_loop3A_114 = arith.constant 16 : i32
      %parallel_loop3A_115 = arith.muli %parallel_loop3A_24, %parallel_loop3A_114 : i32
      %parallel_loop3A_116 = arith.constant 0 : i32
      %parallel_loop3A_117 = arith.addi %parallel_loop3A_116, %parallel_loop3A_115 : i32
      %parallel_loop3A_118 = arith.index_cast %parallel_loop3A_117 : i32 to index
      %parallel_loop3A_119 = tpu.vector_load %arg8[%parallel_loop3A_118] {strides = array<i32>} : memref<4096xi32, #tpu.memory_space<vmem>>, vector<16xi32>,
      tpu.vector_store %arg8[%parallel_loop3A_118], %parallel_loop3A_113 {strides = array<i32>} : memref<4096xi32, #tpu.memory_space<vmem>>, vector<16xi32>,
    } {sc.loop_unroll_factor = 2 : i64, sc.parallel_access}
    "tpu.region"() ({
      %run_scoped3A = tpu.sem_alloc : memref<!tpu.dma_semaphore, #tpu.memory_space<semaphore_mem>>
      %dma_start3A_24 = arith.constant 0 : i32
      %dma_start3A_25 = tpu.memref_slice %arg4[%add3A, %dma_start3A_24] : memref<32x4096xi32, #tpu.memory_space<hbm>> -> memref<1x4096xi32, #tpu.memory_space<hbm>>
      %dma_start3A_26 = tpu.memref_squeeze %dma_start3A_25 : memref<1x4096xi32, #tpu.memory_space<hbm>> -> memref<4096xi32, #tpu.memory_space<hbm>>
      %dma_start3A_27 = arith.constant 0 : i32
      %dma_start3A_28 = tpu.memref_slice %arg4[%add3A, %dma_start3A_27] : memref<32x4096xi32, #tpu.memory_space<hbm>> -> memref<1x4096xi32, #tpu.memory_space<hbm>>
      %dma_start3A_29 = tpu.memref_squeeze %dma_start3A_28 : memref<1x4096xi32, #tpu.memory_space<hbm>> -> memref<4096xi32, #tpu.memory_space<hbm>>
      tpu.enqueue_dma source(%arg8 : memref<4096xi32, #tpu.memory_space<vmem>>) target(%dma_start3A_29 : memref<4096xi32, #tpu.memory_space<hbm>>) target_semaphore(%run_scoped3A : memref<!tpu.dma_semaphore, #tpu.memory_space<semaphore_mem>>)
      %dma_wait3A = arith.constant 0 : i32
      %dma_wait3A_30 = tpu.memref_slice %arg4[%add3A, %dma_wait3A] : memref<32x4096xi32, #tpu.memory_space<hbm>> -> memref<1x4096xi32, #tpu.memory_space<hbm>>
      %dma_wait3A_31 = tpu.memref_squeeze %dma_wait3A_30 : memref<1x4096xi32, #tpu.memory_space<hbm>> -> memref<4096xi32, #tpu.memory_space<hbm>>
      %dma_wait3A_32 = arith.constant 0 : i32
      %dma_wait3A_33 = tpu.memref_slice %arg4[%add3A, %dma_wait3A_32] : memref<32x4096xi32, #tpu.memory_space<hbm>> -> memref<1x4096xi32, #tpu.memory_space<hbm>>
      %dma_wait3A_34 = tpu.memref_squeeze %dma_wait3A_33 : memref<1x4096xi32, #tpu.memory_space<hbm>> -> memref<4096xi32, #tpu.memory_space<hbm>>
      tpu.wait_dma2 semaphore(%run_scoped3A : memref<!tpu.dma_semaphore, #tpu.memory_space<semaphore_mem>>) src(%arg8 : memref<4096xi32, #tpu.memory_space<vmem>>) dst(%dma_wait3A_34 : memref<4096xi32, #tpu.memory_space<hbm>>)
      tpu.yield
    }) : () -> ()
    return
  }
}

</mosaic_0001>

<sc_bundles>
// kernel: kernel.11.cloned.1.call-start
scs
__scs_entry_jumppad:
0x0: {  	(pc) =	sbr.rel $0x88, $3  }
0x1: {  	(tag) =	ssettag $0x0;
	lr =	simm.s32 $0x1  }
0x2: {  	[smem:$0x3F9F] =	sst lr;
	_ =	strace $0xD0000000  }
0x3: {  	_ = 	snop  }
0x4: {  	_ = 	snop  }
0x5: {  	_ = 	snop  }
0x6: {  	_ = 	snop  }
0x7: {  	_ = 	snop  }
__scs_overlays_trampoline_lowered:
0x8: {  	[smem:$0x3FAE] =	sst s0  }
0x9: {  	[smem:$0x3FAF] =	sst s1  }
0xa: {  	[smem:$0x3FB0] =	sst s2  }
0xb: {  	[smem:$0x3FB1] =	sst s3  }
0xc: {  	[smem:$0x3FB2] =	sst s4  }
0xd: {  	[smem:$0x3FB3] =	sst s5  }
0xe: {  	[smem:$0x3FB4] =	sst s6  }
0xf: {  	[smem:$0x3FB5] =	sst s7  }
0x10: {  	[smem:$0x3FB6] =	sst s8  }
0x11: {  	[smem:$0x3FB7] =	sst s9;
	s0 =	simm.s32 @!p0 $0x0  }
0x12: {  	s1 =	sld [smem:$0x3F9D];
	s0 =	simm.s32 @p0 $0x1  }
0x13: {  	[smem:$0x3FB8] =	sst s0;
	s0 =	simm.s32 @!p1 $0x0  }
0x14: {  	s2 =	sld [smem:$0x3F9C];
	s0 =	simm.s32 @p1 $0x1  }
0x15: {  	[smem:$0x3FB9] =	sst s0;
	s0 =	simm.s32 @!p2 $0x0  }
0x16: {  	s3 =	sld [smem:$0x3FDB];
	s0 =	simm.s32 @p2 $0x1  }
0x17: {  	s4 =	simm.s32 $0x1BF5;
	[smem:$0x3FBB] =	sst s0  }
0x18: {  	s0 =	sld [smem:$0x3F9E];
	_ =	swait.ge [sflag:s4], $0x0  }
0x19: {  	s7 =	sld [smem:$0x3F9F]  }
0x1a: {  	s8 =	sadd.s32 $0xFFFFE003, lr  }
0x1b: {  	s9 =	sadd.s32 $0xFFFFFEF7, lr;
	s5 =	simm.s32 $0xFFFFFFFF;
	p2 =	slt.u32 s8, $0xFFFFF086  }
0x1c: {  	p1 =	slt.u32 s9, $0xF7A;
	s5 =	simm.s32 @!p2 $0x0  }
0x1d: {  	s5 =	simm.s32 @p1 $0x1;
	p0 =	seq.s32 s7, s2  }
0x1e: {  	s7 =	smul.u32 @!p0 $0xF7A, s2;
	p2 =	seq.s32 @!p0 s5, $0x0  }
0x1f: {  	s9 =	smul.u32 $0xF7A, s1;
	s8 =	simm.s32 @!p0 $0x1BF5;
	p2 =	por !p2, p0  }
0x20: {  	[sflag:s8] =	ssyncset.s32 @!p0 $0xFFFFF086;
	s6 =	sadd.s32 @!p0 s3, s7;
	s7 =	simm.s32 @!p0 $0x108  }
0x21: {  	s3 =	sadd.s32 s3, s9;
	s6 =	sadd.s32 @!p0 $0x88, s6;
	s7 =	simm.s32 @p2 $0x1082  }
0x22: {  	[simem:s7], [sflag:s8] =	dma.local @!p0 [hbm:s6], $0xF7A  }
0x23: {  	s9 =	sor.u32 $0xD0000000, s2;
	s6 =	simm.s32 $0x108;
	_ =	swait.ge @!p0 [sflag:s8], $0x0  }
0x24: {  	s3 =	sadd.s32 $0x88, s3;
	s6 =	simm.s32 @!p1 $0x1082;
	[sflag:s4] =	ssyncset.s32 $0xFFFFF086  }
0x25: {  	[simem:s6], [sflag:s4] =	dma.local [hbm:s3], $0xF7A  }
0x26: {  	[smem:$0x3F9F] =	sst s1;
	(tag) =	ssettag s2;
	_ =	strace s9  }
0x27: {  	s1 =	sld [smem:$0x3FAF]  }
0x28: {  	s2 =	sld [smem:$0x3FB0]  }
0x29: {  	s4 =	sld [smem:$0x3FB2]  }
0x2a: {  	p0 =	seq.s32 s5, $0x0;
	s5 =	sld [smem:$0x3FB3]  }
0x2b: {  	s6 =	sld [smem:$0x3FB4]  }
0x2c: {  	s7 =	sld [smem:$0x3FB5]  }
0x2d: {  	s3 =	simm.s32 $0x108;
	s8 =	sld [smem:$0x3FB6]  }
0x2e: {  	s3 =	simm.s32 @!p0 $0x1082;
	s9 =	sld [smem:$0x3FB7]  }
0x2f: {  	lr =	sadd.s32 s0, s3;
	s0 =	sld [smem:$0x3FAE]  }
0x30: {  	s3 =	sld [smem:$0x3FB1]  }
0x31: {  	[smem:$0x3FBA] =	sst s10  }
0x32: {  	s10 =	sld [smem:$0x3FB8];
	_ =	sdelay $0x3  }
0x33: {  	p0 =	seq.s32 s10, $0x1;
	s10 =	sld [smem:$0x3FBA];
	_ =	sdelay $0x3  }
0x34: {  	[smem:$0x3FBA] =	sst s10  }
0x35: {  	s10 =	sld [smem:$0x3FB9];
	_ =	sdelay $0x3  }
0x36: {  	p1 =	seq.s32 s10, $0x1;
	s10 =	sld [smem:$0x3FBA];
	_ =	sdelay $0x3  }
0x37: {  	[smem:$0x3FBA] =	sst s10  }
0x38: {  	s10 =	sld [smem:$0x3FBB]  }
0x39: {  	_ = 	snop;
	(pc) =	sbr.ind lr, $3  }
0x3a: {  	_ = 	snop  }
0x3b: {  	_ = 	snop  }
0x3c: {  	p2 =	seq.s32 s10, $0x1;
	s10 =	sld [smem:$0x3FBA]  }
0x3d: {  	_ =	shalt  }
0x3e: {  	_ =	shalt  }
0x3f: {  	_ =	shalt  }
0x40: {  	_ =	shalt  }
0x41: {  	_ =	shalt  }
0x42: {  	_ =	shalt  }
0x43: {  	_ =	shalt  }
0x44: {  	_ =	shalt  }
0x45: {  	_ =	shalt  }
0x46: {  	_ =	shalt  }
0x47: {  	_ =	shalt  }
0x48: {  	_ =	shalt  }
0x49: {  	_ =	shalt  }
0x4a: {  	_ =	shalt  }
0x4b: {  	_ =	shalt  }
0x4c: {  	_ =	shalt  }
0x4d: {  	_ =	shalt  }
0x4e: {  	_ =	shalt  }
0x4f: {  	_ =	shalt  }
0x50: {  	_ =	shalt  }
0x51: {  	_ =	shalt  }
0x52: {  	_ =	shalt  }
0x53: {  	_ =	shalt  }
0x54: {  	_ =	shalt  }
0x55: {  	_ =	shalt  }
0x56: {  	_ =	shalt  }
0x57: {  	_ =	shalt  }
0x58: {  	_ =	shalt  }
0x59: {  	_ =	shalt  }
0x5a: {  	_ =	shalt  }
0x5b: {  	_ =	shalt  }
0x5c: {  	_ =	shalt  }
0x5d: {  	_ =	shalt  }
0x5e: {  	_ =	shalt  }
0x5f: {  	_ =	shalt  }
0x60: {  	_ =	shalt  }
0x61: {  	_ =	shalt  }
0x62: {  	_ =	shalt  }
0x63: {  	_ =	shalt  }
0x64: {  	_ =	shalt  }
0x65: {  	_ =	shalt  }
0x66: {  	_ =	shalt  }
0x67: {  	_ =	shalt  }
0x68: {  	_ =	shalt  }
0x69: {  	_ =	shalt  }
0x6a: {  	_ =	shalt  }
0x6b: {  	_ =	shalt  }
0x6c: {  	_ =	shalt  }
0x6d: {  	_ =	shalt  }
0x6e: {  	_ =	shalt  }
0x6f: {  	_ =	shalt  }
0x70: {  	_ =	shalt  }
0x71: {  	_ =	shalt  }
0x72: {  	_ =	shalt  }
0x73: {  	_ =	shalt  }
0x74: {  	_ =	shalt  }
0x75: {  	_ =	shalt  }
0x76: {  	_ =	shalt  }
0x77: {  	_ =	shalt  }
0x78: {  	_ =	shalt  }
0x79: {  	_ =	shalt  }
0x7a: {  	_ =	shalt  }
0x7b: {  	_ =	shalt  }
0x7c: {  	_ =	shalt  }
0x7d: {  	_ =	shalt  }
0x7e: {  	_ =	shalt  }
0x7f: {  	_ =	shalt  }
0x80: {  	_ =	shalt  }
0x81: {  	_ =	shalt  }
0x82: {  	_ =	shalt  }
0x83: {  	_ =	shalt  }
0x84: {  	_ =	shalt  }
0x85: {  	_ =	shalt  }
0x86: {  	_ =	shalt  }
0x87: {  	_ =	shalt  }
.Lfunc_end0:
.L_simem_size_0:
called_computation.3_lowered:
.L_overlay_start_0:
0x88: {  	s2 =	sld [smem:$0x3FD9]  }
0x89: {  	s3 =	sld [smem:$0x3FFE];
	_ =	sdelay $0x1  }
0x8a: {  	s1 =	srdreg.scid  }
0x8b: {  	s0 =	sand.u32 $0x1, s1  }
0x8c: {  	s16 =	sshll.u32 s0, $0xA;
	s2 =	sadd.s32 s3, s2  }
0x8d: {  	s2 =	sadd.s32 s2, s16  }
0x8e: {  	[smem:$0x3FC6] =	sst s2  }
0x8f: {  	_ = 	snop  }
0x90: {  	(tm) =	ssettm $0x1  }
0x91: {  	s17 =	sld [smem:$0x3FFB];
	_ =	sdelay $0x3  }
0x92: {  	_ =	strace s17  }
0x93: {  	s2 =	sld [smem:$0x3FFC];
	_ =	sdelay $0x3  }
0x94: {  	_ =	strace s2  }
0x95: {  	s2 =	sld [smem:$0x3FFD];
	_ =	sdelay $0x3  }
0x96: {  	_ =	strace s2  }
0x97: {  	_ =	strace $0x8FFFFFFF  }
0x98: {  	s18 =	sld [smem:$0x3FDB];
	_ =	sdelay $0x1  }
0x99: {  	s19 =	simm.s32 $_scs_section_size  }
0x9a: {  	s4 =	simm.s32 $_size__tile_overlayer_lowered;
	s5 =	simm.s32 $_tile_overlayer_lowered  }
0x9b: {  	s22 =	simm.s32 $0x1BFF;
	s21 =	sshll.u32 s5, $0x1;
	s2 =	sadd.s32 s19, s18  }
0x9c: {  	s6 =	simm.s32 $0x0;
	s20 =	sshll.u32 s4, $0x1;
	s4 =	sadd.s32 s21, s2  }
0x9d: {  	[timem:s6], [sflag:s22] =	dma.local [hbm:s4], s20  }
0x9e: {  	_ =	swait.ge [sflag:s22], s20  }
0x9f: {  	s3 =	ssub.s32 $0x0, s20;
	[sflag:s22] =	ssyncset.done $0x0  }
0xa0: {  	[sflag:s22] =	ssyncadd.s32 s3;
	_ =	sdelay $0x1  }
0xa1: {  	s23 =	simm.s32 $0x1B8B  }
0xa2: {  	_ =	swait.ge [sflag:s23], $0x1  }
0xa3: {  	[sflag:s23] =	ssyncset.done $0x0  }
0xa4: {  	s25 =	simm.s32 $0x1B8E;
	s24 =	sld [smem:$0x3FFE];
	[sflag:s23] =	ssyncadd.s32 $0xFFFFFFFF  }
0xa5: {  	s26 =	simm.s32 $execute0_lowered;
	[smem:$0x3FD2] =	sst s25  }
0xa6: {  	s4 =	sshll.u32 s26, $0x1;
	_ =	strace $0x8000004F;
	[dreg:$0x1] =	wrdreg $0xFFFFFFFF  }
0xa7: {  	s28 =	simm.s32 $_size_execute0_lowered;
	s2 =	sadd.s32 s2, s4;
	[dreg:$0x0] =	wrdreg $0x0  }
0xa8: {  	s4 =	sshll.u32 s28, $0x1;
	[dreg:$0x2] =	wrdreg s2  }
0xa9: {  	[dreg:$0x3] =	wrdreg s4  }
0xaa: {  	[dreg:$0x4] =	wrdreg $0xC0  }
0xab: {  	_ =	task [dreg:s6], $0x5FFFF  }
0xac: {  	[dreg:$0x1] =	wrdreg $0xFFFFFFFF  }
0xad: {  	[dreg:$0x0] =	wrdreg $0x60  }
0xae: {  	[dreg:$0x2] =	wrdreg s24  }
0xaf: {  	[dreg:$0x3] =	wrdreg $0x9  }
0xb0: {  	_ =	task.clear_ibuf [dreg:s6], $0x4FFFF;
	_ =	strace $0x9000004F  }
0xb1: {  	s29 =	simm.s32 $0x9;
	_ =	strace $0x80000051  }
0xb2: {  	_ =	swait.ge [sflag:s29], $0x1  }
0xb3: {  	[sflag:s29] =	ssyncadd.s32 $0xFFFFFFFF  }
0xb4: {  	_ =	strace $0x90000051  }
0xb5: {  	_ =	sfence  }
0xb6: {  	s30 =	sld [smem:$0x0];
	_ =	sdelay $0x2  }
0xb7: {  	s31 =	sshll.u32 s1, $0xD;
	s1 =	sshrl.u32 s1, $0x2  }
0xb8: {  	s3 =	sand.u32 $0x4000, s31;
	s1 =	sadd.s32 s1, s30  }
0xb9: {  	s0 =	sor.u32 s3, s0;
	s1 =	sshll.u32 s1, $0x11  }
0xba: {  	s0 =	sor.u32 s1, s0  }
0xbb: {  	s0 =	sadd.s32 $0x8F2B, s0  }
0xbc: {  	[sflag:s0] =	ssyncadd.remote.s32 $0x1  }
0xbd: {  	_ =	sfence.sel $0xFFFF  }
0xbe: {  	[dreg:$0x0] =	wrdreg $0xFFFFFFFF;
	(pc) =	sbr.abs _section_cstart, $3  }
0xbf: {  	[dreg:$0x1] =	wrdreg $0xFFFFFFFF  }
0xc0: {  	_ =	task.clear_ibuf [dreg:s6], $0x2FFFF;
	_ =	strace $0x9FFFFFFF  }
0xc1: {  	(tm) =	ssettm $0x7FFFFFFF  }
tec
execute0_lowered:
.L_overlay_start_1:
0x0: {  	(tag) =	ssettag $0x1  }
0x1: {  	s1 =	rddreg [dreg:$0x0]  }
0x2: {  	s0 =	rddreg [dreg:$0x1]  }
0x3: {  	s3 =	simm.s32 $0x0;
	s2 =	stileid.u32;
	s5 =	srdreg.scid  }
0x4: {  	s13 =	simm.s32 $0x4000;
	s14 =	simm.s32 $0x1;
	s15 =	simm.s32 $0x9080  }
0x5: {  	s16 =	simm.s32 $0xD080;
	s17 =	simm.s32 $0x11080;
	s18 =	simm.s32 $0x15080  }
0x6: {  	s19 =	simm.s32 $0x2;
	s20 =	simm.s32 $0x80;
	s21 =	simm.s32 $0x400  }
0x7: {  	s22 =	simm.s32 $0x8080;
	s23 =	simm.s32 $0x0;
	[smem:$0x7FF] =	sst s3  }
0x8: {  	s4 =	sadd.s32 $0x200000, s1;
	s6 =	sshll.u32 s2, $0xA;
	s5 =	sand.u32 $0x1, s5  }
0x9: {  	s7 =	sshll.u32 s2, $0x1;
	_ =	strace $0x80000050;
	s6 =	sand.u32 $0x3000, s6  }
0xa: {  	s8 =	ssub.s32 $0x2, s5;
	s7 =	sor.u32 s5, s7;
	s9 =	sadd.s32 s6, s1  }
0xb: {  	s29 =	sshrl.u32 s8, $0x1;
	s30 =	sshll.u32 s7, $0x10;
	s31 =	sshll.u32 s7, $0x4  }
0xc: {  	s11 =	sshll.u32 s7, $0x13;
	s10 =	ssub.s32 s8, s29;
	s5 =	sadd.s32 s1, s30  }
0xd: {  	s12 =	sand.u32 $0x70, s31;
	s7 =	sor.u32 $0x8000, s11;
	s8 =	sor.u32 $0xC000, s11  }
0xe: {  	v0 =	vlaneseq.u32;
	s11 =	simm.s32 $0x8000;
	s6 =	sadd.s32 $0x800, s5;
	s9 =	sadd.s32 s12, s9  }
0xf: {  	v1 =	vimm.s32 $0x0;
	v2 =	vimm.s32 $0x1;
	v3 =	vmul.u32 $0x10, v0;
	s10 =	smax.u32 s10, $0x1;
	s12 =	simm.s32 $0x3;
	s9 =	sadd.s32 $0x200200, s9  }
.LBB2_1:
0x10: {  	s26 =	simm.s32 $0x90C0  }
0x11: {  	[tilespmem:s26+$0x30] =	vst v1  }
0x12: {  	[tilespmem:s26+$0xFFFFFFE0] =	vst v1  }
0x13: {  	[tilespmem:s26+$0xFFFFFFF0] =	vst v1  }
0x14: {  	[tilespmem:s26+$0x0] =	vst v1  }
0x15: {  	[tilespmem:s26+$0xFFFFFFC0] =	vst v1  }
0x16: {  	[tilespmem:s26+$0x10] =	vst v1  }
0x17: {  	[tilespmem:s26+$0x20] =	vst v1  }
0x18: {  	s25 =	simm.s32 $0xD0C0;
	[tilespmem:s26+$0xFFFFFFD0] =	vst v1  }
0x19: {  	[tilespmem:s25+$0x30] =	vst v1  }
0x1a: {  	[tilespmem:s25+$0xFFFFFFC0] =	vst v1  }
0x1b: {  	[tilespmem:s25+$0x10] =	vst v1  }
0x1c: {  	[tilespmem:s25+$0xFFFFFFD0] =	vst v1  }
0x1d: {  	[tilespmem:s25+$0x20] =	vst v1  }
0x1e: {  	[tilespmem:s25+$0x0] =	vst v1  }
0x1f: {  	s24 =	simm.s32 $0x110C0;
	[tilespmem:s25+$0xFFFFFFF0] =	vst v1  }
0x20: {  	[tilespmem:s24+$0x30] =	vst v1  }
0x21: {  	[tilespmem:s24+$0xFFFFFFC0] =	vst v1  }
0x22: {  	[tilespmem:s24+$0x10] =	vst v1  }
0x23: {  	[tilespmem:s24+$0xFFFFFFD0] =	vst v1  }
0x24: {  	[tilespmem:s24+$0x20] =	vst v1  }
0x25: {  	[tilespmem:s24+$0x0] =	vst v1  }
0x26: {  	s28 =	simm.s32 $0x150C0;
	[tilespmem:s24+$0xFFFFFFF0] =	vst v1  }
0x27: {  	[tilespmem:s28+$0x30] =	vst v1  }
0x28: {  	[tilespmem:s28+$0xFFFFFFC0] =	vst v1  }
0x29: {  	[tilespmem:s28+$0x10] =	vst v1  }
0x2a: {  	[tilespmem:s28+$0xFFFFFFD0] =	vst v1  }
0x2b: {  	s29 =	simm.s32 $0x0;
	s30 =	simm.s32 $0x11140;
	s31 =	simm.s32 $0x15140;
	[tilespmem:s28+$0x20] =	vst v1  }
.LBB2_2:
0x2c: {  	s29 =	sadd.s32 $0x8, s29;
	[tilespmem:s25+$0xFFFFFFE0] =	vst v1;
	s26 =	sadd.s32 $0x80, s26;
	s25 =	sadd.s32 $0x80, s25  }
0x2d: {  	[tilespmem:s26+$0x30] =	vst v1;
	p0 =	slt.u32 s29, $0x3F8  }
0x2e: {  	[tilespmem:s25+$0x30] =	vst v1  }
0x2f: {  	[tilespmem:s30+$0x30] =	vst v1  }
0x30: {  	[tilespmem:s28+$0xFFFFFFF0] =	vst v1  }
0x31: {  	[tilespmem:s28+$0x0] =	vst v1  }
0x32: {  	[tilespmem:s24+$0xFFFFFFE0] =	vst v1;
	s24 =	smov.u32 s30  }
0x33: {  	[tilespmem:s28+$0xFFFFFFE0] =	vst v1;
	s28 =	smov.u32 s31  }
0x34: {  	[tilespmem:s31+$0x30] =	vst v1  }
0x35: {  	[tilespmem:s26+$0xFFFFFFE0] =	vst v1  }
0x36: {  	[tilespmem:s26+$0xFFFFFFF0] =	vst v1  }
0x37: {  	[tilespmem:s26+$0x0] =	vst v1  }
0x38: {  	[tilespmem:s26+$0xFFFFFFC0] =	vst v1  }
0x39: {  	[tilespmem:s25+$0xFFFFFFC0] =	vst v1  }
0x3a: {  	[tilespmem:s30+$0xFFFFFFC0] =	vst v1  }
0x3b: {  	[tilespmem:s31+$0xFFFFFFC0] =	vst v1  }
0x3c: {  	[tilespmem:s26+$0x10] =	vst v1  }
0x3d: {  	[tilespmem:s25+$0x10] =	vst v1  }
0x3e: {  	[tilespmem:s30+$0x10] =	vst v1  }
0x3f: {  	[tilespmem:s31+$0x10] =	vst v1  }
0x40: {  	[tilespmem:s26+$0x20] =	vst v1  }
0x41: {  	[tilespmem:s26+$0xFFFFFFD0] =	vst v1  }
0x42: {  	[tilespmem:s25+$0xFFFFFFD0] =	vst v1  }
0x43: {  	[tilespmem:s30+$0xFFFFFFD0] =	vst v1  }
0x44: {  	[tilespmem:s31+$0xFFFFFFD0] =	vst v1  }
0x45: {  	[tilespmem:s25+$0x20] =	vst v1  }
0x46: {  	[tilespmem:s30+$0x20] =	vst v1  }
.Ltmp0:
0x47: {  	[tilespmem:s31+$0x20] =	vst v1;
	(pc) =	sbr.rel @p0 .LBB2_2-.Ltmp0, $4  }
0x48: {  	[tilespmem:s25+$0x0] =	vst v1  }
0x49: {  	[tilespmem:s30+$0x0] =	vst v1  }
0x4a: {  	[tilespmem:s25+$0xFFFFFFF0] =	vst v1  }
0x4b: {  	s31 =	sadd.s32 $0x80, s31;
	s30 =	sadd.s32 $0x80, s30;
	[tilespmem:s24+$0xFFFFFFF0] =	vst v1  }
0x4c: {  	[tilespmem:s25+$0xFFFFFFE0] =	vst v1  }
0x4d: {  	[tilespmem:s28+$0xFFFFFFF0] =	vst v1  }
0x4e: {  	[tilespmem:s28+$0x0] =	vst v1  }
0x4f: {  	[tilespmem:s24+$0xFFFFFFE0] =	vst v1  }
0x50: {  	s24 =	simm.s32 $0x0;
	[tilespmem:s28+$0xFFFFFFE0] =	vst v1  }
0x51: {  	[tilespmem:s11], [sflag:$0x3] =	stream.linear.gather [hbm4b:s4+s24], $0x80, $0x38;
	[tilespmem:$0x19080] =	vst v63  }
0x52: {  	_ =	swait.ge [sflag:s12], $0x80  }
0x53: {  	[sflag:s12] =	ssyncset.done $0x0  }
0x54: {  	[sflag:s12] =	ssyncadd.s32 $0xFFFFFF80  }
0x55: {  	v4 =	vld [tilespmem:$0x8000]  }
0x56: {  	v5 =	vld [tilespmem:$0x8010]  }
0x57: {  	v6 =	vld [tilespmem:$0x8020]  }
0x58: {  	v7 =	vld [tilespmem:$0x8030];
	[tilespmem:s24], [sflag:$0x1] =	stream.linear.gather [hbm4b:s5+s24], $0x4000, $0x38  }
0x59: {  	_ = 	snop  }
0x5a: {  	[tilespmem:s13], [sflag:$0x2] =	stream.linear.gather [hbm4b:s6+s24], $0x4000, $0x38;
	[tilespmem:$0x19080] =	vst v63  }
.LBB2_4:
0x5b: {  	_ =	swait.ge [sflag:s14], $0x4000  }
0x5c: {  	[sflag:s14] =	ssyncset.done $0x0  }
0x5d: {  	s25 =	simm.s32 $0x20;
	[sflag:s14] =	ssyncadd.s32 $0xFFFFC000  }
0x5e: {  	v8 =	vld [tilespmem:s25+$0x0]  }
0x5f: {  	v9 =	vld [tilespmem:s25+$0xFFFFFFE0]  }
0x60: {  	v10 =	vld [tilespmem:s25+$0xFFFFFFF0]  }
0x61: {  	v14 =	vld [tilespmem:s25+$0x10];
	_ =	sdelay $0x2  }
0x62: {  	v11 =	vsub.s32 $0x80000000, v8  }
0x63: {  	vm0 =	vlt.s32 v8, $0x0;
	v13 =	vsub.s32 $0x80000000, v10;
	vm2 =	vlt.s32 v10, $0x0  }
0x64: {  	vm4 =	vlt.s32 v14, $0x0;
	v8 =	vsel vm0, v11, v8;
	v11 =	vsub.s32 $0x80000000, v9  }
0x65: {  	vm0 =	vlt.s32 v9, $0x0;
	v10 =	vsel vm2, v13, v10;
	v12 =	vshrl.u32 v8, $0xA  }
0x66: {  	v8 =	vshll.u32 v8, $0x4;
	v9 =	vsel vm0, v11, v9;
	v13 =	vshrl.u32 v10, $0xA  }
0x67: {  	v10 =	vshll.u32 v10, $0x4;
	v12 =	vxor.u32 $0x200000, v12;
	v8 =	vor.u32 v0, v8  }
0x68: {  	v15 =	vxor.u32 $0x200000, v13;
	vm1 =	veq.s32 v12, v4;
	v11 =	vand.u32 $0x3FFF, v8  }
0x69: {  	v8 =	vshll.u32 v9, $0x4;
	v9 =	vshrl.u32 v9, $0xA;
	vm0 =	veq.s32 v12, v5  }
0x6a: {  	s31 =	simm.s32 $0x60;
	vm2 =	veq.s32 v15, v4;
	v13 =	vxor.u32 $0x200000, v9;
	v9 =	vor.u32 v0, v10  }
0x6b: {  	v17 =	vld [tilespmem:s31+$0x0];
	v10 =	vor.u32 v0, v8;
	v8 =	vand.u32 $0x3FFF, v9;
	v9 =	vsub.s32 $0x80000000, v14  }
0x6c: {  	v19 =	vld [tilespmem:s31+$0xFFFFFFF0];
	vm3 =	veq.s32 v13, v4;
	v9 =	vsel vm4, v9, v14  }
0x6d: {  	vm8 =	veq.s32 v12, v6;
	v16 =	vand.u32 $0x3FFF, v10;
	v10 =	vld [tilespmem:s31+$0xFFFFFFE0];
	v14 =	vshrl.u32 v9, $0xA  }
0x6e: {  	vm4 =	veq.s32 v13, v5;
	v18 =	vxor.u32 $0x200000, v14;
	v14 =	vld [tilespmem:s31+$0x10]  }
0x6f: {  	vm10 =	veq.s32 v12, v7;
	vm5 =	veq.s32 v15, v6;
	v9 =	vshll.u32 v9, $0x4;
	[tilespmem:v11+s15+$0x0] =	vst.idx.add.s32.msk vm1, v2  }
0x70: {  	v12 =	vsub.s32 $0x80000000, v17;
	vm6 =	veq.s32 v13, v6;
	v9 =	vor.u32 v0, v9;
	[tilespmem:v11+s16+$0x0] =	vst.idx.add.s32.msk vm0, v2  }
0x71: {  	vm7 =	veq.s32 v18, v4;
	vm1 =	veq.s32 v15, v5;
	v9 =	vand.u32 $0x3FFF, v9;
	[tilespmem:v8+s15+$0x0] =	vst.idx.add.s32.msk vm2, v2  }
0x72: {  	vm9 =	veq.s32 v18, v5;
	vm2 =	veq.s32 v13, v7;
	vm0 =	vlt.s32 v17, $0x0;
	[tilespmem:v16+s15+$0x0] =	vst.idx.add.s32.msk vm3, v2  }
0x73: {  	v13 =	vsub.s32 $0x80000000, v10;
	vm3 =	veq.s32 v18, v6;
	v12 =	vsel vm0, v12, v17;
	[tilespmem:v11+s17+$0x0] =	vst.idx.add.s32.msk vm8, v2  }
0x74: {  	vm0 =	veq.s32 v18, v7;
	[tilespmem:v16+s16+$0x0] =	vst.idx.add.s32.msk vm4, v2;
	vm4 =	vlt.s32 v10, $0x0;
	v17 =	vshrl.u32 v12, $0xA  }
0x75: {  	[tilespmem:v11+s18+$0x0] =	vst.idx.add.s32.msk vm10, v2;
	v10 =	vsel vm4, v13, v10;
	v13 =	vshll.u32 v12, $0x4;
	v12 =	vxor.u32 $0x200000, v17  }
0x76: {  	[tilespmem:v16+s17+$0x0] =	vst.idx.add.s32.msk vm6, v2;
	vm6 =	vlt.s32 v19, $0x0;
	v17 =	vshll.u32 v10, $0x4;
	v18 =	vor.u32 v0, v13  }
0x77: {  	v10 =	vshrl.u32 v10, $0xA;
	vm4 =	veq.s32 v12, v4;
	[tilespmem:v9+s15+$0x0] =	vst.idx.add.s32.msk vm7, v2;
	vm7 =	veq.s32 v15, v7  }
0x78: {  	v13 =	vxor.u32 $0x200000, v10;
	v10 =	vsub.s32 $0x80000000, v19;
	v15 =	vor.u32 v0, v17;
	[tilespmem:v8+s16+$0x0] =	vst.idx.add.s32.msk vm1, v2  }
0x79: {  	[tilespmem:v9+s16+$0x0] =	vst.idx.add.s32.msk vm9, v2;
	v10 =	vsel vm6, v10, v19;
	vm6 =	veq.s32 v12, v5  }
0x7a: {  	v11 =	vand.u32 $0x3FFF, v18;
	vm1 =	veq.s32 v13, v5;
	[tilespmem:v16+s18+$0x0] =	vst.idx.add.s32.msk vm2, v2;
	vm2 =	veq.s32 v13, v6  }
0x7b: {  	[tilespmem:v9+s17+$0x0] =	vst.idx.add.s32.msk vm3, v2;
	vm3 =	veq.s32 v13, v4;
	v17 =	vshll.u32 v10, $0x4;
	v18 =	vshrl.u32 v10, $0xA  }
0x7c: {  	s26 =	simm.s32 $0xA0;
	s25 =	simm.s32 $0x4;
	[tilespmem:v8+s17+$0x0] =	vst.idx.add.s32.msk vm5, v2;
	v10 =	vand.u32 $0x3FFF, v15;
	v15 =	vxor.u32 $0x200000, v18;
	v16 =	vor.u32 v0, v17  }
.LBB2_5:
0x7d: {  	s25 =	sadd.s32 $0x4, s25;
	vm8 =	veq.s32 v15, v4;
	vm5 =	veq.s32 v15, v5;
	[tilespmem:v8+s18+$0x0] =	vst.idx.add.s32.msk vm7, v2;
	v8 =	vand.u32 $0x3FFF, v16  }
0x7e: {  	v16 =	vsub.s32 $0x80000000, v14;
	vm7 =	vlt.s32 v14, $0x0;
	p0 =	slt.u32 s25, $0x3FC;
	[tilespmem:v9+s18+$0x0] =	vst.idx.add.s32.msk vm0, v2  }
0x7f: {  	v9 =	vsel vm7, v16, v14;
	[tilespmem:v11+s15+$0x0] =	vst.idx.add.s32.msk vm4, v2  }
0x80: {  	v14 =	vshll.u32 v9, $0x4;
	v9 =	vshrl.u32 v9, $0xA;
	v16 =	vld [tilespmem:s26+$0xFFFFFFE0]  }
0x81: {  	v14 =	vor.u32 v0, v14;
	v18 =	vxor.u32 $0x200000, v9;
	v17 =	vld [tilespmem:s26+$0x0]  }
0x82: {  	vm4 =	veq.s32 v18, v4;
	[tilespmem:v11+s16+$0x0] =	vst.idx.add.s32.msk vm6, v2  }
0x83: {  	v9 =	vand.u32 $0x3FFF, v14;
	vm6 =	veq.s32 v18, v5;
	[tilespmem:v8+s15+$0x0] =	vst.idx.add.s32.msk vm8, v2  }
0x84: {  	vm7 =	veq.s32 v12, v6;
	[tilespmem:v10+s15+$0x0] =	vst.idx.add.s32.msk vm3, v2;
	vm3 =	veq.s32 v18, v6  }
0x85: {  	vm10 =	veq.s32 v12, v7;
	vm8 =	veq.s32 v13, v7;
	v19 =	vld [tilespmem:s26+$0xFFFFFFF0]  }
0x86: {  	vm9 =	veq.s32 v15, v6;
	v12 =	vsub.s32 $0x80000000, v17;
	vm0 =	vlt.s32 v17, $0x0;
	v14 =	vld [tilespmem:s26+$0x10]  }
0x87: {  	v12 =	vsel vm0, v12, v17;
	[tilespmem:v10+s16+$0x0] =	vst.idx.add.s32.msk vm1, v2;
	vm0 =	veq.s32 v18, v7  }
0x88: {  	v13 =	vsub.s32 $0x80000000, v16;
	vm1 =	vlt.s32 v16, $0x0;
	v17 =	vshrl.u32 v12, $0xA;
	[tilespmem:v10+s17+$0x0] =	vst.idx.add.s32.msk vm2, v2  }
0x89: {  	v13 =	vsel vm1, v13, v16;
	v16 =	vshll.u32 v12, $0x4;
	v12 =	vxor.u32 $0x200000, v17;
	[tilespmem:v9+s15+$0x0] =	vst.idx.add.s32.msk vm4, v2  }
0x8a: {  	v17 =	vshll.u32 v13, $0x4;
	v13 =	vshrl.u32 v13, $0xA;
	v16 =	vor.u32 v0, v16;
	[tilespmem:v11+s17+$0x0] =	vst.idx.add.s32.msk vm7, v2  }
0x8b: {  	v13 =	vxor.u32 $0x200000, v13;
	vm4 =	veq.s32 v12, v4;
	vm7 =	veq.s32 v15, v7;
	[tilespmem:v11+s18+$0x0] =	vst.idx.add.s32.msk vm10, v2  }
.Ltmp1:
0x8c: {  	v17 =	vor.u32 v0, v17;
	vm1 =	vlt.s32 v19, $0x0;
	v11 =	vsub.s32 $0x80000000, v19;
	[tilespmem:v9+s16+$0x0] =	vst.idx.add.s32.msk vm6, v2;
	(pc) =	sbr.rel @p0 .LBB2_5-.Ltmp1, $4  }
0x8d: {  	v15 =	vsel vm1, v11, v19;
	v11 =	vand.u32 $0x3FFF, v16;
	vm6 =	veq.s32 v12, v5;
	[tilespmem:v9+s17+$0x0] =	vst.idx.add.s32.msk vm3, v2  }
0x8e: {  	vm3 =	veq.s32 v13, v4;
	v16 =	vshll.u32 v15, $0x4;
	v15 =	vshrl.u32 v15, $0xA;
	[tilespmem:v8+s16+$0x0] =	vst.idx.add.s32.msk vm5, v2  }
0x8f: {  	vm1 =	veq.s32 v13, v5;
	v15 =	vxor.u32 $0x200000, v15;
	[tilespmem:v10+s18+$0x0] =	vst.idx.add.s32.msk vm8, v2;
	v10 =	vand.u32 $0x3FFF, v17  }
0x90: {  	s26 =	sadd.s32 $0x40, s26;
	vm2 =	veq.s32 v13, v6;
	v16 =	vor.u32 v0, v16;
	[tilespmem:v8+s17+$0x0] =	vst.idx.add.s32.msk vm9, v2  }
0x91: {  	_ =	sdelay $0x3  }
0x92: {  	vm5 =	veq.s32 v15, v4;
	v17 =	vsub.s32 $0x80000000, v14;
	vm8 =	vlt.s32 v14, $0x0  }
0x93: {  	v16 =	vand.u32 $0x3FFF, v16;
	[tilespmem:v8+s18+$0x0] =	vst.idx.add.s32.msk vm7, v2;
	v14 =	vsel vm8, v17, v14  }
0x94: {  	[tilespmem:v9+s18+$0x0] =	vst.idx.add.s32.msk vm0, v2;
	v8 =	vshrl.u32 v14, $0xA  }
0x95: {  	[tilespmem:v11+s15+$0x0] =	vst.idx.add.s32.msk vm4, v2;
	vm4 =	veq.s32 v12, v6;
	v9 =	vshll.u32 v14, $0x4;
	v8 =	vxor.u32 $0x200000, v8  }
0x96: {  	[tilespmem:v10+s15+$0x0] =	vst.idx.add.s32.msk vm3, v2;
	v9 =	vor.u32 v0, v9;
	vm0 =	veq.s32 v8, v4  }
0x97: {  	[tilespmem:v10+s16+$0x0] =	vst.idx.add.s32.msk vm1, v2;
	vm1 =	veq.s32 v15, v5;
	v9 =	vand.u32 $0x3FFF, v9  }
0x98: {  	[tilespmem:v16+s15+$0x0] =	vst.idx.add.s32.msk vm5, v2;
	vm5 =	veq.s32 v12, v7  }
0x99: {  	[tilespmem:v10+s17+$0x0] =	vst.idx.add.s32.msk vm2, v2;
	vm2 =	veq.s32 v13, v7  }
0x9a: {  	[tilespmem:v11+s16+$0x0] =	vst.idx.add.s32.msk vm6, v2;
	vm6 =	veq.s32 v8, v5  }
0x9b: {  	vm3 =	veq.s32 v8, v6;
	[tilespmem:v11+s17+$0x0] =	vst.idx.add.s32.msk vm4, v2  }
0x9c: {  	[tilespmem:v9+s15+$0x0] =	vst.idx.add.s32.msk vm0, v2;
	vm0 =	veq.s32 v15, v6  }
0x9d: {  	vm4 =	veq.s32 v15, v7;
	[tilespmem:v16+s16+$0x0] =	vst.idx.add.s32.msk vm1, v2  }
0x9e: {  	[tilespmem:v11+s18+$0x0] =	vst.idx.add.s32.msk vm5, v2;
	vm5 =	veq.s32 v8, v7  }
0x9f: {  	[tilespmem:v10+s18+$0x0] =	vst.idx.add.s32.msk vm2, v2  }
0xa0: {  	[tilespmem:v9+s16+$0x0] =	vst.idx.add.s32.msk vm6, v2  }
0xa1: {  	s25 =	sshll.u32 s24, $0xF;
	p0 =	seq.s32 s24, $0xF;
	[tilespmem:v9+s17+$0x0] =	vst.idx.add.s32.msk vm3, v2  }
0xa2: {  	s26 =	sadd.s32 @!p0 s25, s7;
	[tilespmem:v16+s17+$0x0] =	vst.idx.add.s32.msk vm0, v2  }
0xa3: {  	s26 =	sshrl.u32 @!p0 s26, $0x3;
	[tilespmem:v16+s18+$0x0] =	vst.idx.add.s32.msk vm4, v2  }
0xa4: {  	s28 =	simm.s32 @!p0 $0x0;
	s26 =	sadd.s32 @!p0 s1, s26;
	[tilespmem:v9+s18+$0x0] =	vst.idx.add.s32.msk vm5, v2  }
0xa5: {  	[tilespmem:s28], [sflag:$0x1] =	stream.linear.gather @!p0 [hbm4b:s26+s28], $0x4000, $0x38;
	[tilespmem:$0x19080] =	vst v63  }
0xa6: {  	_ =	swait.ge [sflag:s19], $0x4000  }
0xa7: {  	[sflag:s19] =	ssyncset.done $0x0  }
0xa8: {  	s30 =	simm.s32 $0x4020;
	[sflag:s19] =	ssyncadd.s32 $0xFFFFC000  }
0xa9: {  	v8 =	vld [tilespmem:s30+$0x0]  }
0xaa: {  	v9 =	vld [tilespmem:s30+$0xFFFFFFE0]  }
0xab: {  	v10 =	vld [tilespmem:s30+$0xFFFFFFF0]  }
0xac: {  	v14 =	vld [tilespmem:s30+$0x10];
	_ =	sdelay $0x2  }
0xad: {  	v11 =	vsub.s32 $0x80000000, v8  }
0xae: {  	vm0 =	vlt.s32 v8, $0x0;
	v13 =	vsub.s32 $0x80000000, v10;
	vm2 =	vlt.s32 v10, $0x0  }
0xaf: {  	vm4 =	vlt.s32 v14, $0x0;
	v8 =	vsel vm0, v11, v8;
	v11 =	vsub.s32 $0x80000000, v9  }
0xb0: {  	vm0 =	vlt.s32 v9, $0x0;
	v10 =	vsel vm2, v13, v10;
	v12 =	vshrl.u32 v8, $0xA  }
0xb1: {  	v8 =	vshll.u32 v8, $0x4;
	v9 =	vsel vm0, v11, v9;
	v13 =	vshrl.u32 v10, $0xA  }
0xb2: {  	v10 =	vshll.u32 v10, $0x4;
	v12 =	vxor.u32 $0x200000, v12;
	v8 =	vor.u32 v0, v8  }
0xb3: {  	v15 =	vxor.u32 $0x200000, v13;
	vm1 =	veq.s32 v12, v4;
	v11 =	vand.u32 $0x3FFF, v8  }
0xb4: {  	v8 =	vshll.u32 v9, $0x4;
	v9 =	vshrl.u32 v9, $0xA;
	vm0 =	veq.s32 v12, v5  }
0xb5: {  	s31 =	simm.s32 $0x4060;
	vm2 =	veq.s32 v15, v4;
	v13 =	vxor.u32 $0x200000, v9;
	v9 =	vor.u32 v0, v10  }
0xb6: {  	v17 =	vld [tilespmem:s31+$0x0];
	v10 =	vor.u32 v0, v8;
	v8 =	vand.u32 $0x3FFF, v9;
	v9 =	vsub.s32 $0x80000000, v14  }
0xb7: {  	v19 =	vld [tilespmem:s31+$0xFFFFFFF0];
	vm3 =	veq.s32 v13, v4;
	v9 =	vsel vm4, v9, v14  }
0xb8: {  	vm8 =	veq.s32 v12, v6;
	v16 =	vand.u32 $0x3FFF, v10;
	v10 =	vld [tilespmem:s31+$0xFFFFFFE0];
	v14 =	vshrl.u32 v9, $0xA  }
0xb9: {  	vm4 =	veq.s32 v13, v5;
	v18 =	vxor.u32 $0x200000, v14;
	v14 =	vld [tilespmem:s31+$0x10]  }
0xba: {  	vm10 =	veq.s32 v12, v7;
	vm5 =	veq.s32 v15, v6;
	v9 =	vshll.u32 v9, $0x4;
	[tilespmem:v11+s15+$0x0] =	vst.idx.add.s32.msk vm1, v2  }
0xbb: {  	v12 =	vsub.s32 $0x80000000, v17;
	vm6 =	veq.s32 v13, v6;
	v9 =	vor.u32 v0, v9;
	[tilespmem:v11+s16+$0x0] =	vst.idx.add.s32.msk vm0, v2  }
0xbc: {  	vm7 =	veq.s32 v18, v4;
	vm1 =	veq.s32 v15, v5;
	v9 =	vand.u32 $0x3FFF, v9;
	[tilespmem:v8+s15+$0x0] =	vst.idx.add.s32.msk vm2, v2  }
0xbd: {  	vm9 =	veq.s32 v18, v5;
	vm2 =	veq.s32 v13, v7;
	vm0 =	vlt.s32 v17, $0x0;
	[tilespmem:v16+s15+$0x0] =	vst.idx.add.s32.msk vm3, v2  }
0xbe: {  	v13 =	vsub.s32 $0x80000000, v10;
	vm3 =	veq.s32 v18, v6;
	v12 =	vsel vm0, v12, v17;
	[tilespmem:v11+s17+$0x0] =	vst.idx.add.s32.msk vm8, v2  }
0xbf: {  	vm0 =	veq.s32 v18, v7;
	[tilespmem:v16+s16+$0x0] =	vst.idx.add.s32.msk vm4, v2;
	vm4 =	vlt.s32 v10, $0x0;
	v17 =	vshrl.u32 v12, $0xA  }
0xc0: {  	[tilespmem:v11+s18+$0x0] =	vst.idx.add.s32.msk vm10, v2;
	v10 =	vsel vm4, v13, v10;
	v13 =	vshll.u32 v12, $0x4;
	v12 =	vxor.u32 $0x200000, v17  }
0xc1: {  	[tilespmem:v16+s17+$0x0] =	vst.idx.add.s32.msk vm6, v2;
	vm6 =	vlt.s32 v19, $0x0;
	v17 =	vshll.u32 v10, $0x4;
	v18 =	vor.u32 v0, v13  }
0xc2: {  	v10 =	vshrl.u32 v10, $0xA;
	vm4 =	veq.s32 v12, v4;
	[tilespmem:v9+s15+$0x0] =	vst.idx.add.s32.msk vm7, v2;
	vm7 =	veq.s32 v15, v7  }
0xc3: {  	v13 =	vxor.u32 $0x200000, v10;
	v10 =	vsub.s32 $0x80000000, v19;
	v15 =	vor.u32 v0, v17;
	[tilespmem:v8+s16+$0x0] =	vst.idx.add.s32.msk vm1, v2  }
0xc4: {  	[tilespmem:v9+s16+$0x0] =	vst.idx.add.s32.msk vm9, v2;
	v10 =	vsel vm6, v10, v19;
	vm6 =	veq.s32 v12, v5  }
0xc5: {  	v11 =	vand.u32 $0x3FFF, v18;
	vm1 =	veq.s32 v13, v5;
	[tilespmem:v16+s18+$0x0] =	vst.idx.add.s32.msk vm2, v2;
	vm2 =	veq.s32 v13, v6  }
0xc6: {  	[tilespmem:v9+s17+$0x0] =	vst.idx.add.s32.msk vm3, v2;
	vm3 =	veq.s32 v13, v4;
	v17 =	vshll.u32 v10, $0x4;
	v18 =	vshrl.u32 v10, $0xA  }
0xc7: {  	s26 =	simm.s32 $0x4;
	s28 =	simm.s32 $0x40A0;
	[tilespmem:v8+s17+$0x0] =	vst.idx.add.s32.msk vm5, v2;
	v10 =	vand.u32 $0x3FFF, v15;
	v15 =	vxor.u32 $0x200000, v18;
	v16 =	vor.u32 v0, v17  }
.LBB2_7:
0xc8: {  	s26 =	sadd.s32 $0x4, s26;
	vm8 =	veq.s32 v15, v4;
	vm5 =	veq.s32 v15, v5;
	[tilespmem:v8+s18+$0x0] =	vst.idx.add.s32.msk vm7, v2;
	v8 =	vand.u32 $0x3FFF, v16  }
0xc9: {  	v16 =	vsub.s32 $0x80000000, v14;
	vm7 =	vlt.s32 v14, $0x0;
	p1 =	slt.u32 s26, $0x3FC;
	[tilespmem:v9+s18+$0x0] =	vst.idx.add.s32.msk vm0, v2  }
0xca: {  	v9 =	vsel vm7, v16, v14;
	[tilespmem:v11+s15+$0x0] =	vst.idx.add.s32.msk vm4, v2  }
0xcb: {  	v14 =	vshll.u32 v9, $0x4;
	v9 =	vshrl.u32 v9, $0xA;
	v16 =	vld [tilespmem:s28+$0xFFFFFFE0]  }
0xcc: {  	v14 =	vor.u32 v0, v14;
	v18 =	vxor.u32 $0x200000, v9;
	v17 =	vld [tilespmem:s28+$0x0]  }
0xcd: {  	vm4 =	veq.s32 v18, v4;
	[tilespmem:v11+s16+$0x0] =	vst.idx.add.s32.msk vm6, v2  }
0xce: {  	v9 =	vand.u32 $0x3FFF, v14;
	vm6 =	veq.s32 v18, v5;
	[tilespmem:v8+s15+$0x0] =	vst.idx.add.s32.msk vm8, v2  }
0xcf: {  	vm7 =	veq.s32 v12, v6;
	[tilespmem:v10+s15+$0x0] =	vst.idx.add.s32.msk vm3, v2;
	vm3 =	veq.s32 v18, v6  }
0xd0: {  	vm10 =	veq.s32 v12, v7;
	vm8 =	veq.s32 v13, v7;
	v19 =	vld [tilespmem:s28+$0xFFFFFFF0]  }
0xd1: {  	vm9 =	veq.s32 v15, v6;
	v12 =	vsub.s32 $0x80000000, v17;
	vm0 =	vlt.s32 v17, $0x0;
	v14 =	vld [tilespmem:s28+$0x10]  }
0xd2: {  	v12 =	vsel vm0, v12, v17;
	[tilespmem:v10+s16+$0x0] =	vst.idx.add.s32.msk vm1, v2;
	vm0 =	veq.s32 v18, v7  }
0xd3: {  	v13 =	vsub.s32 $0x80000000, v16;
	vm1 =	vlt.s32 v16, $0x0;
	v17 =	vshrl.u32 v12, $0xA;
	[tilespmem:v10+s17+$0x0] =	vst.idx.add.s32.msk vm2, v2  }
0xd4: {  	v13 =	vsel vm1, v13, v16;
	v16 =	vshll.u32 v12, $0x4;
	v12 =	vxor.u32 $0x200000, v17;
	[tilespmem:v9+s15+$0x0] =	vst.idx.add.s32.msk vm4, v2  }
0xd5: {  	v17 =	vshll.u32 v13, $0x4;
	v13 =	vshrl.u32 v13, $0xA;
	v16 =	vor.u32 v0, v16;
	[tilespmem:v11+s17+$0x0] =	vst.idx.add.s32.msk vm7, v2  }
0xd6: {  	v13 =	vxor.u32 $0x200000, v13;
	vm4 =	veq.s32 v12, v4;
	vm7 =	veq.s32 v15, v7;
	[tilespmem:v11+s18+$0x0] =	vst.idx.add.s32.msk vm10, v2  }
.Ltmp2:
0xd7: {  	v17 =	vor.u32 v0, v17;
	vm1 =	vlt.s32 v19, $0x0;
	v11 =	vsub.s32 $0x80000000, v19;
	[tilespmem:v9+s16+$0x0] =	vst.idx.add.s32.msk vm6, v2;
	(pc) =	sbr.rel @p1 .LBB2_7-.Ltmp2, $4  }
0xd8: {  	v15 =	vsel vm1, v11, v19;
	v11 =	vand.u32 $0x3FFF, v16;
	vm6 =	veq.s32 v12, v5;
	[tilespmem:v9+s17+$0x0] =	vst.idx.add.s32.msk vm3, v2  }
0xd9: {  	vm3 =	veq.s32 v13, v4;
	v16 =	vshll.u32 v15, $0x4;
	v15 =	vshrl.u32 v15, $0xA;
	[tilespmem:v8+s16+$0x0] =	vst.idx.add.s32.msk vm5, v2  }
0xda: {  	vm1 =	veq.s32 v13, v5;
	v15 =	vxor.u32 $0x200000, v15;
	[tilespmem:v10+s18+$0x0] =	vst.idx.add.s32.msk vm8, v2;
	v10 =	vand.u32 $0x3FFF, v17  }
0xdb: {  	s28 =	sadd.s32 $0x40, s28;
	vm2 =	veq.s32 v13, v6;
	v16 =	vor.u32 v0, v16;
	[tilespmem:v8+s17+$0x0] =	vst.idx.add.s32.msk vm9, v2  }
0xdc: {  	_ =	sdelay $0x4  }
0xdd: {  	v17 =	vsub.s32 $0x80000000, v14;
	vm8 =	vlt.s32 v14, $0x0;
	[tilespmem:v8+s18+$0x0] =	vst.idx.add.s32.msk vm7, v2  }
0xde: {  	vm5 =	veq.s32 v15, v4;
	[tilespmem:v9+s18+$0x0] =	vst.idx.add.s32.msk vm0, v2;
	v14 =	vsel vm8, v17, v14  }
0xdf: {  	v16 =	vand.u32 $0x3FFF, v16;
	[tilespmem:v11+s15+$0x0] =	vst.idx.add.s32.msk vm4, v2;
	vm14 =	veq.s32 v12, v6;
	v8 =	vshrl.u32 v14, $0xA  }
0xe0: {  	vm15 =	veq.s32 v12, v7;
	[tilespmem:v10+s15+$0x0] =	vst.idx.add.s32.msk vm3, v2;
	v63 =	vshll.u32 v14, $0x4;
	v8 =	vxor.u32 $0x200000, v8  }
0xe1: {  	[tilespmem:v11+s16+$0x0] =	vst.idx.add.s32.msk vm6, v2;
	v9 =	vor.u32 v0, v63;
	vm13 =	veq.s32 v8, v4  }
0xe2: {  	vm12 =	veq.s32 v13, v7;
	[tilespmem:v10+s16+$0x0] =	vst.idx.add.s32.msk vm1, v2;
	v9 =	vand.u32 $0x3FFF, v9  }
0xe3: {  	vm11 =	veq.s32 v15, v5;
	[tilespmem:v10+s17+$0x0] =	vst.idx.add.s32.msk vm2, v2  }
0xe4: {  	vm9 =	veq.s32 v8, v5;
	[tilespmem:v16+s15+$0x0] =	vst.idx.add.s32.msk vm5, v2  }
0xe5: {  	vm10 =	veq.s32 v8, v6;
	[tilespmem:v11+s17+$0x0] =	vst.idx.add.s32.msk vm14, v2  }
0xe6: {  	[tilespmem:v11+s18+$0x0] =	vst.idx.add.s32.msk vm15, v2;
	vm15 =	veq.s32 v8, v7  }
0xe7: {  	[tilespmem:v9+s15+$0x0] =	vst.idx.add.s32.msk vm13, v2;
	vm13 =	veq.s32 v15, v6  }
0xe8: {  	vm14 =	veq.s32 v15, v7;
	[tilespmem:v10+s18+$0x0] =	vst.idx.add.s32.msk vm12, v2  }
0xe9: {  	[tilespmem:v16+s16+$0x0] =	vst.idx.add.s32.msk vm11, v2  }
.Ltmp3:
0xea: {  	[tilespmem:v9+s16+$0x0] =	vst.idx.add.s32.msk vm9, v2;
	(pc) =	sbr.rel @p0 .LBB2_9-.Ltmp3, $4  }
0xeb: {  	[tilespmem:v9+s17+$0x0] =	vst.idx.add.s32.msk vm10, v2  }
0xec: {  	[tilespmem:v9+s18+$0x0] =	vst.idx.add.s32.msk vm15, v2  }
0xed: {  	[tilespmem:v16+s17+$0x0] =	vst.idx.add.s32.msk vm13, v2  }
0xee: {  	[tilespmem:v16+s18+$0x0] =	vst.idx.add.s32.msk vm14, v2  }
.Ltmp4:
0xef: {  	(pc) =	sbr.rel .LBB2_4-.Ltmp4, $4  }
0xf0: {  	s25 =	sadd.s32 s25, s8  }
0xf1: {  	s25 =	sshrl.u32 s25, $0x3  }
0xf2: {  	s24 =	sadd.s32 $0x1, s24;
	s25 =	sadd.s32 s1, s25  }
0xf3: {  	[tilespmem:s13], [sflag:$0x2] =	stream.linear.gather [hbm4b:s25+s3], $0x4000, $0x38;
	[tilespmem:$0x19080] =	vst v63  }
.LBB2_9:
0xf4: {  	s25 =	simm.s32 $0x10  }
0xf5: {  	s24 =	simm.s32 $0x0;
	v4 =	vmov s25  }
0xf6: {  	v5 =	vmov s24;
	v4 =	vshll.u32 v4, $0x4  }
0xf7: {  	v5 =	vshll.u32 v5, $0x4;
	v4 =	vor.u32 v3, v4  }
0xf8: {  	v5 =	vor.u32 v3, v5  }
0xf9: {  	v6 =	vor.u32 $0x1, v5  }
0xfa: {  	v7 =	vor.u32 $0x2, v5  }
0xfb: {  	v8 =	vor.u32 $0x3, v5  }
0xfc: {  	v9 =	vor.u32 $0x4, v5;
	v33 =	vld.idx.msk [tilespmem:v4+s15+$0x0], $0xffff  }
0xfd: {  	v10 =	vor.u32 $0x5, v5;
	v18 =	vld.idx.msk [tilespmem:v5+s15+$0x0], $0xffff  }
0xfe: {  	v11 =	vor.u32 $0x6, v5;
	v19 =	vld.idx.msk [tilespmem:v6+s15+$0x0], $0xffff  }
0xff: {  	v12 =	vor.u32 $0x7, v5;
	v20 =	vld.idx.msk [tilespmem:v7+s15+$0x0], $0xffff  }
0x100: {  	v13 =	vor.u32 $0x8, v5;
	v21 =	vld.idx.msk [tilespmem:v8+s15+$0x0], $0xffff  }
0x101: {  	v14 =	vor.u32 $0x9, v5;
	v22 =	vld.idx.msk [tilespmem:v9+s15+$0x0], $0xffff  }
0x102: {  	v15 =	vor.u32 $0xA, v5;
	v23 =	vld.idx.msk [tilespmem:v10+s15+$0x0], $0xffff  }
0x103: {  	v16 =	vor.u32 $0xB, v5;
	v24 =	vld.idx.msk [tilespmem:v11+s15+$0x0], $0xffff  }
0x104: {  	v17 =	vor.u32 $0xC, v5;
	v25 =	vld.idx.msk [tilespmem:v12+s15+$0x0], $0xffff  }
0x105: {  	v26 =	vld.idx.msk [tilespmem:v13+s15+$0x0], $0xffff;
	v19 =	vadd.s32 v18, v19;
	v18 =	vor.u32 $0xD, v5  }
0x106: {  	v27 =	vld.idx.msk [tilespmem:v14+s15+$0x0], $0xffff;
	v20 =	vadd.s32 v20, v19;
	v19 =	vor.u32 $0xE, v5  }
0x107: {  	v29 =	vld.idx.msk [tilespmem:v15+s15+$0x0], $0xffff;
	v28 =	vadd.s32 v21, v20;
	v21 =	vor.u32 $0xF, v5  }
0x108: {  	v30 =	vld.idx.msk [tilespmem:v16+s15+$0x0], $0xffff;
	v20 =	vor.u32 $0x1, v4;
	v28 =	vadd.s32 v22, v28  }
0x109: {  	v31 =	vld.idx.msk [tilespmem:v17+s15+$0x0], $0xffff;
	v22 =	vor.u32 $0x2, v4;
	v28 =	vadd.s32 v23, v28  }
0x10a: {  	v23 =	vor.u32 $0x3, v4;
	v28 =	vadd.s32 v24, v28;
	v32 =	vld.idx.msk [tilespmem:v18+s15+$0x0], $0xffff  }
0x10b: {  	v24 =	vor.u32 $0x4, v4;
	v28 =	vadd.s32 v25, v28;
	v34 =	vld.idx.msk [tilespmem:v19+s15+$0x0], $0xffff  }
0x10c: {  	v25 =	vor.u32 $0x5, v4;
	v28 =	vadd.s32 v26, v28;
	v37 =	vld.idx.msk [tilespmem:v21+s15+$0x0], $0xffff  }
0x10d: {  	v26 =	vor.u32 $0x6, v4;
	v38 =	vld.idx.msk [tilespmem:v20+s15+$0x0], $0xffff;
	v28 =	vadd.s32 v27, v28  }
0x10e: {  	v27 =	vor.u32 $0x7, v4;
	v42 =	vld.idx.msk [tilespmem:v22+s15+$0x0], $0xffff;
	v29 =	vadd.s32 v29, v28  }
0x10f: {  	v28 =	vor.u32 $0x8, v4;
	v41 =	vld.idx.msk [tilespmem:v23+s15+$0x0], $0xffff;
	v29 =	vadd.s32 v30, v29  }
0x110: {  	v35 =	vor.u32 $0x9, v4;
	v39 =	vld.idx.msk [tilespmem:v24+s15+$0x0], $0xffff;
	v29 =	vadd.s32 v31, v29  }
0x111: {  	v30 =	vor.u32 $0xA, v4;
	v40 =	vld.idx.msk [tilespmem:v25+s15+$0x0], $0xffff;
	v32 =	vadd.s32 v32, v29  }
0x112: {  	v31 =	vor.u32 $0xB, v4;
	v29 =	vor.u32 $0xC, v4;
	v36 =	vld.idx.msk [tilespmem:v26+s15+$0x0], $0xffff;
	v34 =	vadd.s32 v34, v32  }
0x113: {  	s26 =	simm.s32 $0x8090;
	v38 =	vadd.s32 v33, v38;
	v33 =	vor.u32 $0xF, v4;
	v43 =	vadd.s32 v37, v34;
	v37 =	vld.idx.msk [tilespmem:v27+s15+$0x0], $0xffff  }
0x114: {  	s28 =	simm.s32 $0x0;
	s29 =	simm.s32 $0x30;
	s25 =	simm.s32 $0x8490;
	v32 =	vor.u32 $0xD, v4;
	v42 =	vadd.s32 v42, v38;
	v34 =	vor.u32 $0xE, v4;
	v38 =	vld.idx.msk [tilespmem:v28+s15+$0x0], $0xffff;
	[tilespmem:s26+$0xFFFFFFF0] =	vst v43  }
.LBB2_10:
0x115: {  	s30 =	sadd.s32 $0xFFFFFFF0, s29;
	v43 =	vmov s29;
	s28 =	sadd.s32 $0x2, s28;
	v41 =	vadd.s32 v41, v42;
	v42 =	vld.idx.msk [tilespmem:v35+s15+$0x0], $0xffff  }
0x116: {  	v35 =	vmov s30;
	v43 =	vshll.u32 v43, $0x4;
	p0 =	slt.u32 s28, $0x3E;
	v39 =	vadd.s32 v39, v41;
	v41 =	vld.idx.msk [tilespmem:v30+s15+$0x0], $0xffff  }
0x117: {  	v30 =	vshll.u32 v35, $0x4;
	v43 =	vor.u32 v3, v43;
	v39 =	vadd.s32 v40, v39;
	v40 =	vld.idx.msk [tilespmem:v31+s15+$0x0], $0xffff  }
0x118: {  	v44 =	vor.u32 v3, v30;
	v45 =	vor.u32 $0x1, v43;
	v46 =	vor.u32 $0x2, v43;
	v47 =	vld.idx.msk [tilespmem:v29+s15+$0x0], $0xffff  }
0x119: {  	v48 =	vor.u32 $0x3, v43;
	v49 =	vor.u32 $0x4, v43;
	v29 =	vor.u32 $0x1, v44;
	v50 =	vld.idx.msk [tilespmem:v32+s15+$0x0], $0xffff  }
0x11a: {  	v51 =	vor.u32 $0x5, v43;
	v52 =	vor.u32 $0x6, v43;
	v32 =	vor.u32 $0x2, v44;
	v53 =	vld.idx.msk [tilespmem:v34+s15+$0x0], $0xffff  }
0x11b: {  	v54 =	vor.u32 $0x7, v43;
	v55 =	vor.u32 $0x8, v43;
	v34 =	vor.u32 $0x3, v44;
	v56 =	vld.idx.msk [tilespmem:v33+s15+$0x0], $0xffff  }
0x11c: {  	v35 =	vor.u32 $0x9, v43;
	v30 =	vor.u32 $0xA, v43;
	v33 =	vor.u32 $0x4, v44;
	v57 =	vld.idx.msk [tilespmem:v43+s15+$0x0], $0xffff  }
0x11d: {  	v31 =	vor.u32 $0xB, v43;
	v36 =	vadd.s32 v36, v39;
	v59 =	vor.u32 $0x5, v44;
	v58 =	vld.idx.msk [tilespmem:v44+s15+$0x0], $0xffff  }
0x11e: {  	v60 =	vor.u32 $0x6, v44;
	v36 =	vadd.s32 v37, v36;
	v39 =	vld.idx.msk [tilespmem:v29+s15+$0x0], $0xffff;
	v29 =	vor.u32 $0xC, v43  }
0x11f: {  	v61 =	vor.u32 $0x7, v44;
	v36 =	vadd.s32 v38, v36;
	v37 =	vld.idx.msk [tilespmem:v32+s15+$0x0], $0xffff;
	v32 =	vor.u32 $0xD, v43  }
0x120: {  	v62 =	vor.u32 $0x8, v44;
	v36 =	vadd.s32 v42, v36;
	v38 =	vld.idx.msk [tilespmem:v34+s15+$0x0], $0xffff;
	v34 =	vor.u32 $0xE, v43  }
0x121: {  	v63 =	vor.u32 $0x9, v44;
	v36 =	vadd.s32 v41, v36;
	v42 =	vld.idx.msk [tilespmem:v33+s15+$0x0], $0xffff;
	v33 =	vor.u32 $0xF, v43  }
0x122: {  	v36 =	vadd.s32 v40, v36;
	v43 =	vor.u32 $0xA, v44;
	v41 =	vld.idx.msk [tilespmem:v59+s15+$0x0], $0xffff  }
0x123: {  	v36 =	vadd.s32 v47, v36;
	v59 =	vor.u32 $0xB, v44;
	v40 =	vld.idx.msk [tilespmem:v60+s15+$0x0], $0xffff  }
0x124: {  	v36 =	vadd.s32 v50, v36;
	v39 =	vadd.s32 v58, v39;
	v58 =	vor.u32 $0xC, v44;
	v47 =	vld.idx.msk [tilespmem:v61+s15+$0x0], $0xffff  }
0x125: {  	v50 =	vor.u32 $0xD, v44;
	v36 =	vadd.s32 v53, v36;
	v37 =	vadd.s32 v37, v39;
	v39 =	vld.idx.msk [tilespmem:v62+s15+$0x0], $0xffff  }
0x126: {  	v53 =	vor.u32 $0xE, v44;
	v36 =	vadd.s32 v56, v36;
	v37 =	vadd.s32 v38, v37;
	v38 =	vld.idx.msk [tilespmem:v63+s15+$0x0], $0xffff  }
0x127: {  	v37 =	vadd.s32 v42, v37;
	v42 =	vld.idx.msk [tilespmem:v43+s15+$0x0], $0xffff;
	v43 =	vor.u32 $0xF, v44;
	[tilespmem:s26+$0x0] =	vst v36  }
0x128: {  	v36 =	vadd.s32 v41, v37;
	v37 =	vld.idx.msk [tilespmem:v59+s15+$0x0], $0xffff  }
0x129: {  	v36 =	vadd.s32 v40, v36;
	v40 =	vld.idx.msk [tilespmem:v58+s15+$0x0], $0xffff  }
0x12a: {  	v36 =	vadd.s32 v47, v36;
	v44 =	vld.idx.msk [tilespmem:v50+s15+$0x0], $0xffff  }
0x12b: {  	v36 =	vadd.s32 v39, v36;
	v47 =	vld.idx.msk [tilespmem:v53+s15+$0x0], $0xffff  }
0x12c: {  	v36 =	vadd.s32 v38, v36;
	v38 =	vld.idx.msk [tilespmem:v43+s15+$0x0], $0xffff  }
0x12d: {  	v36 =	vadd.s32 v42, v36;
	v42 =	vld.idx.msk [tilespmem:v45+s15+$0x0], $0xffff  }
0x12e: {  	v36 =	vadd.s32 v37, v36;
	v43 =	vld.idx.msk [tilespmem:v46+s15+$0x0], $0xffff  }
0x12f: {  	v36 =	vadd.s32 v40, v36;
	v41 =	vld.idx.msk [tilespmem:v48+s15+$0x0], $0xffff  }
.Ltmp5:
0x130: {  	v36 =	vadd.s32 v44, v36;
	v39 =	vld.idx.msk [tilespmem:v49+s15+$0x0], $0xffff;
	(pc) =	sbr.rel @p0 .LBB2_10-.Ltmp5, $4  }
0x131: {  	v36 =	vadd.s32 v47, v36;
	v40 =	vld.idx.msk [tilespmem:v51+s15+$0x0], $0xffff  }
0x132: {  	s26 =	sadd.s32 $0x20, s26;
	v37 =	vadd.s32 v38, v36;
	v36 =	vld.idx.msk [tilespmem:v52+s15+$0x0], $0xffff  }
0x133: {  	v38 =	vadd.s32 v57, v42;
	[tilespmem:s26+$0xFFFFFFF0] =	vst v37;
	v37 =	vld.idx.msk [tilespmem:v54+s15+$0x0], $0xffff  }
0x134: {  	s29 =	sadd.s32 $0x20, s29;
	v42 =	vadd.s32 v43, v38;
	v38 =	vld.idx.msk [tilespmem:v55+s15+$0x0], $0xffff  }
0x135: {  	_ =	sdelay $0x2  }
0x136: {  	v41 =	vadd.s32 v41, v42  }
0x137: {  	v35 =	vld.idx.msk [tilespmem:v35+s15+$0x0], $0xffff;
	v39 =	vadd.s32 v39, v41  }
0x138: {  	v30 =	vld.idx.msk [tilespmem:v30+s15+$0x0], $0xffff;
	v39 =	vadd.s32 v40, v39  }
0x139: {  	v31 =	vld.idx.msk [tilespmem:v31+s15+$0x0], $0xffff;
	v36 =	vadd.s32 v36, v39  }
0x13a: {  	v29 =	vld.idx.msk [tilespmem:v29+s15+$0x0], $0xffff;
	v36 =	vadd.s32 v37, v36  }
0x13b: {  	v32 =	vld.idx.msk [tilespmem:v32+s15+$0x0], $0xffff;
	v36 =	vadd.s32 v38, v36  }
0x13c: {  	v34 =	vld.idx.msk [tilespmem:v34+s15+$0x0], $0xffff;
	v35 =	vadd.s32 v35, v36  }
0x13d: {  	v33 =	vld.idx.msk [tilespmem:v33+s15+$0x0], $0xffff;
	v30 =	vadd.s32 v30, v35  }
0x13e: {  	v30 =	vadd.s32 v31, v30  }
0x13f: {  	v29 =	vadd.s32 v29, v30  }
0x140: {  	v29 =	vadd.s32 v32, v29  }
0x141: {  	v29 =	vadd.s32 v34, v29  }
0x142: {  	v29 =	vadd.s32 v33, v29  }
0x143: {  	[tilespmem:s26+$0x0] =	vst v29  }
0x144: {  	v29 =	vld.idx.msk [tilespmem:v4+s16+$0x0], $0xffff  }
0x145: {  	v5 =	vld.idx.msk [tilespmem:v5+s16+$0x0], $0xffff  }
0x146: {  	v6 =	vld.idx.msk [tilespmem:v6+s16+$0x0], $0xffff  }
0x147: {  	v7 =	vld.idx.msk [tilespmem:v7+s16+$0x0], $0xffff  }
0x148: {  	v8 =	vld.idx.msk [tilespmem:v8+s16+$0x0], $0xffff  }
0x149: {  	v9 =	vld.idx.msk [tilespmem:v9+s16+$0x0], $0xffff  }
0x14a: {  	v10 =	vld.idx.msk [tilespmem:v10+s16+$0x0], $0xffff  }
0x14b: {  	v11 =	vld.idx.msk [tilespmem:v11+s16+$0x0], $0xffff  }
0x14c: {  	v12 =	vld.idx.msk [tilespmem:v12+s16+$0x0], $0xffff  }
0x14d: {  	v13 =	vld.idx.msk [tilespmem:v13+s16+$0x0], $0xffff  }
0x14e: {  	v14 =	vld.idx.msk [tilespmem:v14+s16+$0x0], $0xffff  }
0x14f: {  	v15 =	vld.idx.msk [tilespmem:v15+s16+$0x0], $0xffff  }
0x150: {  	v16 =	vld.idx.msk [tilespmem:v16+s16+$0x0], $0xffff  }
0x151: {  	v17 =	vld.idx.msk [tilespmem:v17+s16+$0x0], $0xffff  }
0x152: {  	v18 =	vld.idx.msk [tilespmem:v18+s16+$0x0], $0xffff  }
0x153: {  	v19 =	vld.idx.msk [tilespmem:v19+s16+$0x0], $0xffff  }
0x154: {  	v21 =	vld.idx.msk [tilespmem:v21+s16+$0x0], $0xffff  }
0x155: {  	v20 =	vld.idx.msk [tilespmem:v20+s16+$0x0], $0xffff  }
0x156: {  	v22 =	vld.idx.msk [tilespmem:v22+s16+$0x0], $0xffff  }
0x157: {  	v23 =	vld.idx.msk [tilespmem:v23+s16+$0x0], $0xffff  }
0x158: {  	v44 =	vor.u32 $0x9, v4;
	v24 =	vld.idx.msk [tilespmem:v24+s16+$0x0], $0xffff  }
0x159: {  	v45 =	vor.u32 $0xA, v4;
	v25 =	vld.idx.msk [tilespmem:v25+s16+$0x0], $0xffff  }
0x15a: {  	v48 =	vor.u32 $0xD, v4;
	v26 =	vld.idx.msk [tilespmem:v26+s16+$0x0], $0xffff  }
0x15b: {  	v49 =	vor.u32 $0xE, v4;
	v27 =	vld.idx.msk [tilespmem:v27+s16+$0x0], $0xffff  }
0x15c: {  	v46 =	vor.u32 $0xB, v4;
	v47 =	vor.u32 $0xC, v4;
	s28 =	simm.s32 $0x30;
	v28 =	vld.idx.msk [tilespmem:v28+s16+$0x0], $0xffff;
	v4 =	vor.u32 $0xF, v4  }
0x15d: {  	s31 =	simm.s32 $0x20;
	v50 =	vmov s28;
	v30 =	vld.idx.msk [tilespmem:v44+s16+$0x0], $0xffff  }
0x15e: {  	v36 =	vshll.u32 v50, $0x4;
	v31 =	vld.idx.msk [tilespmem:v45+s16+$0x0], $0xffff;
	v5 =	vadd.s32 v5, v6;
	v6 =	vmov s31  }
0x15f: {  	v36 =	vor.u32 v3, v36;
	v51 =	vld.idx.msk [tilespmem:v48+s16+$0x0], $0xffff;
	v5 =	vadd.s32 v7, v5;
	v6 =	vshll.u32 v6, $0x4  }
0x160: {  	v52 =	vld.idx.msk [tilespmem:v49+s16+$0x0], $0xffff;
	v5 =	vadd.s32 v8, v5;
	v6 =	vor.u32 v3, v6  }
0x161: {  	v53 =	vld.idx.msk [tilespmem:v4+s16+$0x0], $0xffff;
	v5 =	vadd.s32 v9, v5;
	v9 =	vor.u32 $0x1, v6  }
0x162: {  	v7 =	vld.idx.msk [tilespmem:v46+s16+$0x0], $0xffff;
	v5 =	vadd.s32 v10, v5;
	v10 =	vor.u32 $0x2, v6  }
0x163: {  	v8 =	vld.idx.msk [tilespmem:v47+s16+$0x0], $0xffff;
	v5 =	vadd.s32 v11, v5;
	v11 =	vor.u32 $0x3, v6  }
0x164: {  	v4 =	vadd.s32 v12, v5;
	v5 =	vor.u32 $0x4, v6;
	v12 =	vld.idx.msk [tilespmem:v36+s16+$0x0], $0xffff  }
0x165: {  	v54 =	vor.u32 $0x5, v6;
	v4 =	vadd.s32 v13, v4;
	v13 =	vld.idx.msk [tilespmem:v6+s16+$0x0], $0xffff  }
0x166: {  	v4 =	vadd.s32 v14, v4;
	v9 =	vld.idx.msk [tilespmem:v9+s16+$0x0], $0xffff;
	v14 =	vor.u32 $0x6, v6  }
0x167: {  	v4 =	vadd.s32 v15, v4;
	v10 =	vld.idx.msk [tilespmem:v10+s16+$0x0], $0xffff;
	v15 =	vor.u32 $0x7, v6  }
0x168: {  	v4 =	vadd.s32 v16, v4;
	v11 =	vld.idx.msk [tilespmem:v11+s16+$0x0], $0xffff;
	v16 =	vor.u32 $0x8, v6  }
0x169: {  	v55 =	vor.u32 $0xA, v6;
	v4 =	vadd.s32 v17, v4;
	v5 =	vld.idx.msk [tilespmem:v5+s16+$0x0], $0xffff  }
0x16a: {  	v17 =	vor.u32 $0x9, v6;
	v4 =	vadd.s32 v18, v4;
	v18 =	vld.idx.msk [tilespmem:v54+s16+$0x0], $0xffff  }
0x16b: {  	v58 =	vor.u32 $0x2, v36;
	v56 =	vor.u32 $0xB, v6;
	v4 =	vadd.s32 v19, v4;
	v14 =	vld.idx.msk [tilespmem:v14+s16+$0x0], $0xffff  }
0x16c: {  	v19 =	vadd.s32 v29, v20;
	v9 =	vadd.s32 v13, v9;
	v21 =	vadd.s32 v21, v4;
	v15 =	vld.idx.msk [tilespmem:v15+s16+$0x0], $0xffff  }
0x16d: {  	v4 =	vadd.s32 v22, v19;
	v19 =	vor.u32 $0xC, v6;
	v9 =	vadd.s32 v10, v9;
	v13 =	vld.idx.msk [tilespmem:v16+s16+$0x0], $0xffff  }
0x16e: {  	v4 =	vadd.s32 v23, v4;
	v16 =	vor.u32 $0xD, v6;
	v9 =	vadd.s32 v11, v9;
	v11 =	vld.idx.msk [tilespmem:v55+s16+$0x0], $0xffff  }
0x16f: {  	v57 =	vor.u32 $0x1, v36;
	v4 =	vadd.s32 v24, v4;
	v10 =	vld.idx.msk [tilespmem:v17+s16+$0x0], $0xffff;
	v17 =	vor.u32 $0xE, v6  }
0x170: {  	v23 =	vld.idx.msk [tilespmem:v58+s16+$0x0], $0xffff;
	v6 =	vor.u32 $0xF, v6;
	v5 =	vadd.s32 v5, v9;
	v4 =	vadd.s32 v25, v4  }
0x171: {  	v59 =	vor.u32 $0x3, v36;
	v9 =	vld.idx.msk [tilespmem:v56+s16+$0x0], $0xffff;
	v5 =	vadd.s32 v18, v5;
	v4 =	vadd.s32 v26, v4  }
0x172: {  	v60 =	vor.u32 $0x5, v36;
	v5 =	vadd.s32 v14, v5;
	v18 =	vld.idx.msk [tilespmem:v19+s16+$0x0], $0xffff;
	v4 =	vadd.s32 v27, v4  }
0x173: {  	v61 =	vor.u32 $0x6, v36;
	v5 =	vadd.s32 v15, v5;
	v16 =	vld.idx.msk [tilespmem:v16+s16+$0x0], $0xffff;
	v4 =	vadd.s32 v28, v4  }
0x174: {  	v19 =	vor.u32 $0x4, v36;
	v5 =	vadd.s32 v13, v5;
	v17 =	vld.idx.msk [tilespmem:v17+s16+$0x0], $0xffff;
	v4 =	vadd.s32 v30, v4  }
0x175: {  	v62 =	vor.u32 $0x7, v36;
	v13 =	vld.idx.msk [tilespmem:v6+s16+$0x0], $0xffff;
	v5 =	vadd.s32 v10, v5;
	v4 =	vadd.s32 v31, v4  }
0x176: {  	v63 =	vor.u32 $0x8, v36;
	v10 =	vld.idx.msk [tilespmem:v57+s16+$0x0], $0xffff;
	v5 =	vadd.s32 v11, v5;
	v4 =	vadd.s32 v7, v4  }
0x177: {  	v15 =	vld.idx.msk [tilespmem:v59+s16+$0x0], $0xffff;
	v6 =	vor.u32 $0x9, v36;
	v5 =	vadd.s32 v9, v5;
	v7 =	vadd.s32 v8, v4  }
0x178: {  	v11 =	vld.idx.msk [tilespmem:v61+s16+$0x0], $0xffff;
	v4 =	vor.u32 $0xA, v36;
	v8 =	vadd.s32 v18, v5;
	v7 =	vadd.s32 v51, v7  }
0x179: {  	s24 =	sand.u32 $0x3E0, s24;
	v14 =	vld.idx.msk [tilespmem:v19+s16+$0x0], $0xffff;
	v5 =	vor.u32 $0xB, v36;
	v8 =	vadd.s32 v16, v8;
	v9 =	vadd.s32 v52, v7  }
0x17a: {  	[tilespmem:s24+$0x8480] =	vst v21;
	v16 =	vld.idx.msk [tilespmem:v60+s16+$0x0], $0xffff;
	v7 =	vor.u32 $0xC, v36;
	v17 =	vadd.s32 v17, v8;
	v9 =	vadd.s32 v53, v9  }
0x17b: {  	s28 =	sand.u32 $0x3E0, s31;
	v8 =	vor.u32 $0xD, v36;
	v13 =	vadd.s32 v13, v17;
	v17 =	vadd.s32 v12, v10;
	v12 =	vld.idx.msk [tilespmem:v62+s16+$0x0], $0xffff;
	[tilespmem:s25+$0x0] =	vst v9  }
0x17c: {  	s26 =	simm.s32 $0x2;
	s24 =	simm.s32 $0x8890;
	v10 =	vor.u32 $0xE, v36;
	v9 =	vor.u32 $0xF, v36;
	[tilespmem:s28+$0x8480] =	vst v13;
	v17 =	vadd.s32 v23, v17;
	v13 =	vld.idx.msk [tilespmem:v63+s16+$0x0], $0xffff;
	s28 =	simm.s32 $0x50  }
.LBB2_12:
0x17d: {  	s29 =	sadd.s32 $0xFFFFFFF0, s28;
	v18 =	vmov s28;
	s26 =	sadd.s32 $0x2, s26;
	v15 =	vadd.s32 v15, v17;
	v17 =	vld.idx.msk [tilespmem:v6+s16+$0x0], $0xffff  }
0x17e: {  	v6 =	vmov s29;
	v18 =	vshll.u32 v18, $0x4;
	p0 =	slt.u32 s26, $0x3E;
	v14 =	vadd.s32 v14, v15;
	v15 =	vld.idx.msk [tilespmem:v4+s16+$0x0], $0xffff  }
0x17f: {  	v4 =	vshll.u32 v6, $0x4;
	v18 =	vor.u32 v3, v18;
	v14 =	vadd.s32 v16, v14;
	v16 =	vld.idx.msk [tilespmem:v5+s16+$0x0], $0xffff  }
0x180: {  	v19 =	vor.u32 v3, v4;
	v20 =	vor.u32 $0x1, v18;
	v21 =	vor.u32 $0x2, v18;
	v22 =	vld.idx.msk [tilespmem:v7+s16+$0x0], $0xffff  }
0x181: {  	v23 =	vor.u32 $0x3, v18;
	v24 =	vor.u32 $0x4, v18;
	v7 =	vor.u32 $0x1, v19;
	v25 =	vld.idx.msk [tilespmem:v8+s16+$0x0], $0xffff  }
0x182: {  	v26 =	vor.u32 $0x5, v18;
	v27 =	vor.u32 $0x6, v18;
	v8 =	vor.u32 $0x2, v19;
	v28 =	vld.idx.msk [tilespmem:v10+s16+$0x0], $0xffff  }
0x183: {  	v29 =	vor.u32 $0x7, v18;
	v30 =	vor.u32 $0x8, v18;
	v10 =	vor.u32 $0x3, v19;
	v31 =	vld.idx.msk [tilespmem:v9+s16+$0x0], $0xffff  }
0x184: {  	v6 =	vor.u32 $0x9, v18;
	v4 =	vor.u32 $0xA, v18;
	v9 =	vor.u32 $0x4, v19;
	v32 =	vld.idx.msk [tilespmem:v18+s16+$0x0], $0xffff  }
0x185: {  	v5 =	vor.u32 $0xB, v18;
	v11 =	vadd.s32 v11, v14;
	v34 =	vor.u32 $0x5, v19;
	v33 =	vld.idx.msk [tilespmem:v19+s16+$0x0], $0xffff  }
0x186: {  	v35 =	vor.u32 $0x6, v19;
	v11 =	vadd.s32 v12, v11;
	v14 =	vld.idx.msk [tilespmem:v7+s16+$0x0], $0xffff;
	v7 =	vor.u32 $0xC, v18  }
0x187: {  	v36 =	vor.u32 $0x7, v19;
	v11 =	vadd.s32 v13, v11;
	v12 =	vld.idx.msk [tilespmem:v8+s16+$0x0], $0xffff;
	v8 =	vor.u32 $0xD, v18  }
0x188: {  	v37 =	vor.u32 $0x8, v19;
	v11 =	vadd.s32 v17, v11;
	v13 =	vld.idx.msk [tilespmem:v10+s16+$0x0], $0xffff;
	v10 =	vor.u32 $0xE, v18  }
0x189: {  	v38 =	vor.u32 $0x9, v19;
	v11 =	vadd.s32 v15, v11;
	v17 =	vld.idx.msk [tilespmem:v9+s16+$0x0], $0xffff;
	v9 =	vor.u32 $0xF, v18  }
0x18a: {  	v11 =	vadd.s32 v16, v11;
	v18 =	vor.u32 $0xA, v19;
	v15 =	vld.idx.msk [tilespmem:v34+s16+$0x0], $0xffff  }
0x18b: {  	v11 =	vadd.s32 v22, v11;
	v34 =	vor.u32 $0xB, v19;
	v16 =	vld.idx.msk [tilespmem:v35+s16+$0x0], $0xffff  }
0x18c: {  	v11 =	vadd.s32 v25, v11;
	v14 =	vadd.s32 v33, v14;
	v33 =	vor.u32 $0xC, v19;
	v22 =	vld.idx.msk [tilespmem:v36+s16+$0x0], $0xffff  }
0x18d: {  	v25 =	vor.u32 $0xD, v19;
	v11 =	vadd.s32 v28, v11;
	v12 =	vadd.s32 v12, v14;
	v14 =	vld.idx.msk [tilespmem:v37+s16+$0x0], $0xffff  }
0x18e: {  	s25 =	sadd.s32 $0x20, s25;
	v28 =	vor.u32 $0xE, v19;
	v11 =	vadd.s32 v31, v11;
	v12 =	vadd.s32 v13, v12;
	v13 =	vld.idx.msk [tilespmem:v38+s16+$0x0], $0xffff  }
0x18f: {  	v12 =	vadd.s32 v17, v12;
	v17 =	vld.idx.msk [tilespmem:v18+s16+$0x0], $0xffff;
	v18 =	vor.u32 $0xF, v19;
	[tilespmem:s25+$0x0] =	vst v11  }
0x190: {  	v11 =	vadd.s32 v15, v12;
	v12 =	vld.idx.msk [tilespmem:v34+s16+$0x0], $0xffff  }
0x191: {  	v11 =	vadd.s32 v16, v11;
	v15 =	vld.idx.msk [tilespmem:v33+s16+$0x0], $0xffff  }
0x192: {  	v11 =	vadd.s32 v22, v11;
	v16 =	vld.idx.msk [tilespmem:v25+s16+$0x0], $0xffff  }
0x193: {  	v11 =	vadd.s32 v14, v11;
	v19 =	vld.idx.msk [tilespmem:v28+s16+$0x0], $0xffff  }
0x194: {  	v11 =	vadd.s32 v13, v11;
	v13 =	vld.idx.msk [tilespmem:v18+s16+$0x0], $0xffff  }
0x195: {  	v11 =	vadd.s32 v17, v11;
	v17 =	vld.idx.msk [tilespmem:v20+s16+$0x0], $0xffff  }
0x196: {  	v11 =	vadd.s32 v12, v11;
	v18 =	vld.idx.msk [tilespmem:v21+s16+$0x0], $0xffff  }
0x197: {  	v11 =	vadd.s32 v15, v11;
	v15 =	vld.idx.msk [tilespmem:v23+s16+$0x0], $0xffff  }
.Ltmp6:
0x198: {  	v11 =	vadd.s32 v16, v11;
	v14 =	vld.idx.msk [tilespmem:v24+s16+$0x0], $0xffff;
	(pc) =	sbr.rel @p0 .LBB2_12-.Ltmp6, $4  }
0x199: {  	v11 =	vadd.s32 v19, v11;
	v16 =	vld.idx.msk [tilespmem:v26+s16+$0x0], $0xffff  }
0x19a: {  	s29 =	sand.u32 $0x3E0, s29;
	v12 =	vadd.s32 v13, v11;
	v11 =	vld.idx.msk [tilespmem:v27+s16+$0x0], $0xffff  }
0x19b: {  	v13 =	vadd.s32 v32, v17;
	[tilespmem:s29+$0x8480] =	vst v12;
	v12 =	vld.idx.msk [tilespmem:v29+s16+$0x0], $0xffff;
	s29 =	simm.s32 $0x10  }
0x19c: {  	s28 =	sadd.s32 $0x20, s28;
	v17 =	vadd.s32 v18, v13;
	v13 =	vld.idx.msk [tilespmem:v30+s16+$0x0], $0xffff  }
0x19d: {  	_ =	sdelay $0x2  }
0x19e: {  	v15 =	vadd.s32 v15, v17  }
0x19f: {  	v6 =	vld.idx.msk [tilespmem:v6+s16+$0x0], $0xffff;
	v14 =	vadd.s32 v14, v15  }
0x1a0: {  	v4 =	vld.idx.msk [tilespmem:v4+s16+$0x0], $0xffff;
	v14 =	vadd.s32 v16, v14  }
0x1a1: {  	v5 =	vld.idx.msk [tilespmem:v5+s16+$0x0], $0xffff;
	v11 =	vadd.s32 v11, v14  }
0x1a2: {  	v7 =	vld.idx.msk [tilespmem:v7+s16+$0x0], $0xffff;
	v11 =	vadd.s32 v12, v11  }
0x1a3: {  	v8 =	vld.idx.msk [tilespmem:v8+s16+$0x0], $0xffff;
	v11 =	vadd.s32 v13, v11  }
0x1a4: {  	v10 =	vld.idx.msk [tilespmem:v10+s16+$0x0], $0xffff;
	v6 =	vadd.s32 v6, v11  }
0x1a5: {  	v9 =	vld.idx.msk [tilespmem:v9+s16+$0x0], $0xffff;
	s26 =	simm.s32 $0x0;
	v4 =	vadd.s32 v4, v6;
	v6 =	vmov s29  }
0x1a6: {  	v4 =	vadd.s32 v5, v4;
	v5 =	vmov s26;
	v6 =	vshll.u32 v6, $0x4  }
0x1a7: {  	v4 =	vadd.s32 v7, v4;
	v7 =	vshll.u32 v5, $0x4;
	v5 =	vor.u32 v3, v6  }
0x1a8: {  	v4 =	vadd.s32 v8, v4;
	v6 =	vor.u32 v3, v7  }
0x1a9: {  	v4 =	vadd.s32 v10, v4;
	v10 =	vor.u32 $0x1, v6  }
0x1aa: {  	s25 =	sadd.s32 $0x20, s25;
	v11 =	vor.u32 $0x2, v6;
	v4 =	vadd.s32 v9, v4  }
0x1ab: {  	[tilespmem:s25+$0x0] =	vst v4;
	v4 =	vor.u32 $0x3, v6  }
0x1ac: {  	v12 =	vor.u32 $0x4, v6;
	v7 =	vld.idx.msk [tilespmem:v5+s17+$0x0], $0xffff  }
0x1ad: {  	v13 =	vor.u32 $0x5, v6;
	v8 =	vld.idx.msk [tilespmem:v6+s17+$0x0], $0xffff;
	[tilespmem:$0x1FE00] =	vst v10  }
0x1ae: {  	v14 =	vor.u32 $0x6, v6;
	v9 =	vld.idx.msk [tilespmem:v10+s17+$0x0], $0xffff;
	[tilespmem:$0x1FE10] =	vst v11  }
0x1af: {  	v15 =	vor.u32 $0x7, v6;
	v10 =	vld.idx.msk [tilespmem:v11+s17+$0x0], $0xffff;
	[tilespmem:$0x1FE20] =	vst v4  }
0x1b0: {  	v11 =	vld.idx.msk [tilespmem:v4+s17+$0x0], $0xffff;
	v4 =	vor.u32 $0x8, v6;
	[tilespmem:$0x1FE30] =	vst v12  }
0x1b1: {  	v17 =	vor.u32 $0x9, v6;
	v12 =	vld.idx.msk [tilespmem:v12+s17+$0x0], $0xffff;
	[tilespmem:$0x1FE40] =	vst v13  }
0x1b2: {  	v18 =	vor.u32 $0xA, v6;
	v13 =	vld.idx.msk [tilespmem:v13+s17+$0x0], $0xffff;
	[tilespmem:$0x1FE50] =	vst v14  }
0x1b3: {  	v19 =	vor.u32 $0xB, v6;
	v14 =	vld.idx.msk [tilespmem:v14+s17+$0x0], $0xffff;
	[tilespmem:$0x1FE60] =	vst v15  }
0x1b4: {  	v20 =	vor.u32 $0xC, v6;
	v15 =	vld.idx.msk [tilespmem:v15+s17+$0x0], $0xffff;
	[tilespmem:$0x1FE70] =	vst v4  }
0x1b5: {  	v16 =	vld.idx.msk [tilespmem:v4+s17+$0x0], $0xffff;
	v4 =	vor.u32 $0xD, v6;
	[tilespmem:$0x1FE80] =	vst v17  }
0x1b6: {  	v21 =	vor.u32 $0xE, v6;
	v17 =	vld.idx.msk [tilespmem:v17+s17+$0x0], $0xffff;
	[tilespmem:$0x1FE90] =	vst v18  }
0x1b7: {  	v22 =	vor.u32 $0xF, v6;
	v39 =	vld.idx.msk [tilespmem:v18+s17+$0x0], $0xffff;
	[tilespmem:$0x1FEA0] =	vst v19  }
0x1b8: {  	v18 =	vor.u32 $0x1, v5;
	v40 =	vld.idx.msk [tilespmem:v19+s17+$0x0], $0xffff;
	[tilespmem:$0x1FEB0] =	vst v20  }
0x1b9: {  	v19 =	vor.u32 $0x2, v5;
	v41 =	vld.idx.msk [tilespmem:v20+s17+$0x0], $0xffff;
	[tilespmem:$0x1FEC0] =	vst v4  }
0x1ba: {  	v54 =	vor.u32 $0x3, v5;
	v44 =	vld.idx.msk [tilespmem:v4+s17+$0x0], $0xffff;
	[tilespmem:$0x1FED0] =	vst v21  }
0x1bb: {  	v4 =	vor.u32 $0x4, v5;
	v49 =	vld.idx.msk [tilespmem:v21+s17+$0x0], $0xffff;
	[tilespmem:$0x1FEE0] =	vst v22  }
0x1bc: {  	v55 =	vor.u32 $0x5, v5;
	v61 =	vld.idx.msk [tilespmem:v22+s17+$0x0], $0xffff;
	[tilespmem:$0x1FEF0] =	vst v18  }
0x1bd: {  	v56 =	vor.u32 $0x6, v5;
	v45 =	vld.idx.msk [tilespmem:v18+s17+$0x0], $0xffff;
	[tilespmem:$0x1FF00] =	vst v19  }
0x1be: {  	v18 =	vor.u32 $0x7, v5;
	v46 =	vld.idx.msk [tilespmem:v19+s17+$0x0], $0xffff;
	[tilespmem:$0x1FF10] =	vst v54  }
0x1bf: {  	v19 =	vor.u32 $0x8, v5;
	v47 =	vld.idx.msk [tilespmem:v54+s17+$0x0], $0xffff;
	[tilespmem:$0x1FF20] =	vst v4  }
0x1c0: {  	v57 =	vor.u32 $0x9, v5;
	v51 =	vld.idx.msk [tilespmem:v4+s17+$0x0], $0xffff;
	[tilespmem:$0x1FF30] =	vst v55  }
0x1c1: {  	v23 =	vor.u32 $0xA, v5;
	v53 =	vld.idx.msk [tilespmem:v55+s17+$0x0], $0xffff;
	[tilespmem:$0x1FF40] =	vst v56  }
0x1c2: {  	v58 =	vor.u32 $0xB, v5;
	v54 =	vld.idx.msk [tilespmem:v56+s17+$0x0], $0xffff;
	[tilespmem:$0x1FF50] =	vst v18  }
0x1c3: {  	v59 =	vor.u32 $0xC, v5;
	v55 =	vld.idx.msk [tilespmem:v18+s17+$0x0], $0xffff;
	[tilespmem:$0x1FF60] =	vst v19  }
0x1c4: {  	s28 =	simm.s32 $0x30;
	v24 =	vor.u32 $0xD, v5;
	v62 =	vld.idx.msk [tilespmem:v19+s17+$0x0], $0xffff;
	[tilespmem:$0x1FF70] =	vst v57  }
0x1c5: {  	s31 =	simm.s32 $0x20;
	v25 =	vor.u32 $0xE, v5;
	v4 =	vmov s28;
	v63 =	vld.idx.msk [tilespmem:v57+s17+$0x0], $0xffff;
	[tilespmem:$0x1FF80] =	vst v23  }
0x1c6: {  	v37 =	vmov s31;
	v27 =	vor.u32 $0xF, v5;
	v4 =	vshll.u32 v4, $0x4;
	v18 =	vld.idx.msk [tilespmem:v23+s17+$0x0], $0xffff;
	[tilespmem:$0x1FF90] =	vst v58  }
0x1c7: {  	v37 =	vshll.u32 v37, $0x4;
	v8 =	vadd.s32 v8, v9;
	v4 =	vor.u32 v3, v4;
	v19 =	vld.idx.msk [tilespmem:v58+s17+$0x0], $0xffff;
	[tilespmem:$0x1FFA0] =	vst v59  }
0x1c8: {  	v37 =	vor.u32 v3, v37;
	v8 =	vadd.s32 v10, v8;
	v9 =	vld.idx.msk [tilespmem:v59+s17+$0x0], $0xffff;
	[tilespmem:$0x1FFB0] =	vst v24  }
0x1c9: {  	v28 =	vor.u32 $0x1, v37;
	v8 =	vadd.s32 v11, v8;
	v10 =	vld.idx.msk [tilespmem:v24+s17+$0x0], $0xffff;
	[tilespmem:$0x1FFC0] =	vst v25  }
0x1ca: {  	v42 =	vor.u32 $0x2, v37;
	v8 =	vadd.s32 v12, v8;
	v11 =	vld.idx.msk [tilespmem:v25+s17+$0x0], $0xffff;
	[tilespmem:$0x1FFD0] =	vst v27  }
0x1cb: {  	v48 =	vor.u32 $0x3, v37;
	v8 =	vadd.s32 v13, v8;
	v12 =	vld.idx.msk [tilespmem:v27+s17+$0x0], $0xffff  }
0x1cc: {  	v8 =	vadd.s32 v14, v8;
	v56 =	vor.u32 $0x4, v37;
	v13 =	vld.idx.msk [tilespmem:v4+s17+$0x0], $0xffff  }
0x1cd: {  	v60 =	vor.u32 $0x6, v37;
	v8 =	vadd.s32 v15, v8;
	v14 =	vld.idx.msk [tilespmem:v37+s17+$0x0], $0xffff;
	[tilespmem:$0x1FFE0] =	vst v28  }
0x1ce: {  	v8 =	vadd.s32 v16, v8;
	v59 =	vor.u32 $0x5, v37;
	v15 =	vld.idx.msk [tilespmem:v28+s17+$0x0], $0xffff  }
0x1cf: {  	v8 =	vadd.s32 v17, v8;
	v58 =	vor.u32 $0x7, v37;
	v16 =	vld.idx.msk [tilespmem:v42+s17+$0x0], $0xffff  }
0x1d0: {  	v43 =	vor.u32 $0xB, v37;
	v8 =	vadd.s32 v39, v8;
	v17 =	vld.idx.msk [tilespmem:v48+s17+$0x0], $0xffff  }
0x1d1: {  	v8 =	vadd.s32 v40, v8;
	v57 =	vor.u32 $0x8, v37;
	v29 =	vld.idx.msk [tilespmem:v56+s17+$0x0], $0xffff  }
0x1d2: {  	v52 =	vor.u32 $0x9, v37;
	v8 =	vadd.s32 v41, v8;
	v31 =	vld.idx.msk [tilespmem:v60+s17+$0x0], $0xffff  }
0x1d3: {  	v50 =	vor.u32 $0xA, v37;
	v8 =	vadd.s32 v44, v8;
	v7 =	vadd.s32 v7, v45;
	v30 =	vld.idx.msk [tilespmem:v59+s17+$0x0], $0xffff  }
0x1d4: {  	v44 =	vor.u32 $0xC, v37;
	v7 =	vadd.s32 v46, v7;
	v32 =	vld.idx.msk [tilespmem:v58+s17+$0x0], $0xffff;
	v14 =	vadd.s32 v14, v15  }
0x1d5: {  	v45 =	vor.u32 $0xD, v37;
	v7 =	vadd.s32 v47, v7;
	v33 =	vld.idx.msk [tilespmem:v43+s17+$0x0], $0xffff;
	v14 =	vadd.s32 v16, v14  }
0x1d6: {  	v46 =	vor.u32 $0xE, v37;
	v7 =	vadd.s32 v51, v7;
	v15 =	vld.idx.msk [tilespmem:v57+s17+$0x0], $0xffff;
	v14 =	vadd.s32 v17, v14  }
0x1d7: {  	v40 =	vor.u32 $0x1, v4;
	v7 =	vadd.s32 v53, v7;
	v16 =	vld.idx.msk [tilespmem:v52+s17+$0x0], $0xffff;
	v14 =	vadd.s32 v29, v14  }
0x1d8: {  	v41 =	vor.u32 $0x2, v4;
	v7 =	vadd.s32 v54, v7;
	v17 =	vld.idx.msk [tilespmem:v50+s17+$0x0], $0xffff;
	v14 =	vadd.s32 v30, v14  }
0x1d9: {  	v47 =	vor.u32 $0xF, v37;
	v7 =	vadd.s32 v55, v7;
	v34 =	vld.idx.msk [tilespmem:v44+s17+$0x0], $0xffff;
	v14 =	vadd.s32 v31, v14  }
0x1da: {  	v8 =	vadd.s32 v49, v8;
	v7 =	vadd.s32 v62, v7;
	v35 =	vld.idx.msk [tilespmem:v45+s17+$0x0], $0xffff;
	v14 =	vadd.s32 v32, v14  }
0x1db: {  	v8 =	vadd.s32 v61, v8;
	v7 =	vadd.s32 v63, v7;
	v36 =	vld.idx.msk [tilespmem:v46+s17+$0x0], $0xffff;
	v14 =	vadd.s32 v15, v14  }
0x1dc: {  	v51 =	vor.u32 $0x6, v4;
	v7 =	vadd.s32 v18, v7;
	v14 =	vadd.s32 v16, v14;
	v16 =	vld.idx.msk [tilespmem:v40+s17+$0x0], $0xffff  }
0x1dd: {  	v53 =	vor.u32 $0x3, v4;
	v7 =	vadd.s32 v19, v7;
	v14 =	vadd.s32 v17, v14;
	v17 =	vld.idx.msk [tilespmem:v41+s17+$0x0], $0xffff  }
0x1de: {  	v49 =	vor.u32 $0x7, v4;
	v54 =	vor.u32 $0x4, v4;
	v38 =	vld.idx.msk [tilespmem:v47+s17+$0x0], $0xffff;
	v7 =	vadd.s32 v9, v7  }
0x1df: {  	v55 =	vor.u32 $0x5, v4;
	v7 =	vadd.s32 v10, v7;
	v9 =	vadd.s32 v33, v14  }
0x1e0: {  	v18 =	vor.u32 $0x8, v4;
	v7 =	vadd.s32 v11, v7;
	v9 =	vadd.s32 v34, v9  }
0x1e1: {  	s28 =	sand.u32 $0x3E0, s26;
	v11 =	vld.idx.msk [tilespmem:v51+s17+$0x0], $0xffff;
	v7 =	vadd.s32 v12, v7;
	v9 =	vadd.s32 v35, v9;
	v10 =	vadd.s32 v13, v16  }
0x1e2: {  	[tilespmem:s28+$0x8880] =	vst v8;
	v14 =	vld.idx.msk [tilespmem:v53+s17+$0x0], $0xffff;
	v9 =	vadd.s32 v36, v9;
	v17 =	vadd.s32 v17, v10;
	v10 =	vor.u32 $0x9, v4  }
0x1e3: {  	s26 =	sand.u32 $0x3E0, s31;
	[tilespmem:s24+$0x0] =	vst v7;
	v7 =	vor.u32 $0xA, v4;
	v15 =	vld.idx.msk [tilespmem:v54+s17+$0x0], $0xffff;
	v8 =	vadd.s32 v38, v9  }
0x1e4: {  	v62 =	vor.u32 $0xB, v4;
	v16 =	vld.idx.msk [tilespmem:v55+s17+$0x0], $0xffff;
	[tilespmem:s26+$0x8880] =	vst v8  }
0x1e5: {  	v61 =	vor.u32 $0xC, v4;
	v12 =	vld.idx.msk [tilespmem:v49+s17+$0x0], $0xffff;
	[tilespmem:$0x1FFF0] =	vst v18  }
0x1e6: {  	s30 =	simm.s32 $0x50;
	s29 =	simm.s32 $0x2;
	s25 =	simm.s32 $0x8C90;
	v63 =	vor.u32 $0xF, v4;
	v9 =	vor.u32 $0xD, v4;
	v8 =	vor.u32 $0xE, v4;
	v13 =	vld.idx.msk [tilespmem:v18+s17+$0x0], $0xffff  }
.LBB2_14:
0x1e7: {  	s31 =	sadd.s32 $0xFFFFFFF0, s30;
	v18 =	vmov s30;
	s29 =	sadd.s32 $0x2, s29;
	v14 =	vadd.s32 v14, v17;
	v17 =	vld.idx.msk [tilespmem:v10+s17+$0x0], $0xffff  }
0x1e8: {  	v10 =	vmov s31;
	v18 =	vshll.u32 v18, $0x4;
	p0 =	slt.u32 s29, $0x3E;
	v14 =	vadd.s32 v15, v14;
	v15 =	vld.idx.msk [tilespmem:v7+s17+$0x0], $0xffff  }
0x1e9: {  	v7 =	vshll.u32 v10, $0x4;
	v18 =	vor.u32 v3, v18;
	v14 =	vadd.s32 v16, v14;
	v16 =	vld.idx.msk [tilespmem:v62+s17+$0x0], $0xffff  }
0x1ea: {  	v19 =	vor.u32 v3, v7;
	v20 =	vor.u32 $0x1, v18;
	v21 =	vor.u32 $0x2, v18;
	v22 =	vld.idx.msk [tilespmem:v61+s17+$0x0], $0xffff  }
0x1eb: {  	v23 =	vor.u32 $0x3, v18;
	v24 =	vor.u32 $0x4, v18;
	v61 =	vor.u32 $0x1, v19;
	v25 =	vld.idx.msk [tilespmem:v9+s17+$0x0], $0xffff  }
0x1ec: {  	v26 =	vor.u32 $0x5, v18;
	v27 =	vor.u32 $0x6, v18;
	v9 =	vor.u32 $0x2, v19;
	v28 =	vld.idx.msk [tilespmem:v8+s17+$0x0], $0xffff  }
0x1ed: {  	v29 =	vor.u32 $0x7, v18;
	v30 =	vor.u32 $0x8, v18;
	v8 =	vor.u32 $0x3, v19;
	v31 =	vld.idx.msk [tilespmem:v63+s17+$0x0], $0xffff  }
0x1ee: {  	v10 =	vor.u32 $0x9, v18;
	v7 =	vor.u32 $0xA, v18;
	v63 =	vor.u32 $0x4, v19;
	v32 =	vld.idx.msk [tilespmem:v18+s17+$0x0], $0xffff  }
0x1ef: {  	v62 =	vor.u32 $0xB, v18;
	v11 =	vadd.s32 v11, v14;
	v34 =	vor.u32 $0x5, v19;
	v33 =	vld.idx.msk [tilespmem:v19+s17+$0x0], $0xffff  }
0x1f0: {  	v35 =	vor.u32 $0x6, v19;
	v11 =	vadd.s32 v12, v11;
	v14 =	vld.idx.msk [tilespmem:v61+s17+$0x0], $0xffff;
	v61 =	vor.u32 $0xC, v18  }
0x1f1: {  	v36 =	vor.u32 $0x7, v19;
	v11 =	vadd.s32 v13, v11;
	v12 =	vld.idx.msk [tilespmem:v9+s17+$0x0], $0xffff;
	v9 =	vor.u32 $0xD, v18  }
0x1f2: {  	v38 =	vor.u32 $0x8, v19;
	v11 =	vadd.s32 v17, v11;
	v13 =	vld.idx.msk [tilespmem:v8+s17+$0x0], $0xffff;
	v8 =	vor.u32 $0xE, v18  }
0x1f3: {  	v39 =	vor.u32 $0x9, v19;
	v11 =	vadd.s32 v15, v11;
	v17 =	vld.idx.msk [tilespmem:v63+s17+$0x0], $0xffff;
	v63 =	vor.u32 $0xF, v18  }
0x1f4: {  	v11 =	vadd.s32 v16, v11;
	v18 =	vor.u32 $0xA, v19;
	v15 =	vld.idx.msk [tilespmem:v34+s17+$0x0], $0xffff  }
0x1f5: {  	v11 =	vadd.s32 v22, v11;
	v34 =	vor.u32 $0xB, v19;
	v16 =	vld.idx.msk [tilespmem:v35+s17+$0x0], $0xffff  }
0x1f6: {  	v11 =	vadd.s32 v25, v11;
	v14 =	vadd.s32 v33, v14;
	v33 =	vor.u32 $0xC, v19;
	v22 =	vld.idx.msk [tilespmem:v36+s17+$0x0], $0xffff  }
0x1f7: {  	v25 =	vor.u32 $0xD, v19;
	v11 =	vadd.s32 v28, v11;
	v12 =	vadd.s32 v12, v14;
	v14 =	vld.idx.msk [tilespmem:v38+s17+$0x0], $0xffff  }
0x1f8: {  	s24 =	sadd.s32 $0x20, s24;
	v28 =	vor.u32 $0xE, v19;
	v11 =	vadd.s32 v31, v11;
	v12 =	vadd.s32 v13, v12;
	v13 =	vld.idx.msk [tilespmem:v39+s17+$0x0], $0xffff  }
0x1f9: {  	v12 =	vadd.s32 v17, v12;
	v17 =	vld.idx.msk [tilespmem:v18+s17+$0x0], $0xffff;
	v18 =	vor.u32 $0xF, v19;
	[tilespmem:s24+$0x0] =	vst v11  }
0x1fa: {  	v11 =	vadd.s32 v15, v12;
	v12 =	vld.idx.msk [tilespmem:v34+s17+$0x0], $0xffff  }
0x1fb: {  	v11 =	vadd.s32 v16, v11;
	v15 =	vld.idx.msk [tilespmem:v33+s17+$0x0], $0xffff  }
0x1fc: {  	v11 =	vadd.s32 v22, v11;
	v16 =	vld.idx.msk [tilespmem:v25+s17+$0x0], $0xffff  }
0x1fd: {  	v11 =	vadd.s32 v14, v11;
	v19 =	vld.idx.msk [tilespmem:v28+s17+$0x0], $0xffff  }
0x1fe: {  	v11 =	vadd.s32 v13, v11;
	v13 =	vld.idx.msk [tilespmem:v18+s17+$0x0], $0xffff  }
0x1ff: {  	v11 =	vadd.s32 v17, v11;
	v17 =	vld.idx.msk [tilespmem:v20+s17+$0x0], $0xffff  }
0x200: {  	v11 =	vadd.s32 v12, v11;
	v18 =	vld.idx.msk [tilespmem:v21+s17+$0x0], $0xffff  }
0x201: {  	v11 =	vadd.s32 v15, v11;
	v14 =	vld.idx.msk [tilespmem:v23+s17+$0x0], $0xffff  }
.Ltmp7:
0x202: {  	v11 =	vadd.s32 v16, v11;
	v15 =	vld.idx.msk [tilespmem:v24+s17+$0x0], $0xffff;
	(pc) =	sbr.rel @p0 .LBB2_14-.Ltmp7, $4  }
0x203: {  	v11 =	vadd.s32 v19, v11;
	v16 =	vld.idx.msk [tilespmem:v26+s17+$0x0], $0xffff  }
0x204: {  	s31 =	sand.u32 $0x3E0, s31;
	v12 =	vadd.s32 v13, v11;
	v11 =	vld.idx.msk [tilespmem:v27+s17+$0x0], $0xffff  }
0x205: {  	v13 =	vadd.s32 v32, v17;
	[tilespmem:s31+$0x8880] =	vst v12;
	v12 =	vld.idx.msk [tilespmem:v29+s17+$0x0], $0xffff  }
0x206: {  	s30 =	sadd.s32 $0x20, s30;
	v17 =	vadd.s32 v18, v13;
	v13 =	vld.idx.msk [tilespmem:v30+s17+$0x0], $0xffff  }
0x207: {  	_ =	sdelay $0x2  }
0x208: {  	v14 =	vadd.s32 v14, v17  }
0x209: {  	v10 =	vld.idx.msk [tilespmem:v10+s17+$0x0], $0xffff;
	v14 =	vadd.s32 v15, v14  }
0x20a: {  	v7 =	vld.idx.msk [tilespmem:v7+s17+$0x0], $0xffff;
	v14 =	vadd.s32 v16, v14  }
0x20b: {  	v11 =	vadd.s32 v11, v14;
	v14 =	vld.idx.msk [tilespmem:v62+s17+$0x0], $0xffff  }
0x20c: {  	v11 =	vadd.s32 v12, v11;
	v12 =	vld.idx.msk [tilespmem:v61+s17+$0x0], $0xffff  }
0x20d: {  	v9 =	vld.idx.msk [tilespmem:v9+s17+$0x0], $0xffff;
	v11 =	vadd.s32 v13, v11  }
0x20e: {  	v8 =	vld.idx.msk [tilespmem:v8+s17+$0x0], $0xffff;
	v10 =	vadd.s32 v10, v11  }
0x20f: {  	v7 =	vadd.s32 v7, v10;
	v10 =	vld.idx.msk [tilespmem:v63+s17+$0x0], $0xffff  }
0x210: {  	v7 =	vadd.s32 v14, v7  }
0x211: {  	v7 =	vadd.s32 v12, v7  }
0x212: {  	v7 =	vadd.s32 v9, v7  }
0x213: {  	v7 =	vadd.s32 v8, v7  }
0x214: {  	s24 =	sadd.s32 $0x20, s24;
	v7 =	vadd.s32 v10, v7  }
0x215: {  	[tilespmem:s24+$0x0] =	vst v7  }
0x216: {  	v5 =	vld.idx.msk [tilespmem:v5+s18+$0x0], $0xffff  }
0x217: {  	v6 =	vld.idx.msk [tilespmem:v6+s18+$0x0], $0xffff  }
0x218: {  	v7 =	vld [tilespmem:$0x1FE00]  }
0x219: {  	v8 =	vld [tilespmem:$0x1FE10]  }
0x21a: {  	v9 =	vld [tilespmem:$0x1FE20]  }
0x21b: {  	v10 =	vld [tilespmem:$0x1FE30]  }
0x21c: {  	v11 =	vld [tilespmem:$0x1FE40]  }
0x21d: {  	v12 =	vld [tilespmem:$0x1FE50]  }
0x21e: {  	v13 =	vld [tilespmem:$0x1FE60]  }
0x21f: {  	v14 =	vld [tilespmem:$0x1FE70]  }
0x220: {  	v15 =	vld [tilespmem:$0x1FE80]  }
0x221: {  	v16 =	vld [tilespmem:$0x1FE90]  }
0x222: {  	v17 =	vld [tilespmem:$0x1FEA0]  }
0x223: {  	v18 =	vld [tilespmem:$0x1FEB0]  }
0x224: {  	v19 =	vld [tilespmem:$0x1FEC0]  }
0x225: {  	v20 =	vld [tilespmem:$0x1FED0]  }
0x226: {  	v21 =	vld [tilespmem:$0x1FEE0]  }
0x227: {  	v22 =	vld [tilespmem:$0x1FEF0]  }
0x228: {  	v23 =	vld [tilespmem:$0x1FF00]  }
0x229: {  	v24 =	vld [tilespmem:$0x1FF10]  }
0x22a: {  	v25 =	vld [tilespmem:$0x1FF20]  }
0x22b: {  	v26 =	vld [tilespmem:$0x1FF30]  }
0x22c: {  	v27 =	vld [tilespmem:$0x1FF40]  }
0x22d: {  	v28 =	vld [tilespmem:$0x1FF50]  }
0x22e: {  	v29 =	vld [tilespmem:$0x1FF60]  }
0x22f: {  	v30 =	vld [tilespmem:$0x1FF70]  }
0x230: {  	v31 =	vld [tilespmem:$0x1FF80]  }
0x231: {  	v32 =	vld [tilespmem:$0x1FF90]  }
0x232: {  	v33 =	vld [tilespmem:$0x1FFA0]  }
0x233: {  	v34 =	vld [tilespmem:$0x1FFB0]  }
0x234: {  	v35 =	vld [tilespmem:$0x1FFC0]  }
0x235: {  	v36 =	vld [tilespmem:$0x1FFD0]  }
0x236: {  	v37 =	vld.idx.msk [tilespmem:v37+s18+$0x0], $0xffff  }
0x237: {  	v39 =	vld [tilespmem:$0x1FFE0]  }
0x238: {  	v42 =	vld.idx.msk [tilespmem:v42+s18+$0x0], $0xffff  }
0x239: {  	v48 =	vld.idx.msk [tilespmem:v48+s18+$0x0], $0xffff  }
0x23a: {  	v56 =	vld.idx.msk [tilespmem:v56+s18+$0x0], $0xffff  }
0x23b: {  	v63 =	vld.idx.msk [tilespmem:v58+s18+$0x0], $0xffff  }
0x23c: {  	v7 =	vld.idx.msk [tilespmem:v7+s18+$0x0], $0xffff  }
0x23d: {  	v8 =	vld.idx.msk [tilespmem:v8+s18+$0x0], $0xffff  }
0x23e: {  	v9 =	vld.idx.msk [tilespmem:v9+s18+$0x0], $0xffff  }
0x23f: {  	v10 =	vld.idx.msk [tilespmem:v10+s18+$0x0], $0xffff  }
0x240: {  	v11 =	vld.idx.msk [tilespmem:v11+s18+$0x0], $0xffff  }
0x241: {  	v12 =	vld.idx.msk [tilespmem:v12+s18+$0x0], $0xffff  }
0x242: {  	v13 =	vld.idx.msk [tilespmem:v13+s18+$0x0], $0xffff  }
0x243: {  	v14 =	vld.idx.msk [tilespmem:v14+s18+$0x0], $0xffff  }
0x244: {  	v15 =	vld.idx.msk [tilespmem:v15+s18+$0x0], $0xffff  }
0x245: {  	v16 =	vld.idx.msk [tilespmem:v16+s18+$0x0], $0xffff  }
0x246: {  	v17 =	vld.idx.msk [tilespmem:v17+s18+$0x0], $0xffff  }
0x247: {  	v18 =	vld.idx.msk [tilespmem:v18+s18+$0x0], $0xffff  }
0x248: {  	v19 =	vld.idx.msk [tilespmem:v19+s18+$0x0], $0xffff  }
0x249: {  	v20 =	vld.idx.msk [tilespmem:v20+s18+$0x0], $0xffff  }
0x24a: {  	v21 =	vld.idx.msk [tilespmem:v21+s18+$0x0], $0xffff  }
0x24b: {  	v22 =	vld.idx.msk [tilespmem:v22+s18+$0x0], $0xffff  }
0x24c: {  	v23 =	vld.idx.msk [tilespmem:v23+s18+$0x0], $0xffff  }
0x24d: {  	v24 =	vld.idx.msk [tilespmem:v24+s18+$0x0], $0xffff  }
0x24e: {  	v25 =	vld.idx.msk [tilespmem:v25+s18+$0x0], $0xffff  }
0x24f: {  	v26 =	vld.idx.msk [tilespmem:v26+s18+$0x0], $0xffff  }
0x250: {  	v27 =	vld.idx.msk [tilespmem:v27+s18+$0x0], $0xffff  }
0x251: {  	v28 =	vld.idx.msk [tilespmem:v28+s18+$0x0], $0xffff  }
0x252: {  	v29 =	vld.idx.msk [tilespmem:v29+s18+$0x0], $0xffff  }
0x253: {  	v30 =	vld.idx.msk [tilespmem:v30+s18+$0x0], $0xffff  }
0x254: {  	v31 =	vld.idx.msk [tilespmem:v31+s18+$0x0], $0xffff  }
0x255: {  	v32 =	vld.idx.msk [tilespmem:v32+s18+$0x0], $0xffff  }
0x256: {  	v39 =	vld.idx.msk [tilespmem:v39+s18+$0x0], $0xffff  }
0x257: {  	v33 =	vld.idx.msk [tilespmem:v33+s18+$0x0], $0xffff  }
0x258: {  	v34 =	vld.idx.msk [tilespmem:v34+s18+$0x0], $0xffff  }
0x259: {  	v35 =	vld.idx.msk [tilespmem:v35+s18+$0x0], $0xffff;
	v6 =	vadd.s32 v6, v7  }
0x25a: {  	v7 =	vld.idx.msk [tilespmem:v59+s18+$0x0], $0xffff;
	v5 =	vadd.s32 v5, v22;
	v6 =	vadd.s32 v8, v6  }
0x25b: {  	v8 =	vld.idx.msk [tilespmem:v60+s18+$0x0], $0xffff;
	v5 =	vadd.s32 v23, v5;
	v6 =	vadd.s32 v9, v6;
	v9 =	vadd.s32 v37, v39  }
0x25c: {  	v36 =	vld.idx.msk [tilespmem:v36+s18+$0x0], $0xffff;
	v5 =	vadd.s32 v24, v5;
	v6 =	vadd.s32 v10, v6;
	v9 =	vadd.s32 v42, v9  }
0x25d: {  	v10 =	vld.idx.msk [tilespmem:v57+s18+$0x0], $0xffff;
	v5 =	vadd.s32 v25, v5;
	v6 =	vadd.s32 v11, v6;
	v9 =	vadd.s32 v48, v9  }
0x25e: {  	v11 =	vld.idx.msk [tilespmem:v52+s18+$0x0], $0xffff;
	v5 =	vadd.s32 v26, v5;
	v6 =	vadd.s32 v12, v6;
	v9 =	vadd.s32 v56, v9  }
0x25f: {  	v12 =	vld.idx.msk [tilespmem:v50+s18+$0x0], $0xffff;
	v5 =	vadd.s32 v27, v5;
	v6 =	vadd.s32 v13, v6;
	v7 =	vadd.s32 v7, v9  }
0x260: {  	v9 =	vld.idx.msk [tilespmem:v43+s18+$0x0], $0xffff;
	v5 =	vadd.s32 v28, v5;
	v6 =	vadd.s32 v14, v6;
	v7 =	vadd.s32 v8, v7  }
0x261: {  	v8 =	vld.idx.msk [tilespmem:v44+s18+$0x0], $0xffff;
	v5 =	vadd.s32 v29, v5;
	v6 =	vadd.s32 v15, v6;
	v7 =	vadd.s32 v63, v7  }
0x262: {  	v13 =	vld.idx.msk [tilespmem:v45+s18+$0x0], $0xffff;
	v5 =	vadd.s32 v30, v5;
	v6 =	vadd.s32 v16, v6;
	v7 =	vadd.s32 v10, v7  }
0x263: {  	v10 =	vld.idx.msk [tilespmem:v46+s18+$0x0], $0xffff;
	v5 =	vadd.s32 v31, v5;
	v6 =	vadd.s32 v17, v6;
	v7 =	vadd.s32 v11, v7  }
0x264: {  	v11 =	vld.idx.msk [tilespmem:v47+s18+$0x0], $0xffff;
	v5 =	vadd.s32 v32, v5;
	v6 =	vadd.s32 v18, v6;
	v7 =	vadd.s32 v12, v7  }
0x265: {  	v5 =	vadd.s32 v33, v5;
	v6 =	vadd.s32 v19, v6;
	v7 =	vadd.s32 v9, v7  }
0x266: {  	v5 =	vadd.s32 v34, v5;
	v6 =	vadd.s32 v20, v6;
	v7 =	vadd.s32 v8, v7  }
0x267: {  	v5 =	vadd.s32 v35, v5;
	v6 =	vadd.s32 v21, v6;
	v7 =	vadd.s32 v13, v7  }
0x268: {  	v8 =	vadd.s32 v36, v5;
	v5 =	vadd.s32 v10, v7;
	[tilespmem:s28+$0x8C80] =	vst v6  }
0x269: {  	[tilespmem:s25+$0x0] =	vst v8;
	v13 =	vadd.s32 v11, v5  }
0x26a: {  	v38 =	vld.idx.msk [tilespmem:v4+s18+$0x0], $0xffff;
	[tilespmem:s26+$0x8C80] =	vst v13  }
0x26b: {  	v13 =	vld [tilespmem:$0x1FFF0]  }
0x26c: {  	v14 =	vld.idx.msk [tilespmem:v54+s18+$0x0], $0xffff  }
0x26d: {  	v12 =	vld.idx.msk [tilespmem:v40+s18+$0x0], $0xffff  }
0x26e: {  	v9 =	vld.idx.msk [tilespmem:v41+s18+$0x0], $0xffff  }
0x26f: {  	v16 =	vld.idx.msk [tilespmem:v53+s18+$0x0], $0xffff;
	v10 =	vor.u32 $0x9, v4  }
0x270: {  	v15 =	vld.idx.msk [tilespmem:v55+s18+$0x0], $0xffff;
	v6 =	vor.u32 $0xA, v4  }
0x271: {  	v5 =	vor.u32 $0xB, v4;
	v11 =	vld.idx.msk [tilespmem:v51+s18+$0x0], $0xffff  }
0x272: {  	v7 =	vor.u32 $0xC, v4;
	v8 =	vor.u32 $0xD, v4;
	v17 =	vadd.s32 v38, v12;
	v12 =	vld.idx.msk [tilespmem:v49+s18+$0x0], $0xffff  }
0x273: {  	s24 =	simm.s32 $0x2;
	v17 =	vadd.s32 v9, v17;
	v9 =	vor.u32 $0xE, v4;
	v4 =	vor.u32 $0xF, v4;
	s26 =	simm.s32 $0x50;
	v13 =	vld.idx.msk [tilespmem:v13+s18+$0x0], $0xffff  }
.LBB2_16:
0x274: {  	s28 =	sadd.s32 $0xFFFFFFF0, s26;
	v18 =	vmov s26;
	s24 =	sadd.s32 $0x2, s24;
	v16 =	vadd.s32 v16, v17;
	v17 =	vld.idx.msk [tilespmem:v10+s18+$0x0], $0xffff  }
0x275: {  	v10 =	vmov s28;
	v18 =	vshll.u32 v18, $0x4;
	p0 =	slt.u32 s24, $0x3E;
	v14 =	vadd.s32 v14, v16;
	v16 =	vld.idx.msk [tilespmem:v6+s18+$0x0], $0xffff  }
0x276: {  	v6 =	vshll.u32 v10, $0x4;
	v18 =	vor.u32 v3, v18;
	v14 =	vadd.s32 v15, v14;
	v15 =	vld.idx.msk [tilespmem:v5+s18+$0x0], $0xffff  }
0x277: {  	v19 =	vor.u32 v3, v6;
	v20 =	vor.u32 $0x1, v18;
	v21 =	vor.u32 $0x2, v18;
	v22 =	vld.idx.msk [tilespmem:v7+s18+$0x0], $0xffff  }
0x278: {  	v23 =	vor.u32 $0x3, v18;
	v24 =	vor.u32 $0x4, v18;
	v7 =	vor.u32 $0x1, v19;
	v25 =	vld.idx.msk [tilespmem:v8+s18+$0x0], $0xffff  }
0x279: {  	v26 =	vor.u32 $0x5, v18;
	v27 =	vor.u32 $0x6, v18;
	v8 =	vor.u32 $0x2, v19;
	v28 =	vld.idx.msk [tilespmem:v9+s18+$0x0], $0xffff  }
0x27a: {  	v29 =	vor.u32 $0x7, v18;
	v30 =	vor.u32 $0x8, v18;
	v9 =	vor.u32 $0x3, v19;
	v31 =	vld.idx.msk [tilespmem:v4+s18+$0x0], $0xffff  }
0x27b: {  	v10 =	vor.u32 $0x9, v18;
	v6 =	vor.u32 $0xA, v18;
	v4 =	vor.u32 $0x4, v19;
	v32 =	vld.idx.msk [tilespmem:v18+s18+$0x0], $0xffff  }
0x27c: {  	v5 =	vor.u32 $0xB, v18;
	v11 =	vadd.s32 v11, v14;
	v34 =	vor.u32 $0x5, v19;
	v33 =	vld.idx.msk [tilespmem:v19+s18+$0x0], $0xffff  }
0x27d: {  	v35 =	vor.u32 $0x6, v19;
	v11 =	vadd.s32 v12, v11;
	v14 =	vld.idx.msk [tilespmem:v7+s18+$0x0], $0xffff;
	v7 =	vor.u32 $0xC, v18  }
0x27e: {  	v36 =	vor.u32 $0x7, v19;
	v11 =	vadd.s32 v13, v11;
	v12 =	vld.idx.msk [tilespmem:v8+s18+$0x0], $0xffff;
	v8 =	vor.u32 $0xD, v18  }
0x27f: {  	v37 =	vor.u32 $0x8, v19;
	v11 =	vadd.s32 v17, v11;
	v13 =	vld.idx.msk [tilespmem:v9+s18+$0x0], $0xffff;
	v9 =	vor.u32 $0xE, v18  }
0x280: {  	v38 =	vor.u32 $0x9, v19;
	v11 =	vadd.s32 v16, v11;
	v17 =	vld.idx.msk [tilespmem:v4+s18+$0x0], $0xffff;
	v4 =	vor.u32 $0xF, v18  }
0x281: {  	v11 =	vadd.s32 v15, v11;
	v18 =	vor.u32 $0xA, v19;
	v16 =	vld.idx.msk [tilespmem:v34+s18+$0x0], $0xffff  }
0x282: {  	v11 =	vadd.s32 v22, v11;
	v34 =	vor.u32 $0xB, v19;
	v15 =	vld.idx.msk [tilespmem:v35+s18+$0x0], $0xffff  }
0x283: {  	v11 =	vadd.s32 v25, v11;
	v14 =	vadd.s32 v33, v14;
	v33 =	vor.u32 $0xC, v19;
	v22 =	vld.idx.msk [tilespmem:v36+s18+$0x0], $0xffff  }
0x284: {  	v25 =	vor.u32 $0xD, v19;
	v11 =	vadd.s32 v28, v11;
	v12 =	vadd.s32 v12, v14;
	v14 =	vld.idx.msk [tilespmem:v37+s18+$0x0], $0xffff  }
0x285: {  	s25 =	sadd.s32 $0x20, s25;
	v28 =	vor.u32 $0xE, v19;
	v11 =	vadd.s32 v31, v11;
	v12 =	vadd.s32 v13, v12;
	v13 =	vld.idx.msk [tilespmem:v38+s18+$0x0], $0xffff  }
0x286: {  	v12 =	vadd.s32 v17, v12;
	v17 =	vld.idx.msk [tilespmem:v18+s18+$0x0], $0xffff;
	v18 =	vor.u32 $0xF, v19;
	[tilespmem:s25+$0x0] =	vst v11  }
0x287: {  	v11 =	vadd.s32 v16, v12;
	v12 =	vld.idx.msk [tilespmem:v34+s18+$0x0], $0xffff  }
0x288: {  	v11 =	vadd.s32 v15, v11;
	v15 =	vld.idx.msk [tilespmem:v33+s18+$0x0], $0xffff  }
0x289: {  	v11 =	vadd.s32 v22, v11;
	v19 =	vld.idx.msk [tilespmem:v25+s18+$0x0], $0xffff  }
0x28a: {  	v11 =	vadd.s32 v14, v11;
	v22 =	vld.idx.msk [tilespmem:v28+s18+$0x0], $0xffff  }
0x28b: {  	v11 =	vadd.s32 v13, v11;
	v13 =	vld.idx.msk [tilespmem:v18+s18+$0x0], $0xffff  }
0x28c: {  	v11 =	vadd.s32 v17, v11;
	v17 =	vld.idx.msk [tilespmem:v20+s18+$0x0], $0xffff  }
0x28d: {  	v11 =	vadd.s32 v12, v11;
	v18 =	vld.idx.msk [tilespmem:v21+s18+$0x0], $0xffff  }
0x28e: {  	v11 =	vadd.s32 v15, v11;
	v16 =	vld.idx.msk [tilespmem:v23+s18+$0x0], $0xffff  }
.Ltmp8:
0x28f: {  	v11 =	vadd.s32 v19, v11;
	v14 =	vld.idx.msk [tilespmem:v24+s18+$0x0], $0xffff;
	(pc) =	sbr.rel @p0 .LBB2_16-.Ltmp8, $4  }
0x290: {  	v11 =	vadd.s32 v22, v11;
	v15 =	vld.idx.msk [tilespmem:v26+s18+$0x0], $0xffff  }
0x291: {  	s28 =	sand.u32 $0x3E0, s28;
	v12 =	vadd.s32 v13, v11;
	v11 =	vld.idx.msk [tilespmem:v27+s18+$0x0], $0xffff  }
0x292: {  	v13 =	vadd.s32 v32, v17;
	[tilespmem:s28+$0x8C80] =	vst v12;
	v12 =	vld.idx.msk [tilespmem:v29+s18+$0x0], $0xffff  }
0x293: {  	s26 =	sadd.s32 $0x20, s26;
	v17 =	vadd.s32 v18, v13;
	v13 =	vld.idx.msk [tilespmem:v30+s18+$0x0], $0xffff  }
0x294: {  	_ =	sdelay $0x2  }
0x295: {  	v16 =	vadd.s32 v16, v17  }
0x296: {  	v10 =	vld.idx.msk [tilespmem:v10+s18+$0x0], $0xffff;
	v14 =	vadd.s32 v14, v16  }
0x297: {  	v6 =	vld.idx.msk [tilespmem:v6+s18+$0x0], $0xffff;
	v14 =	vadd.s32 v15, v14  }
0x298: {  	v5 =	vld.idx.msk [tilespmem:v5+s18+$0x0], $0xffff;
	v11 =	vadd.s32 v11, v14  }
0x299: {  	v7 =	vld.idx.msk [tilespmem:v7+s18+$0x0], $0xffff;
	v11 =	vadd.s32 v12, v11  }
0x29a: {  	v8 =	vld.idx.msk [tilespmem:v8+s18+$0x0], $0xffff;
	v11 =	vadd.s32 v13, v11  }
0x29b: {  	v9 =	vld.idx.msk [tilespmem:v9+s18+$0x0], $0xffff;
	v10 =	vadd.s32 v10, v11  }
0x29c: {  	v4 =	vld.idx.msk [tilespmem:v4+s18+$0x0], $0xffff;
	v6 =	vadd.s32 v6, v10  }
0x29d: {  	v5 =	vadd.s32 v5, v6  }
0x29e: {  	v5 =	vadd.s32 v7, v5  }
0x29f: {  	v5 =	vadd.s32 v8, v5  }
0x2a0: {  	s23 =	sadd.s32 $0x1, s23;
	v5 =	vadd.s32 v9, v5  }
0x2a1: {  	s24 =	sadd.s32 $0x20, s25;
	p0 =	sne.s32 s23, s10;
	v4 =	vadd.s32 v4, v5  }
.Ltmp9:
0x2a2: {  	[tilespmem:s24+$0x0] =	vst v4;
	(pc) =	sbr.rel @p0 .LBB2_1-.Ltmp9, $4  }
0x2a3: {  	[hbm4b:s9+s20] =	stream.strided.scatter [tilespmem:s22], [sflag:$0x3], $0x1000, s21, s20, $0x38;
	[tilespmem:$0x19080] =	vst v63  }
0x2a4: {  	_ =	swait.ge [sflag:s12], $0x1000  }
0x2a5: {  	[sflag:s12] =	ssyncset.done $0x0  }
0x2a6: {  	[sflag:s12] =	ssyncadd.s32 $0xFFFFF000  }
0x2a7: {  	_ =	sfence.sel $0x180000  }
0x2a8: {  	[bflag:$0x0] =	sbarrier.arrive $0xFFFF  }
0x2a9: {  	p0 =	sne.s32 s2, $0x0;
	_ =	strace $0x90000050  }
0x2aa: {  	s0 =	sadd.s32 @!p0 $0x100000, s0;
	[bflag:$0x2] =	sbarrier.arrive $0xFFFF  }
0x2ab: {  	[sflag:s0] =	ssyncadd.tile.s32 @!p0 $0x1;
	_ =	shalt  }
.Lfunc_end2:
_tile_overlayer_lowered:
.L_overlay_start_2:
0x2ac: {  	(tag) =	ssettag $0x2  }
0x2ad: {  	s0 =	rddreg [dreg:$0x0];
	s2 =	stileid.u32  }
0x2ae: {  	s1 =	rddreg [dreg:$0x1];
	p0 =	sne.s32 s2, $0x0  }
0x2af: {  	s3 =	rddreg [dreg:$0x2];
	[bflag:$0x3] =	sbarrier.arrive $0xFFFF;
	s2 =	simm.s32 @!p0 $0x1C03  }
0x2b0: {  	[timem:s3], [sflag:s2] =	dma.local @!p0 [hbm:s0], s1  }
0x2b1: {  	s0 =	simm.s32 @!p0 $0x3  }
0x2b2: {  	_ =	swait.ge @!p0 [sflag:s0], s1  }
0x2b3: {  	s1 =	ssub.s32 @!p0 $0x0, s1;
	[sflag:s0] =	ssyncset.done @!p0 $0x0  }
0x2b4: {  	[sflag:s0] =	ssyncadd.s32 @!p0 s1  }
0x2b5: {  	[bflag:$0x3] =	sbarrier.arrive $0xFFFF  }
0x2b6: {  	_ =	shalt  }

// kernel: kernel.5.cloned.1.call-start
scs
__scs_entry_jumppad:
0x0: {  	(pc) =	sbr.rel $0x88, $3  }
0x1: {  	(tag) =	ssettag $0x0;
	lr =	simm.s32 $0x1  }
0x2: {  	[smem:$0x3F9F] =	sst lr;
	_ =	strace $0xD0000000  }
0x3: {  	_ = 	snop  }
0x4: {  	_ = 	snop  }
0x5: {  	_ = 	snop  }
0x6: {  	_ = 	snop  }
0x7: {  	_ = 	snop  }
__scs_overlays_trampoline_lowered:
0x8: {  	[smem:$0x3FAE] =	sst s0  }
0x9: {  	[smem:$0x3FAF] =	sst s1  }
0xa: {  	[smem:$0x3FB0] =	sst s2  }
0xb: {  	[smem:$0x3FB1] =	sst s3  }
0xc: {  	[smem:$0x3FB2] =	sst s4  }
0xd: {  	[smem:$0x3FB3] =	sst s5  }
0xe: {  	[smem:$0x3FB4] =	sst s6  }
0xf: {  	[smem:$0x3FB5] =	sst s7  }
0x10: {  	[smem:$0x3FB6] =	sst s8  }
0x11: {  	[smem:$0x3FB7] =	sst s9;
	s0 =	simm.s32 @!p0 $0x0  }
0x12: {  	s1 =	sld [smem:$0x3F9D];
	s0 =	simm.s32 @p0 $0x1  }
0x13: {  	[smem:$0x3FB8] =	sst s0;
	s0 =	simm.s32 @!p1 $0x0  }
0x14: {  	s2 =	sld [smem:$0x3F9C];
	s0 =	simm.s32 @p1 $0x1  }
0x15: {  	[smem:$0x3FB9] =	sst s0;
	s0 =	simm.s32 @!p2 $0x0  }
0x16: {  	s3 =	sld [smem:$0x3FDB];
	s0 =	simm.s32 @p2 $0x1  }
0x17: {  	s4 =	simm.s32 $0x1BF5;
	[smem:$0x3FBB] =	sst s0  }
0x18: {  	s0 =	sld [smem:$0x3F9E];
	_ =	swait.ge [sflag:s4], $0x0  }
0x19: {  	s7 =	sld [smem:$0x3F9F]  }
0x1a: {  	s8 =	sadd.s32 $0xFFFFE003, lr  }
0x1b: {  	s9 =	sadd.s32 $0xFFFFFEF7, lr;
	s5 =	simm.s32 $0xFFFFFFFF;
	p2 =	slt.u32 s8, $0xFFFFF086  }
0x1c: {  	p1 =	slt.u32 s9, $0xF7A;
	s5 =	simm.s32 @!p2 $0x0  }
0x1d: {  	s5 =	simm.s32 @p1 $0x1;
	p0 =	seq.s32 s7, s2  }
0x1e: {  	s7 =	smul.u32 @!p0 $0xF7A, s2;
	p2 =	seq.s32 @!p0 s5, $0x0  }
0x1f: {  	s9 =	smul.u32 $0xF7A, s1;
	s8 =	simm.s32 @!p0 $0x1BF5;
	p2 =	por !p2, p0  }
0x20: {  	[sflag:s8] =	ssyncset.s32 @!p0 $0xFFFFF086;
	s6 =	sadd.s32 @!p0 s3, s7;
	s7 =	simm.s32 @!p0 $0x108  }
0x21: {  	s3 =	sadd.s32 s3, s9;
	s6 =	sadd.s32 @!p0 $0x88, s6;
	s7 =	simm.s32 @p2 $0x1082  }
0x22: {  	[simem:s7], [sflag:s8] =	dma.local @!p0 [hbm:s6], $0xF7A  }
0x23: {  	s9 =	sor.u32 $0xD0000000, s2;
	s6 =	simm.s32 $0x108;
	_ =	swait.ge @!p0 [sflag:s8], $0x0  }
0x24: {  	s3 =	sadd.s32 $0x88, s3;
	s6 =	simm.s32 @!p1 $0x1082;
	[sflag:s4] =	ssyncset.s32 $0xFFFFF086  }
0x25: {  	[simem:s6], [sflag:s4] =	dma.local [hbm:s3], $0xF7A  }
0x26: {  	[smem:$0x3F9F] =	sst s1;
	(tag) =	ssettag s2;
	_ =	strace s9  }
0x27: {  	s1 =	sld [smem:$0x3FAF]  }
0x28: {  	s2 =	sld [smem:$0x3FB0]  }
0x29: {  	s4 =	sld [smem:$0x3FB2]  }
0x2a: {  	p0 =	seq.s32 s5, $0x0;
	s5 =	sld [smem:$0x3FB3]  }
0x2b: {  	s6 =	sld [smem:$0x3FB4]  }
0x2c: {  	s7 =	sld [smem:$0x3FB5]  }
0x2d: {  	s3 =	simm.s32 $0x108;
	s8 =	sld [smem:$0x3FB6]  }
0x2e: {  	s3 =	simm.s32 @!p0 $0x1082;
	s9 =	sld [smem:$0x3FB7]  }
0x2f: {  	lr =	sadd.s32 s0, s3;
	s0 =	sld [smem:$0x3FAE]  }
0x30: {  	s3 =	sld [smem:$0x3FB1]  }
0x31: {  	[smem:$0x3FBA] =	sst s10  }
0x32: {  	s10 =	sld [smem:$0x3FB8];
	_ =	sdelay $0x3  }
0x33: {  	p0 =	seq.s32 s10, $0x1;
	s10 =	sld [smem:$0x3FBA];
	_ =	sdelay $0x3  }
0x34: {  	[smem:$0x3FBA] =	sst s10  }
0x35: {  	s10 =	sld [smem:$0x3FB9];
	_ =	sdelay $0x3  }
0x36: {  	p1 =	seq.s32 s10, $0x1;
	s10 =	sld [smem:$0x3FBA];
	_ =	sdelay $0x3  }
0x37: {  	[smem:$0x3FBA] =	sst s10  }
0x38: {  	s10 =	sld [smem:$0x3FBB]  }
0x39: {  	_ = 	snop;
	(pc) =	sbr.ind lr, $3  }
0x3a: {  	_ = 	snop  }
0x3b: {  	_ = 	snop  }
0x3c: {  	p2 =	seq.s32 s10, $0x1;
	s10 =	sld [smem:$0x3FBA]  }
0x3d: {  	_ =	shalt  }
0x3e: {  	_ =	shalt  }
0x3f: {  	_ =	shalt  }
0x40: {  	_ =	shalt  }
0x41: {  	_ =	shalt  }
0x42: {  	_ =	shalt  }
0x43: {  	_ =	shalt  }
0x44: {  	_ =	shalt  }
0x45: {  	_ =	shalt  }
0x46: {  	_ =	shalt  }
0x47: {  	_ =	shalt  }
0x48: {  	_ =	shalt  }
0x49: {  	_ =	shalt  }
0x4a: {  	_ =	shalt  }
0x4b: {  	_ =	shalt  }
0x4c: {  	_ =	shalt  }
0x4d: {  	_ =	shalt  }
0x4e: {  	_ =	shalt  }
0x4f: {  	_ =	shalt  }
0x50: {  	_ =	shalt  }
0x51: {  	_ =	shalt  }
0x52: {  	_ =	shalt  }
0x53: {  	_ =	shalt  }
0x54: {  	_ =	shalt  }
0x55: {  	_ =	shalt  }
0x56: {  	_ =	shalt  }
0x57: {  	_ =	shalt  }
0x58: {  	_ =	shalt  }
0x59: {  	_ =	shalt  }
0x5a: {  	_ =	shalt  }
0x5b: {  	_ =	shalt  }
0x5c: {  	_ =	shalt  }
0x5d: {  	_ =	shalt  }
0x5e: {  	_ =	shalt  }
0x5f: {  	_ =	shalt  }
0x60: {  	_ =	shalt  }
0x61: {  	_ =	shalt  }
0x62: {  	_ =	shalt  }
0x63: {  	_ =	shalt  }
0x64: {  	_ =	shalt  }
0x65: {  	_ =	shalt  }
0x66: {  	_ =	shalt  }
0x67: {  	_ =	shalt  }
0x68: {  	_ =	shalt  }
0x69: {  	_ =	shalt  }
0x6a: {  	_ =	shalt  }
0x6b: {  	_ =	shalt  }
0x6c: {  	_ =	shalt  }
0x6d: {  	_ =	shalt  }
0x6e: {  	_ =	shalt  }
0x6f: {  	_ =	shalt  }
0x70: {  	_ =	shalt  }
0x71: {  	_ =	shalt  }
0x72: {  	_ =	shalt  }
0x73: {  	_ =	shalt  }
0x74: {  	_ =	shalt  }
0x75: {  	_ =	shalt  }
0x76: {  	_ =	shalt  }
0x77: {  	_ =	shalt  }
0x78: {  	_ =	shalt  }
0x79: {  	_ =	shalt  }
0x7a: {  	_ =	shalt  }
0x7b: {  	_ =	shalt  }
0x7c: {  	_ =	shalt  }
0x7d: {  	_ =	shalt  }
0x7e: {  	_ =	shalt  }
0x7f: {  	_ =	shalt  }
0x80: {  	_ =	shalt  }
0x81: {  	_ =	shalt  }
0x82: {  	_ =	shalt  }
0x83: {  	_ =	shalt  }
0x84: {  	_ =	shalt  }
0x85: {  	_ =	shalt  }
0x86: {  	_ =	shalt  }
0x87: {  	_ =	shalt  }
.Lfunc_end0:
.L_simem_size_0:
called_computation.1_lowered:
.L_overlay_start_0:
0x88: {  	s2 =	sld [smem:$0x3FD9]  }
0x89: {  	s3 =	sld [smem:$0x3FFE];
	_ =	sdelay $0x1  }
0x8a: {  	s1 =	srdreg.scid  }
0x8b: {  	s0 =	sand.u32 $0x1, s1  }
0x8c: {  	s16 =	sshll.u32 s0, $0xA;
	s2 =	sadd.s32 s3, s2  }
0x8d: {  	s2 =	sadd.s32 s2, s16  }
0x8e: {  	[smem:$0x3FC6] =	sst s2  }
0x8f: {  	_ = 	snop  }
0x90: {  	(tm) =	ssettm $0x1  }
0x91: {  	s17 =	sld [smem:$0x3FFB];
	_ =	sdelay $0x3  }
0x92: {  	_ =	strace s17  }
0x93: {  	s2 =	sld [smem:$0x3FFC];
	_ =	sdelay $0x3  }
0x94: {  	_ =	strace s2  }
0x95: {  	s2 =	sld [smem:$0x3FFD];
	_ =	sdelay $0x3  }
0x96: {  	_ =	strace s2  }
0x97: {  	_ =	strace $0x8FFFFFFF  }
0x98: {  	s18 =	sld [smem:$0x3FDB];
	_ =	sdelay $0x1  }
0x99: {  	s19 =	simm.s32 $_scs_section_size  }
0x9a: {  	s4 =	simm.s32 $_size__tile_overlayer_lowered;
	s5 =	simm.s32 $_tile_overlayer_lowered  }
0x9b: {  	s22 =	simm.s32 $0x1BFF;
	s21 =	sshll.u32 s5, $0x1;
	s2 =	sadd.s32 s19, s18  }
0x9c: {  	s6 =	simm.s32 $0x0;
	s20 =	sshll.u32 s4, $0x1;
	s4 =	sadd.s32 s21, s2  }
0x9d: {  	[timem:s6], [sflag:s22] =	dma.local [hbm:s4], s20  }
0x9e: {  	_ =	swait.ge [sflag:s22], s20  }
0x9f: {  	s3 =	ssub.s32 $0x0, s20;
	[sflag:s22] =	ssyncset.done $0x0  }
0xa0: {  	[sflag:s22] =	ssyncadd.s32 s3;
	_ =	sdelay $0x1  }
0xa1: {  	s23 =	simm.s32 $0x1B8B  }
0xa2: {  	_ =	swait.ge [sflag:s23], $0x1  }
0xa3: {  	[sflag:s23] =	ssyncset.done $0x0  }
0xa4: {  	s25 =	simm.s32 $0x1B8E;
	s24 =	sld [smem:$0x3FFE];
	[sflag:s23] =	ssyncadd.s32 $0xFFFFFFFF  }
0xa5: {  	s26 =	simm.s32 $execute0_lowered;
	[smem:$0x3FD2] =	sst s25  }
0xa6: {  	s4 =	sshll.u32 s26, $0x1;
	_ =	strace $0x80000049;
	[dreg:$0x1] =	wrdreg $0xFFFFFFFF  }
0xa7: {  	s28 =	simm.s32 $_size_execute0_lowered;
	s2 =	sadd.s32 s2, s4;
	[dreg:$0x0] =	wrdreg $0x0  }
0xa8: {  	s4 =	sshll.u32 s28, $0x1;
	[dreg:$0x2] =	wrdreg s2  }
0xa9: {  	[dreg:$0x3] =	wrdreg s4  }
0xaa: {  	[dreg:$0x4] =	wrdreg $0xC0  }
0xab: {  	_ =	task [dreg:s6], $0x5FFFF  }
0xac: {  	[dreg:$0x1] =	wrdreg $0xFFFFFFFF  }
0xad: {  	[dreg:$0x0] =	wrdreg $0x60  }
0xae: {  	[dreg:$0x2] =	wrdreg s24  }
0xaf: {  	[dreg:$0x3] =	wrdreg $0x9  }
0xb0: {  	_ =	task.clear_ibuf [dreg:s6], $0x4FFFF;
	_ =	strace $0x90000049  }
0xb1: {  	s29 =	simm.s32 $0x9;
	_ =	strace $0x8000004B  }
0xb2: {  	_ =	swait.ge [sflag:s29], $0x1  }
0xb3: {  	[sflag:s29] =	ssyncadd.s32 $0xFFFFFFFF  }
0xb4: {  	_ =	strace $0x9000004B  }
0xb5: {  	_ =	sfence  }
0xb6: {  	s30 =	sld [smem:$0x0];
	_ =	sdelay $0x2  }
0xb7: {  	s31 =	sshll.u32 s1, $0xD;
	s1 =	sshrl.u32 s1, $0x2  }
0xb8: {  	s3 =	sand.u32 $0x4000, s31;
	s1 =	sadd.s32 s1, s30  }
0xb9: {  	s0 =	sor.u32 s3, s0;
	s1 =	sshll.u32 s1, $0x11  }
0xba: {  	s0 =	sor.u32 s1, s0  }
0xbb: {  	s0 =	sadd.s32 $0x8F2B, s0  }
0xbc: {  	[sflag:s0] =	ssyncadd.remote.s32 $0x1  }
0xbd: {  	_ =	sfence.sel $0xFFFF  }
0xbe: {  	[dreg:$0x0] =	wrdreg $0xFFFFFFFF;
	(pc) =	sbr.abs _section_cstart, $3  }
0xbf: {  	[dreg:$0x1] =	wrdreg $0xFFFFFFFF  }
0xc0: {  	_ =	task.clear_ibuf [dreg:s6], $0x2FFFF;
	_ =	strace $0x9FFFFFFF  }
0xc1: {  	(tm) =	ssettm $0x7FFFFFFF  }
tec
execute0_lowered:
.L_overlay_start_1:
0x0: {  	(tag) =	ssettag $0x1  }
0x1: {  	s1 =	rddreg [dreg:$0x0]  }
0x2: {  	s0 =	rddreg [dreg:$0x1]  }
0x3: {  	s3 =	simm.s32 $0x0;
	s2 =	stileid.u32;
	s5 =	srdreg.scid  }
0x4: {  	s13 =	simm.s32 $0x4000;
	s14 =	simm.s32 $0x1;
	s15 =	simm.s32 $0x9080  }
0x5: {  	s16 =	simm.s32 $0x2;
	s17 =	simm.s32 $0x80;
	s18 =	simm.s32 $0x400  }
0x6: {  	s19 =	simm.s32 $0x8080;
	s20 =	simm.s32 $0x0;
	[smem:$0x7FF] =	sst s3  }
0x7: {  	s4 =	sadd.s32 $0x200000, s1;
	s6 =	sshll.u32 s2, $0xA;
	s5 =	sand.u32 $0x1, s5  }
0x8: {  	s7 =	sshll.u32 s2, $0x1;
	_ =	strace $0x8000004A;
	s6 =	sand.u32 $0x3000, s6  }
0x9: {  	s8 =	ssub.s32 $0x2, s5;
	s7 =	sor.u32 s5, s7;
	s9 =	sadd.s32 s6, s1  }
0xa: {  	s29 =	sshrl.u32 s8, $0x1;
	s30 =	sshll.u32 s7, $0x10;
	s31 =	sshll.u32 s7, $0x4  }
0xb: {  	s11 =	sshll.u32 s7, $0x13;
	s10 =	ssub.s32 s8, s29;
	s5 =	sadd.s32 s1, s30  }
0xc: {  	s12 =	sand.u32 $0x70, s31;
	s7 =	sor.u32 $0x8000, s11;
	s8 =	sor.u32 $0xC000, s11  }
0xd: {  	v0 =	vimm.s32 $0x0;
	v3 =	vlaneseq.u32;
	s11 =	simm.s32 $0x8000;
	s6 =	sadd.s32 $0x800, s5;
	s9 =	sadd.s32 s12, s9  }
0xe: {  	v2 =	vimm.s32 $0x1;
	v1 =	vor.u32 $0x8000, v3;
	v3 =	vmul.u32 $0x10, v3;
	s10 =	smax.u32 s10, $0x1;
	s12 =	simm.s32 $0x3;
	s9 =	sadd.s32 $0x200200, s9  }
.LBB2_1:
0xf: {  	s21 =	simm.s32 $0x90C0  }
0x10: {  	[tilespmem:s21+$0xFFFFFFC0] =	vst v0  }
0x11: {  	[tilespmem:s21+$0x30] =	vst v0  }
0x12: {  	[tilespmem:s21+$0x20] =	vst v0  }
0x13: {  	[tilespmem:s21+$0x10] =	vst v0  }
0x14: {  	[tilespmem:s21+$0x0] =	vst v0  }
0x15: {  	[tilespmem:s21+$0xFFFFFFF0] =	vst v0  }
0x16: {  	s22 =	simm.s32 $0x0;
	[tilespmem:s21+$0xFFFFFFE0] =	vst v0  }
.LBB2_2:
0x17: {  	s22 =	sadd.s32 $0x8, s22;
	[tilespmem:s21+$0xFFFFFFD0] =	vst v0;
	s21 =	sadd.s32 $0x80, s21  }
0x18: {  	[tilespmem:s21+$0xFFFFFFC0] =	vst v0;
	p0 =	slt.u32 s22, $0xFF8  }
0x19: {  	[tilespmem:s21+$0x30] =	vst v0  }
.Ltmp0:
0x1a: {  	[tilespmem:s21+$0x20] =	vst v0;
	(pc) =	sbr.rel @p0 .LBB2_2-.Ltmp0, $4  }
0x1b: {  	[tilespmem:s21+$0x10] =	vst v0  }
0x1c: {  	[tilespmem:s21+$0x0] =	vst v0  }
0x1d: {  	[tilespmem:s21+$0xFFFFFFF0] =	vst v0  }
0x1e: {  	[tilespmem:s21+$0xFFFFFFE0] =	vst v0  }
0x1f: {  	[tilespmem:s21+$0xFFFFFFD0] =	vst v0;
	s21 =	simm.s32 $0x0  }
0x20: {  	[tilespmem:s11], [sflag:$0x3] =	stream.linear.gather [hbm4b:s4+s21], $0x80, $0x38;
	[tilespmem:$0x19080] =	vst v63  }
0x21: {  	_ =	swait.ge [sflag:s12], $0x80  }
0x22: {  	[sflag:s12] =	ssyncset.done $0x0  }
0x23: {  	[sflag:s12] =	ssyncadd.s32 $0xFFFFFF80  }
0x24: {  	[tilespmem:s21], [sflag:$0x1] =	stream.linear.gather [hbm4b:s5+s21], $0x4000, $0x38;
	[tilespmem:$0x19080] =	vst v63  }
0x25: {  	_ = 	snop  }
0x26: {  	[tilespmem:s13], [sflag:$0x2] =	stream.linear.gather [hbm4b:s6+s21], $0x4000, $0x38;
	[tilespmem:$0x19080] =	vst v63  }
.LBB2_4:
0x27: {  	_ =	swait.ge [sflag:s14], $0x4000  }
0x28: {  	[sflag:s14] =	ssyncset.done $0x0  }
0x29: {  	s22 =	simm.s32 $0x20;
	[sflag:s14] =	ssyncadd.s32 $0xFFFFC000  }
0x2a: {  	v4 =	vld [tilespmem:s22+$0x10]  }
0x2b: {  	v6 =	vld [tilespmem:s22+$0xFFFFFFF0]  }
0x2c: {  	v7 =	vld [tilespmem:s22+$0x0]  }
0x2d: {  	v8 =	vld [tilespmem:s22+$0xFFFFFFE0];
	_ =	sdelay $0x2  }
0x2e: {  	v5 =	vsub.s32 $0x80000000, v4;
	vm0 =	vlt.s32 v4, $0x0  }
0x2f: {  	v9 =	vsub.s32 $0x80000000, v6;
	vm1 =	vlt.s32 v6, $0x0;
	v10 =	vsub.s32 $0x80000000, v7  }
0x30: {  	s31 =	simm.s32 $0x60;
	v12 =	vsub.s32 $0x80000000, v8;
	vm2 =	vlt.s32 v8, $0x0;
	v4 =	vsel vm0, v5, v4  }
0x31: {  	v11 =	vld [tilespmem:s31+$0x10];
	vm0 =	vlt.s32 v7, $0x0;
	v8 =	vsel vm2, v12, v8;
	v4 =	vshrl.u32 v4, $0x10  }
0x32: {  	v5 =	vld [tilespmem:s31+$0xFFFFFFF0];
	v9 =	vsel vm1, v9, v6;
	v7 =	vsel vm0, v10, v7;
	v4 =	vand.u32 $0xFFF0, v4  }
0x33: {  	v6 =	vld [tilespmem:s31+$0x0];
	v12 =	vxor.u32 v1, v4;
	v4 =	vshrl.u32 v8, $0x10;
	v8 =	vshrl.u32 v9, $0x10  }
0x34: {  	v9 =	vshrl.u32 v7, $0x10;
	v4 =	vand.u32 $0xFFF0, v4;
	v8 =	vand.u32 $0xFFF0, v8  }
0x35: {  	v7 =	vxor.u32 v1, v4;
	v4 =	vxor.u32 v1, v8;
	v8 =	vand.u32 $0xFFF0, v9;
	v9 =	vld [tilespmem:s31+$0xFFFFFFE0]  }
0x36: {  	v13 =	vsub.s32 $0x80000000, v11;
	vm1 =	vlt.s32 v11, $0x0  }
0x37: {  	v13 =	vsel vm1, v13, v11  }
0x38: {  	v10 =	vsub.s32 $0x80000000, v5;
	vm0 =	vlt.s32 v5, $0x0;
	v11 =	vsub.s32 $0x80000000, v6  }
0x39: {  	s23 =	simm.s32 $0xA0;
	s22 =	simm.s32 $0x4;
	vm1 =	vlt.s32 v6, $0x0;
	v8 =	vxor.u32 v1, v8;
	[tilespmem:v12+s15+$0x0] =	vst.idx.add.s32.msk $0xffff, v2;
	v12 =	vshrl.u32 v13, $0x10  }
.LBB2_5:
0x3a: {  	v13 =	vld [tilespmem:s23+$0x10];
	s22 =	sadd.s32 $0x4, s22;
	v14 =	vsub.s32 $0x80000000, v9;
	vm2 =	vlt.s32 v9, $0x0;
	v12 =	vand.u32 $0xFFF0, v12  }
0x3b: {  	v10 =	vsel vm0, v10, v5;
	p0 =	slt.u32 s22, $0x3FC;
	v9 =	vsel vm2, v14, v9;
	v5 =	vld [tilespmem:s23+$0xFFFFFFF0];
	v12 =	vxor.u32 v1, v12  }
0x3c: {  	v11 =	vsel vm1, v11, v6;
	v10 =	vshrl.u32 v10, $0x10;
	v14 =	vshrl.u32 v9, $0x10;
	v6 =	vld [tilespmem:s23+$0x0]  }
.Ltmp1:
0x3d: {  	v11 =	vshrl.u32 v11, $0x10;
	v10 =	vand.u32 $0xFFF0, v10;
	v9 =	vld [tilespmem:s23+$0xFFFFFFE0];
	v14 =	vand.u32 $0xFFF0, v14;
	(pc) =	sbr.rel @p0 .LBB2_5-.Ltmp1, $4  }
0x3e: {  	v11 =	vand.u32 $0xFFF0, v11;
	v10 =	vxor.u32 v1, v10;
	[tilespmem:v7+s15+$0x0] =	vst.idx.add.s32.msk $0xffff, v2;
	v7 =	vxor.u32 v1, v14  }
0x3f: {  	v15 =	vxor.u32 v1, v11;
	v14 =	vsub.s32 $0x80000000, v13;
	vm1 =	vlt.s32 v13, $0x0;
	[tilespmem:v4+s15+$0x0] =	vst.idx.add.s32.msk $0xffff, v2;
	v4 =	vmovc v10  }
0x40: {  	v10 =	vsub.s32 $0x80000000, v5;
	vm0 =	vlt.s32 v5, $0x0;
	v13 =	vsel vm1, v14, v13;
	[tilespmem:v12+s15+$0x0] =	vst.idx.add.s32.msk $0xffff, v2  }
0x41: {  	s23 =	sadd.s32 $0x40, s23;
	v11 =	vsub.s32 $0x80000000, v6;
	vm1 =	vlt.s32 v6, $0x0;
	v12 =	vshrl.u32 v13, $0x10;
	[tilespmem:v8+s15+$0x0] =	vst.idx.add.s32.msk $0xffff, v2;
	v8 =	vmovc v15  }
0x42: {  	v13 =	vsub.s32 $0x80000000, v9  }
0x43: {  	vm2 =	vlt.s32 v9, $0x0;
	v12 =	vand.u32 $0xFFF0, v12;
	v5 =	vsel vm0, v10, v5  }
0x44: {  	v6 =	vsel vm1, v11, v6;
	v9 =	vsel vm2, v13, v9;
	v5 =	vshrl.u32 v5, $0x10  }
0x45: {  	v10 =	vxor.u32 v1, v12;
	v6 =	vshrl.u32 v6, $0x10;
	v5 =	vand.u32 $0xFFF0, v5  }
0x46: {  	v9 =	vshrl.u32 v9, $0x10;
	v6 =	vand.u32 $0xFFF0, v6;
	v5 =	vxor.u32 v1, v5  }
0x47: {  	[tilespmem:v7+s15+$0x0] =	vst.idx.add.s32.msk $0xffff, v2;
	v9 =	vand.u32 $0xFFF0, v9;
	v6 =	vxor.u32 v1, v6  }
0x48: {  	[tilespmem:v4+s15+$0x0] =	vst.idx.add.s32.msk $0xffff, v2;
	v9 =	vxor.u32 v1, v9  }
0x49: {  	[tilespmem:v8+s15+$0x0] =	vst.idx.add.s32.msk $0xffff, v2  }
0x4a: {  	s22 =	sshll.u32 s21, $0xF;
	p0 =	seq.s32 s21, $0xF;
	[tilespmem:v10+s15+$0x0] =	vst.idx.add.s32.msk $0xffff, v2  }
0x4b: {  	s23 =	sadd.s32 @!p0 s22, s7;
	[tilespmem:v5+s15+$0x0] =	vst.idx.add.s32.msk $0xffff, v2  }
0x4c: {  	s23 =	sshrl.u32 @!p0 s23, $0x3;
	[tilespmem:v6+s15+$0x0] =	vst.idx.add.s32.msk $0xffff, v2  }
0x4d: {  	s24 =	simm.s32 @!p0 $0x0;
	s23 =	sadd.s32 @!p0 s1, s23;
	[tilespmem:v9+s15+$0x0] =	vst.idx.add.s32.msk $0xffff, v2  }
0x4e: {  	[tilespmem:s24], [sflag:$0x1] =	stream.linear.gather @!p0 [hbm4b:s23+s24], $0x4000, $0x38;
	[tilespmem:$0x19080] =	vst v63  }
0x4f: {  	_ =	swait.ge [sflag:s16], $0x4000  }
0x50: {  	[sflag:s16] =	ssyncset.done $0x0  }
0x51: {  	s30 =	simm.s32 $0x4020;
	[sflag:s16] =	ssyncadd.s32 $0xFFFFC000  }
0x52: {  	v4 =	vld [tilespmem:s30+$0x10]  }
0x53: {  	v6 =	vld [tilespmem:s30+$0xFFFFFFF0]  }
0x54: {  	v7 =	vld [tilespmem:s30+$0x0]  }
0x55: {  	v8 =	vld [tilespmem:s30+$0xFFFFFFE0];
	_ =	sdelay $0x2  }
0x56: {  	v5 =	vsub.s32 $0x80000000, v4;
	vm0 =	vlt.s32 v4, $0x0  }
0x57: {  	v9 =	vsub.s32 $0x80000000, v6;
	vm1 =	vlt.s32 v6, $0x0;
	v10 =	vsub.s32 $0x80000000, v7  }
0x58: {  	s31 =	simm.s32 $0x4060;
	v12 =	vsub.s32 $0x80000000, v8;
	vm2 =	vlt.s32 v8, $0x0;
	v4 =	vsel vm0, v5, v4  }
0x59: {  	v11 =	vld [tilespmem:s31+$0x10];
	vm0 =	vlt.s32 v7, $0x0;
	v8 =	vsel vm2, v12, v8;
	v4 =	vshrl.u32 v4, $0x10  }
0x5a: {  	v5 =	vld [tilespmem:s31+$0xFFFFFFF0];
	v9 =	vsel vm1, v9, v6;
	v7 =	vsel vm0, v10, v7;
	v4 =	vand.u32 $0xFFF0, v4  }
0x5b: {  	v6 =	vld [tilespmem:s31+$0x0];
	v12 =	vxor.u32 v1, v4;
	v4 =	vshrl.u32 v8, $0x10;
	v8 =	vshrl.u32 v9, $0x10  }
0x5c: {  	v9 =	vshrl.u32 v7, $0x10;
	v4 =	vand.u32 $0xFFF0, v4;
	v8 =	vand.u32 $0xFFF0, v8  }
0x5d: {  	v7 =	vxor.u32 v1, v4;
	v4 =	vxor.u32 v1, v8;
	v8 =	vand.u32 $0xFFF0, v9;
	v9 =	vld [tilespmem:s31+$0xFFFFFFE0]  }
0x5e: {  	v13 =	vsub.s32 $0x80000000, v11;
	vm1 =	vlt.s32 v11, $0x0  }
0x5f: {  	v13 =	vsel vm1, v13, v11  }
0x60: {  	v10 =	vsub.s32 $0x80000000, v5;
	vm0 =	vlt.s32 v5, $0x0;
	v11 =	vsub.s32 $0x80000000, v6  }
0x61: {  	s23 =	simm.s32 $0x4;
	s24 =	simm.s32 $0x40A0;
	vm1 =	vlt.s32 v6, $0x0;
	v8 =	vxor.u32 v1, v8;
	[tilespmem:v12+s15+$0x0] =	vst.idx.add.s32.msk $0xffff, v2;
	v12 =	vshrl.u32 v13, $0x10  }
.LBB2_7:
0x62: {  	v13 =	vld [tilespmem:s24+$0x10];
	s23 =	sadd.s32 $0x4, s23;
	v14 =	vsub.s32 $0x80000000, v9;
	vm2 =	vlt.s32 v9, $0x0;
	v12 =	vand.u32 $0xFFF0, v12  }
0x63: {  	v10 =	vsel vm0, v10, v5;
	p1 =	slt.u32 s23, $0x3FC;
	v9 =	vsel vm2, v14, v9;
	v5 =	vld [tilespmem:s24+$0xFFFFFFF0];
	v12 =	vxor.u32 v1, v12  }
0x64: {  	v11 =	vsel vm1, v11, v6;
	v10 =	vshrl.u32 v10, $0x10;
	v14 =	vshrl.u32 v9, $0x10;
	v6 =	vld [tilespmem:s24+$0x0]  }
.Ltmp2:
0x65: {  	v11 =	vshrl.u32 v11, $0x10;
	v10 =	vand.u32 $0xFFF0, v10;
	v9 =	vld [tilespmem:s24+$0xFFFFFFE0];
	v14 =	vand.u32 $0xFFF0, v14;
	(pc) =	sbr.rel @p1 .LBB2_7-.Ltmp2, $4  }
0x66: {  	v11 =	vand.u32 $0xFFF0, v11;
	v10 =	vxor.u32 v1, v10;
	[tilespmem:v7+s15+$0x0] =	vst.idx.add.s32.msk $0xffff, v2;
	v7 =	vxor.u32 v1, v14  }
0x67: {  	v15 =	vxor.u32 v1, v11;
	v14 =	vsub.s32 $0x80000000, v13;
	vm1 =	vlt.s32 v13, $0x0;
	[tilespmem:v4+s15+$0x0] =	vst.idx.add.s32.msk $0xffff, v2;
	v4 =	vmovc v10  }
0x68: {  	v10 =	vsub.s32 $0x80000000, v5;
	vm0 =	vlt.s32 v5, $0x0;
	v13 =	vsel vm1, v14, v13;
	[tilespmem:v12+s15+$0x0] =	vst.idx.add.s32.msk $0xffff, v2  }
0x69: {  	s24 =	sadd.s32 $0x40, s24;
	v11 =	vsub.s32 $0x80000000, v6;
	vm1 =	vlt.s32 v6, $0x0;
	v12 =	vshrl.u32 v13, $0x10;
	[tilespmem:v8+s15+$0x0] =	vst.idx.add.s32.msk $0xffff, v2;
	v8 =	vmovc v15  }
0x6a: {  	v13 =	vsub.s32 $0x80000000, v9  }
0x6b: {  	vm2 =	vlt.s32 v9, $0x0;
	v12 =	vand.u32 $0xFFF0, v12;
	v5 =	vsel vm0, v10, v5  }
0x6c: {  	v6 =	vsel vm1, v11, v6;
	v9 =	vsel vm2, v13, v9;
	v5 =	vshrl.u32 v5, $0x10  }
0x6d: {  	v63 =	vxor.u32 v1, v12;
	v6 =	vshrl.u32 v6, $0x10;
	v5 =	vand.u32 $0xFFF0, v5  }
0x6e: {  	v9 =	vshrl.u32 v9, $0x10;
	v6 =	vand.u32 $0xFFF0, v6;
	v5 =	vxor.u32 v1, v5  }
0x6f: {  	[tilespmem:v7+s15+$0x0] =	vst.idx.add.s32.msk $0xffff, v2;
	v9 =	vand.u32 $0xFFF0, v9;
	v6 =	vxor.u32 v1, v6  }
0x70: {  	[tilespmem:v4+s15+$0x0] =	vst.idx.add.s32.msk $0xffff, v2;
	v9 =	vxor.u32 v1, v9  }
.Ltmp3:
0x71: {  	[tilespmem:v8+s15+$0x0] =	vst.idx.add.s32.msk $0xffff, v2;
	(pc) =	sbr.rel @p0 .LBB2_9-.Ltmp3, $4  }
0x72: {  	[tilespmem:v63+s15+$0x0] =	vst.idx.add.s32.msk $0xffff, v2  }
0x73: {  	[tilespmem:v5+s15+$0x0] =	vst.idx.add.s32.msk $0xffff, v2  }
0x74: {  	[tilespmem:v6+s15+$0x0] =	vst.idx.add.s32.msk $0xffff, v2  }
0x75: {  	[tilespmem:v9+s15+$0x0] =	vst.idx.add.s32.msk $0xffff, v2  }
.Ltmp4:
0x76: {  	(pc) =	sbr.rel .LBB2_4-.Ltmp4, $4  }
0x77: {  	s22 =	sadd.s32 s22, s8  }
0x78: {  	s22 =	sshrl.u32 s22, $0x3  }
0x79: {  	s21 =	sadd.s32 $0x1, s21;
	s22 =	sadd.s32 s1, s22  }
0x7a: {  	[tilespmem:s13], [sflag:$0x2] =	stream.linear.gather [hbm4b:s22+s3], $0x4000, $0x38;
	[tilespmem:$0x19080] =	vst v63  }
.LBB2_9:
0x7b: {  	s22 =	simm.s32 $0x10  }
0x7c: {  	s23 =	simm.s32 $0x0;
	v4 =	vmov s22  }
0x7d: {  	v5 =	vmov s23;
	v4 =	vshll.u32 v4, $0x4  }
0x7e: {  	v5 =	vshll.u32 v5, $0x4;
	v8 =	vor.u32 v3, v4  }
0x7f: {  	v4 =	vor.u32 v3, v5  }
0x80: {  	v5 =	vor.u32 $0x1, v4  }
0x81: {  	v6 =	vor.u32 $0x2, v4  }
0x82: {  	v7 =	vor.u32 $0x3, v4  }
0x83: {  	v9 =	vor.u32 $0x4, v4;
	v12 =	vld.idx.msk [tilespmem:v8+s15+$0x0], $0xffff  }
0x84: {  	v11 =	vor.u32 $0x5, v4;
	v10 =	vld.idx.msk [tilespmem:v4+s15+$0x0], $0xffff  }
0x85: {  	v13 =	vor.u32 $0x6, v4;
	v5 =	vld.idx.msk [tilespmem:v5+s15+$0x0], $0xffff  }
0x86: {  	v14 =	vor.u32 $0x7, v4;
	v6 =	vld.idx.msk [tilespmem:v6+s15+$0x0], $0xffff  }
0x87: {  	v15 =	vor.u32 $0x8, v4;
	v7 =	vld.idx.msk [tilespmem:v7+s15+$0x0], $0xffff  }
0x88: {  	v16 =	vor.u32 $0x9, v4;
	v9 =	vld.idx.msk [tilespmem:v9+s15+$0x0], $0xffff  }
0x89: {  	v17 =	vor.u32 $0xA, v4;
	v11 =	vld.idx.msk [tilespmem:v11+s15+$0x0], $0xffff  }
0x8a: {  	v18 =	vor.u32 $0xB, v4;
	v13 =	vld.idx.msk [tilespmem:v13+s15+$0x0], $0xffff  }
0x8b: {  	v19 =	vor.u32 $0xC, v4;
	v14 =	vld.idx.msk [tilespmem:v14+s15+$0x0], $0xffff  }
0x8c: {  	v5 =	vadd.s32 v10, v5;
	v10 =	vld.idx.msk [tilespmem:v15+s15+$0x0], $0xffff;
	v15 =	vor.u32 $0xD, v4  }
0x8d: {  	v5 =	vadd.s32 v6, v5;
	v6 =	vld.idx.msk [tilespmem:v16+s15+$0x0], $0xffff;
	v16 =	vor.u32 $0xE, v4  }
0x8e: {  	v4 =	vor.u32 $0xF, v4;
	v5 =	vadd.s32 v7, v5;
	v7 =	vld.idx.msk [tilespmem:v17+s15+$0x0], $0xffff  }
0x8f: {  	v17 =	vor.u32 $0x1, v8;
	v5 =	vadd.s32 v9, v5;
	v9 =	vld.idx.msk [tilespmem:v18+s15+$0x0], $0xffff  }
0x90: {  	v18 =	vor.u32 $0x2, v8;
	v5 =	vadd.s32 v11, v5;
	v11 =	vld.idx.msk [tilespmem:v19+s15+$0x0], $0xffff  }
0x91: {  	v19 =	vor.u32 $0x3, v8;
	v5 =	vadd.s32 v13, v5;
	v13 =	vld.idx.msk [tilespmem:v15+s15+$0x0], $0xffff  }
0x92: {  	v15 =	vor.u32 $0x4, v8;
	v5 =	vadd.s32 v14, v5;
	v20 =	vld.idx.msk [tilespmem:v16+s15+$0x0], $0xffff  }
0x93: {  	v21 =	vor.u32 $0x5, v8;
	v22 =	vld.idx.msk [tilespmem:v4+s15+$0x0], $0xffff;
	v5 =	vadd.s32 v10, v5  }
0x94: {  	v23 =	vor.u32 $0x6, v8;
	v17 =	vld.idx.msk [tilespmem:v17+s15+$0x0], $0xffff;
	v4 =	vadd.s32 v6, v5  }
0x95: {  	v24 =	vor.u32 $0x7, v8;
	v18 =	vld.idx.msk [tilespmem:v18+s15+$0x0], $0xffff;
	v4 =	vadd.s32 v7, v4  }
0x96: {  	v25 =	vor.u32 $0x8, v8;
	v16 =	vld.idx.msk [tilespmem:v19+s15+$0x0], $0xffff;
	v4 =	vadd.s32 v9, v4  }
0x97: {  	v10 =	vor.u32 $0x9, v8;
	v14 =	vld.idx.msk [tilespmem:v15+s15+$0x0], $0xffff;
	v4 =	vadd.s32 v11, v4  }
0x98: {  	v5 =	vor.u32 $0xA, v8;
	v15 =	vld.idx.msk [tilespmem:v21+s15+$0x0], $0xffff;
	v7 =	vadd.s32 v13, v4  }
0x99: {  	v6 =	vor.u32 $0xB, v8;
	v11 =	vld.idx.msk [tilespmem:v23+s15+$0x0], $0xffff;
	v4 =	vor.u32 $0xC, v8;
	v9 =	vadd.s32 v20, v7  }
0x9a: {  	s21 =	simm.s32 $0x8090;
	v17 =	vadd.s32 v12, v17;
	v12 =	vld.idx.msk [tilespmem:v24+s15+$0x0], $0xffff;
	v7 =	vor.u32 $0xD, v8;
	v13 =	vadd.s32 v22, v9  }
0x9b: {  	s22 =	simm.s32 $0x0;
	s23 =	simm.s32 $0x30;
	v17 =	vadd.s32 v18, v17;
	v9 =	vor.u32 $0xE, v8;
	v8 =	vor.u32 $0xF, v8;
	[tilespmem:s21+$0xFFFFFFF0] =	vst v13;
	v13 =	vld.idx.msk [tilespmem:v25+s15+$0x0], $0xffff  }
.LBB2_10:
0x9c: {  	s24 =	sadd.s32 $0xFFFFFFF0, s23;
	v18 =	vmov s23;
	s22 =	sadd.s32 $0x2, s22;
	v16 =	vadd.s32 v16, v17;
	v17 =	vld.idx.msk [tilespmem:v10+s15+$0x0], $0xffff  }
0x9d: {  	v10 =	vmov s24;
	v18 =	vshll.u32 v18, $0x4;
	p0 =	slt.u32 s22, $0xFE;
	v14 =	vadd.s32 v14, v16;
	v16 =	vld.idx.msk [tilespmem:v5+s15+$0x0], $0xffff  }
0x9e: {  	v5 =	vshll.u32 v10, $0x4;
	v18 =	vor.u32 v3, v18;
	v14 =	vadd.s32 v15, v14;
	v15 =	vld.idx.msk [tilespmem:v6+s15+$0x0], $0xffff  }
0x9f: {  	v19 =	vor.u32 v3, v5;
	v20 =	vor.u32 $0x1, v18;
	v21 =	vor.u32 $0x2, v18;
	v22 =	vld.idx.msk [tilespmem:v4+s15+$0x0], $0xffff  }
0xa0: {  	v23 =	vor.u32 $0x3, v18;
	v24 =	vor.u32 $0x4, v18;
	v4 =	vor.u32 $0x1, v19;
	v25 =	vld.idx.msk [tilespmem:v7+s15+$0x0], $0xffff  }
0xa1: {  	v26 =	vor.u32 $0x5, v18;
	v27 =	vor.u32 $0x6, v18;
	v7 =	vor.u32 $0x2, v19;
	v28 =	vld.idx.msk [tilespmem:v9+s15+$0x0], $0xffff  }
0xa2: {  	v29 =	vor.u32 $0x7, v18;
	v30 =	vor.u32 $0x8, v18;
	v9 =	vor.u32 $0x3, v19;
	v31 =	vld.idx.msk [tilespmem:v8+s15+$0x0], $0xffff  }
0xa3: {  	v10 =	vor.u32 $0x9, v18;
	v5 =	vor.u32 $0xA, v18;
	v8 =	vor.u32 $0x4, v19;
	v32 =	vld.idx.msk [tilespmem:v18+s15+$0x0], $0xffff  }
0xa4: {  	v6 =	vor.u32 $0xB, v18;
	v11 =	vadd.s32 v11, v14;
	v34 =	vor.u32 $0x5, v19;
	v33 =	vld.idx.msk [tilespmem:v19+s15+$0x0], $0xffff  }
0xa5: {  	v35 =	vor.u32 $0x6, v19;
	v11 =	vadd.s32 v12, v11;
	v14 =	vld.idx.msk [tilespmem:v4+s15+$0x0], $0xffff;
	v4 =	vor.u32 $0xC, v18  }
0xa6: {  	v36 =	vor.u32 $0x7, v19;
	v11 =	vadd.s32 v13, v11;
	v12 =	vld.idx.msk [tilespmem:v7+s15+$0x0], $0xffff;
	v7 =	vor.u32 $0xD, v18  }
0xa7: {  	v37 =	vor.u32 $0x8, v19;
	v11 =	vadd.s32 v17, v11;
	v13 =	vld.idx.msk [tilespmem:v9+s15+$0x0], $0xffff;
	v9 =	vor.u32 $0xE, v18  }
0xa8: {  	v38 =	vor.u32 $0x9, v19;
	v11 =	vadd.s32 v16, v11;
	v17 =	vld.idx.msk [tilespmem:v8+s15+$0x0], $0xffff;
	v8 =	vor.u32 $0xF, v18  }
0xa9: {  	v11 =	vadd.s32 v15, v11;
	v18 =	vor.u32 $0xA, v19;
	v16 =	vld.idx.msk [tilespmem:v34+s15+$0x0], $0xffff  }
0xaa: {  	v11 =	vadd.s32 v22, v11;
	v34 =	vor.u32 $0xB, v19;
	v15 =	vld.idx.msk [tilespmem:v35+s15+$0x0], $0xffff  }
0xab: {  	v11 =	vadd.s32 v25, v11;
	v14 =	vadd.s32 v33, v14;
	v33 =	vor.u32 $0xC, v19;
	v22 =	vld.idx.msk [tilespmem:v36+s15+$0x0], $0xffff  }
0xac: {  	v25 =	vor.u32 $0xD, v19;
	v11 =	vadd.s32 v28, v11;
	v12 =	vadd.s32 v12, v14;
	v14 =	vld.idx.msk [tilespmem:v37+s15+$0x0], $0xffff  }
0xad: {  	v28 =	vor.u32 $0xE, v19;
	v11 =	vadd.s32 v31, v11;
	v12 =	vadd.s32 v13, v12;
	v13 =	vld.idx.msk [tilespmem:v38+s15+$0x0], $0xffff  }
0xae: {  	v12 =	vadd.s32 v17, v12;
	v17 =	vld.idx.msk [tilespmem:v18+s15+$0x0], $0xffff;
	v18 =	vor.u32 $0xF, v19;
	[tilespmem:s21+$0x0] =	vst v11  }
0xaf: {  	v11 =	vadd.s32 v16, v12;
	v12 =	vld.idx.msk [tilespmem:v34+s15+$0x0], $0xffff  }
0xb0: {  	v11 =	vadd.s32 v15, v11;
	v15 =	vld.idx.msk [tilespmem:v33+s15+$0x0], $0xffff  }
0xb1: {  	v11 =	vadd.s32 v22, v11;
	v19 =	vld.idx.msk [tilespmem:v25+s15+$0x0], $0xffff  }
0xb2: {  	v11 =	vadd.s32 v14, v11;
	v22 =	vld.idx.msk [tilespmem:v28+s15+$0x0], $0xffff  }
0xb3: {  	v11 =	vadd.s32 v13, v11;
	v13 =	vld.idx.msk [tilespmem:v18+s15+$0x0], $0xffff  }
0xb4: {  	v11 =	vadd.s32 v17, v11;
	v17 =	vld.idx.msk [tilespmem:v20+s15+$0x0], $0xffff  }
0xb5: {  	v11 =	vadd.s32 v12, v11;
	v18 =	vld.idx.msk [tilespmem:v21+s15+$0x0], $0xffff  }
0xb6: {  	v11 =	vadd.s32 v15, v11;
	v16 =	vld.idx.msk [tilespmem:v23+s15+$0x0], $0xffff  }
.Ltmp5:
0xb7: {  	v11 =	vadd.s32 v19, v11;
	v14 =	vld.idx.msk [tilespmem:v24+s15+$0x0], $0xffff;
	(pc) =	sbr.rel @p0 .LBB2_10-.Ltmp5, $4  }
0xb8: {  	v11 =	vadd.s32 v22, v11;
	v15 =	vld.idx.msk [tilespmem:v26+s15+$0x0], $0xffff  }
0xb9: {  	s21 =	sadd.s32 $0x20, s21;
	v12 =	vadd.s32 v13, v11;
	v11 =	vld.idx.msk [tilespmem:v27+s15+$0x0], $0xffff  }
0xba: {  	v13 =	vadd.s32 v32, v17;
	[tilespmem:s21+$0xFFFFFFF0] =	vst v12;
	v12 =	vld.idx.msk [tilespmem:v29+s15+$0x0], $0xffff  }
0xbb: {  	s23 =	sadd.s32 $0x20, s23;
	v17 =	vadd.s32 v18, v13;
	v13 =	vld.idx.msk [tilespmem:v30+s15+$0x0], $0xffff  }
0xbc: {  	_ =	sdelay $0x2  }
0xbd: {  	v16 =	vadd.s32 v16, v17  }
0xbe: {  	v10 =	vld.idx.msk [tilespmem:v10+s15+$0x0], $0xffff;
	v14 =	vadd.s32 v14, v16  }
0xbf: {  	v5 =	vld.idx.msk [tilespmem:v5+s15+$0x0], $0xffff;
	v14 =	vadd.s32 v15, v14  }
0xc0: {  	v6 =	vld.idx.msk [tilespmem:v6+s15+$0x0], $0xffff;
	v11 =	vadd.s32 v11, v14  }
0xc1: {  	v4 =	vld.idx.msk [tilespmem:v4+s15+$0x0], $0xffff;
	v11 =	vadd.s32 v12, v11  }
0xc2: {  	v7 =	vld.idx.msk [tilespmem:v7+s15+$0x0], $0xffff;
	v11 =	vadd.s32 v13, v11  }
0xc3: {  	v9 =	vld.idx.msk [tilespmem:v9+s15+$0x0], $0xffff;
	v10 =	vadd.s32 v10, v11  }
0xc4: {  	v8 =	vld.idx.msk [tilespmem:v8+s15+$0x0], $0xffff;
	v5 =	vadd.s32 v5, v10  }
0xc5: {  	v5 =	vadd.s32 v6, v5  }
0xc6: {  	v4 =	vadd.s32 v4, v5  }
0xc7: {  	v4 =	vadd.s32 v7, v4  }
0xc8: {  	s20 =	sadd.s32 $0x1, s20;
	v4 =	vadd.s32 v9, v4  }
0xc9: {  	p0 =	sne.s32 s20, s10;
	v4 =	vadd.s32 v8, v4  }
.Ltmp6:
0xca: {  	[tilespmem:s21+$0x0] =	vst v4;
	(pc) =	sbr.rel @p0 .LBB2_1-.Ltmp6, $4  }
0xcb: {  	[hbm4b:s9+s17] =	stream.strided.scatter [tilespmem:s19], [sflag:$0x3], $0x1000, s18, s17, $0x38;
	[tilespmem:$0x19080] =	vst v63  }
0xcc: {  	_ =	swait.ge [sflag:s12], $0x1000  }
0xcd: {  	[sflag:s12] =	ssyncset.done $0x0  }
0xce: {  	[sflag:s12] =	ssyncadd.s32 $0xFFFFF000  }
0xcf: {  	_ =	sfence.sel $0x180000  }
0xd0: {  	[bflag:$0x0] =	sbarrier.arrive $0xFFFF  }
0xd1: {  	p0 =	sne.s32 s2, $0x0;
	_ =	strace $0x9000004A  }
0xd2: {  	s0 =	sadd.s32 @!p0 $0x100000, s0;
	[bflag:$0x2] =	sbarrier.arrive $0xFFFF  }
0xd3: {  	[sflag:s0] =	ssyncadd.tile.s32 @!p0 $0x1;
	_ =	shalt  }
.Lfunc_end2:
_tile_overlayer_lowered:
.L_overlay_start_2:
0xd4: {  	(tag) =	ssettag $0x2  }
0xd5: {  	s0 =	rddreg [dreg:$0x0];
	s2 =	stileid.u32  }
0xd6: {  	s1 =	rddreg [dreg:$0x1];
	p0 =	sne.s32 s2, $0x0  }
0xd7: {  	s3 =	rddreg [dreg:$0x2];
	[bflag:$0x3] =	sbarrier.arrive $0xFFFF;
	s2 =	simm.s32 @!p0 $0x1C03  }
0xd8: {  	[timem:s3], [sflag:s2] =	dma.local @!p0 [hbm:s0], s1  }
0xd9: {  	s0 =	simm.s32 @!p0 $0x3  }
0xda: {  	_ =	swait.ge @!p0 [sflag:s0], s1  }
0xdb: {  	s1 =	ssub.s32 @!p0 $0x0, s1;
	[sflag:s0] =	ssyncset.done @!p0 $0x0  }
0xdc: {  	[sflag:s0] =	ssyncadd.s32 @!p0 s1  }
0xdd: {  	[bflag:$0x3] =	sbarrier.arrive $0xFFFF  }
0xde: {  	_ =	shalt  }

// kernel: kernel.8.cloned.1.call-start
scs
__scs_entry_jumppad:
0x0: {  	(pc) =	sbr.rel $0x88, $3  }
0x1: {  	(tag) =	ssettag $0x0;
	lr =	simm.s32 $0x1  }
0x2: {  	[smem:$0x3F9F] =	sst lr;
	_ =	strace $0xD0000000  }
0x3: {  	_ = 	snop  }
0x4: {  	_ = 	snop  }
0x5: {  	_ = 	snop  }
0x6: {  	_ = 	snop  }
0x7: {  	_ = 	snop  }
__scs_overlays_trampoline_lowered:
0x8: {  	[smem:$0x3FAE] =	sst s0  }
0x9: {  	[smem:$0x3FAF] =	sst s1  }
0xa: {  	[smem:$0x3FB0] =	sst s2  }
0xb: {  	[smem:$0x3FB1] =	sst s3  }
0xc: {  	[smem:$0x3FB2] =	sst s4  }
0xd: {  	[smem:$0x3FB3] =	sst s5  }
0xe: {  	[smem:$0x3FB4] =	sst s6  }
0xf: {  	[smem:$0x3FB5] =	sst s7  }
0x10: {  	[smem:$0x3FB6] =	sst s8  }
0x11: {  	[smem:$0x3FB7] =	sst s9;
	s0 =	simm.s32 @!p0 $0x0  }
0x12: {  	s1 =	sld [smem:$0x3F9D];
	s0 =	simm.s32 @p0 $0x1  }
0x13: {  	[smem:$0x3FB8] =	sst s0;
	s0 =	simm.s32 @!p1 $0x0  }
0x14: {  	s2 =	sld [smem:$0x3F9C];
	s0 =	simm.s32 @p1 $0x1  }
0x15: {  	[smem:$0x3FB9] =	sst s0;
	s0 =	simm.s32 @!p2 $0x0  }
0x16: {  	s3 =	sld [smem:$0x3FDB];
	s0 =	simm.s32 @p2 $0x1  }
0x17: {  	s4 =	simm.s32 $0x1BF5;
	[smem:$0x3FBB] =	sst s0  }
0x18: {  	s0 =	sld [smem:$0x3F9E];
	_ =	swait.ge [sflag:s4], $0x0  }
0x19: {  	s7 =	sld [smem:$0x3F9F]  }
0x1a: {  	s8 =	sadd.s32 $0xFFFFE003, lr  }
0x1b: {  	s9 =	sadd.s32 $0xFFFFFEF7, lr;
	s5 =	simm.s32 $0xFFFFFFFF;
	p2 =	slt.u32 s8, $0xFFFFF086  }
0x1c: {  	p1 =	slt.u32 s9, $0xF7A;
	s5 =	simm.s32 @!p2 $0x0  }
0x1d: {  	s5 =	simm.s32 @p1 $0x1;
	p0 =	seq.s32 s7, s2  }
0x1e: {  	s7 =	smul.u32 @!p0 $0xF7A, s2;
	p2 =	seq.s32 @!p0 s5, $0x0  }
0x1f: {  	s9 =	smul.u32 $0xF7A, s1;
	s8 =	simm.s32 @!p0 $0x1BF5;
	p2 =	por !p2, p0  }
0x20: {  	[sflag:s8] =	ssyncset.s32 @!p0 $0xFFFFF086;
	s6 =	sadd.s32 @!p0 s3, s7;
	s7 =	simm.s32 @!p0 $0x108  }
0x21: {  	s3 =	sadd.s32 s3, s9;
	s6 =	sadd.s32 @!p0 $0x88, s6;
	s7 =	simm.s32 @p2 $0x1082  }
0x22: {  	[simem:s7], [sflag:s8] =	dma.local @!p0 [hbm:s6], $0xF7A  }
0x23: {  	s9 =	sor.u32 $0xD0000000, s2;
	s6 =	simm.s32 $0x108;
	_ =	swait.ge @!p0 [sflag:s8], $0x0  }
0x24: {  	s3 =	sadd.s32 $0x88, s3;
	s6 =	simm.s32 @!p1 $0x1082;
	[sflag:s4] =	ssyncset.s32 $0xFFFFF086  }
0x25: {  	[simem:s6], [sflag:s4] =	dma.local [hbm:s3], $0xF7A  }
0x26: {  	[smem:$0x3F9F] =	sst s1;
	(tag) =	ssettag s2;
	_ =	strace s9  }
0x27: {  	s1 =	sld [smem:$0x3FAF]  }
0x28: {  	s2 =	sld [smem:$0x3FB0]  }
0x29: {  	s4 =	sld [smem:$0x3FB2]  }
0x2a: {  	p0 =	seq.s32 s5, $0x0;
	s5 =	sld [smem:$0x3FB3]  }
0x2b: {  	s6 =	sld [smem:$0x3FB4]  }
0x2c: {  	s7 =	sld [smem:$0x3FB5]  }
0x2d: {  	s3 =	simm.s32 $0x108;
	s8 =	sld [smem:$0x3FB6]  }
0x2e: {  	s3 =	simm.s32 @!p0 $0x1082;
	s9 =	sld [smem:$0x3FB7]  }
0x2f: {  	lr =	sadd.s32 s0, s3;
	s0 =	sld [smem:$0x3FAE]  }
0x30: {  	s3 =	sld [smem:$0x3FB1]  }
0x31: {  	[smem:$0x3FBA] =	sst s10  }
0x32: {  	s10 =	sld [smem:$0x3FB8];
	_ =	sdelay $0x3  }
0x33: {  	p0 =	seq.s32 s10, $0x1;
	s10 =	sld [smem:$0x3FBA];
	_ =	sdelay $0x3  }
0x34: {  	[smem:$0x3FBA] =	sst s10  }
0x35: {  	s10 =	sld [smem:$0x3FB9];
	_ =	sdelay $0x3  }
0x36: {  	p1 =	seq.s32 s10, $0x1;
	s10 =	sld [smem:$0x3FBA];
	_ =	sdelay $0x3  }
0x37: {  	[smem:$0x3FBA] =	sst s10  }
0x38: {  	s10 =	sld [smem:$0x3FBB]  }
0x39: {  	_ = 	snop;
	(pc) =	sbr.ind lr, $3  }
0x3a: {  	_ = 	snop  }
0x3b: {  	_ = 	snop  }
0x3c: {  	p2 =	seq.s32 s10, $0x1;
	s10 =	sld [smem:$0x3FBA]  }
0x3d: {  	_ =	shalt  }
0x3e: {  	_ =	shalt  }
0x3f: {  	_ =	shalt  }
0x40: {  	_ =	shalt  }
0x41: {  	_ =	shalt  }
0x42: {  	_ =	shalt  }
0x43: {  	_ =	shalt  }
0x44: {  	_ =	shalt  }
0x45: {  	_ =	shalt  }
0x46: {  	_ =	shalt  }
0x47: {  	_ =	shalt  }
0x48: {  	_ =	shalt  }
0x49: {  	_ =	shalt  }
0x4a: {  	_ =	shalt  }
0x4b: {  	_ =	shalt  }
0x4c: {  	_ =	shalt  }
0x4d: {  	_ =	shalt  }
0x4e: {  	_ =	shalt  }
0x4f: {  	_ =	shalt  }
0x50: {  	_ =	shalt  }
0x51: {  	_ =	shalt  }
0x52: {  	_ =	shalt  }
0x53: {  	_ =	shalt  }
0x54: {  	_ =	shalt  }
0x55: {  	_ =	shalt  }
0x56: {  	_ =	shalt  }
0x57: {  	_ =	shalt  }
0x58: {  	_ =	shalt  }
0x59: {  	_ =	shalt  }
0x5a: {  	_ =	shalt  }
0x5b: {  	_ =	shalt  }
0x5c: {  	_ =	shalt  }
0x5d: {  	_ =	shalt  }
0x5e: {  	_ =	shalt  }
0x5f: {  	_ =	shalt  }
0x60: {  	_ =	shalt  }
0x61: {  	_ =	shalt  }
0x62: {  	_ =	shalt  }
0x63: {  	_ =	shalt  }
0x64: {  	_ =	shalt  }
0x65: {  	_ =	shalt  }
0x66: {  	_ =	shalt  }
0x67: {  	_ =	shalt  }
0x68: {  	_ =	shalt  }
0x69: {  	_ =	shalt  }
0x6a: {  	_ =	shalt  }
0x6b: {  	_ =	shalt  }
0x6c: {  	_ =	shalt  }
0x6d: {  	_ =	shalt  }
0x6e: {  	_ =	shalt  }
0x6f: {  	_ =	shalt  }
0x70: {  	_ =	shalt  }
0x71: {  	_ =	shalt  }
0x72: {  	_ =	shalt  }
0x73: {  	_ =	shalt  }
0x74: {  	_ =	shalt  }
0x75: {  	_ =	shalt  }
0x76: {  	_ =	shalt  }
0x77: {  	_ =	shalt  }
0x78: {  	_ =	shalt  }
0x79: {  	_ =	shalt  }
0x7a: {  	_ =	shalt  }
0x7b: {  	_ =	shalt  }
0x7c: {  	_ =	shalt  }
0x7d: {  	_ =	shalt  }
0x7e: {  	_ =	shalt  }
0x7f: {  	_ =	shalt  }
0x80: {  	_ =	shalt  }
0x81: {  	_ =	shalt  }
0x82: {  	_ =	shalt  }
0x83: {  	_ =	shalt  }
0x84: {  	_ =	shalt  }
0x85: {  	_ =	shalt  }
0x86: {  	_ =	shalt  }
0x87: {  	_ =	shalt  }
.Lfunc_end0:
.L_simem_size_0:
called_computation.2_lowered:
.L_overlay_start_0:
0x88: {  	s2 =	sld [smem:$0x3FD9]  }
0x89: {  	s3 =	sld [smem:$0x3FFE];
	_ =	sdelay $0x1  }
0x8a: {  	s1 =	srdreg.scid  }
0x8b: {  	s0 =	sand.u32 $0x1, s1  }
0x8c: {  	s16 =	sshll.u32 s0, $0xA;
	s2 =	sadd.s32 s3, s2  }
0x8d: {  	s2 =	sadd.s32 s2, s16  }
0x8e: {  	[smem:$0x3FC6] =	sst s2  }
0x8f: {  	_ = 	snop  }
0x90: {  	(tm) =	ssettm $0x1  }
0x91: {  	s17 =	sld [smem:$0x3FFB];
	_ =	sdelay $0x3  }
0x92: {  	_ =	strace s17  }
0x93: {  	s2 =	sld [smem:$0x3FFC];
	_ =	sdelay $0x3  }
0x94: {  	_ =	strace s2  }
0x95: {  	s2 =	sld [smem:$0x3FFD];
	_ =	sdelay $0x3  }
0x96: {  	_ =	strace s2  }
0x97: {  	_ =	strace $0x8FFFFFFF  }
0x98: {  	s18 =	sld [smem:$0x3FDB];
	_ =	sdelay $0x1  }
0x99: {  	s19 =	simm.s32 $_scs_section_size  }
0x9a: {  	s4 =	simm.s32 $_size__tile_overlayer_lowered;
	s5 =	simm.s32 $_tile_overlayer_lowered  }
0x9b: {  	s22 =	simm.s32 $0x1BFF;
	s21 =	sshll.u32 s5, $0x1;
	s2 =	sadd.s32 s19, s18  }
0x9c: {  	s6 =	simm.s32 $0x0;
	s20 =	sshll.u32 s4, $0x1;
	s4 =	sadd.s32 s21, s2  }
0x9d: {  	[timem:s6], [sflag:s22] =	dma.local [hbm:s4], s20  }
0x9e: {  	_ =	swait.ge [sflag:s22], s20  }
0x9f: {  	s3 =	ssub.s32 $0x0, s20;
	[sflag:s22] =	ssyncset.done $0x0  }
0xa0: {  	[sflag:s22] =	ssyncadd.s32 s3;
	_ =	sdelay $0x1  }
0xa1: {  	s23 =	simm.s32 $0x1B8B  }
0xa2: {  	_ =	swait.ge [sflag:s23], $0x1  }
0xa3: {  	[sflag:s23] =	ssyncset.done $0x0  }
0xa4: {  	s25 =	simm.s32 $0x1B8E;
	s24 =	sld [smem:$0x3FFE];
	[sflag:s23] =	ssyncadd.s32 $0xFFFFFFFF  }
0xa5: {  	s26 =	simm.s32 $execute0_lowered;
	[smem:$0x3FD2] =	sst s25  }
0xa6: {  	s4 =	sshll.u32 s26, $0x1;
	_ =	strace $0x8000004C;
	[dreg:$0x1] =	wrdreg $0xFFFFFFFF  }
0xa7: {  	s28 =	simm.s32 $_size_execute0_lowered;
	s2 =	sadd.s32 s2, s4;
	[dreg:$0x0] =	wrdreg $0x0  }
0xa8: {  	s4 =	sshll.u32 s28, $0x1;
	[dreg:$0x2] =	wrdreg s2  }
0xa9: {  	[dreg:$0x3] =	wrdreg s4  }
0xaa: {  	[dreg:$0x4] =	wrdreg $0xC0  }
0xab: {  	_ =	task [dreg:s6], $0x5FFFF  }
0xac: {  	[dreg:$0x1] =	wrdreg $0xFFFFFFFF  }
0xad: {  	[dreg:$0x0] =	wrdreg $0x60  }
0xae: {  	[dreg:$0x2] =	wrdreg s24  }
0xaf: {  	[dreg:$0x3] =	wrdreg $0x9  }
0xb0: {  	_ =	task.clear_ibuf [dreg:s6], $0x4FFFF;
	_ =	strace $0x9000004C  }
0xb1: {  	s29 =	simm.s32 $0x9;
	_ =	strace $0x8000004E  }
0xb2: {  	_ =	swait.ge [sflag:s29], $0x1  }
0xb3: {  	[sflag:s29] =	ssyncadd.s32 $0xFFFFFFFF  }
0xb4: {  	_ =	strace $0x9000004E  }
0xb5: {  	_ =	sfence  }
0xb6: {  	s30 =	sld [smem:$0x0];
	_ =	sdelay $0x2  }
0xb7: {  	s31 =	sshll.u32 s1, $0xD;
	s1 =	sshrl.u32 s1, $0x2  }
0xb8: {  	s3 =	sand.u32 $0x4000, s31;
	s1 =	sadd.s32 s1, s30  }
0xb9: {  	s0 =	sor.u32 s3, s0;
	s1 =	sshll.u32 s1, $0x11  }
0xba: {  	s0 =	sor.u32 s1, s0  }
0xbb: {  	s0 =	sadd.s32 $0x8F2B, s0  }
0xbc: {  	[sflag:s0] =	ssyncadd.remote.s32 $0x1  }
0xbd: {  	_ =	sfence.sel $0xFFFF  }
0xbe: {  	[dreg:$0x0] =	wrdreg $0xFFFFFFFF;
	(pc) =	sbr.abs _section_cstart, $3  }
0xbf: {  	[dreg:$0x1] =	wrdreg $0xFFFFFFFF  }
0xc0: {  	_ =	task.clear_ibuf [dreg:s6], $0x2FFFF;
	_ =	strace $0x9FFFFFFF  }
0xc1: {  	(tm) =	ssettm $0x7FFFFFFF  }
tec
execute0_lowered:
.L_overlay_start_1:
0x0: {  	(tag) =	ssettag $0x1  }
0x1: {  	s1 =	rddreg [dreg:$0x0]  }
0x2: {  	s0 =	rddreg [dreg:$0x1]  }
0x3: {  	s3 =	simm.s32 $0x0;
	s2 =	stileid.u32;
	s5 =	srdreg.scid  }
0x4: {  	s13 =	simm.s32 $0x4000;
	s14 =	simm.s32 $0x1;
	s15 =	simm.s32 $0x9080  }
0x5: {  	s16 =	simm.s32 $0xD080;
	s17 =	simm.s32 $0x11080;
	s18 =	simm.s32 $0x15080  }
0x6: {  	s19 =	simm.s32 $0x2;
	s20 =	simm.s32 $0x80;
	s21 =	simm.s32 $0x400  }
0x7: {  	s22 =	simm.s32 $0x8080;
	s23 =	simm.s32 $0x0;
	[smem:$0x7FF] =	sst s3  }
0x8: {  	s4 =	sadd.s32 $0x200000, s1;
	s6 =	sshll.u32 s2, $0xA;
	s5 =	sand.u32 $0x1, s5  }
0x9: {  	s7 =	sshll.u32 s2, $0x1;
	_ =	strace $0x8000004D;
	s6 =	sand.u32 $0x3000, s6  }
0xa: {  	s8 =	ssub.s32 $0x2, s5;
	s7 =	sor.u32 s5, s7;
	s9 =	sadd.s32 s6, s1  }
0xb: {  	s29 =	sshrl.u32 s8, $0x1;
	s30 =	sshll.u32 s7, $0x10;
	s31 =	sshll.u32 s7, $0x4  }
0xc: {  	s11 =	sshll.u32 s7, $0x13;
	s10 =	ssub.s32 s8, s29;
	s5 =	sadd.s32 s1, s30  }
0xd: {  	s12 =	sand.u32 $0x70, s31;
	s7 =	sor.u32 $0x8000, s11;
	s8 =	sor.u32 $0xC000, s11  }
0xe: {  	v0 =	vlaneseq.u32;
	s11 =	simm.s32 $0x8000;
	s6 =	sadd.s32 $0x800, s5;
	s9 =	sadd.s32 s12, s9  }
0xf: {  	v1 =	vimm.s32 $0x0;
	v2 =	vimm.s32 $0x1;
	v3 =	vmul.u32 $0x10, v0;
	s10 =	smax.u32 s10, $0x1;
	s12 =	simm.s32 $0x3;
	s9 =	sadd.s32 $0x200200, s9  }
.LBB2_1:
0x10: {  	s26 =	simm.s32 $0x90C0  }
0x11: {  	[tilespmem:s26+$0x30] =	vst v1  }
0x12: {  	[tilespmem:s26+$0xFFFFFFE0] =	vst v1  }
0x13: {  	[tilespmem:s26+$0xFFFFFFF0] =	vst v1  }
0x14: {  	[tilespmem:s26+$0x0] =	vst v1  }
0x15: {  	[tilespmem:s26+$0xFFFFFFC0] =	vst v1  }
0x16: {  	[tilespmem:s26+$0x10] =	vst v1  }
0x17: {  	[tilespmem:s26+$0x20] =	vst v1  }
0x18: {  	s25 =	simm.s32 $0xD0C0;
	[tilespmem:s26+$0xFFFFFFD0] =	vst v1  }
0x19: {  	[tilespmem:s25+$0x30] =	vst v1  }
0x1a: {  	[tilespmem:s25+$0xFFFFFFC0] =	vst v1  }
0x1b: {  	[tilespmem:s25+$0x10] =	vst v1  }
0x1c: {  	[tilespmem:s25+$0xFFFFFFD0] =	vst v1  }
0x1d: {  	[tilespmem:s25+$0x20] =	vst v1  }
0x1e: {  	[tilespmem:s25+$0x0] =	vst v1  }
0x1f: {  	s24 =	simm.s32 $0x110C0;
	[tilespmem:s25+$0xFFFFFFF0] =	vst v1  }
0x20: {  	[tilespmem:s24+$0x30] =	vst v1  }
0x21: {  	[tilespmem:s24+$0xFFFFFFC0] =	vst v1  }
0x22: {  	[tilespmem:s24+$0x10] =	vst v1  }
0x23: {  	[tilespmem:s24+$0xFFFFFFD0] =	vst v1  }
0x24: {  	[tilespmem:s24+$0x20] =	vst v1  }
0x25: {  	[tilespmem:s24+$0x0] =	vst v1  }
0x26: {  	s28 =	simm.s32 $0x150C0;
	[tilespmem:s24+$0xFFFFFFF0] =	vst v1  }
0x27: {  	[tilespmem:s28+$0x30] =	vst v1  }
0x28: {  	[tilespmem:s28+$0xFFFFFFC0] =	vst v1  }
0x29: {  	[tilespmem:s28+$0x10] =	vst v1  }
0x2a: {  	[tilespmem:s28+$0xFFFFFFD0] =	vst v1  }
0x2b: {  	s29 =	simm.s32 $0x0;
	s30 =	simm.s32 $0x11140;
	s31 =	simm.s32 $0x15140;
	[tilespmem:s28+$0x20] =	vst v1  }
.LBB2_2:
0x2c: {  	s29 =	sadd.s32 $0x8, s29;
	[tilespmem:s25+$0xFFFFFFE0] =	vst v1;
	s26 =	sadd.s32 $0x80, s26;
	s25 =	sadd.s32 $0x80, s25  }
0x2d: {  	[tilespmem:s26+$0x30] =	vst v1;
	p0 =	slt.u32 s29, $0x3F8  }
0x2e: {  	[tilespmem:s25+$0x30] =	vst v1  }
0x2f: {  	[tilespmem:s30+$0x30] =	vst v1  }
0x30: {  	[tilespmem:s28+$0xFFFFFFF0] =	vst v1  }
0x31: {  	[tilespmem:s28+$0x0] =	vst v1  }
0x32: {  	[tilespmem:s24+$0xFFFFFFE0] =	vst v1;
	s24 =	smov.u32 s30  }
0x33: {  	[tilespmem:s28+$0xFFFFFFE0] =	vst v1;
	s28 =	smov.u32 s31  }
0x34: {  	[tilespmem:s31+$0x30] =	vst v1  }
0x35: {  	[tilespmem:s26+$0xFFFFFFE0] =	vst v1  }
0x36: {  	[tilespmem:s26+$0xFFFFFFF0] =	vst v1  }
0x37: {  	[tilespmem:s26+$0x0] =	vst v1  }
0x38: {  	[tilespmem:s26+$0xFFFFFFC0] =	vst v1  }
0x39: {  	[tilespmem:s25+$0xFFFFFFC0] =	vst v1  }
0x3a: {  	[tilespmem:s30+$0xFFFFFFC0] =	vst v1  }
0x3b: {  	[tilespmem:s31+$0xFFFFFFC0] =	vst v1  }
0x3c: {  	[tilespmem:s26+$0x10] =	vst v1  }
0x3d: {  	[tilespmem:s25+$0x10] =	vst v1  }
0x3e: {  	[tilespmem:s30+$0x10] =	vst v1  }
0x3f: {  	[tilespmem:s31+$0x10] =	vst v1  }
0x40: {  	[tilespmem:s26+$0x20] =	vst v1  }
0x41: {  	[tilespmem:s26+$0xFFFFFFD0] =	vst v1  }
0x42: {  	[tilespmem:s25+$0xFFFFFFD0] =	vst v1  }
0x43: {  	[tilespmem:s30+$0xFFFFFFD0] =	vst v1  }
0x44: {  	[tilespmem:s31+$0xFFFFFFD0] =	vst v1  }
0x45: {  	[tilespmem:s25+$0x20] =	vst v1  }
0x46: {  	[tilespmem:s30+$0x20] =	vst v1  }
.Ltmp0:
0x47: {  	[tilespmem:s31+$0x20] =	vst v1;
	(pc) =	sbr.rel @p0 .LBB2_2-.Ltmp0, $4  }
0x48: {  	[tilespmem:s25+$0x0] =	vst v1  }
0x49: {  	[tilespmem:s30+$0x0] =	vst v1  }
0x4a: {  	[tilespmem:s25+$0xFFFFFFF0] =	vst v1  }
0x4b: {  	s31 =	sadd.s32 $0x80, s31;
	s30 =	sadd.s32 $0x80, s30;
	[tilespmem:s24+$0xFFFFFFF0] =	vst v1  }
0x4c: {  	[tilespmem:s25+$0xFFFFFFE0] =	vst v1  }
0x4d: {  	[tilespmem:s28+$0xFFFFFFF0] =	vst v1  }
0x4e: {  	[tilespmem:s28+$0x0] =	vst v1  }
0x4f: {  	[tilespmem:s24+$0xFFFFFFE0] =	vst v1  }
0x50: {  	s24 =	simm.s32 $0x0;
	[tilespmem:s28+$0xFFFFFFE0] =	vst v1  }
0x51: {  	[tilespmem:s11], [sflag:$0x3] =	stream.linear.gather [hbm4b:s4+s24], $0x80, $0x38;
	[tilespmem:$0x19080] =	vst v63  }
0x52: {  	_ =	swait.ge [sflag:s12], $0x80  }
0x53: {  	[sflag:s12] =	ssyncset.done $0x0  }
0x54: {  	[sflag:s12] =	ssyncadd.s32 $0xFFFFFF80  }
0x55: {  	v4 =	vld [tilespmem:$0x8000]  }
0x56: {  	v5 =	vld [tilespmem:$0x8010]  }
0x57: {  	v6 =	vld [tilespmem:$0x8020]  }
0x58: {  	v7 =	vld [tilespmem:$0x8030];
	[tilespmem:s24], [sflag:$0x1] =	stream.linear.gather [hbm4b:s5+s24], $0x4000, $0x38  }
0x59: {  	_ = 	snop  }
0x5a: {  	[tilespmem:s13], [sflag:$0x2] =	stream.linear.gather [hbm4b:s6+s24], $0x4000, $0x38;
	[tilespmem:$0x19080] =	vst v63  }
.LBB2_4:
0x5b: {  	_ =	swait.ge [sflag:s14], $0x4000  }
0x5c: {  	[sflag:s14] =	ssyncset.done $0x0  }
0x5d: {  	s26 =	simm.s32 $0x20;
	[sflag:s14] =	ssyncadd.s32 $0xFFFFC000  }
0x5e: {  	v8 =	vld [tilespmem:s26+$0x0]  }
0x5f: {  	v12 =	vld [tilespmem:s26+$0xFFFFFFF0]  }
0x60: {  	v9 =	vld [tilespmem:s26+$0xFFFFFFE0];
	_ =	sdelay $0x2  }
0x61: {  	v10 =	vsub.s32 $0x80000000, v8;
	vm0 =	vlt.s32 v8, $0x0  }
0x62: {  	v13 =	vsub.s32 $0x80000000, v12;
	v8 =	vsel vm0, v10, v8  }
0x63: {  	v10 =	vsub.s32 $0x80000000, v9;
	vm0 =	vlt.s32 v9, $0x0;
	v11 =	vshrl.u32 v8, $0x14  }
0x64: {  	v9 =	vsel vm0, v10, v9;
	v8 =	vshrl.u32 v8, $0x6;
	v10 =	vxor.u32 $0x800, v11  }
0x65: {  	vm0 =	vlt.s32 v12, $0x0;
	v8 =	vand.u32 $0x3FF0, v8;
	vm3 =	veq.s32 v10, v4  }
0x66: {  	v11 =	vshrl.u32 v9, $0x14;
	v9 =	vshrl.u32 v9, $0x6;
	v8 =	vor.u32 v0, v8  }
0x67: {  	v12 =	vsel vm0, v13, v12;
	v13 =	vld [tilespmem:s26+$0x10];
	v11 =	vxor.u32 $0x800, v11;
	vm4 =	veq.s32 v10, v5  }
0x68: {  	v9 =	vand.u32 $0x3FF0, v9;
	v14 =	vshrl.u32 v12, $0x6;
	v12 =	vshrl.u32 v12, $0x14  }
0x69: {  	vm6 =	veq.s32 v10, v6;
	vm2 =	veq.s32 v11, v4;
	v9 =	vor.u32 v0, v9  }
0x6a: {  	s25 =	simm.s32 $0x0;
	s26 =	simm.s32 $0x60;
	vm1 =	veq.s32 v11, v5;
	v12 =	vxor.u32 $0x800, v12;
	vm0 =	veq.s32 v11, v6  }
.LBB2_5:
0x6b: {  	s25 =	sadd.s32 $0x4, s25;
	v14 =	vand.u32 $0x3FF0, v14;
	[tilespmem:v8+s15+$0x0] =	vst.idx.add.s32.msk vm3, v2  }
0x6c: {  	vm3 =	veq.s32 v12, v4;
	v16 =	vsub.s32 $0x80000000, v13;
	vm5 =	vlt.s32 v13, $0x0;
	v15 =	vld [tilespmem:s26+$0x0];
	p0 =	slt.u32 s25, $0x3FC  }
0x6d: {  	v17 =	vor.u32 v0, v14;
	v13 =	vsel vm5, v16, v13;
	[tilespmem:v8+s16+$0x0] =	vst.idx.add.s32.msk vm4, v2  }
0x6e: {  	v16 =	vshrl.u32 v13, $0x6;
	v13 =	vshrl.u32 v13, $0x14;
	v14 =	vld [tilespmem:s26+$0xFFFFFFE0]  }
0x6f: {  	v18 =	vxor.u32 $0x800, v13;
	v13 =	vand.u32 $0x3FF0, v16;
	[tilespmem:v9+s15+$0x0] =	vst.idx.add.s32.msk vm2, v2  }
0x70: {  	vm4 =	veq.s32 v18, v4;
	[tilespmem:v8+s17+$0x0] =	vst.idx.add.s32.msk vm6, v2  }
0x71: {  	v16 =	vor.u32 v0, v13;
	vm6 =	veq.s32 v18, v5;
	[tilespmem:v9+s16+$0x0] =	vst.idx.add.s32.msk vm1, v2  }
0x72: {  	vm2 =	veq.s32 v18, v6;
	[tilespmem:v17+s15+$0x0] =	vst.idx.add.s32.msk vm3, v2;
	vm3 =	veq.s32 v10, v7  }
0x73: {  	vm5 =	vlt.s32 v15, $0x0;
	vm1 =	veq.s32 v11, v7;
	v10 =	vsub.s32 $0x80000000, v15;
	v19 =	vld [tilespmem:s26+$0xFFFFFFF0]  }
0x74: {  	vm7 =	veq.s32 v18, v7;
	v10 =	vsel vm5, v10, v15;
	vm5 =	veq.s32 v12, v7;
	v13 =	vld [tilespmem:s26+$0x10]  }
0x75: {  	v11 =	vshrl.u32 v10, $0x6;
	v10 =	vshrl.u32 v10, $0x14;
	[tilespmem:v9+s17+$0x0] =	vst.idx.add.s32.msk vm0, v2;
	vm0 =	veq.s32 v12, v5  }
0x76: {  	v15 =	vsub.s32 $0x80000000, v14;
	vm8 =	vlt.s32 v14, $0x0;
	v10 =	vxor.u32 $0x800, v10;
	[tilespmem:v16+s15+$0x0] =	vst.idx.add.s32.msk vm4, v2  }
0x77: {  	v14 =	vsel vm8, v15, v14;
	vm8 =	veq.s32 v12, v6;
	[tilespmem:v16+s16+$0x0] =	vst.idx.add.s32.msk vm6, v2  }
0x78: {  	v12 =	vshrl.u32 v14, $0x6;
	v14 =	vshrl.u32 v14, $0x14;
	v15 =	vand.u32 $0x3FF0, v11;
	[tilespmem:v8+s18+$0x0] =	vst.idx.add.s32.msk vm3, v2  }
0x79: {  	v11 =	vxor.u32 $0x800, v14;
	vm3 =	veq.s32 v10, v4;
	v8 =	vor.u32 v0, v15;
	[tilespmem:v16+s17+$0x0] =	vst.idx.add.s32.msk vm2, v2  }
.Ltmp1:
0x7a: {  	v12 =	vand.u32 $0x3FF0, v12;
	v14 =	vsub.s32 $0x80000000, v19;
	vm2 =	vlt.s32 v19, $0x0;
	[tilespmem:v16+s18+$0x0] =	vst.idx.add.s32.msk vm7, v2;
	(pc) =	sbr.rel @p0 .LBB2_5-.Ltmp1, $4  }
0x7b: {  	vm4 =	veq.s32 v10, v5;
	v15 =	vsel vm2, v14, v19;
	[tilespmem:v9+s18+$0x0] =	vst.idx.add.s32.msk vm1, v2  }
0x7c: {  	vm2 =	veq.s32 v11, v4;
	v14 =	vshrl.u32 v15, $0x6;
	v15 =	vshrl.u32 v15, $0x14;
	[tilespmem:v17+s16+$0x0] =	vst.idx.add.s32.msk vm0, v2  }
0x7d: {  	v9 =	vor.u32 v0, v12;
	vm1 =	veq.s32 v11, v5;
	v12 =	vxor.u32 $0x800, v15;
	[tilespmem:v17+s17+$0x0] =	vst.idx.add.s32.msk vm8, v2  }
0x7e: {  	s26 =	sadd.s32 $0x40, s26;
	vm6 =	veq.s32 v10, v6;
	vm0 =	veq.s32 v11, v6;
	[tilespmem:v17+s18+$0x0] =	vst.idx.add.s32.msk vm5, v2  }
0x7f: {  	_ =	sdelay $0x2  }
0x80: {  	v15 =	vsub.s32 $0x80000000, v13;
	vm5 =	vlt.s32 v13, $0x0  }
0x81: {  	v14 =	vand.u32 $0x3FF0, v14;
	v13 =	vsel vm5, v15, v13  }
0x82: {  	[tilespmem:v8+s15+$0x0] =	vst.idx.add.s32.msk vm3, v2;
	vm5 =	veq.s32 v12, v4;
	v14 =	vor.u32 v0, v14;
	v15 =	vshrl.u32 v13, $0x14  }
0x83: {  	[tilespmem:v8+s16+$0x0] =	vst.idx.add.s32.msk vm4, v2;
	vm4 =	veq.s32 v10, v7;
	v13 =	vshrl.u32 v13, $0x6;
	v15 =	vxor.u32 $0x800, v15  }
0x84: {  	[tilespmem:v9+s15+$0x0] =	vst.idx.add.s32.msk vm2, v2;
	v13 =	vand.u32 $0x3FF0, v13;
	vm3 =	veq.s32 v15, v4  }
0x85: {  	[tilespmem:v9+s16+$0x0] =	vst.idx.add.s32.msk vm1, v2;
	v13 =	vor.u32 v0, v13;
	vm2 =	veq.s32 v15, v5  }
0x86: {  	[tilespmem:v8+s17+$0x0] =	vst.idx.add.s32.msk vm6, v2;
	vm6 =	veq.s32 v11, v7  }
0x87: {  	[tilespmem:v9+s17+$0x0] =	vst.idx.add.s32.msk vm0, v2;
	vm0 =	veq.s32 v12, v5  }
0x88: {  	vm1 =	veq.s32 v15, v6;
	[tilespmem:v14+s15+$0x0] =	vst.idx.add.s32.msk vm5, v2  }
0x89: {  	vm5 =	veq.s32 v15, v7;
	[tilespmem:v8+s18+$0x0] =	vst.idx.add.s32.msk vm4, v2  }
0x8a: {  	[tilespmem:v13+s15+$0x0] =	vst.idx.add.s32.msk vm3, v2;
	vm3 =	veq.s32 v12, v6  }
0x8b: {  	[tilespmem:v13+s16+$0x0] =	vst.idx.add.s32.msk vm2, v2;
	vm2 =	veq.s32 v12, v7  }
0x8c: {  	[tilespmem:v9+s18+$0x0] =	vst.idx.add.s32.msk vm6, v2  }
0x8d: {  	[tilespmem:v14+s16+$0x0] =	vst.idx.add.s32.msk vm0, v2  }
0x8e: {  	s25 =	sshll.u32 s24, $0xF;
	p0 =	seq.s32 s24, $0xF;
	[tilespmem:v13+s17+$0x0] =	vst.idx.add.s32.msk vm1, v2  }
0x8f: {  	s26 =	sadd.s32 @!p0 s25, s7;
	[tilespmem:v13+s18+$0x0] =	vst.idx.add.s32.msk vm5, v2  }
0x90: {  	s26 =	sshrl.u32 @!p0 s26, $0x3;
	[tilespmem:v14+s17+$0x0] =	vst.idx.add.s32.msk vm3, v2  }
0x91: {  	s28 =	simm.s32 @!p0 $0x0;
	s26 =	sadd.s32 @!p0 s1, s26;
	[tilespmem:v14+s18+$0x0] =	vst.idx.add.s32.msk vm2, v2  }
0x92: {  	[tilespmem:s28], [sflag:$0x1] =	stream.linear.gather @!p0 [hbm4b:s26+s28], $0x4000, $0x38;
	[tilespmem:$0x19080] =	vst v63  }
0x93: {  	_ =	swait.ge [sflag:s19], $0x4000  }
0x94: {  	[sflag:s19] =	ssyncset.done $0x0  }
0x95: {  	s28 =	simm.s32 $0x4020;
	[sflag:s19] =	ssyncadd.s32 $0xFFFFC000  }
0x96: {  	v8 =	vld [tilespmem:s28+$0x0]  }
0x97: {  	v12 =	vld [tilespmem:s28+$0xFFFFFFF0]  }
0x98: {  	v9 =	vld [tilespmem:s28+$0xFFFFFFE0];
	_ =	sdelay $0x2  }
0x99: {  	v10 =	vsub.s32 $0x80000000, v8;
	vm0 =	vlt.s32 v8, $0x0  }
0x9a: {  	v13 =	vsub.s32 $0x80000000, v12;
	v8 =	vsel vm0, v10, v8  }
0x9b: {  	v10 =	vsub.s32 $0x80000000, v9;
	vm0 =	vlt.s32 v9, $0x0;
	v11 =	vshrl.u32 v8, $0x14  }
0x9c: {  	v9 =	vsel vm0, v10, v9;
	v8 =	vshrl.u32 v8, $0x6;
	v10 =	vxor.u32 $0x800, v11  }
0x9d: {  	vm0 =	vlt.s32 v12, $0x0;
	v8 =	vand.u32 $0x3FF0, v8;
	vm3 =	veq.s32 v10, v4  }
0x9e: {  	v11 =	vshrl.u32 v9, $0x14;
	v9 =	vshrl.u32 v9, $0x6;
	v8 =	vor.u32 v0, v8  }
0x9f: {  	v12 =	vsel vm0, v13, v12;
	v13 =	vld [tilespmem:s28+$0x10];
	v11 =	vxor.u32 $0x800, v11;
	vm4 =	veq.s32 v10, v5  }
0xa0: {  	v9 =	vand.u32 $0x3FF0, v9;
	v14 =	vshrl.u32 v12, $0x6;
	v12 =	vshrl.u32 v12, $0x14  }
0xa1: {  	vm6 =	veq.s32 v10, v6;
	vm2 =	veq.s32 v11, v4;
	v9 =	vor.u32 v0, v9  }
0xa2: {  	s26 =	simm.s32 $0x0;
	s28 =	simm.s32 $0x4060;
	vm1 =	veq.s32 v11, v5;
	v12 =	vxor.u32 $0x800, v12;
	vm0 =	veq.s32 v11, v6  }
.LBB2_7:
0xa3: {  	s26 =	sadd.s32 $0x4, s26;
	v14 =	vand.u32 $0x3FF0, v14;
	[tilespmem:v8+s15+$0x0] =	vst.idx.add.s32.msk vm3, v2  }
0xa4: {  	vm3 =	veq.s32 v12, v4;
	v16 =	vsub.s32 $0x80000000, v13;
	vm5 =	vlt.s32 v13, $0x0;
	v15 =	vld [tilespmem:s28+$0x0];
	p1 =	slt.u32 s26, $0x3FC  }
0xa5: {  	v17 =	vor.u32 v0, v14;
	v13 =	vsel vm5, v16, v13;
	[tilespmem:v8+s16+$0x0] =	vst.idx.add.s32.msk vm4, v2  }
0xa6: {  	v16 =	vshrl.u32 v13, $0x6;
	v13 =	vshrl.u32 v13, $0x14;
	v14 =	vld [tilespmem:s28+$0xFFFFFFE0]  }
0xa7: {  	v18 =	vxor.u32 $0x800, v13;
	v13 =	vand.u32 $0x3FF0, v16;
	[tilespmem:v9+s15+$0x0] =	vst.idx.add.s32.msk vm2, v2  }
0xa8: {  	vm4 =	veq.s32 v18, v4;
	[tilespmem:v8+s17+$0x0] =	vst.idx.add.s32.msk vm6, v2  }
0xa9: {  	v16 =	vor.u32 v0, v13;
	vm6 =	veq.s32 v18, v5;
	[tilespmem:v9+s16+$0x0] =	vst.idx.add.s32.msk vm1, v2  }
0xaa: {  	vm2 =	veq.s32 v18, v6;
	[tilespmem:v17+s15+$0x0] =	vst.idx.add.s32.msk vm3, v2;
	vm3 =	veq.s32 v10, v7  }
0xab: {  	vm5 =	vlt.s32 v15, $0x0;
	vm1 =	veq.s32 v11, v7;
	v10 =	vsub.s32 $0x80000000, v15;
	v19 =	vld [tilespmem:s28+$0xFFFFFFF0]  }
0xac: {  	vm7 =	veq.s32 v18, v7;
	v10 =	vsel vm5, v10, v15;
	vm5 =	veq.s32 v12, v7;
	v13 =	vld [tilespmem:s28+$0x10]  }
0xad: {  	v11 =	vshrl.u32 v10, $0x6;
	v10 =	vshrl.u32 v10, $0x14;
	[tilespmem:v9+s17+$0x0] =	vst.idx.add.s32.msk vm0, v2;
	vm0 =	veq.s32 v12, v5  }
0xae: {  	v15 =	vsub.s32 $0x80000000, v14;
	vm8 =	vlt.s32 v14, $0x0;
	v10 =	vxor.u32 $0x800, v10;
	[tilespmem:v16+s15+$0x0] =	vst.idx.add.s32.msk vm4, v2  }
0xaf: {  	v14 =	vsel vm8, v15, v14;
	vm8 =	veq.s32 v12, v6;
	[tilespmem:v16+s16+$0x0] =	vst.idx.add.s32.msk vm6, v2  }
0xb0: {  	v12 =	vshrl.u32 v14, $0x6;
	v14 =	vshrl.u32 v14, $0x14;
	v15 =	vand.u32 $0x3FF0, v11;
	[tilespmem:v8+s18+$0x0] =	vst.idx.add.s32.msk vm3, v2  }
0xb1: {  	v11 =	vxor.u32 $0x800, v14;
	vm3 =	veq.s32 v10, v4;
	v8 =	vor.u32 v0, v15;
	[tilespmem:v16+s17+$0x0] =	vst.idx.add.s32.msk vm2, v2  }
.Ltmp2:
0xb2: {  	v12 =	vand.u32 $0x3FF0, v12;
	v14 =	vsub.s32 $0x80000000, v19;
	vm2 =	vlt.s32 v19, $0x0;
	[tilespmem:v16+s18+$0x0] =	vst.idx.add.s32.msk vm7, v2;
	(pc) =	sbr.rel @p1 .LBB2_7-.Ltmp2, $4  }
0xb3: {  	vm4 =	veq.s32 v10, v5;
	v15 =	vsel vm2, v14, v19;
	[tilespmem:v9+s18+$0x0] =	vst.idx.add.s32.msk vm1, v2  }
0xb4: {  	vm2 =	veq.s32 v11, v4;
	v14 =	vshrl.u32 v15, $0x6;
	v15 =	vshrl.u32 v15, $0x14;
	[tilespmem:v17+s16+$0x0] =	vst.idx.add.s32.msk vm0, v2  }
0xb5: {  	v9 =	vor.u32 v0, v12;
	vm1 =	veq.s32 v11, v5;
	v12 =	vxor.u32 $0x800, v15;
	[tilespmem:v17+s17+$0x0] =	vst.idx.add.s32.msk vm8, v2  }
0xb6: {  	s28 =	sadd.s32 $0x40, s28;
	vm6 =	veq.s32 v10, v6;
	vm0 =	veq.s32 v11, v6;
	[tilespmem:v17+s18+$0x0] =	vst.idx.add.s32.msk vm5, v2  }
0xb7: {  	_ =	sdelay $0x2  }
0xb8: {  	v15 =	vsub.s32 $0x80000000, v13;
	vm5 =	vlt.s32 v13, $0x0  }
0xb9: {  	v14 =	vand.u32 $0x3FF0, v14;
	v13 =	vsel vm5, v15, v13  }
0xba: {  	vm13 =	veq.s32 v12, v4;
	[tilespmem:v8+s15+$0x0] =	vst.idx.add.s32.msk vm3, v2;
	vm9 =	veq.s32 v10, v7;
	v15 =	vshrl.u32 v13, $0x14  }
0xbb: {  	[tilespmem:v9+s15+$0x0] =	vst.idx.add.s32.msk vm2, v2;
	v14 =	vor.u32 v0, v14;
	v13 =	vshrl.u32 v13, $0x6;
	v15 =	vxor.u32 $0x800, v15  }
0xbc: {  	[tilespmem:v8+s16+$0x0] =	vst.idx.add.s32.msk vm4, v2;
	v13 =	vand.u32 $0x3FF0, v13;
	vm14 =	veq.s32 v15, v4  }
0xbd: {  	[tilespmem:v9+s16+$0x0] =	vst.idx.add.s32.msk vm1, v2;
	v13 =	vor.u32 v0, v13;
	vm15 =	veq.s32 v15, v5  }
0xbe: {  	vm12 =	veq.s32 v11, v7;
	[tilespmem:v8+s17+$0x0] =	vst.idx.add.s32.msk vm6, v2  }
0xbf: {  	[tilespmem:v9+s17+$0x0] =	vst.idx.add.s32.msk vm0, v2;
	vm10 =	veq.s32 v15, v6  }
0xc0: {  	[tilespmem:v14+s15+$0x0] =	vst.idx.add.s32.msk vm13, v2;
	vm13 =	veq.s32 v12, v5  }
0xc1: {  	vm11 =	veq.s32 v15, v7;
	[tilespmem:v8+s18+$0x0] =	vst.idx.add.s32.msk vm9, v2  }
0xc2: {  	[tilespmem:v13+s15+$0x0] =	vst.idx.add.s32.msk vm14, v2;
	vm14 =	veq.s32 v12, v6  }
0xc3: {  	[tilespmem:v13+s16+$0x0] =	vst.idx.add.s32.msk vm15, v2;
	vm15 =	veq.s32 v12, v7  }
0xc4: {  	[tilespmem:v9+s18+$0x0] =	vst.idx.add.s32.msk vm12, v2  }
.Ltmp3:
0xc5: {  	[tilespmem:v13+s17+$0x0] =	vst.idx.add.s32.msk vm10, v2;
	(pc) =	sbr.rel @p0 .LBB2_9-.Ltmp3, $4  }
0xc6: {  	[tilespmem:v14+s16+$0x0] =	vst.idx.add.s32.msk vm13, v2  }
0xc7: {  	[tilespmem:v13+s18+$0x0] =	vst.idx.add.s32.msk vm11, v2  }
0xc8: {  	[tilespmem:v14+s17+$0x0] =	vst.idx.add.s32.msk vm14, v2  }
0xc9: {  	[tilespmem:v14+s18+$0x0] =	vst.idx.add.s32.msk vm15, v2  }
.Ltmp4:
0xca: {  	(pc) =	sbr.rel .LBB2_4-.Ltmp4, $4  }
0xcb: {  	s25 =	sadd.s32 s25, s8  }
0xcc: {  	s25 =	sshrl.u32 s25, $0x3  }
0xcd: {  	s24 =	sadd.s32 $0x1, s24;
	s25 =	sadd.s32 s1, s25  }
0xce: {  	[tilespmem:s13], [sflag:$0x2] =	stream.linear.gather [hbm4b:s25+s3], $0x4000, $0x38;
	[tilespmem:$0x19080] =	vst v63  }
.LBB2_9:
0xcf: {  	s25 =	simm.s32 $0x10  }
0xd0: {  	s24 =	simm.s32 $0x0;
	v4 =	vmov s25  }
0xd1: {  	v5 =	vmov s24;
	v4 =	vshll.u32 v4, $0x4  }
0xd2: {  	v5 =	vshll.u32 v5, $0x4;
	v4 =	vor.u32 v3, v4  }
0xd3: {  	v5 =	vor.u32 v3, v5  }
0xd4: {  	v6 =	vor.u32 $0x1, v5  }
0xd5: {  	v7 =	vor.u32 $0x2, v5  }
0xd6: {  	v8 =	vor.u32 $0x3, v5  }
0xd7: {  	v9 =	vor.u32 $0x4, v5;
	v33 =	vld.idx.msk [tilespmem:v4+s15+$0x0], $0xffff  }
0xd8: {  	v10 =	vor.u32 $0x5, v5;
	v18 =	vld.idx.msk [tilespmem:v5+s15+$0x0], $0xffff  }
0xd9: {  	v11 =	vor.u32 $0x6, v5;
	v19 =	vld.idx.msk [tilespmem:v6+s15+$0x0], $0xffff  }
0xda: {  	v12 =	vor.u32 $0x7, v5;
	v20 =	vld.idx.msk [tilespmem:v7+s15+$0x0], $0xffff  }
0xdb: {  	v13 =	vor.u32 $0x8, v5;
	v21 =	vld.idx.msk [tilespmem:v8+s15+$0x0], $0xffff  }
0xdc: {  	v14 =	vor.u32 $0x9, v5;
	v22 =	vld.idx.msk [tilespmem:v9+s15+$0x0], $0xffff  }
0xdd: {  	v15 =	vor.u32 $0xA, v5;
	v23 =	vld.idx.msk [tilespmem:v10+s15+$0x0], $0xffff  }
0xde: {  	v16 =	vor.u32 $0xB, v5;
	v24 =	vld.idx.msk [tilespmem:v11+s15+$0x0], $0xffff  }
0xdf: {  	v17 =	vor.u32 $0xC, v5;
	v25 =	vld.idx.msk [tilespmem:v12+s15+$0x0], $0xffff  }
0xe0: {  	v26 =	vld.idx.msk [tilespmem:v13+s15+$0x0], $0xffff;
	v19 =	vadd.s32 v18, v19;
	v18 =	vor.u32 $0xD, v5  }
0xe1: {  	v27 =	vld.idx.msk [tilespmem:v14+s15+$0x0], $0xffff;
	v20 =	vadd.s32 v20, v19;
	v19 =	vor.u32 $0xE, v5  }
0xe2: {  	v29 =	vld.idx.msk [tilespmem:v15+s15+$0x0], $0xffff;
	v28 =	vadd.s32 v21, v20;
	v21 =	vor.u32 $0xF, v5  }
0xe3: {  	v30 =	vld.idx.msk [tilespmem:v16+s15+$0x0], $0xffff;
	v20 =	vor.u32 $0x1, v4;
	v28 =	vadd.s32 v22, v28  }
0xe4: {  	v31 =	vld.idx.msk [tilespmem:v17+s15+$0x0], $0xffff;
	v22 =	vor.u32 $0x2, v4;
	v28 =	vadd.s32 v23, v28  }
0xe5: {  	v23 =	vor.u32 $0x3, v4;
	v28 =	vadd.s32 v24, v28;
	v32 =	vld.idx.msk [tilespmem:v18+s15+$0x0], $0xffff  }
0xe6: {  	v24 =	vor.u32 $0x4, v4;
	v28 =	vadd.s32 v25, v28;
	v34 =	vld.idx.msk [tilespmem:v19+s15+$0x0], $0xffff  }
0xe7: {  	v25 =	vor.u32 $0x5, v4;
	v28 =	vadd.s32 v26, v28;
	v37 =	vld.idx.msk [tilespmem:v21+s15+$0x0], $0xffff  }
0xe8: {  	v26 =	vor.u32 $0x6, v4;
	v38 =	vld.idx.msk [tilespmem:v20+s15+$0x0], $0xffff;
	v28 =	vadd.s32 v27, v28  }
0xe9: {  	v27 =	vor.u32 $0x7, v4;
	v42 =	vld.idx.msk [tilespmem:v22+s15+$0x0], $0xffff;
	v29 =	vadd.s32 v29, v28  }
0xea: {  	v28 =	vor.u32 $0x8, v4;
	v41 =	vld.idx.msk [tilespmem:v23+s15+$0x0], $0xffff;
	v29 =	vadd.s32 v30, v29  }
0xeb: {  	v35 =	vor.u32 $0x9, v4;
	v39 =	vld.idx.msk [tilespmem:v24+s15+$0x0], $0xffff;
	v29 =	vadd.s32 v31, v29  }
0xec: {  	v30 =	vor.u32 $0xA, v4;
	v40 =	vld.idx.msk [tilespmem:v25+s15+$0x0], $0xffff;
	v32 =	vadd.s32 v32, v29  }
0xed: {  	v31 =	vor.u32 $0xB, v4;
	v29 =	vor.u32 $0xC, v4;
	v36 =	vld.idx.msk [tilespmem:v26+s15+$0x0], $0xffff;
	v34 =	vadd.s32 v34, v32  }
0xee: {  	s26 =	simm.s32 $0x8090;
	v38 =	vadd.s32 v33, v38;
	v33 =	vor.u32 $0xF, v4;
	v43 =	vadd.s32 v37, v34;
	v37 =	vld.idx.msk [tilespmem:v27+s15+$0x0], $0xffff  }
0xef: {  	s28 =	simm.s32 $0x0;
	s29 =	simm.s32 $0x30;
	s25 =	simm.s32 $0x8490;
	v32 =	vor.u32 $0xD, v4;
	v42 =	vadd.s32 v42, v38;
	v34 =	vor.u32 $0xE, v4;
	v38 =	vld.idx.msk [tilespmem:v28+s15+$0x0], $0xffff;
	[tilespmem:s26+$0xFFFFFFF0] =	vst v43  }
.LBB2_10:
0xf0: {  	s30 =	sadd.s32 $0xFFFFFFF0, s29;
	v43 =	vmov s29;
	s28 =	sadd.s32 $0x2, s28;
	v41 =	vadd.s32 v41, v42;
	v42 =	vld.idx.msk [tilespmem:v35+s15+$0x0], $0xffff  }
0xf1: {  	v35 =	vmov s30;
	v43 =	vshll.u32 v43, $0x4;
	p0 =	slt.u32 s28, $0x3E;
	v39 =	vadd.s32 v39, v41;
	v41 =	vld.idx.msk [tilespmem:v30+s15+$0x0], $0xffff  }
0xf2: {  	v30 =	vshll.u32 v35, $0x4;
	v43 =	vor.u32 v3, v43;
	v39 =	vadd.s32 v40, v39;
	v40 =	vld.idx.msk [tilespmem:v31+s15+$0x0], $0xffff  }
0xf3: {  	v44 =	vor.u32 v3, v30;
	v45 =	vor.u32 $0x1, v43;
	v46 =	vor.u32 $0x2, v43;
	v47 =	vld.idx.msk [tilespmem:v29+s15+$0x0], $0xffff  }
0xf4: {  	v48 =	vor.u32 $0x3, v43;
	v49 =	vor.u32 $0x4, v43;
	v29 =	vor.u32 $0x1, v44;
	v50 =	vld.idx.msk [tilespmem:v32+s15+$0x0], $0xffff  }
0xf5: {  	v51 =	vor.u32 $0x5, v43;
	v52 =	vor.u32 $0x6, v43;
	v32 =	vor.u32 $0x2, v44;
	v53 =	vld.idx.msk [tilespmem:v34+s15+$0x0], $0xffff  }
0xf6: {  	v54 =	vor.u32 $0x7, v43;
	v55 =	vor.u32 $0x8, v43;
	v34 =	vor.u32 $0x3, v44;
	v56 =	vld.idx.msk [tilespmem:v33+s15+$0x0], $0xffff  }
0xf7: {  	v35 =	vor.u32 $0x9, v43;
	v30 =	vor.u32 $0xA, v43;
	v33 =	vor.u32 $0x4, v44;
	v57 =	vld.idx.msk [tilespmem:v43+s15+$0x0], $0xffff  }
0xf8: {  	v31 =	vor.u32 $0xB, v43;
	v36 =	vadd.s32 v36, v39;
	v59 =	vor.u32 $0x5, v44;
	v58 =	vld.idx.msk [tilespmem:v44+s15+$0x0], $0xffff  }
0xf9: {  	v60 =	vor.u32 $0x6, v44;
	v36 =	vadd.s32 v37, v36;
	v39 =	vld.idx.msk [tilespmem:v29+s15+$0x0], $0xffff;
	v29 =	vor.u32 $0xC, v43  }
0xfa: {  	v61 =	vor.u32 $0x7, v44;
	v36 =	vadd.s32 v38, v36;
	v37 =	vld.idx.msk [tilespmem:v32+s15+$0x0], $0xffff;
	v32 =	vor.u32 $0xD, v43  }
0xfb: {  	v62 =	vor.u32 $0x8, v44;
	v36 =	vadd.s32 v42, v36;
	v38 =	vld.idx.msk [tilespmem:v34+s15+$0x0], $0xffff;
	v34 =	vor.u32 $0xE, v43  }
0xfc: {  	v63 =	vor.u32 $0x9, v44;
	v36 =	vadd.s32 v41, v36;
	v42 =	vld.idx.msk [tilespmem:v33+s15+$0x0], $0xffff;
	v33 =	vor.u32 $0xF, v43  }
0xfd: {  	v36 =	vadd.s32 v40, v36;
	v43 =	vor.u32 $0xA, v44;
	v41 =	vld.idx.msk [tilespmem:v59+s15+$0x0], $0xffff  }
0xfe: {  	v36 =	vadd.s32 v47, v36;
	v59 =	vor.u32 $0xB, v44;
	v40 =	vld.idx.msk [tilespmem:v60+s15+$0x0], $0xffff  }
0xff: {  	v36 =	vadd.s32 v50, v36;
	v39 =	vadd.s32 v58, v39;
	v58 =	vor.u32 $0xC, v44;
	v47 =	vld.idx.msk [tilespmem:v61+s15+$0x0], $0xffff  }
0x100: {  	v50 =	vor.u32 $0xD, v44;
	v36 =	vadd.s32 v53, v36;
	v37 =	vadd.s32 v37, v39;
	v39 =	vld.idx.msk [tilespmem:v62+s15+$0x0], $0xffff  }
0x101: {  	v53 =	vor.u32 $0xE, v44;
	v36 =	vadd.s32 v56, v36;
	v37 =	vadd.s32 v38, v37;
	v38 =	vld.idx.msk [tilespmem:v63+s15+$0x0], $0xffff  }
0x102: {  	v37 =	vadd.s32 v42, v37;
	v42 =	vld.idx.msk [tilespmem:v43+s15+$0x0], $0xffff;
	v43 =	vor.u32 $0xF, v44;
	[tilespmem:s26+$0x0] =	vst v36  }
0x103: {  	v36 =	vadd.s32 v41, v37;
	v37 =	vld.idx.msk [tilespmem:v59+s15+$0x0], $0xffff  }
0x104: {  	v36 =	vadd.s32 v40, v36;
	v40 =	vld.idx.msk [tilespmem:v58+s15+$0x0], $0xffff  }
0x105: {  	v36 =	vadd.s32 v47, v36;
	v44 =	vld.idx.msk [tilespmem:v50+s15+$0x0], $0xffff  }
0x106: {  	v36 =	vadd.s32 v39, v36;
	v47 =	vld.idx.msk [tilespmem:v53+s15+$0x0], $0xffff  }
0x107: {  	v36 =	vadd.s32 v38, v36;
	v38 =	vld.idx.msk [tilespmem:v43+s15+$0x0], $0xffff  }
0x108: {  	v36 =	vadd.s32 v42, v36;
	v42 =	vld.idx.msk [tilespmem:v45+s15+$0x0], $0xffff  }
0x109: {  	v36 =	vadd.s32 v37, v36;
	v43 =	vld.idx.msk [tilespmem:v46+s15+$0x0], $0xffff  }
0x10a: {  	v36 =	vadd.s32 v40, v36;
	v41 =	vld.idx.msk [tilespmem:v48+s15+$0x0], $0xffff  }
.Ltmp5:
0x10b: {  	v36 =	vadd.s32 v44, v36;
	v39 =	vld.idx.msk [tilespmem:v49+s15+$0x0], $0xffff;
	(pc) =	sbr.rel @p0 .LBB2_10-.Ltmp5, $4  }
0x10c: {  	v36 =	vadd.s32 v47, v36;
	v40 =	vld.idx.msk [tilespmem:v51+s15+$0x0], $0xffff  }
0x10d: {  	s26 =	sadd.s32 $0x20, s26;
	v37 =	vadd.s32 v38, v36;
	v36 =	vld.idx.msk [tilespmem:v52+s15+$0x0], $0xffff  }
0x10e: {  	v38 =	vadd.s32 v57, v42;
	[tilespmem:s26+$0xFFFFFFF0] =	vst v37;
	v37 =	vld.idx.msk [tilespmem:v54+s15+$0x0], $0xffff  }
0x10f: {  	s29 =	sadd.s32 $0x20, s29;
	v42 =	vadd.s32 v43, v38;
	v38 =	vld.idx.msk [tilespmem:v55+s15+$0x0], $0xffff  }
0x110: {  	_ =	sdelay $0x2  }
0x111: {  	v41 =	vadd.s32 v41, v42  }
0x112: {  	v35 =	vld.idx.msk [tilespmem:v35+s15+$0x0], $0xffff;
	v39 =	vadd.s32 v39, v41  }
0x113: {  	v30 =	vld.idx.msk [tilespmem:v30+s15+$0x0], $0xffff;
	v39 =	vadd.s32 v40, v39  }
0x114: {  	v31 =	vld.idx.msk [tilespmem:v31+s15+$0x0], $0xffff;
	v36 =	vadd.s32 v36, v39  }
0x115: {  	v29 =	vld.idx.msk [tilespmem:v29+s15+$0x0], $0xffff;
	v36 =	vadd.s32 v37, v36  }
0x116: {  	v32 =	vld.idx.msk [tilespmem:v32+s15+$0x0], $0xffff;
	v36 =	vadd.s32 v38, v36  }
0x117: {  	v34 =	vld.idx.msk [tilespmem:v34+s15+$0x0], $0xffff;
	v35 =	vadd.s32 v35, v36  }
0x118: {  	v33 =	vld.idx.msk [tilespmem:v33+s15+$0x0], $0xffff;
	v30 =	vadd.s32 v30, v35  }
0x119: {  	v30 =	vadd.s32 v31, v30  }
0x11a: {  	v29 =	vadd.s32 v29, v30  }
0x11b: {  	v29 =	vadd.s32 v32, v29  }
0x11c: {  	v29 =	vadd.s32 v34, v29  }
0x11d: {  	v29 =	vadd.s32 v33, v29  }
0x11e: {  	[tilespmem:s26+$0x0] =	vst v29  }
0x11f: {  	v29 =	vld.idx.msk [tilespmem:v4+s16+$0x0], $0xffff  }
0x120: {  	v5 =	vld.idx.msk [tilespmem:v5+s16+$0x0], $0xffff  }
0x121: {  	v6 =	vld.idx.msk [tilespmem:v6+s16+$0x0], $0xffff  }
0x122: {  	v7 =	vld.idx.msk [tilespmem:v7+s16+$0x0], $0xffff  }
0x123: {  	v8 =	vld.idx.msk [tilespmem:v8+s16+$0x0], $0xffff  }
0x124: {  	v9 =	vld.idx.msk [tilespmem:v9+s16+$0x0], $0xffff  }
0x125: {  	v10 =	vld.idx.msk [tilespmem:v10+s16+$0x0], $0xffff  }
0x126: {  	v11 =	vld.idx.msk [tilespmem:v11+s16+$0x0], $0xffff  }
0x127: {  	v12 =	vld.idx.msk [tilespmem:v12+s16+$0x0], $0xffff  }
0x128: {  	v13 =	vld.idx.msk [tilespmem:v13+s16+$0x0], $0xffff  }
0x129: {  	v14 =	vld.idx.msk [tilespmem:v14+s16+$0x0], $0xffff  }
0x12a: {  	v15 =	vld.idx.msk [tilespmem:v15+s16+$0x0], $0xffff  }
0x12b: {  	v16 =	vld.idx.msk [tilespmem:v16+s16+$0x0], $0xffff  }
0x12c: {  	v17 =	vld.idx.msk [tilespmem:v17+s16+$0x0], $0xffff  }
0x12d: {  	v18 =	vld.idx.msk [tilespmem:v18+s16+$0x0], $0xffff  }
0x12e: {  	v19 =	vld.idx.msk [tilespmem:v19+s16+$0x0], $0xffff  }
0x12f: {  	v21 =	vld.idx.msk [tilespmem:v21+s16+$0x0], $0xffff  }
0x130: {  	v20 =	vld.idx.msk [tilespmem:v20+s16+$0x0], $0xffff  }
0x131: {  	v22 =	vld.idx.msk [tilespmem:v22+s16+$0x0], $0xffff  }
0x132: {  	v23 =	vld.idx.msk [tilespmem:v23+s16+$0x0], $0xffff  }
0x133: {  	v44 =	vor.u32 $0x9, v4;
	v24 =	vld.idx.msk [tilespmem:v24+s16+$0x0], $0xffff  }
0x134: {  	v45 =	vor.u32 $0xA, v4;
	v25 =	vld.idx.msk [tilespmem:v25+s16+$0x0], $0xffff  }
0x135: {  	v48 =	vor.u32 $0xD, v4;
	v26 =	vld.idx.msk [tilespmem:v26+s16+$0x0], $0xffff  }
0x136: {  	v49 =	vor.u32 $0xE, v4;
	v27 =	vld.idx.msk [tilespmem:v27+s16+$0x0], $0xffff  }
0x137: {  	v46 =	vor.u32 $0xB, v4;
	v47 =	vor.u32 $0xC, v4;
	s28 =	simm.s32 $0x30;
	v28 =	vld.idx.msk [tilespmem:v28+s16+$0x0], $0xffff;
	v4 =	vor.u32 $0xF, v4  }
0x138: {  	s31 =	simm.s32 $0x20;
	v50 =	vmov s28;
	v30 =	vld.idx.msk [tilespmem:v44+s16+$0x0], $0xffff  }
0x139: {  	v36 =	vshll.u32 v50, $0x4;
	v31 =	vld.idx.msk [tilespmem:v45+s16+$0x0], $0xffff;
	v5 =	vadd.s32 v5, v6;
	v6 =	vmov s31  }
0x13a: {  	v36 =	vor.u32 v3, v36;
	v51 =	vld.idx.msk [tilespmem:v48+s16+$0x0], $0xffff;
	v5 =	vadd.s32 v7, v5;
	v6 =	vshll.u32 v6, $0x4  }
0x13b: {  	v52 =	vld.idx.msk [tilespmem:v49+s16+$0x0], $0xffff;
	v5 =	vadd.s32 v8, v5;
	v6 =	vor.u32 v3, v6  }
0x13c: {  	v53 =	vld.idx.msk [tilespmem:v4+s16+$0x0], $0xffff;
	v5 =	vadd.s32 v9, v5;
	v9 =	vor.u32 $0x1, v6  }
0x13d: {  	v7 =	vld.idx.msk [tilespmem:v46+s16+$0x0], $0xffff;
	v5 =	vadd.s32 v10, v5;
	v10 =	vor.u32 $0x2, v6  }
0x13e: {  	v8 =	vld.idx.msk [tilespmem:v47+s16+$0x0], $0xffff;
	v5 =	vadd.s32 v11, v5;
	v11 =	vor.u32 $0x3, v6  }
0x13f: {  	v4 =	vadd.s32 v12, v5;
	v5 =	vor.u32 $0x4, v6;
	v12 =	vld.idx.msk [tilespmem:v36+s16+$0x0], $0xffff  }
0x140: {  	v54 =	vor.u32 $0x5, v6;
	v4 =	vadd.s32 v13, v4;
	v13 =	vld.idx.msk [tilespmem:v6+s16+$0x0], $0xffff  }
0x141: {  	v4 =	vadd.s32 v14, v4;
	v9 =	vld.idx.msk [tilespmem:v9+s16+$0x0], $0xffff;
	v14 =	vor.u32 $0x6, v6  }
0x142: {  	v4 =	vadd.s32 v15, v4;
	v10 =	vld.idx.msk [tilespmem:v10+s16+$0x0], $0xffff;
	v15 =	vor.u32 $0x7, v6  }
0x143: {  	v4 =	vadd.s32 v16, v4;
	v11 =	vld.idx.msk [tilespmem:v11+s16+$0x0], $0xffff;
	v16 =	vor.u32 $0x8, v6  }
0x144: {  	v55 =	vor.u32 $0xA, v6;
	v4 =	vadd.s32 v17, v4;
	v5 =	vld.idx.msk [tilespmem:v5+s16+$0x0], $0xffff  }
0x145: {  	v17 =	vor.u32 $0x9, v6;
	v4 =	vadd.s32 v18, v4;
	v18 =	vld.idx.msk [tilespmem:v54+s16+$0x0], $0xffff  }
0x146: {  	v58 =	vor.u32 $0x2, v36;
	v56 =	vor.u32 $0xB, v6;
	v4 =	vadd.s32 v19, v4;
	v14 =	vld.idx.msk [tilespmem:v14+s16+$0x0], $0xffff  }
0x147: {  	v19 =	vadd.s32 v29, v20;
	v9 =	vadd.s32 v13, v9;
	v21 =	vadd.s32 v21, v4;
	v15 =	vld.idx.msk [tilespmem:v15+s16+$0x0], $0xffff  }
0x148: {  	v4 =	vadd.s32 v22, v19;
	v19 =	vor.u32 $0xC, v6;
	v9 =	vadd.s32 v10, v9;
	v13 =	vld.idx.msk [tilespmem:v16+s16+$0x0], $0xffff  }
0x149: {  	v4 =	vadd.s32 v23, v4;
	v16 =	vor.u32 $0xD, v6;
	v9 =	vadd.s32 v11, v9;
	v11 =	vld.idx.msk [tilespmem:v55+s16+$0x0], $0xffff  }
0x14a: {  	v57 =	vor.u32 $0x1, v36;
	v4 =	vadd.s32 v24, v4;
	v10 =	vld.idx.msk [tilespmem:v17+s16+$0x0], $0xffff;
	v17 =	vor.u32 $0xE, v6  }
0x14b: {  	v23 =	vld.idx.msk [tilespmem:v58+s16+$0x0], $0xffff;
	v6 =	vor.u32 $0xF, v6;
	v5 =	vadd.s32 v5, v9;
	v4 =	vadd.s32 v25, v4  }
0x14c: {  	v59 =	vor.u32 $0x3, v36;
	v9 =	vld.idx.msk [tilespmem:v56+s16+$0x0], $0xffff;
	v5 =	vadd.s32 v18, v5;
	v4 =	vadd.s32 v26, v4  }
0x14d: {  	v60 =	vor.u32 $0x5, v36;
	v5 =	vadd.s32 v14, v5;
	v18 =	vld.idx.msk [tilespmem:v19+s16+$0x0], $0xffff;
	v4 =	vadd.s32 v27, v4  }
0x14e: {  	v61 =	vor.u32 $0x6, v36;
	v5 =	vadd.s32 v15, v5;
	v16 =	vld.idx.msk [tilespmem:v16+s16+$0x0], $0xffff;
	v4 =	vadd.s32 v28, v4  }
0x14f: {  	v19 =	vor.u32 $0x4, v36;
	v5 =	vadd.s32 v13, v5;
	v17 =	vld.idx.msk [tilespmem:v17+s16+$0x0], $0xffff;
	v4 =	vadd.s32 v30, v4  }
0x150: {  	v62 =	vor.u32 $0x7, v36;
	v13 =	vld.idx.msk [tilespmem:v6+s16+$0x0], $0xffff;
	v5 =	vadd.s32 v10, v5;
	v4 =	vadd.s32 v31, v4  }
0x151: {  	v63 =	vor.u32 $0x8, v36;
	v10 =	vld.idx.msk [tilespmem:v57+s16+$0x0], $0xffff;
	v5 =	vadd.s32 v11, v5;
	v4 =	vadd.s32 v7, v4  }
0x152: {  	v15 =	vld.idx.msk [tilespmem:v59+s16+$0x0], $0xffff;
	v6 =	vor.u32 $0x9, v36;
	v5 =	vadd.s32 v9, v5;
	v7 =	vadd.s32 v8, v4  }
0x153: {  	v11 =	vld.idx.msk [tilespmem:v61+s16+$0x0], $0xffff;
	v4 =	vor.u32 $0xA, v36;
	v8 =	vadd.s32 v18, v5;
	v7 =	vadd.s32 v51, v7  }
0x154: {  	s24 =	sand.u32 $0x3E0, s24;
	v14 =	vld.idx.msk [tilespmem:v19+s16+$0x0], $0xffff;
	v5 =	vor.u32 $0xB, v36;
	v8 =	vadd.s32 v16, v8;
	v9 =	vadd.s32 v52, v7  }
0x155: {  	[tilespmem:s24+$0x8480] =	vst v21;
	v16 =	vld.idx.msk [tilespmem:v60+s16+$0x0], $0xffff;
	v7 =	vor.u32 $0xC, v36;
	v17 =	vadd.s32 v17, v8;
	v9 =	vadd.s32 v53, v9  }
0x156: {  	s28 =	sand.u32 $0x3E0, s31;
	v8 =	vor.u32 $0xD, v36;
	v13 =	vadd.s32 v13, v17;
	v17 =	vadd.s32 v12, v10;
	v12 =	vld.idx.msk [tilespmem:v62+s16+$0x0], $0xffff;
	[tilespmem:s25+$0x0] =	vst v9  }
0x157: {  	s26 =	simm.s32 $0x2;
	s24 =	simm.s32 $0x8890;
	v10 =	vor.u32 $0xE, v36;
	v9 =	vor.u32 $0xF, v36;
	[tilespmem:s28+$0x8480] =	vst v13;
	v17 =	vadd.s32 v23, v17;
	v13 =	vld.idx.msk [tilespmem:v63+s16+$0x0], $0xffff;
	s28 =	simm.s32 $0x50  }
.LBB2_12:
0x158: {  	s29 =	sadd.s32 $0xFFFFFFF0, s28;
	v18 =	vmov s28;
	s26 =	sadd.s32 $0x2, s26;
	v15 =	vadd.s32 v15, v17;
	v17 =	vld.idx.msk [tilespmem:v6+s16+$0x0], $0xffff  }
0x159: {  	v6 =	vmov s29;
	v18 =	vshll.u32 v18, $0x4;
	p0 =	slt.u32 s26, $0x3E;
	v14 =	vadd.s32 v14, v15;
	v15 =	vld.idx.msk [tilespmem:v4+s16+$0x0], $0xffff  }
0x15a: {  	v4 =	vshll.u32 v6, $0x4;
	v18 =	vor.u32 v3, v18;
	v14 =	vadd.s32 v16, v14;
	v16 =	vld.idx.msk [tilespmem:v5+s16+$0x0], $0xffff  }
0x15b: {  	v19 =	vor.u32 v3, v4;
	v20 =	vor.u32 $0x1, v18;
	v21 =	vor.u32 $0x2, v18;
	v22 =	vld.idx.msk [tilespmem:v7+s16+$0x0], $0xffff  }
0x15c: {  	v23 =	vor.u32 $0x3, v18;
	v24 =	vor.u32 $0x4, v18;
	v7 =	vor.u32 $0x1, v19;
	v25 =	vld.idx.msk [tilespmem:v8+s16+$0x0], $0xffff  }
0x15d: {  	v26 =	vor.u32 $0x5, v18;
	v27 =	vor.u32 $0x6, v18;
	v8 =	vor.u32 $0x2, v19;
	v28 =	vld.idx.msk [tilespmem:v10+s16+$0x0], $0xffff  }
0x15e: {  	v29 =	vor.u32 $0x7, v18;
	v30 =	vor.u32 $0x8, v18;
	v10 =	vor.u32 $0x3, v19;
	v31 =	vld.idx.msk [tilespmem:v9+s16+$0x0], $0xffff  }
0x15f: {  	v6 =	vor.u32 $0x9, v18;
	v4 =	vor.u32 $0xA, v18;
	v9 =	vor.u32 $0x4, v19;
	v32 =	vld.idx.msk [tilespmem:v18+s16+$0x0], $0xffff  }
0x160: {  	v5 =	vor.u32 $0xB, v18;
	v11 =	vadd.s32 v11, v14;
	v34 =	vor.u32 $0x5, v19;
	v33 =	vld.idx.msk [tilespmem:v19+s16+$0x0], $0xffff  }
0x161: {  	v35 =	vor.u32 $0x6, v19;
	v11 =	vadd.s32 v12, v11;
	v14 =	vld.idx.msk [tilespmem:v7+s16+$0x0], $0xffff;
	v7 =	vor.u32 $0xC, v18  }
0x162: {  	v36 =	vor.u32 $0x7, v19;
	v11 =	vadd.s32 v13, v11;
	v12 =	vld.idx.msk [tilespmem:v8+s16+$0x0], $0xffff;
	v8 =	vor.u32 $0xD, v18  }
0x163: {  	v37 =	vor.u32 $0x8, v19;
	v11 =	vadd.s32 v17, v11;
	v13 =	vld.idx.msk [tilespmem:v10+s16+$0x0], $0xffff;
	v10 =	vor.u32 $0xE, v18  }
0x164: {  	v38 =	vor.u32 $0x9, v19;
	v11 =	vadd.s32 v15, v11;
	v17 =	vld.idx.msk [tilespmem:v9+s16+$0x0], $0xffff;
	v9 =	vor.u32 $0xF, v18  }
0x165: {  	v11 =	vadd.s32 v16, v11;
	v18 =	vor.u32 $0xA, v19;
	v15 =	vld.idx.msk [tilespmem:v34+s16+$0x0], $0xffff  }
0x166: {  	v11 =	vadd.s32 v22, v11;
	v34 =	vor.u32 $0xB, v19;
	v16 =	vld.idx.msk [tilespmem:v35+s16+$0x0], $0xffff  }
0x167: {  	v11 =	vadd.s32 v25, v11;
	v14 =	vadd.s32 v33, v14;
	v33 =	vor.u32 $0xC, v19;
	v22 =	vld.idx.msk [tilespmem:v36+s16+$0x0], $0xffff  }
0x168: {  	v25 =	vor.u32 $0xD, v19;
	v11 =	vadd.s32 v28, v11;
	v12 =	vadd.s32 v12, v14;
	v14 =	vld.idx.msk [tilespmem:v37+s16+$0x0], $0xffff  }
0x169: {  	s25 =	sadd.s32 $0x20, s25;
	v28 =	vor.u32 $0xE, v19;
	v11 =	vadd.s32 v31, v11;
	v12 =	vadd.s32 v13, v12;
	v13 =	vld.idx.msk [tilespmem:v38+s16+$0x0], $0xffff  }
0x16a: {  	v12 =	vadd.s32 v17, v12;
	v17 =	vld.idx.msk [tilespmem:v18+s16+$0x0], $0xffff;
	v18 =	vor.u32 $0xF, v19;
	[tilespmem:s25+$0x0] =	vst v11  }
0x16b: {  	v11 =	vadd.s32 v15, v12;
	v12 =	vld.idx.msk [tilespmem:v34+s16+$0x0], $0xffff  }
0x16c: {  	v11 =	vadd.s32 v16, v11;
	v15 =	vld.idx.msk [tilespmem:v33+s16+$0x0], $0xffff  }
0x16d: {  	v11 =	vadd.s32 v22, v11;
	v16 =	vld.idx.msk [tilespmem:v25+s16+$0x0], $0xffff  }
0x16e: {  	v11 =	vadd.s32 v14, v11;
	v19 =	vld.idx.msk [tilespmem:v28+s16+$0x0], $0xffff  }
0x16f: {  	v11 =	vadd.s32 v13, v11;
	v13 =	vld.idx.msk [tilespmem:v18+s16+$0x0], $0xffff  }
0x170: {  	v11 =	vadd.s32 v17, v11;
	v17 =	vld.idx.msk [tilespmem:v20+s16+$0x0], $0xffff  }
0x171: {  	v11 =	vadd.s32 v12, v11;
	v18 =	vld.idx.msk [tilespmem:v21+s16+$0x0], $0xffff  }
0x172: {  	v11 =	vadd.s32 v15, v11;
	v15 =	vld.idx.msk [tilespmem:v23+s16+$0x0], $0xffff  }
.Ltmp6:
0x173: {  	v11 =	vadd.s32 v16, v11;
	v14 =	vld.idx.msk [tilespmem:v24+s16+$0x0], $0xffff;
	(pc) =	sbr.rel @p0 .LBB2_12-.Ltmp6, $4  }
0x174: {  	v11 =	vadd.s32 v19, v11;
	v16 =	vld.idx.msk [tilespmem:v26+s16+$0x0], $0xffff  }
0x175: {  	s29 =	sand.u32 $0x3E0, s29;
	v12 =	vadd.s32 v13, v11;
	v11 =	vld.idx.msk [tilespmem:v27+s16+$0x0], $0xffff  }
0x176: {  	v13 =	vadd.s32 v32, v17;
	[tilespmem:s29+$0x8480] =	vst v12;
	v12 =	vld.idx.msk [tilespmem:v29+s16+$0x0], $0xffff;
	s29 =	simm.s32 $0x10  }
0x177: {  	s28 =	sadd.s32 $0x20, s28;
	v17 =	vadd.s32 v18, v13;
	v13 =	vld.idx.msk [tilespmem:v30+s16+$0x0], $0xffff  }
0x178: {  	_ =	sdelay $0x2  }
0x179: {  	v15 =	vadd.s32 v15, v17  }
0x17a: {  	v6 =	vld.idx.msk [tilespmem:v6+s16+$0x0], $0xffff;
	v14 =	vadd.s32 v14, v15  }
0x17b: {  	v4 =	vld.idx.msk [tilespmem:v4+s16+$0x0], $0xffff;
	v14 =	vadd.s32 v16, v14  }
0x17c: {  	v5 =	vld.idx.msk [tilespmem:v5+s16+$0x0], $0xffff;
	v11 =	vadd.s32 v11, v14  }
0x17d: {  	v7 =	vld.idx.msk [tilespmem:v7+s16+$0x0], $0xffff;
	v11 =	vadd.s32 v12, v11  }
0x17e: {  	v8 =	vld.idx.msk [tilespmem:v8+s16+$0x0], $0xffff;
	v11 =	vadd.s32 v13, v11  }
0x17f: {  	v10 =	vld.idx.msk [tilespmem:v10+s16+$0x0], $0xffff;
	v6 =	vadd.s32 v6, v11  }
0x180: {  	v9 =	vld.idx.msk [tilespmem:v9+s16+$0x0], $0xffff;
	s26 =	simm.s32 $0x0;
	v4 =	vadd.s32 v4, v6;
	v6 =	vmov s29  }
0x181: {  	v4 =	vadd.s32 v5, v4;
	v5 =	vmov s26;
	v6 =	vshll.u32 v6, $0x4  }
0x182: {  	v4 =	vadd.s32 v7, v4;
	v7 =	vshll.u32 v5, $0x4;
	v5 =	vor.u32 v3, v6  }
0x183: {  	v4 =	vadd.s32 v8, v4;
	v6 =	vor.u32 v3, v7  }
0x184: {  	v4 =	vadd.s32 v10, v4;
	v10 =	vor.u32 $0x1, v6  }
0x185: {  	s25 =	sadd.s32 $0x20, s25;
	v11 =	vor.u32 $0x2, v6;
	v4 =	vadd.s32 v9, v4  }
0x186: {  	[tilespmem:s25+$0x0] =	vst v4;
	v4 =	vor.u32 $0x3, v6  }
0x187: {  	v12 =	vor.u32 $0x4, v6;
	v7 =	vld.idx.msk [tilespmem:v5+s17+$0x0], $0xffff  }
0x188: {  	v13 =	vor.u32 $0x5, v6;
	v8 =	vld.idx.msk [tilespmem:v6+s17+$0x0], $0xffff;
	[tilespmem:$0x1FE00] =	vst v10  }
0x189: {  	v14 =	vor.u32 $0x6, v6;
	v9 =	vld.idx.msk [tilespmem:v10+s17+$0x0], $0xffff;
	[tilespmem:$0x1FE10] =	vst v11  }
0x18a: {  	v15 =	vor.u32 $0x7, v6;
	v10 =	vld.idx.msk [tilespmem:v11+s17+$0x0], $0xffff;
	[tilespmem:$0x1FE20] =	vst v4  }
0x18b: {  	v11 =	vld.idx.msk [tilespmem:v4+s17+$0x0], $0xffff;
	v4 =	vor.u32 $0x8, v6;
	[tilespmem:$0x1FE30] =	vst v12  }
0x18c: {  	v17 =	vor.u32 $0x9, v6;
	v12 =	vld.idx.msk [tilespmem:v12+s17+$0x0], $0xffff;
	[tilespmem:$0x1FE40] =	vst v13  }
0x18d: {  	v18 =	vor.u32 $0xA, v6;
	v13 =	vld.idx.msk [tilespmem:v13+s17+$0x0], $0xffff;
	[tilespmem:$0x1FE50] =	vst v14  }
0x18e: {  	v19 =	vor.u32 $0xB, v6;
	v14 =	vld.idx.msk [tilespmem:v14+s17+$0x0], $0xffff;
	[tilespmem:$0x1FE60] =	vst v15  }
0x18f: {  	v20 =	vor.u32 $0xC, v6;
	v15 =	vld.idx.msk [tilespmem:v15+s17+$0x0], $0xffff;
	[tilespmem:$0x1FE70] =	vst v4  }
0x190: {  	v16 =	vld.idx.msk [tilespmem:v4+s17+$0x0], $0xffff;
	v4 =	vor.u32 $0xD, v6;
	[tilespmem:$0x1FE80] =	vst v17  }
0x191: {  	v21 =	vor.u32 $0xE, v6;
	v17 =	vld.idx.msk [tilespmem:v17+s17+$0x0], $0xffff;
	[tilespmem:$0x1FE90] =	vst v18  }
0x192: {  	v22 =	vor.u32 $0xF, v6;
	v39 =	vld.idx.msk [tilespmem:v18+s17+$0x0], $0xffff;
	[tilespmem:$0x1FEA0] =	vst v19  }
0x193: {  	v18 =	vor.u32 $0x1, v5;
	v40 =	vld.idx.msk [tilespmem:v19+s17+$0x0], $0xffff;
	[tilespmem:$0x1FEB0] =	vst v20  }
0x194: {  	v19 =	vor.u32 $0x2, v5;
	v41 =	vld.idx.msk [tilespmem:v20+s17+$0x0], $0xffff;
	[tilespmem:$0x1FEC0] =	vst v4  }
0x195: {  	v54 =	vor.u32 $0x3, v5;
	v44 =	vld.idx.msk [tilespmem:v4+s17+$0x0], $0xffff;
	[tilespmem:$0x1FED0] =	vst v21  }
0x196: {  	v4 =	vor.u32 $0x4, v5;
	v49 =	vld.idx.msk [tilespmem:v21+s17+$0x0], $0xffff;
	[tilespmem:$0x1FEE0] =	vst v22  }
0x197: {  	v55 =	vor.u32 $0x5, v5;
	v61 =	vld.idx.msk [tilespmem:v22+s17+$0x0], $0xffff;
	[tilespmem:$0x1FEF0] =	vst v18  }
0x198: {  	v56 =	vor.u32 $0x6, v5;
	v45 =	vld.idx.msk [tilespmem:v18+s17+$0x0], $0xffff;
	[tilespmem:$0x1FF00] =	vst v19  }
0x199: {  	v18 =	vor.u32 $0x7, v5;
	v46 =	vld.idx.msk [tilespmem:v19+s17+$0x0], $0xffff;
	[tilespmem:$0x1FF10] =	vst v54  }
0x19a: {  	v19 =	vor.u32 $0x8, v5;
	v47 =	vld.idx.msk [tilespmem:v54+s17+$0x0], $0xffff;
	[tilespmem:$0x1FF20] =	vst v4  }
0x19b: {  	v57 =	vor.u32 $0x9, v5;
	v51 =	vld.idx.msk [tilespmem:v4+s17+$0x0], $0xffff;
	[tilespmem:$0x1FF30] =	vst v55  }
0x19c: {  	v23 =	vor.u32 $0xA, v5;
	v53 =	vld.idx.msk [tilespmem:v55+s17+$0x0], $0xffff;
	[tilespmem:$0x1FF40] =	vst v56  }
0x19d: {  	v58 =	vor.u32 $0xB, v5;
	v54 =	vld.idx.msk [tilespmem:v56+s17+$0x0], $0xffff;
	[tilespmem:$0x1FF50] =	vst v18  }
0x19e: {  	v59 =	vor.u32 $0xC, v5;
	v55 =	vld.idx.msk [tilespmem:v18+s17+$0x0], $0xffff;
	[tilespmem:$0x1FF60] =	vst v19  }
0x19f: {  	s28 =	simm.s32 $0x30;
	v24 =	vor.u32 $0xD, v5;
	v62 =	vld.idx.msk [tilespmem:v19+s17+$0x0], $0xffff;
	[tilespmem:$0x1FF70] =	vst v57  }
0x1a0: {  	s31 =	simm.s32 $0x20;
	v25 =	vor.u32 $0xE, v5;
	v4 =	vmov s28;
	v63 =	vld.idx.msk [tilespmem:v57+s17+$0x0], $0xffff;
	[tilespmem:$0x1FF80] =	vst v23  }
0x1a1: {  	v37 =	vmov s31;
	v27 =	vor.u32 $0xF, v5;
	v4 =	vshll.u32 v4, $0x4;
	v18 =	vld.idx.msk [tilespmem:v23+s17+$0x0], $0xffff;
	[tilespmem:$0x1FF90] =	vst v58  }
0x1a2: {  	v37 =	vshll.u32 v37, $0x4;
	v8 =	vadd.s32 v8, v9;
	v4 =	vor.u32 v3, v4;
	v19 =	vld.idx.msk [tilespmem:v58+s17+$0x0], $0xffff;
	[tilespmem:$0x1FFA0] =	vst v59  }
0x1a3: {  	v37 =	vor.u32 v3, v37;
	v8 =	vadd.s32 v10, v8;
	v9 =	vld.idx.msk [tilespmem:v59+s17+$0x0], $0xffff;
	[tilespmem:$0x1FFB0] =	vst v24  }
0x1a4: {  	v28 =	vor.u32 $0x1, v37;
	v8 =	vadd.s32 v11, v8;
	v10 =	vld.idx.msk [tilespmem:v24+s17+$0x0], $0xffff;
	[tilespmem:$0x1FFC0] =	vst v25  }
0x1a5: {  	v42 =	vor.u32 $0x2, v37;
	v8 =	vadd.s32 v12, v8;
	v11 =	vld.idx.msk [tilespmem:v25+s17+$0x0], $0xffff;
	[tilespmem:$0x1FFD0] =	vst v27  }
0x1a6: {  	v48 =	vor.u32 $0x3, v37;
	v8 =	vadd.s32 v13, v8;
	v12 =	vld.idx.msk [tilespmem:v27+s17+$0x0], $0xffff  }
0x1a7: {  	v8 =	vadd.s32 v14, v8;
	v56 =	vor.u32 $0x4, v37;
	v13 =	vld.idx.msk [tilespmem:v4+s17+$0x0], $0xffff  }
0x1a8: {  	v60 =	vor.u32 $0x6, v37;
	v8 =	vadd.s32 v15, v8;
	v14 =	vld.idx.msk [tilespmem:v37+s17+$0x0], $0xffff;
	[tilespmem:$0x1FFE0] =	vst v28  }
0x1a9: {  	v8 =	vadd.s32 v16, v8;
	v59 =	vor.u32 $0x5, v37;
	v15 =	vld.idx.msk [tilespmem:v28+s17+$0x0], $0xffff  }
0x1aa: {  	v8 =	vadd.s32 v17, v8;
	v58 =	vor.u32 $0x7, v37;
	v16 =	vld.idx.msk [tilespmem:v42+s17+$0x0], $0xffff  }
0x1ab: {  	v43 =	vor.u32 $0xB, v37;
	v8 =	vadd.s32 v39, v8;
	v17 =	vld.idx.msk [tilespmem:v48+s17+$0x0], $0xffff  }
0x1ac: {  	v8 =	vadd.s32 v40, v8;
	v57 =	vor.u32 $0x8, v37;
	v29 =	vld.idx.msk [tilespmem:v56+s17+$0x0], $0xffff  }
0x1ad: {  	v52 =	vor.u32 $0x9, v37;
	v8 =	vadd.s32 v41, v8;
	v31 =	vld.idx.msk [tilespmem:v60+s17+$0x0], $0xffff  }
0x1ae: {  	v50 =	vor.u32 $0xA, v37;
	v8 =	vadd.s32 v44, v8;
	v7 =	vadd.s32 v7, v45;
	v30 =	vld.idx.msk [tilespmem:v59+s17+$0x0], $0xffff  }
0x1af: {  	v44 =	vor.u32 $0xC, v37;
	v7 =	vadd.s32 v46, v7;
	v32 =	vld.idx.msk [tilespmem:v58+s17+$0x0], $0xffff;
	v14 =	vadd.s32 v14, v15  }
0x1b0: {  	v45 =	vor.u32 $0xD, v37;
	v7 =	vadd.s32 v47, v7;
	v33 =	vld.idx.msk [tilespmem:v43+s17+$0x0], $0xffff;
	v14 =	vadd.s32 v16, v14  }
0x1b1: {  	v46 =	vor.u32 $0xE, v37;
	v7 =	vadd.s32 v51, v7;
	v15 =	vld.idx.msk [tilespmem:v57+s17+$0x0], $0xffff;
	v14 =	vadd.s32 v17, v14  }
0x1b2: {  	v40 =	vor.u32 $0x1, v4;
	v7 =	vadd.s32 v53, v7;
	v16 =	vld.idx.msk [tilespmem:v52+s17+$0x0], $0xffff;
	v14 =	vadd.s32 v29, v14  }
0x1b3: {  	v41 =	vor.u32 $0x2, v4;
	v7 =	vadd.s32 v54, v7;
	v17 =	vld.idx.msk [tilespmem:v50+s17+$0x0], $0xffff;
	v14 =	vadd.s32 v30, v14  }
0x1b4: {  	v47 =	vor.u32 $0xF, v37;
	v7 =	vadd.s32 v55, v7;
	v34 =	vld.idx.msk [tilespmem:v44+s17+$0x0], $0xffff;
	v14 =	vadd.s32 v31, v14  }
0x1b5: {  	v8 =	vadd.s32 v49, v8;
	v7 =	vadd.s32 v62, v7;
	v35 =	vld.idx.msk [tilespmem:v45+s17+$0x0], $0xffff;
	v14 =	vadd.s32 v32, v14  }
0x1b6: {  	v8 =	vadd.s32 v61, v8;
	v7 =	vadd.s32 v63, v7;
	v36 =	vld.idx.msk [tilespmem:v46+s17+$0x0], $0xffff;
	v14 =	vadd.s32 v15, v14  }
0x1b7: {  	v51 =	vor.u32 $0x6, v4;
	v7 =	vadd.s32 v18, v7;
	v14 =	vadd.s32 v16, v14;
	v16 =	vld.idx.msk [tilespmem:v40+s17+$0x0], $0xffff  }
0x1b8: {  	v53 =	vor.u32 $0x3, v4;
	v7 =	vadd.s32 v19, v7;
	v14 =	vadd.s32 v17, v14;
	v17 =	vld.idx.msk [tilespmem:v41+s17+$0x0], $0xffff  }
0x1b9: {  	v49 =	vor.u32 $0x7, v4;
	v54 =	vor.u32 $0x4, v4;
	v38 =	vld.idx.msk [tilespmem:v47+s17+$0x0], $0xffff;
	v7 =	vadd.s32 v9, v7  }
0x1ba: {  	v55 =	vor.u32 $0x5, v4;
	v7 =	vadd.s32 v10, v7;
	v9 =	vadd.s32 v33, v14  }
0x1bb: {  	v18 =	vor.u32 $0x8, v4;
	v7 =	vadd.s32 v11, v7;
	v9 =	vadd.s32 v34, v9  }
0x1bc: {  	s28 =	sand.u32 $0x3E0, s26;
	v11 =	vld.idx.msk [tilespmem:v51+s17+$0x0], $0xffff;
	v7 =	vadd.s32 v12, v7;
	v9 =	vadd.s32 v35, v9;
	v10 =	vadd.s32 v13, v16  }
0x1bd: {  	[tilespmem:s28+$0x8880] =	vst v8;
	v14 =	vld.idx.msk [tilespmem:v53+s17+$0x0], $0xffff;
	v9 =	vadd.s32 v36, v9;
	v17 =	vadd.s32 v17, v10;
	v10 =	vor.u32 $0x9, v4  }
0x1be: {  	s26 =	sand.u32 $0x3E0, s31;
	[tilespmem:s24+$0x0] =	vst v7;
	v7 =	vor.u32 $0xA, v4;
	v15 =	vld.idx.msk [tilespmem:v54+s17+$0x0], $0xffff;
	v8 =	vadd.s32 v38, v9  }
0x1bf: {  	v62 =	vor.u32 $0xB, v4;
	v16 =	vld.idx.msk [tilespmem:v55+s17+$0x0], $0xffff;
	[tilespmem:s26+$0x8880] =	vst v8  }
0x1c0: {  	v61 =	vor.u32 $0xC, v4;
	v12 =	vld.idx.msk [tilespmem:v49+s17+$0x0], $0xffff;
	[tilespmem:$0x1FFF0] =	vst v18  }
0x1c1: {  	s30 =	simm.s32 $0x50;
	s29 =	simm.s32 $0x2;
	s25 =	simm.s32 $0x8C90;
	v63 =	vor.u32 $0xF, v4;
	v9 =	vor.u32 $0xD, v4;
	v8 =	vor.u32 $0xE, v4;
	v13 =	vld.idx.msk [tilespmem:v18+s17+$0x0], $0xffff  }
.LBB2_14:
0x1c2: {  	s31 =	sadd.s32 $0xFFFFFFF0, s30;
	v18 =	vmov s30;
	s29 =	sadd.s32 $0x2, s29;
	v14 =	vadd.s32 v14, v17;
	v17 =	vld.idx.msk [tilespmem:v10+s17+$0x0], $0xffff  }
0x1c3: {  	v10 =	vmov s31;
	v18 =	vshll.u32 v18, $0x4;
	p0 =	slt.u32 s29, $0x3E;
	v14 =	vadd.s32 v15, v14;
	v15 =	vld.idx.msk [tilespmem:v7+s17+$0x0], $0xffff  }
0x1c4: {  	v7 =	vshll.u32 v10, $0x4;
	v18 =	vor.u32 v3, v18;
	v14 =	vadd.s32 v16, v14;
	v16 =	vld.idx.msk [tilespmem:v62+s17+$0x0], $0xffff  }
0x1c5: {  	v19 =	vor.u32 v3, v7;
	v20 =	vor.u32 $0x1, v18;
	v21 =	vor.u32 $0x2, v18;
	v22 =	vld.idx.msk [tilespmem:v61+s17+$0x0], $0xffff  }
0x1c6: {  	v23 =	vor.u32 $0x3, v18;
	v24 =	vor.u32 $0x4, v18;
	v61 =	vor.u32 $0x1, v19;
	v25 =	vld.idx.msk [tilespmem:v9+s17+$0x0], $0xffff  }
0x1c7: {  	v26 =	vor.u32 $0x5, v18;
	v27 =	vor.u32 $0x6, v18;
	v9 =	vor.u32 $0x2, v19;
	v28 =	vld.idx.msk [tilespmem:v8+s17+$0x0], $0xffff  }
0x1c8: {  	v29 =	vor.u32 $0x7, v18;
	v30 =	vor.u32 $0x8, v18;
	v8 =	vor.u32 $0x3, v19;
	v31 =	vld.idx.msk [tilespmem:v63+s17+$0x0], $0xffff  }
0x1c9: {  	v10 =	vor.u32 $0x9, v18;
	v7 =	vor.u32 $0xA, v18;
	v63 =	vor.u32 $0x4, v19;
	v32 =	vld.idx.msk [tilespmem:v18+s17+$0x0], $0xffff  }
0x1ca: {  	v62 =	vor.u32 $0xB, v18;
	v11 =	vadd.s32 v11, v14;
	v34 =	vor.u32 $0x5, v19;
	v33 =	vld.idx.msk [tilespmem:v19+s17+$0x0], $0xffff  }
0x1cb: {  	v35 =	vor.u32 $0x6, v19;
	v11 =	vadd.s32 v12, v11;
	v14 =	vld.idx.msk [tilespmem:v61+s17+$0x0], $0xffff;
	v61 =	vor.u32 $0xC, v18  }
0x1cc: {  	v36 =	vor.u32 $0x7, v19;
	v11 =	vadd.s32 v13, v11;
	v12 =	vld.idx.msk [tilespmem:v9+s17+$0x0], $0xffff;
	v9 =	vor.u32 $0xD, v18  }
0x1cd: {  	v38 =	vor.u32 $0x8, v19;
	v11 =	vadd.s32 v17, v11;
	v13 =	vld.idx.msk [tilespmem:v8+s17+$0x0], $0xffff;
	v8 =	vor.u32 $0xE, v18  }
0x1ce: {  	v39 =	vor.u32 $0x9, v19;
	v11 =	vadd.s32 v15, v11;
	v17 =	vld.idx.msk [tilespmem:v63+s17+$0x0], $0xffff;
	v63 =	vor.u32 $0xF, v18  }
0x1cf: {  	v11 =	vadd.s32 v16, v11;
	v18 =	vor.u32 $0xA, v19;
	v15 =	vld.idx.msk [tilespmem:v34+s17+$0x0], $0xffff  }
0x1d0: {  	v11 =	vadd.s32 v22, v11;
	v34 =	vor.u32 $0xB, v19;
	v16 =	vld.idx.msk [tilespmem:v35+s17+$0x0], $0xffff  }
0x1d1: {  	v11 =	vadd.s32 v25, v11;
	v14 =	vadd.s32 v33, v14;
	v33 =	vor.u32 $0xC, v19;
	v22 =	vld.idx.msk [tilespmem:v36+s17+$0x0], $0xffff  }
0x1d2: {  	v25 =	vor.u32 $0xD, v19;
	v11 =	vadd.s32 v28, v11;
	v12 =	vadd.s32 v12, v14;
	v14 =	vld.idx.msk [tilespmem:v38+s17+$0x0], $0xffff  }
0x1d3: {  	s24 =	sadd.s32 $0x20, s24;
	v28 =	vor.u32 $0xE, v19;
	v11 =	vadd.s32 v31, v11;
	v12 =	vadd.s32 v13, v12;
	v13 =	vld.idx.msk [tilespmem:v39+s17+$0x0], $0xffff  }
0x1d4: {  	v12 =	vadd.s32 v17, v12;
	v17 =	vld.idx.msk [tilespmem:v18+s17+$0x0], $0xffff;
	v18 =	vor.u32 $0xF, v19;
	[tilespmem:s24+$0x0] =	vst v11  }
0x1d5: {  	v11 =	vadd.s32 v15, v12;
	v12 =	vld.idx.msk [tilespmem:v34+s17+$0x0], $0xffff  }
0x1d6: {  	v11 =	vadd.s32 v16, v11;
	v15 =	vld.idx.msk [tilespmem:v33+s17+$0x0], $0xffff  }
0x1d7: {  	v11 =	vadd.s32 v22, v11;
	v16 =	vld.idx.msk [tilespmem:v25+s17+$0x0], $0xffff  }
0x1d8: {  	v11 =	vadd.s32 v14, v11;
	v19 =	vld.idx.msk [tilespmem:v28+s17+$0x0], $0xffff  }
0x1d9: {  	v11 =	vadd.s32 v13, v11;
	v13 =	vld.idx.msk [tilespmem:v18+s17+$0x0], $0xffff  }
0x1da: {  	v11 =	vadd.s32 v17, v11;
	v17 =	vld.idx.msk [tilespmem:v20+s17+$0x0], $0xffff  }
0x1db: {  	v11 =	vadd.s32 v12, v11;
	v18 =	vld.idx.msk [tilespmem:v21+s17+$0x0], $0xffff  }
0x1dc: {  	v11 =	vadd.s32 v15, v11;
	v14 =	vld.idx.msk [tilespmem:v23+s17+$0x0], $0xffff  }
.Ltmp7:
0x1dd: {  	v11 =	vadd.s32 v16, v11;
	v15 =	vld.idx.msk [tilespmem:v24+s17+$0x0], $0xffff;
	(pc) =	sbr.rel @p0 .LBB2_14-.Ltmp7, $4  }
0x1de: {  	v11 =	vadd.s32 v19, v11;
	v16 =	vld.idx.msk [tilespmem:v26+s17+$0x0], $0xffff  }
0x1df: {  	s31 =	sand.u32 $0x3E0, s31;
	v12 =	vadd.s32 v13, v11;
	v11 =	vld.idx.msk [tilespmem:v27+s17+$0x0], $0xffff  }
0x1e0: {  	v13 =	vadd.s32 v32, v17;
	[tilespmem:s31+$0x8880] =	vst v12;
	v12 =	vld.idx.msk [tilespmem:v29+s17+$0x0], $0xffff  }
0x1e1: {  	s30 =	sadd.s32 $0x20, s30;
	v17 =	vadd.s32 v18, v13;
	v13 =	vld.idx.msk [tilespmem:v30+s17+$0x0], $0xffff  }
0x1e2: {  	_ =	sdelay $0x2  }
0x1e3: {  	v14 =	vadd.s32 v14, v17  }
0x1e4: {  	v10 =	vld.idx.msk [tilespmem:v10+s17+$0x0], $0xffff;
	v14 =	vadd.s32 v15, v14  }
0x1e5: {  	v7 =	vld.idx.msk [tilespmem:v7+s17+$0x0], $0xffff;
	v14 =	vadd.s32 v16, v14  }
0x1e6: {  	v11 =	vadd.s32 v11, v14;
	v14 =	vld.idx.msk [tilespmem:v62+s17+$0x0], $0xffff  }
0x1e7: {  	v11 =	vadd.s32 v12, v11;
	v12 =	vld.idx.msk [tilespmem:v61+s17+$0x0], $0xffff  }
0x1e8: {  	v9 =	vld.idx.msk [tilespmem:v9+s17+$0x0], $0xffff;
	v11 =	vadd.s32 v13, v11  }
0x1e9: {  	v8 =	vld.idx.msk [tilespmem:v8+s17+$0x0], $0xffff;
	v10 =	vadd.s32 v10, v11  }
0x1ea: {  	v7 =	vadd.s32 v7, v10;
	v10 =	vld.idx.msk [tilespmem:v63+s17+$0x0], $0xffff  }
0x1eb: {  	v7 =	vadd.s32 v14, v7  }
0x1ec: {  	v7 =	vadd.s32 v12, v7  }
0x1ed: {  	v7 =	vadd.s32 v9, v7  }
0x1ee: {  	v7 =	vadd.s32 v8, v7  }
0x1ef: {  	s24 =	sadd.s32 $0x20, s24;
	v7 =	vadd.s32 v10, v7  }
0x1f0: {  	[tilespmem:s24+$0x0] =	vst v7  }
0x1f1: {  	v5 =	vld.idx.msk [tilespmem:v5+s18+$0x0], $0xffff  }
0x1f2: {  	v6 =	vld.idx.msk [tilespmem:v6+s18+$0x0], $0xffff  }
0x1f3: {  	v7 =	vld [tilespmem:$0x1FE00]  }
0x1f4: {  	v8 =	vld [tilespmem:$0x1FE10]  }
0x1f5: {  	v9 =	vld [tilespmem:$0x1FE20]  }
0x1f6: {  	v10 =	vld [tilespmem:$0x1FE30]  }
0x1f7: {  	v11 =	vld [tilespmem:$0x1FE40]  }
0x1f8: {  	v12 =	vld [tilespmem:$0x1FE50]  }
0x1f9: {  	v13 =	vld [tilespmem:$0x1FE60]  }
0x1fa: {  	v14 =	vld [tilespmem:$0x1FE70]  }
0x1fb: {  	v15 =	vld [tilespmem:$0x1FE80]  }
0x1fc: {  	v16 =	vld [tilespmem:$0x1FE90]  }
0x1fd: {  	v17 =	vld [tilespmem:$0x1FEA0]  }
0x1fe: {  	v18 =	vld [tilespmem:$0x1FEB0]  }
0x1ff: {  	v19 =	vld [tilespmem:$0x1FEC0]  }
0x200: {  	v20 =	vld [tilespmem:$0x1FED0]  }
0x201: {  	v21 =	vld [tilespmem:$0x1FEE0]  }
0x202: {  	v22 =	vld [tilespmem:$0x1FEF0]  }
0x203: {  	v23 =	vld [tilespmem:$0x1FF00]  }
0x204: {  	v24 =	vld [tilespmem:$0x1FF10]  }
0x205: {  	v25 =	vld [tilespmem:$0x1FF20]  }
0x206: {  	v26 =	vld [tilespmem:$0x1FF30]  }
0x207: {  	v27 =	vld [tilespmem:$0x1FF40]  }
0x208: {  	v28 =	vld [tilespmem:$0x1FF50]  }
0x209: {  	v29 =	vld [tilespmem:$0x1FF60]  }
0x20a: {  	v30 =	vld [tilespmem:$0x1FF70]  }
0x20b: {  	v31 =	vld [tilespmem:$0x1FF80]  }
0x20c: {  	v32 =	vld [tilespmem:$0x1FF90]  }
0x20d: {  	v33 =	vld [tilespmem:$0x1FFA0]  }
0x20e: {  	v34 =	vld [tilespmem:$0x1FFB0]  }
0x20f: {  	v35 =	vld [tilespmem:$0x1FFC0]  }
0x210: {  	v36 =	vld [tilespmem:$0x1FFD0]  }
0x211: {  	v37 =	vld.idx.msk [tilespmem:v37+s18+$0x0], $0xffff  }
0x212: {  	v39 =	vld [tilespmem:$0x1FFE0]  }
0x213: {  	v42 =	vld.idx.msk [tilespmem:v42+s18+$0x0], $0xffff  }
0x214: {  	v48 =	vld.idx.msk [tilespmem:v48+s18+$0x0], $0xffff  }
0x215: {  	v56 =	vld.idx.msk [tilespmem:v56+s18+$0x0], $0xffff  }
0x216: {  	v63 =	vld.idx.msk [tilespmem:v58+s18+$0x0], $0xffff  }
0x217: {  	v7 =	vld.idx.msk [tilespmem:v7+s18+$0x0], $0xffff  }
0x218: {  	v8 =	vld.idx.msk [tilespmem:v8+s18+$0x0], $0xffff  }
0x219: {  	v9 =	vld.idx.msk [tilespmem:v9+s18+$0x0], $0xffff  }
0x21a: {  	v10 =	vld.idx.msk [tilespmem:v10+s18+$0x0], $0xffff  }
0x21b: {  	v11 =	vld.idx.msk [tilespmem:v11+s18+$0x0], $0xffff  }
0x21c: {  	v12 =	vld.idx.msk [tilespmem:v12+s18+$0x0], $0xffff  }
0x21d: {  	v13 =	vld.idx.msk [tilespmem:v13+s18+$0x0], $0xffff  }
0x21e: {  	v14 =	vld.idx.msk [tilespmem:v14+s18+$0x0], $0xffff  }
0x21f: {  	v15 =	vld.idx.msk [tilespmem:v15+s18+$0x0], $0xffff  }
0x220: {  	v16 =	vld.idx.msk [tilespmem:v16+s18+$0x0], $0xffff  }
0x221: {  	v17 =	vld.idx.msk [tilespmem:v17+s18+$0x0], $0xffff  }
0x222: {  	v18 =	vld.idx.msk [tilespmem:v18+s18+$0x0], $0xffff  }
0x223: {  	v19 =	vld.idx.msk [tilespmem:v19+s18+$0x0], $0xffff  }
0x224: {  	v20 =	vld.idx.msk [tilespmem:v20+s18+$0x0], $0xffff  }
0x225: {  	v21 =	vld.idx.msk [tilespmem:v21+s18+$0x0], $0xffff  }
0x226: {  	v22 =	vld.idx.msk [tilespmem:v22+s18+$0x0], $0xffff  }
0x227: {  	v23 =	vld.idx.msk [tilespmem:v23+s18+$0x0], $0xffff  }
0x228: {  	v24 =	vld.idx.msk [tilespmem:v24+s18+$0x0], $0xffff  }
0x229: {  	v25 =	vld.idx.msk [tilespmem:v25+s18+$0x0], $0xffff  }
0x22a: {  	v26 =	vld.idx.msk [tilespmem:v26+s18+$0x0], $0xffff  }
0x22b: {  	v27 =	vld.idx.msk [tilespmem:v27+s18+$0x0], $0xffff  }
0x22c: {  	v28 =	vld.idx.msk [tilespmem:v28+s18+$0x0], $0xffff  }
0x22d: {  	v29 =	vld.idx.msk [tilespmem:v29+s18+$0x0], $0xffff  }
0x22e: {  	v30 =	vld.idx.msk [tilespmem:v30+s18+$0x0], $0xffff  }
0x22f: {  	v31 =	vld.idx.msk [tilespmem:v31+s18+$0x0], $0xffff  }
0x230: {  	v32 =	vld.idx.msk [tilespmem:v32+s18+$0x0], $0xffff  }
0x231: {  	v39 =	vld.idx.msk [tilespmem:v39+s18+$0x0], $0xffff  }
0x232: {  	v33 =	vld.idx.msk [tilespmem:v33+s18+$0x0], $0xffff  }
0x233: {  	v34 =	vld.idx.msk [tilespmem:v34+s18+$0x0], $0xffff  }
0x234: {  	v35 =	vld.idx.msk [tilespmem:v35+s18+$0x0], $0xffff;
	v6 =	vadd.s32 v6, v7  }
0x235: {  	v7 =	vld.idx.msk [tilespmem:v59+s18+$0x0], $0xffff;
	v5 =	vadd.s32 v5, v22;
	v6 =	vadd.s32 v8, v6  }
0x236: {  	v8 =	vld.idx.msk [tilespmem:v60+s18+$0x0], $0xffff;
	v5 =	vadd.s32 v23, v5;
	v6 =	vadd.s32 v9, v6;
	v9 =	vadd.s32 v37, v39  }
0x237: {  	v36 =	vld.idx.msk [tilespmem:v36+s18+$0x0], $0xffff;
	v5 =	vadd.s32 v24, v5;
	v6 =	vadd.s32 v10, v6;
	v9 =	vadd.s32 v42, v9  }
0x238: {  	v10 =	vld.idx.msk [tilespmem:v57+s18+$0x0], $0xffff;
	v5 =	vadd.s32 v25, v5;
	v6 =	vadd.s32 v11, v6;
	v9 =	vadd.s32 v48, v9  }
0x239: {  	v11 =	vld.idx.msk [tilespmem:v52+s18+$0x0], $0xffff;
	v5 =	vadd.s32 v26, v5;
	v6 =	vadd.s32 v12, v6;
	v9 =	vadd.s32 v56, v9  }
0x23a: {  	v12 =	vld.idx.msk [tilespmem:v50+s18+$0x0], $0xffff;
	v5 =	vadd.s32 v27, v5;
	v6 =	vadd.s32 v13, v6;
	v7 =	vadd.s32 v7, v9  }
0x23b: {  	v9 =	vld.idx.msk [tilespmem:v43+s18+$0x0], $0xffff;
	v5 =	vadd.s32 v28, v5;
	v6 =	vadd.s32 v14, v6;
	v7 =	vadd.s32 v8, v7  }
0x23c: {  	v8 =	vld.idx.msk [tilespmem:v44+s18+$0x0], $0xffff;
	v5 =	vadd.s32 v29, v5;
	v6 =	vadd.s32 v15, v6;
	v7 =	vadd.s32 v63, v7  }
0x23d: {  	v13 =	vld.idx.msk [tilespmem:v45+s18+$0x0], $0xffff;
	v5 =	vadd.s32 v30, v5;
	v6 =	vadd.s32 v16, v6;
	v7 =	vadd.s32 v10, v7  }
0x23e: {  	v10 =	vld.idx.msk [tilespmem:v46+s18+$0x0], $0xffff;
	v5 =	vadd.s32 v31, v5;
	v6 =	vadd.s32 v17, v6;
	v7 =	vadd.s32 v11, v7  }
0x23f: {  	v11 =	vld.idx.msk [tilespmem:v47+s18+$0x0], $0xffff;
	v5 =	vadd.s32 v32, v5;
	v6 =	vadd.s32 v18, v6;
	v7 =	vadd.s32 v12, v7  }
0x240: {  	v5 =	vadd.s32 v33, v5;
	v6 =	vadd.s32 v19, v6;
	v7 =	vadd.s32 v9, v7  }
0x241: {  	v5 =	vadd.s32 v34, v5;
	v6 =	vadd.s32 v20, v6;
	v7 =	vadd.s32 v8, v7  }
0x242: {  	v5 =	vadd.s32 v35, v5;
	v6 =	vadd.s32 v21, v6;
	v7 =	vadd.s32 v13, v7  }
0x243: {  	v8 =	vadd.s32 v36, v5;
	v5 =	vadd.s32 v10, v7;
	[tilespmem:s28+$0x8C80] =	vst v6  }
0x244: {  	[tilespmem:s25+$0x0] =	vst v8;
	v13 =	vadd.s32 v11, v5  }
0x245: {  	v38 =	vld.idx.msk [tilespmem:v4+s18+$0x0], $0xffff;
	[tilespmem:s26+$0x8C80] =	vst v13  }
0x246: {  	v13 =	vld [tilespmem:$0x1FFF0]  }
0x247: {  	v14 =	vld.idx.msk [tilespmem:v54+s18+$0x0], $0xffff  }
0x248: {  	v12 =	vld.idx.msk [tilespmem:v40+s18+$0x0], $0xffff  }
0x249: {  	v9 =	vld.idx.msk [tilespmem:v41+s18+$0x0], $0xffff  }
0x24a: {  	v16 =	vld.idx.msk [tilespmem:v53+s18+$0x0], $0xffff;
	v10 =	vor.u32 $0x9, v4  }
0x24b: {  	v15 =	vld.idx.msk [tilespmem:v55+s18+$0x0], $0xffff;
	v6 =	vor.u32 $0xA, v4  }
0x24c: {  	v5 =	vor.u32 $0xB, v4;
	v11 =	vld.idx.msk [tilespmem:v51+s18+$0x0], $0xffff  }
0x24d: {  	v7 =	vor.u32 $0xC, v4;
	v8 =	vor.u32 $0xD, v4;
	v17 =	vadd.s32 v38, v12;
	v12 =	vld.idx.msk [tilespmem:v49+s18+$0x0], $0xffff  }
0x24e: {  	s24 =	simm.s32 $0x2;
	v17 =	vadd.s32 v9, v17;
	v9 =	vor.u32 $0xE, v4;
	v4 =	vor.u32 $0xF, v4;
	s26 =	simm.s32 $0x50;
	v13 =	vld.idx.msk [tilespmem:v13+s18+$0x0], $0xffff  }
.LBB2_16:
0x24f: {  	s28 =	sadd.s32 $0xFFFFFFF0, s26;
	v18 =	vmov s26;
	s24 =	sadd.s32 $0x2, s24;
	v16 =	vadd.s32 v16, v17;
	v17 =	vld.idx.msk [tilespmem:v10+s18+$0x0], $0xffff  }
0x250: {  	v10 =	vmov s28;
	v18 =	vshll.u32 v18, $0x4;
	p0 =	slt.u32 s24, $0x3E;
	v14 =	vadd.s32 v14, v16;
	v16 =	vld.idx.msk [tilespmem:v6+s18+$0x0], $0xffff  }
0x251: {  	v6 =	vshll.u32 v10, $0x4;
	v18 =	vor.u32 v3, v18;
	v14 =	vadd.s32 v15, v14;
	v15 =	vld.idx.msk [tilespmem:v5+s18+$0x0], $0xffff  }
0x252: {  	v19 =	vor.u32 v3, v6;
	v20 =	vor.u32 $0x1, v18;
	v21 =	vor.u32 $0x2, v18;
	v22 =	vld.idx.msk [tilespmem:v7+s18+$0x0], $0xffff  }
0x253: {  	v23 =	vor.u32 $0x3, v18;
	v24 =	vor.u32 $0x4, v18;
	v7 =	vor.u32 $0x1, v19;
	v25 =	vld.idx.msk [tilespmem:v8+s18+$0x0], $0xffff  }
0x254: {  	v26 =	vor.u32 $0x5, v18;
	v27 =	vor.u32 $0x6, v18;
	v8 =	vor.u32 $0x2, v19;
	v28 =	vld.idx.msk [tilespmem:v9+s18+$0x0], $0xffff  }
0x255: {  	v29 =	vor.u32 $0x7, v18;
	v30 =	vor.u32 $0x8, v18;
	v9 =	vor.u32 $0x3, v19;
	v31 =	vld.idx.msk [tilespmem:v4+s18+$0x0], $0xffff  }
0x256: {  	v10 =	vor.u32 $0x9, v18;
	v6 =	vor.u32 $0xA, v18;
	v4 =	vor.u32 $0x4, v19;
	v32 =	vld.idx.msk [tilespmem:v18+s18+$0x0], $0xffff  }
0x257: {  	v5 =	vor.u32 $0xB, v18;
	v11 =	vadd.s32 v11, v14;
	v34 =	vor.u32 $0x5, v19;
	v33 =	vld.idx.msk [tilespmem:v19+s18+$0x0], $0xffff  }
0x258: {  	v35 =	vor.u32 $0x6, v19;
	v11 =	vadd.s32 v12, v11;
	v14 =	vld.idx.msk [tilespmem:v7+s18+$0x0], $0xffff;
	v7 =	vor.u32 $0xC, v18  }
0x259: {  	v36 =	vor.u32 $0x7, v19;
	v11 =	vadd.s32 v13, v11;
	v12 =	vld.idx.msk [tilespmem:v8+s18+$0x0], $0xffff;
	v8 =	vor.u32 $0xD, v18  }
0x25a: {  	v37 =	vor.u32 $0x8, v19;
	v11 =	vadd.s32 v17, v11;
	v13 =	vld.idx.msk [tilespmem:v9+s18+$0x0], $0xffff;
	v9 =	vor.u32 $0xE, v18  }
0x25b: {  	v38 =	vor.u32 $0x9, v19;
	v11 =	vadd.s32 v16, v11;
	v17 =	vld.idx.msk [tilespmem:v4+s18+$0x0], $0xffff;
	v4 =	vor.u32 $0xF, v18  }
0x25c: {  	v11 =	vadd.s32 v15, v11;
	v18 =	vor.u32 $0xA, v19;
	v16 =	vld.idx.msk [tilespmem:v34+s18+$0x0], $0xffff  }
0x25d: {  	v11 =	vadd.s32 v22, v11;
	v34 =	vor.u32 $0xB, v19;
	v15 =	vld.idx.msk [tilespmem:v35+s18+$0x0], $0xffff  }
0x25e: {  	v11 =	vadd.s32 v25, v11;
	v14 =	vadd.s32 v33, v14;
	v33 =	vor.u32 $0xC, v19;
	v22 =	vld.idx.msk [tilespmem:v36+s18+$0x0], $0xffff  }
0x25f: {  	v25 =	vor.u32 $0xD, v19;
	v11 =	vadd.s32 v28, v11;
	v12 =	vadd.s32 v12, v14;
	v14 =	vld.idx.msk [tilespmem:v37+s18+$0x0], $0xffff  }
0x260: {  	s25 =	sadd.s32 $0x20, s25;
	v28 =	vor.u32 $0xE, v19;
	v11 =	vadd.s32 v31, v11;
	v12 =	vadd.s32 v13, v12;
	v13 =	vld.idx.msk [tilespmem:v38+s18+$0x0], $0xffff  }
0x261: {  	v12 =	vadd.s32 v17, v12;
	v17 =	vld.idx.msk [tilespmem:v18+s18+$0x0], $0xffff;
	v18 =	vor.u32 $0xF, v19;
	[tilespmem:s25+$0x0] =	vst v11  }
0x262: {  	v11 =	vadd.s32 v16, v12;
	v12 =	vld.idx.msk [tilespmem:v34+s18+$0x0], $0xffff  }
0x263: {  	v11 =	vadd.s32 v15, v11;
	v15 =	vld.idx.msk [tilespmem:v33+s18+$0x0], $0xffff  }
0x264: {  	v11 =	vadd.s32 v22, v11;
	v19 =	vld.idx.msk [tilespmem:v25+s18+$0x0], $0xffff  }
0x265: {  	v11 =	vadd.s32 v14, v11;
	v22 =	vld.idx.msk [tilespmem:v28+s18+$0x0], $0xffff  }
0x266: {  	v11 =	vadd.s32 v13, v11;
	v13 =	vld.idx.msk [tilespmem:v18+s18+$0x0], $0xffff  }
0x267: {  	v11 =	vadd.s32 v17, v11;
	v17 =	vld.idx.msk [tilespmem:v20+s18+$0x0], $0xffff  }
0x268: {  	v11 =	vadd.s32 v12, v11;
	v18 =	vld.idx.msk [tilespmem:v21+s18+$0x0], $0xffff  }
0x269: {  	v11 =	vadd.s32 v15, v11;
	v16 =	vld.idx.msk [tilespmem:v23+s18+$0x0], $0xffff  }
.Ltmp8:
0x26a: {  	v11 =	vadd.s32 v19, v11;
	v14 =	vld.idx.msk [tilespmem:v24+s18+$0x0], $0xffff;
	(pc) =	sbr.rel @p0 .LBB2_16-.Ltmp8, $4  }
0x26b: {  	v11 =	vadd.s32 v22, v11;
	v15 =	vld.idx.msk [tilespmem:v26+s18+$0x0], $0xffff  }
0x26c: {  	s28 =	sand.u32 $0x3E0, s28;
	v12 =	vadd.s32 v13, v11;
	v11 =	vld.idx.msk [tilespmem:v27+s18+$0x0], $0xffff  }
0x26d: {  	v13 =	vadd.s32 v32, v17;
	[tilespmem:s28+$0x8C80] =	vst v12;
	v12 =	vld.idx.msk [tilespmem:v29+s18+$0x0], $0xffff  }
0x26e: {  	s26 =	sadd.s32 $0x20, s26;
	v17 =	vadd.s32 v18, v13;
	v13 =	vld.idx.msk [tilespmem:v30+s18+$0x0], $0xffff  }
0x26f: {  	_ =	sdelay $0x2  }
0x270: {  	v16 =	vadd.s32 v16, v17  }
0x271: {  	v10 =	vld.idx.msk [tilespmem:v10+s18+$0x0], $0xffff;
	v14 =	vadd.s32 v14, v16  }
0x272: {  	v6 =	vld.idx.msk [tilespmem:v6+s18+$0x0], $0xffff;
	v14 =	vadd.s32 v15, v14  }
0x273: {  	v5 =	vld.idx.msk [tilespmem:v5+s18+$0x0], $0xffff;
	v11 =	vadd.s32 v11, v14  }
0x274: {  	v7 =	vld.idx.msk [tilespmem:v7+s18+$0x0], $0xffff;
	v11 =	vadd.s32 v12, v11  }
0x275: {  	v8 =	vld.idx.msk [tilespmem:v8+s18+$0x0], $0xffff;
	v11 =	vadd.s32 v13, v11  }
0x276: {  	v9 =	vld.idx.msk [tilespmem:v9+s18+$0x0], $0xffff;
	v10 =	vadd.s32 v10, v11  }
0x277: {  	v4 =	vld.idx.msk [tilespmem:v4+s18+$0x0], $0xffff;
	v6 =	vadd.s32 v6, v10  }
0x278: {  	v5 =	vadd.s32 v5, v6  }
0x279: {  	v5 =	vadd.s32 v7, v5  }
0x27a: {  	v5 =	vadd.s32 v8, v5  }
0x27b: {  	s23 =	sadd.s32 $0x1, s23;
	v5 =	vadd.s32 v9, v5  }
0x27c: {  	s24 =	sadd.s32 $0x20, s25;
	p0 =	sne.s32 s23, s10;
	v4 =	vadd.s32 v4, v5  }
.Ltmp9:
0x27d: {  	[tilespmem:s24+$0x0] =	vst v4;
	(pc) =	sbr.rel @p0 .LBB2_1-.Ltmp9, $4  }
0x27e: {  	[hbm4b:s9+s20] =	stream.strided.scatter [tilespmem:s22], [sflag:$0x3], $0x1000, s21, s20, $0x38;
	[tilespmem:$0x19080] =	vst v63  }
0x27f: {  	_ =	swait.ge [sflag:s12], $0x1000  }
0x280: {  	[sflag:s12] =	ssyncset.done $0x0  }
0x281: {  	[sflag:s12] =	ssyncadd.s32 $0xFFFFF000  }
0x282: {  	_ =	sfence.sel $0x180000  }
0x283: {  	[bflag:$0x0] =	sbarrier.arrive $0xFFFF  }
0x284: {  	p0 =	sne.s32 s2, $0x0;
	_ =	strace $0x9000004D  }
0x285: {  	s0 =	sadd.s32 @!p0 $0x100000, s0;
	[bflag:$0x2] =	sbarrier.arrive $0xFFFF  }
0x286: {  	[sflag:s0] =	ssyncadd.tile.s32 @!p0 $0x1;
	_ =	shalt  }
.Lfunc_end2:
_tile_overlayer_lowered:
.L_overlay_start_2:
0x287: {  	(tag) =	ssettag $0x2  }
0x288: {  	s0 =	rddreg [dreg:$0x0];
	s2 =	stileid.u32  }
0x289: {  	s1 =	rddreg [dreg:$0x1];
	p0 =	sne.s32 s2, $0x0  }
0x28a: {  	s3 =	rddreg [dreg:$0x2];
	[bflag:$0x3] =	sbarrier.arrive $0xFFFF;
	s2 =	simm.s32 @!p0 $0x1C03  }
0x28b: {  	[timem:s3], [sflag:s2] =	dma.local @!p0 [hbm:s0], s1  }
0x28c: {  	s0 =	simm.s32 @!p0 $0x3  }
0x28d: {  	_ =	swait.ge @!p0 [sflag:s0], s1  }
0x28e: {  	s1 =	ssub.s32 @!p0 $0x0, s1;
	[sflag:s0] =	ssyncset.done @!p0 $0x0  }
0x28f: {  	[sflag:s0] =	ssyncadd.s32 @!p0 s1  }
0x290: {  	[bflag:$0x3] =	sbarrier.arrive $0xFFFF  }
0x291: {  	_ =	shalt  }

// kernel: sparse-core-data-format-call.cloned.1.call-start
scs
called_computation_lowered:
.L_overlay_start_0:
0x0: {  	s2 =	sld [smem:$0x3FD9]  }
0x1: {  	s3 =	sld [smem:$0x3FFE];
	_ =	sdelay $0x1  }
0x2: {  	s1 =	srdreg.scid  }
0x3: {  	s0 =	sand.u32 $0x1, s1  }
0x4: {  	s18 =	sshll.u32 s0, $0xA;
	s2 =	sadd.s32 s3, s2  }
0x5: {  	s2 =	sadd.s32 s2, s18  }
0x6: {  	[smem:$0x3FC6] =	sst s2  }
0x7: {  	_ = 	snop  }
0x8: {  	s2 =	sld [smem:$0x3FC9];
	(tm) =	ssettm $0x1  }
0x9: {  	s19 =	sld [smem:$0x3FFB];
	_ =	sdelay $0x3  }
0xa: {  	_ =	strace s19  }
0xb: {  	s3 =	sld [smem:$0x3FFC];
	_ =	sdelay $0x3  }
0xc: {  	_ =	strace s3  }
0xd: {  	s3 =	sld [smem:$0x3FFD];
	_ =	sdelay $0x3  }
0xe: {  	_ =	strace s3  }
0xf: {  	_ =	strace $0x8FFFFFFF  }
0x10: {  	s20 =	sld [smem:$0x3FDB];
	_ =	sdelay $0x1  }
0x11: {  	s4 =	simm.s32 $_scs_section_size  }
0x12: {  	s5 =	simm.s32 $_size__tile_overlayer_lowered;
	s6 =	simm.s32 $_tile_overlayer_lowered  }
0x13: {  	s23 =	simm.s32 $0x1BFF;
	s22 =	sshll.u32 s6, $0x1;
	s3 =	sadd.s32 s4, s20  }
0x14: {  	s7 =	simm.s32 $0x0;
	s21 =	sshll.u32 s5, $0x1;
	s5 =	sadd.s32 s22, s3  }
0x15: {  	[timem:s7], [sflag:s23] =	dma.local [hbm:s5], s21  }
0x16: {  	_ =	swait.ge [sflag:s23], s21  }
0x17: {  	s4 =	ssub.s32 $0x0, s21;
	[sflag:s23] =	ssyncset.done $0x0  }
0x18: {  	[sflag:s23] =	ssyncadd.s32 s4;
	_ =	sdelay $0x1  }
0x19: {  	s24 =	simm.s32 $0x1B8B  }
0x1a: {  	_ =	swait.ge [sflag:s24], $0x1  }
0x1b: {  	[sflag:s24] =	ssyncset.done $0x0  }
0x1c: {  	s26 =	simm.s32 $0x1B8E;
	s25 =	sld [smem:$0x3FFE];
	[sflag:s24] =	ssyncadd.s32 $0xFFFFFFFF  }
0x1d: {  	s27 =	simm.s32 $execute0_lowered;
	[smem:$0x3FD2] =	sst s26  }
0x1e: {  	s5 =	sshll.u32 s27, $0x1;
	_ =	strace $0x80000046;
	[dreg:$0x1] =	wrdreg $0xFFFFFFFF  }
0x1f: {  	s28 =	simm.s32 $_size_execute0_lowered;
	s3 =	sadd.s32 s3, s5;
	[dreg:$0x0] =	wrdreg $0x0  }
0x20: {  	s5 =	sshll.u32 s28, $0x1;
	[dreg:$0x2] =	wrdreg s3  }
0x21: {  	[dreg:$0x3] =	wrdreg s5  }
0x22: {  	[dreg:$0x4] =	wrdreg $0xC0  }
0x23: {  	_ =	task [dreg:s7], $0x5FFFF  }
0x24: {  	[dreg:$0x1] =	wrdreg $0xFFFFFFFF  }
0x25: {  	[dreg:$0x0] =	wrdreg $0x60  }
0x26: {  	[dreg:$0x2] =	wrdreg s2  }
0x27: {  	[dreg:$0x3] =	wrdreg s25  }
0x28: {  	[dreg:$0x4] =	wrdreg $0x9  }
0x29: {  	_ =	task.clear_ibuf [dreg:s7], $0x5FFFF;
	_ =	strace $0x90000046  }
0x2a: {  	s29 =	simm.s32 $0x9;
	_ =	strace $0x80000048  }
0x2b: {  	_ =	swait.ge [sflag:s29], $0x1  }
0x2c: {  	[sflag:s29] =	ssyncadd.s32 $0xFFFFFFFF  }
0x2d: {  	_ =	strace $0x90000048  }
0x2e: {  	_ =	sfence  }
0x2f: {  	s30 =	sld [smem:$0x0];
	_ =	sdelay $0x2  }
0x30: {  	s31 =	sshll.u32 s1, $0xD;
	s1 =	sshrl.u32 s1, $0x2  }
0x31: {  	s3 =	sand.u32 $0x4000, s31;
	s1 =	sadd.s32 s1, s30  }
0x32: {  	s0 =	sor.u32 s3, s0;
	s1 =	sshll.u32 s1, $0x11  }
0x33: {  	s0 =	sor.u32 s1, s0  }
0x34: {  	s0 =	sadd.s32 $0x8F2B, s0  }
0x35: {  	[sflag:s0] =	ssyncadd.remote.s32 $0x1  }
0x36: {  	_ =	sfence.sel $0xFFFF  }
0x37: {  	[dreg:$0x0] =	wrdreg $0xFFFFFFFF;
	(pc) =	sbr.abs _section_cstart, $3  }
0x38: {  	[dreg:$0x1] =	wrdreg $0xFFFFFFFF  }
0x39: {  	_ =	task.clear_ibuf [dreg:s7], $0x2FFFF;
	_ =	strace $0x9FFFFFFF  }
0x3a: {  	(tm) =	ssettm $0x7FFFFFFF  }
0x3b: {  	_ =	shalt  }
tec
execute0_lowered:
.L_overlay_start_1:
0x0: {  	(tag) =	ssettag $0x1  }
0x1: {  	s2 =	rddreg [dreg:$0x0]  }
0x2: {  	s3 =	rddreg [dreg:$0x1]  }
0x3: {  	s0 =	rddreg [dreg:$0x2];
	_ =	strace $0x80000047  }
0x4: {  	s4 =	srdreg.scid;
	s1 =	stileid.u32;
	s6 =	simm.s32 $0x2  }
.Ltmp0:
0x5: {  	s11 =	simm.s32 $0x0;
	p0 =	por $0x0, $0x0;
	(pc) =	sbr.rel .LBB1_1-.Ltmp0, $4  }
0x6: {  	s7 =	simm.s32 $0x1000;
	s12 =	simm.s32 $0x0;
	s5 =	sshll.u32 s4, $0x4  }
0x7: {  	s9 =	simm.s32 $0x0;
	s4 =	simm.s32 $0x1;
	s5 =	sand.u32 $0x10, s5  }
0x8: {  	s8 =	simm.s32 $0x0;
	[sflag:s4] =	ssyncpa.u1 $0x0;
	s5 =	sor.u32 s1, s5  }
0x9: {  	[sflag:s6] =	ssyncpa.u1 $0x0;
	s6 =	simm.s32 $0x800;
	s10 =	smov.u32 s5  }
.LBB1_7:
0xa: {  	s13 =	sadd.s32 $0x10, s9  }
0xb: {  	s11 =	sadd.s32 $0x20, s10;
	s15 =	smov.u32 s10;
	p2 =	sgt.s32 s13, $0x1F  }
0xc: {  	p1 =	slt.u32 s8, $0x2;
	s15 =	smov.u32 @p2 s11  }
0xd: {  	s8 =	sadd.s32 $0x1, s8;
	s13 =	simm.s32 @p2 $0x0;
	p2 =	sgt.s32 s15, $0x1FF  }
0xe: {  	s15 =	smov.u32 @p2 s5;
	p2 =	sne.s32 s8, $0x22  }
.Ltmp1:
0xf: {  	_ = 	snop;
	(pc) =	sbr.rel @!p2 .LBB1_8-.Ltmp1, $4  }
0x10: {  	s14 =	simm.s32 @!p1 $0x2  }
0x11: {  	s12 =	smov.u32 s10;
	_ =	swait.ge @!p1 [sflag:s14], $0x4000  }
0x12: {  	p0 =	por !p0, !p0;
	s11 =	smov.u32 s9;
	[sflag:s14] =	ssyncset.done @!p1 $0x0  }
0x13: {  	s9 =	smov.u32 s13;
	[sflag:s14] =	ssyncadd.s32 @!p1 $0xFFFFC000;
	s10 =	smov.u32 s15  }
.LBB1_1:
0x14: {  	p1 =	sgt.u32 s8, $0x1F  }
0x15: {  	s13 =	sxor.u32 @!p1 $0xFFFFFFFF, s8;
	s14 =	sshll.u32 @!p1 s10, $0xC  }
0x16: {  	s15 =	sshll.u32 @!p1 s9, $0x7;
	s13 =	sshll.u32 @!p1 s13, $0xE;
	s14 =	sadd.s32 @!p1 s2, s14  }
0x17: {  	s13 =	sand.u32 @!p1 $0x4000, s13;
	s14 =	sadd.s32 @!p1 s15, s14;
	s15 =	simm.s32 @!p1 $0x0  }
0x18: {  	[tilespmem:s13], [sflag:$0x1] =	stream.linear.gather @!p1 [hbm4b:s14+s15], $0x4000, $0x38;
	[tilespmem:$0x10000] =	vst v63  }
0x19: {  	p1 =	seq.s32 s8, $0x0  }
0x1a: {  	p2 =	seq.s32 @!p1 s8, $0x21  }
0x1b: {  	p1 =	por p1, p2  }
.Ltmp2:
0x1c: {  	_ = 	snop;
	(pc) =	sbr.rel @p1 .LBB1_7-.Ltmp2, $1  }
0x1d: {  	_ =	sdelay $0x3  }
0x1e: {  	s13 =	simm.s32 $0x1;
	_ =	swait.ge [sflag:s4], $0x4000;
	s16 =	sshll.u32 s8, $0xE  }
0x1f: {  	s13 =	simm.s32 @!p0 $0x0;
	[sflag:s4] =	ssyncset.done $0x0;
	s31 =	sand.u32 $0x4000, s16  }
0x20: {  	s16 =	simm.s32 $0x0;
	s14 =	sshll.u32 s13, $0xE;
	[sflag:s4] =	ssyncadd.s32 $0xFFFFC000  }
0x21: {  	s13 =	sor.u32 $0x8040, s14;
	s15 =	sor.u32 $0x40, s14;
	s14 =	sor.u32 $0x8000, s31  }
.LBB1_3:
0x22: {  	v0 =	vmov s15;
	_ =	sdelay $0x3  }
0x23: {  	s18 =	simm.s32 $0x0  }
0x24: {  	v6 =	vld.idx.msk [tilespmem:v0+s18+$0x30 ss:$0x1], $0xffff  }
0x25: {  	v7 =	vld.idx.msk [tilespmem:v0+s18+$0xFFFFFFC0 ss:$0x1], $0xffff  }
0x26: {  	v5 =	vld.idx.msk [tilespmem:v0+s18+$0xFFFFFFD0 ss:$0x1], $0xffff  }
0x27: {  	v4 =	vld.idx.msk [tilespmem:v0+s18+$0xFFFFFFE0 ss:$0x1], $0xffff  }
0x28: {  	v3 =	vld.idx.msk [tilespmem:v0+s18+$0xFFFFFFF0 ss:$0x1], $0xffff  }
0x29: {  	v1 =	vld.idx.msk [tilespmem:v0+s18+$0x0 ss:$0x1], $0xffff  }
0x2a: {  	v2 =	vld.idx.msk [tilespmem:v0+s18+$0x10 ss:$0x1], $0xffff;
	[tilespmem:s13+$0x30] =	vst v6  }
0x2b: {  	s17 =	simm.s32 $0x80;
	s19 =	simm.s32 $0x400;
	[tilespmem:s13+$0xFFFFFFC0] =	vst v7;
	v6 =	vld.idx.msk [tilespmem:v0+s18+$0x20 ss:$0x1], $0xffff;
	s18 =	smov.u32 s13  }
.LBB1_4:
0x2c: {  	p1 =	sne.s32 s19, $0xE00;
	v7 =	vld.idx.msk [tilespmem:v0+s17+$0x30 ss:$0x1], $0xffff;
	[tilespmem:s18+$0xFFFFFFD0] =	vst v5  }
0x2d: {  	v8 =	vld.idx.msk [tilespmem:v0+s17+$0xFFFFFFC0 ss:$0x1], $0xffff;
	[tilespmem:s18+$0xFFFFFFE0] =	vst v4  }
0x2e: {  	v5 =	vld.idx.msk [tilespmem:v0+s17+$0xFFFFFFD0 ss:$0x1], $0xffff;
	[tilespmem:s18+$0xFFFFFFF0] =	vst v3  }
.Ltmp3:
0x2f: {  	v4 =	vld.idx.msk [tilespmem:v0+s17+$0xFFFFFFE0 ss:$0x1], $0xffff;
	[tilespmem:s18+$0x0] =	vst v1;
	(pc) =	sbr.rel @p1 .LBB1_4-.Ltmp3, $4  }
0x30: {  	v3 =	vld.idx.msk [tilespmem:v0+s17+$0xFFFFFFF0 ss:$0x1], $0xffff;
	[tilespmem:s18+$0x10] =	vst v2  }
0x31: {  	v1 =	vld.idx.msk [tilespmem:v0+s17+$0x0 ss:$0x1], $0xffff;
	[tilespmem:s18+$0x20] =	vst v6;
	s18 =	sadd.s32 $0x800, s18  }
0x32: {  	v2 =	vld.idx.msk [tilespmem:v0+s17+$0x10 ss:$0x1], $0xffff;
	[tilespmem:s18+$0x30] =	vst v7  }
0x33: {  	[tilespmem:s18+$0xFFFFFFC0] =	vst v8;
	v6 =	vld.idx.msk [tilespmem:v0+s17+$0x20 ss:$0x1], $0xffff;
	s17 =	sshra.s32 s19, $0x2;
	s19 =	sadd.s32 $0x200, s19  }
0x34: {  	_ =	sdelay $0x2  }
0x35: {  	[tilespmem:s18+$0xFFFFFFD0] =	vst v5  }
0x36: {  	v56 =	vld.idx.msk [tilespmem:v0+s17+$0x30 ss:$0x1], $0xffff;
	[tilespmem:s18+$0xFFFFFFE0] =	vst v4  }
0x37: {  	v57 =	vld.idx.msk [tilespmem:v0+s17+$0xFFFFFFC0 ss:$0x1], $0xffff;
	[tilespmem:s18+$0xFFFFFFF0] =	vst v3  }
0x38: {  	v58 =	vld.idx.msk [tilespmem:v0+s17+$0xFFFFFFD0 ss:$0x1], $0xffff;
	[tilespmem:s18+$0x0] =	vst v1  }
0x39: {  	v59 =	vld.idx.msk [tilespmem:v0+s17+$0xFFFFFFE0 ss:$0x1], $0xffff;
	[tilespmem:s18+$0x10] =	vst v2  }
0x3a: {  	v60 =	vld.idx.msk [tilespmem:v0+s17+$0xFFFFFFF0 ss:$0x1], $0xffff;
	s31 =	sadd.s32 $0x800, s18;
	[tilespmem:s18+$0x20] =	vst v6  }
0x3b: {  	v61 =	vld.idx.msk [tilespmem:v0+s17+$0x0 ss:$0x1], $0xffff;
	[tilespmem:s31+$0x30] =	vst v56  }
0x3c: {  	v62 =	vld.idx.msk [tilespmem:v0+s17+$0x10 ss:$0x1], $0xffff;
	s16 =	sadd.s32 $0x1, s16;
	[tilespmem:s31+$0xFFFFFFC0] =	vst v57  }
0x3d: {  	v63 =	vld.idx.msk [tilespmem:v0+s17+$0x20 ss:$0x1], $0xffff;
	p1 =	sne.s32 s16, $0x10;
	[tilespmem:s31+$0xFFFFFFD0] =	vst v58  }
.Ltmp4:
0x3e: {  	[tilespmem:s31+$0xFFFFFFE0] =	vst v59;
	(pc) =	sbr.rel @p1 .LBB1_3-.Ltmp4, $4  }
0x3f: {  	[tilespmem:s31+$0xFFFFFFF0] =	vst v60  }
0x40: {  	[tilespmem:s31+$0x0] =	vst v61  }
0x41: {  	[tilespmem:s31+$0x10] =	vst v62  }
0x42: {  	s13 =	sadd.s32 $0x80, s13;
	s15 =	sadd.s32 $0x400, s15;
	[tilespmem:s31+$0x20] =	vst v63  }
.Ltmp5:
0x43: {  	(pc) =	sbr.rel .LBB1_7-.Ltmp5, $4  }
0x44: {  	s12 =	sshll.u32 s12, $0xC;
	s11 =	sshll.u32 s11, $0x4  }
0x45: {  	s11 =	sand.u32 $0x1F0, s11;
	s12 =	sadd.s32 s3, s12  }
0x46: {  	s11 =	sadd.s32 s11, s12  }
0x47: {  	[hbm4b:s11+s6] =	stream.strided.scatter [tilespmem:s14], [sflag:$0x2], $0x4000, s7, s6, $0x38;
	[tilespmem:$0x10000] =	vst v63  }
.LBB1_8:
0x48: {  	_ =	sfence.sel $0x180000  }
0x49: {  	s2 =	simm.s32 $0x1;
	[bflag:$0x0] =	sbarrier.arrive $0xFFFF  }
0x4a: {  	s31 =	simm.s32 $0x2;
	[sflag:s2] =	ssyncpa.u1 $0x1  }
0x4b: {  	[sflag:s31] =	ssyncpa.u1 $0x1  }
0x4c: {  	p0 =	sne.s32 s1, $0x0;
	_ =	strace $0x90000047  }
0x4d: {  	s0 =	sadd.s32 @!p0 $0x100000, s0;
	[bflag:$0x2] =	sbarrier.arrive $0xFFFF  }
0x4e: {  	[sflag:s0] =	ssyncadd.tile.s32 @!p0 $0x1;
	_ =	shalt  }
.Lfunc_end1:
_tile_overlayer_lowered:
.L_overlay_start_2:
0x4f: {  	(tag) =	ssettag $0x2  }
0x50: {  	s0 =	rddreg [dreg:$0x0];
	s2 =	stileid.u32  }
0x51: {  	s1 =	rddreg [dreg:$0x1];
	p0 =	sne.s32 s2, $0x0  }
0x52: {  	s3 =	rddreg [dreg:$0x2];
	[bflag:$0x3] =	sbarrier.arrive $0xFFFF;
	s2 =	simm.s32 @!p0 $0x1C01  }
0x53: {  	[timem:s3], [sflag:s2] =	dma.local @!p0 [hbm:s0], s1  }
0x54: {  	s0 =	simm.s32 @!p0 $0x1  }
0x55: {  	_ =	swait.ge @!p0 [sflag:s0], s1  }
0x56: {  	s1 =	ssub.s32 @!p0 $0x0, s1;
	[sflag:s0] =	ssyncset.done @!p0 $0x0  }
0x57: {  	[sflag:s0] =	ssyncadd.s32 @!p0 s1  }
0x58: {  	[bflag:$0x3] =	sbarrier.arrive $0xFFFF  }
0x59: {  	_ =	shalt  }

</sc_bundles>
